<compile_context>
chip_gen: v7x
topology: tpu7x:2x2x1
jax: 0.10.2.dev20260603
libtpu: 0.0.44.dev20260713+nightly
codegen_flags: <defaults>
</compile_context>

<pallas_src>
import functools

import jax
import jax.numpy as jnp
from jax import lax
from jax.experimental import pallas as pl
from jax.experimental.pallas import tpu as pltpu
from jax.experimental.pallas import tpu_sc as plsc

NW = 32
CH1 = 800
CH2 = 2048


def _wid():
    return lax.axis_index("s") * 2 + lax.axis_index("c")


CH0 = 2000


def _stage0_body(nv, vc, v8, vx, vy, vz, v8c):
    wid = _wid()
    nch = nv // CH0
    nmax = (nch + NW - 1) // NW
    iota = lax.iota(jnp.int32, 16)
    srcs = [vx, vy, vz]

    def body(i, carry):
        ck = wid + i * NW

        @pl.when(ck < nch)
        def _():
            base = ck * CH0
            for c in range(3):
                pltpu.sync_copy(vc.at[c, pl.ds(base, CH0)], srcs[c])

            def grp(g, c2):
                g16 = iota + 16 * g
                for c in range(3):
                    v = srcs[c][pl.ds(16 * g, 16)]
                    plsc.store_scatter(
                        v8c, [g16, jnp.full((16,), c, jnp.int32)], v)
                return c2

            lax.fori_loop(0, CH0 // 16, grp, 0)
            pltpu.sync_copy(v8c, v8.at[pl.ds(base, CH0)])

        return carry

    lax.fori_loop(0, nmax, body, 0)


def _stage1_body(nch, verts8, fx, fy, fz, fn, idx3, rows, fnc,
                 isem, gsem, ssem):
    wid = _wid()
    nmax = (nch + NW - 1) // NW
    if nmax % 2:
        nmax += 1
    iota = lax.iota(jnp.int32, 16)
    fsrcs = [fx, fy, fz]

    def valid(i):
        return (wid + i * NW) < nch

    def load_idx(i, s):
        @pl.when(valid(i))
        def _():
            off = (wid + i * NW) * CH1
            for j in range(3):
                pltpu.async_copy(fsrcs[j].at[pl.ds(off, CH1)], idx3.at[s, j],
                                 isem.at[s])

    def start_gather(i, s):
        @pl.when(valid(i))
        def _():
            for j in range(3):
                pltpu.make_async_copy(fsrcs[j].at[pl.ds(0, CH1)],
                                      idx3.at[s, j], isem.at[s]).wait()
            for j in range(3):
                pltpu.async_copy(verts8.at[idx3.at[s, j]], rows.at[s, j],
                                 gsem.at[s])

    def consume(i, s):
        @pl.when(valid(i))
        def _():
            off = (wid + i * NW) * CH1
            for j in range(3):
                pltpu.make_async_copy(verts8.at[idx3.at[s, j]],
                                      rows.at[s, j], gsem.at[s]).wait()

            iota16 = iota * 16

            def asm(g, c2):
                g16 = iota + 16 * g
                d16 = iota16 + 256 * g
                for j in range(3):
                    for cc in range(3):
                        v = plsc.load_gather(rows.at[s, j], [g16, jnp.full(
                            (16,), cc, jnp.int32)])
                        plsc.store_scatter(fnc.at[s], [d16 + (4 * j + cc)], v)
                return c2

            lax.fori_loop(0, CH1 // 16, asm, 0)
            pltpu.async_copy(fnc.at[s], fn.at[pl.ds(off * 16, CH1 * 16)],
                             ssem.at[s])

    def drain(i, s):
        @pl.when(jnp.logical_and(i >= 0, valid(i)))
        def _():
            pltpu.make_async_copy(fnc.at[s], fn.at[pl.ds(0, CH1 * 16)],
                                  ssem.at[s]).wait()

    load_idx(0, 0)
    load_idx(1, 1)
    start_gather(0, 0)

    def slot(i, s, s1):
        start_gather(i + 1, s1)
        drain(i - 2, s)
        consume(i, s)
        load_idx(i + 2, s)

    def pair(i2, carry):
        i = 2 * i2
        slot(i, 0, 1)
        slot(i + 1, 1, 0)
        return carry

    lax.fori_loop(0, nmax // 2, pair, 0)
    drain(nmax - 2, 0)
    drain(nmax - 1, 1)


def _stage2_body(npix, hw, w, fn, pix, bary, out,
                 pidx, fnrows, bary_v, ov, gsem, psem, bsem, ssem):
    wid = _wid()
    per_w = npix // NW
    nchunk = per_w // CH2
    base = wid * per_w
    hw3 = 3 * hw
    gpr = w // 16

    iota = lax.iota(jnp.int32, 16)
    colc = [[jnp.full((16,), 4 * j + c, jnp.int32) for j in range(3)]
            for c in range(3)]

    def load_pix(i, s):
        off = base + i * CH2
        pltpu.async_copy(pix.at[pl.ds(off, CH2)], pidx.at[s], psem.at[s])

    def wait_pix(i, s):
        off = base + i * CH2
        pltpu.make_async_copy(pix.at[pl.ds(off, CH2)], pidx.at[s],
                              psem.at[s]).wait()

    def load_bary(i, s):
        off = base + i * CH2
        b = off // hw
        r = off - b * hw
        bsrc = b * hw3 + (r // w) * (3 * w)
        pltpu.async_copy(bary.at[pl.ds(bsrc, 3 * CH2)], bary_v.at[s],
                         bsem.at[s])

    def wait_bary(s):
        pltpu.make_async_copy(bary.at[pl.ds(0, 3 * CH2)], bary_v.at[s],
                              bsem.at[s]).wait()

    def issue_gather(s):
        pltpu.async_copy(fn.at[pidx.at[s]], fnrows.at[s], gsem.at[s])

    def wait_gather(s):
        pltpu.make_async_copy(fn.at[pidx.at[s]], fnrows.at[s],
                              gsem.at[s]).wait()

    def drain_ov(s):
        for c in range(3):
            pltpu.make_async_copy(ov.at[s, c], out.at[pl.ds(0, CH2)],
                                  ssem.at[s]).wait()

    def compute(i, s):
        off = base + i * CH2
        b = off // hw
        r = off - b * hw

        def grp(g2, c2):
            for u in range(2):
                g = 2 * g2 + u
                lr = g // gpr
                wb = 16 * g - lr * w
                n_vec = jnp.full((16,), 16 * g, jnp.int32) + iota
                bb = lr * (3 * w) + wb
                wj = [bary_v.at[s][pl.ds(bb + j * w, 16)] for j in range(3)]
                for c in range(3):
                    acc = None
                    for j in range(3):
                        f = plsc.load_gather(fnrows.at[s], [n_vec, colc[c][j]])
                        acc = f * wj[j] if acc is None else acc + f * wj[j]
                    ov.at[s, c][pl.ds(16 * g, 16)] = acc
            return c2

        lax.fori_loop(0, CH2 // 32, grp, 0)
        for c in range(3):
            pltpu.async_copy(ov.at[s, c],
                             out.at[pl.ds(b * hw3 + c * hw + r, CH2)],
                             ssem.at[s])

    def slot(i, s, s1):
        @pl.when(i + 1 < nchunk)
        def _():
            wait_pix(i + 1, s1)
            issue_gather(s1)
        wait_gather(s)
        wait_bary(s)

        @pl.when(i >= 2)
        def _():
            drain_ov(s)
        compute(i, s)

        @pl.when(i + 2 < nchunk)
        def _():
            load_pix(i + 2, s)
            load_bary(i + 2, s)

    load_pix(0, 0)
    load_bary(0, 0)
    load_pix(1, 1)
    load_bary(1, 1)
    wait_pix(0, 0)
    issue_gather(0)

    def pair(i2, carry):
        i = 2 * i2
        slot(i, 0, 1)
        slot(i + 1, 1, 0)
        return carry

    lax.fori_loop(0, nchunk // 2, pair, 0)
    drain_ov(0)
    drain_ov(1)


def kernel(verts_normals, faces, pix_to_face, bary_coords):
    B, V, _ = verts_normals.shape
    F = faces.shape[0]
    _, H, W, K = pix_to_face.shape
    P = B * H * W

    vc = verts_normals.transpose(2, 0, 1).reshape(3, B * V)
    faces32 = faces.astype(jnp.int32)
    fx, fy, fz = faces32[:, 0], faces32[:, 1], faces32[:, 2]
    pix = pix_to_face[..., 0].astype(jnp.int32).reshape(P)
    bary = bary_coords.transpose(0, 1, 4, 3, 2).reshape(B * H * 3 * W)

    mesh = plsc.VectorSubcoreMesh(core_axis_name="c", subcore_axis_name="s",
                                  num_cores=2, num_subcores=16)
    params = pltpu.CompilerParams(use_tc_tiling_on_sc=False,
                                  needs_layout_passes=False)
    nch = F // CH1

    nv = B * V
    stage0 = pl.kernel(
        functools.partial(_stage0_body, nv),
        out_type=jax.ShapeDtypeStruct((nv, 8), jnp.float32),
        mesh=mesh,
        compiler_params=params,
        scratch_types=[
            pltpu.VMEM((CH0,), jnp.float32),
            pltpu.VMEM((CH0,), jnp.float32),
            pltpu.VMEM((CH0,), jnp.float32),
            pltpu.VMEM((CH0, 8), jnp.float32),
        ],
    )
    verts8 = stage0(vc)

    stage1 = pl.kernel(
        functools.partial(_stage1_body, nch),
        out_type=jax.ShapeDtypeStruct((F * 16,), jnp.float32),
        mesh=mesh,
        compiler_params=params,
        scratch_types=[
            pltpu.VMEM((2, 3, CH1), jnp.int32),
            pltpu.VMEM((2, 3, CH1, 8), jnp.float32),
            pltpu.VMEM((2, CH1 * 16), jnp.float32),
            pltpu.SemaphoreType.DMA((2,)),
            pltpu.SemaphoreType.DMA((2,)),
            pltpu.SemaphoreType.DMA((2,)),
        ],
    )
    fn = stage1(verts8, fx, fy, fz).reshape(F, 16)

    stage2 = pl.kernel(
        functools.partial(_stage2_body, P, H * W, W),
        out_type=jax.ShapeDtypeStruct((P * 3,), jnp.float32),
        mesh=mesh,
        compiler_params=params,
        scratch_types=[
            pltpu.VMEM((2, CH2), jnp.int32),
            pltpu.VMEM((2, CH2, 16), jnp.float32),
            pltpu.VMEM((2, CH2 * 3), jnp.float32),
            pltpu.VMEM((2, 3, CH2), jnp.float32),
            pltpu.SemaphoreType.DMA((2,)),
            pltpu.SemaphoreType.DMA((2,)),
            pltpu.SemaphoreType.DMA((2,)),
            pltpu.SemaphoreType.DMA((2,)),
        ],
    )
    out = stage2(fn, pix, bary)
    return out.reshape(B, 3, H, W).transpose(0, 2, 3, 1)

# --- scband reference (transcript-rebuilt; emitter-appended) ---
"""Pipeline reference for scband-normal-shader-50002009260145 (READ-ONLY COPY).

The authoritative reference and input builder live on the scoring server;
editing this copy changes nothing except your own understanding.
"""

import jax, jax.numpy as jnp
import numpy as np

B, V, F = 4, 50000, 400000
H, W, K = 512, 512, 1

def setup_inputs(seed: int = 0) -> dict:
    key = jax.random.key(seed)
    k1, k2, k3, k4 = jax.random.split(key, 4)
    verts_normals = jax.random.normal(k1, (B, V, 3), dtype=jnp.float32)
    faces = jax.random.randint(k2, (F, 3), 0, B * V, dtype=jnp.int64)
    pix_to_face = jax.random.randint(k3, (B, H, W, K), 0, F, dtype=jnp.int64)
    bary_coords = jax.random.uniform(k4, (B, H, W, K, 3), dtype=jnp.float32)
    return {"verts_normals": verts_normals, "faces": faces,
            "pix_to_face": pix_to_face, "bary_coords": bary_coords}

def reference(verts_normals, faces, pix_to_face, bary_coords):
    # cameras is None -> use verts_normals_padded directly
    b, v, _ = verts_normals.shape
    # padded_to_packed
    verts_normal_packed = verts_normals.reshape(b * v, 3)
    # faces_normal = verts_normal[faces] : [F, 3, 3]
    faces_normal = jnp.take(verts_normal_packed, faces, axis=0)
    # interpolate_face_attributes
    mask = pix_to_face < 0  # [B,H,W,K]
    safe_idx = jnp.where(mask, 0, pix_to_face)
    pix_face_attrs = jnp.take(faces_normal, safe_idx, axis=0)  # [B,H,W,K,3,3]
    normal_map = jnp.sum(bary_coords[..., None] * pix_face_attrs, axis=-2)  # [B,H,W,K,3]
    normal_map = jnp.where(mask[..., None], 0.0, normal_map)
    return normal_map[..., 0, :]

if __name__ == "__main__":
    import jax
    _d = setup_inputs()
    print(jax.jit(kernel)(*tuple(_d.values())))

</pallas_src>

<mosaic_0001>
#map = affine_map<(d0, d1) -> (0, 0)>
#map1 = affine_map<(d0, d1) -> (0)>
module attributes {stable_mosaic.version = 14 : i64} {
  func.func @_stage2_body(%arg0: i32, %arg1: i32, %arg2: memref<400000x16xf32, #tpu.memory_space<hbm>>, %arg3: memref<1048576xi32, #tpu.memory_space<hbm>>, %arg4: memref<3145728xf32, #tpu.memory_space<hbm>>, %arg5: memref<3145728xf32, #tpu.memory_space<hbm>>, %arg6: memref<2x2048xi32, #tpu.memory_space<vmem>>, %arg7: memref<2x2048x16xf32, #tpu.memory_space<vmem>>, %arg8: memref<2x6144xf32, #tpu.memory_space<vmem>>, %arg9: memref<2x3x2048xf32, #tpu.memory_space<vmem>>, %arg10: memref<2x!tpu.dma_semaphore, #tpu.memory_space<semaphore_mem>>, %arg11: memref<2x!tpu.dma_semaphore, #tpu.memory_space<semaphore_mem>>, %arg12: memref<2x!tpu.dma_semaphore, #tpu.memory_space<semaphore_mem>>, %arg13: memref<2x!tpu.dma_semaphore, #tpu.memory_space<semaphore_mem>>) attributes {dimension_semantics = [#tpu.dimension_semantics<core_parallel>, #tpu.dimension_semantics<subcore_parallel>], iteration_bounds = array<i64: 2, 16>, scalar_prefetch = 0 : i64, scratch_operands = 8 : i64, tpu.core_type = #tpu.core_type<sc_vector_subcore>, window_params = [{transform_indices = #map}, {transform_indices = #map1}, {transform_indices = #map1}, {transform_indices = #map1}]} {
    %mul3A = arith.constant 2 : i32
    %mul3A_0 = arith.muli %arg1, %mul3A : i32
    %add3A = arith.addi %mul3A_0, %arg0 : i32
    %mul3A_1 = arith.constant 32768 : i32
    %mul3A_2 = arith.muli %add3A, %mul3A_1 : i32
    %iota3A = tpu.iota {dimensions = array<i32: 0>} : vector<16xi32>
    %broadcast_in_dim3A = arith.constant 0 : i32
    %broadcast_in_dim3A_3 = vector.broadcast %broadcast_in_dim3A : i32 to vector<16xi32>
    %broadcast_in_dim3A_4 = arith.constant 4 : i32
    %broadcast_in_dim3A_5 = vector.broadcast %broadcast_in_dim3A_4 : i32 to vector<16xi32>
    %broadcast_in_dim3A_6 = arith.constant 8 : i32
    %broadcast_in_dim3A_7 = vector.broadcast %broadcast_in_dim3A_6 : i32 to vector<16xi32>
    %broadcast_in_dim3A_8 = arith.constant 1 : i32
    %broadcast_in_dim3A_9 = vector.broadcast %broadcast_in_dim3A_8 : i32 to vector<16xi32>
    %broadcast_in_dim3A_10 = arith.constant 5 : i32
    %broadcast_in_dim3A_11 = vector.broadcast %broadcast_in_dim3A_10 : i32 to vector<16xi32>
    %broadcast_in_dim3A_12 = arith.constant 9 : i32
    %broadcast_in_dim3A_13 = vector.broadcast %broadcast_in_dim3A_12 : i32 to vector<16xi32>
    %broadcast_in_dim3A_14 = arith.constant 2 : i32
    %broadcast_in_dim3A_15 = vector.broadcast %broadcast_in_dim3A_14 : i32 to vector<16xi32>
    %broadcast_in_dim3A_16 = arith.constant 6 : i32
    %broadcast_in_dim3A_17 = vector.broadcast %broadcast_in_dim3A_16 : i32 to vector<16xi32>
    %broadcast_in_dim3A_18 = arith.constant 10 : i32
    %broadcast_in_dim3A_19 = vector.broadcast %broadcast_in_dim3A_18 : i32 to vector<16xi32>
    %add3A_20 = arith.constant 0 : i32
    %add3A_21 = arith.addi %mul3A_2, %add3A_20 : i32
    %dma_start3A = arith.constant 0 : i32
    %dma_start3A_22 = arith.constant 0 : i32
    %dma_start3A_23 = arith.constant 0 : i32
    %dma_start3A_24 = tpu.memref_slice %arg6[%dma_start3A, %dma_start3A_23] : memref<2x2048xi32, #tpu.memory_space<vmem>> -> memref<1x2048xi32, #tpu.memory_space<vmem>>
    %dma_start3A_25 = tpu.memref_squeeze %dma_start3A_24 : memref<1x2048xi32, #tpu.memory_space<vmem>> -> memref<2048xi32, #tpu.memory_space<vmem>>
    %dma_start3A_26 = tpu.memref_slice %arg3[%add3A_21] : memref<1048576xi32, #tpu.memory_space<hbm>> -> memref<2048xi32, #tpu.memory_space<hbm>>
    %dma_start3A_27 = tpu.memref_slice %arg11[%dma_start3A_22] : memref<2x!tpu.dma_semaphore, #tpu.memory_space<semaphore_mem>> -> memref<1x!tpu.dma_semaphore, #tpu.memory_space<semaphore_mem>>
    %dma_start3A_28 = tpu.memref_squeeze %dma_start3A_27 : memref<1x!tpu.dma_semaphore, #tpu.memory_space<semaphore_mem>> -> memref<!tpu.dma_semaphore, #tpu.memory_space<semaphore_mem>>
    %dma_start3A_29 = arith.constant 0 : i32
    %dma_start3A_30 = tpu.memref_slice %arg6[%dma_start3A, %dma_start3A_29] : memref<2x2048xi32, #tpu.memory_space<vmem>> -> memref<1x2048xi32, #tpu.memory_space<vmem>>
    %dma_start3A_31 = tpu.memref_squeeze %dma_start3A_30 : memref<1x2048xi32, #tpu.memory_space<vmem>> -> memref<2048xi32, #tpu.memory_space<vmem>>
    %dma_start3A_32 = tpu.memref_slice %arg3[%add3A_21] : memref<1048576xi32, #tpu.memory_space<hbm>> -> memref<2048xi32, #tpu.memory_space<hbm>>
    tpu.enqueue_dma source(%dma_start3A_32 : memref<2048xi32, #tpu.memory_space<hbm>>) target(%dma_start3A_31 : memref<2048xi32, #tpu.memory_space<vmem>>) target_semaphore(%dma_start3A_28 : memref<!tpu.dma_semaphore, #tpu.memory_space<semaphore_mem>>)
    %add3A_33 = arith.constant 0 : i32
    %add3A_34 = arith.addi %mul3A_2, %add3A_33 : i32
    %jit3A = arith.constant 262144 : i32
    %div3A = arith.divsi %add3A_34, %jit3A : i32
    %sign3A = arith.constant 0 : i32
    %sign3A_35 = arith.cmpi sgt, %add3A_34, %sign3A : i32
    %sign3A_36 = arith.extui %sign3A_35 : i1 to i32
    %sign3A_37 = arith.constant 0 : i32
    %sign3A_38 = arith.cmpi slt, %add3A_34, %sign3A_37 : i32
    %sign3A_39 = arith.extui %sign3A_38 : i1 to i32
    %sign3A_40 = arith.subi %sign3A_36, %sign3A_39 : i32
    %sign3A_41 = arith.constant 0 : i32
    %sign3A_42 = arith.cmpi sgt, %jit3A, %sign3A_41 : i32
    %sign3A_43 = arith.extui %sign3A_42 : i1 to i32
    %sign3A_44 = arith.constant 0 : i32
    %sign3A_45 = arith.cmpi slt, %jit3A, %sign3A_44 : i32
    %sign3A_46 = arith.extui %sign3A_45 : i1 to i32
    %sign3A_47 = arith.subi %sign3A_43, %sign3A_46 : i32
    %ne3A = arith.cmpi ne, %sign3A_40, %sign3A_47 : i32
    %rem3A = arith.remsi %add3A_34, %jit3A : i32
    %ne3A_48 = arith.constant 0 : i32
    %ne3A_49 = arith.cmpi ne, %rem3A, %ne3A_48 : i32
    %and3A = arith.andi %ne3A, %ne3A_49 : i1
    %sub3A = arith.constant 1 : i32
    %sub3A_50 = arith.subi %div3A, %sub3A : i32
    %select_n3A = arith.select %and3A, %sub3A_50, %div3A : i32
    %mul3A_51 = arith.constant 262144 : i32
    %mul3A_52 = arith.muli %select_n3A, %mul3A_51 : i32
    %sub3A_53 = arith.subi %add3A_34, %mul3A_52 : i32
    %mul3A_54 = arith.constant 786432 : i32
    %mul3A_55 = arith.muli %select_n3A, %mul3A_54 : i32
    %jit3A_56 = arith.constant 512 : i32
    %div3A_57 = arith.divsi %sub3A_53, %jit3A_56 : i32
    %sign3A_58 = arith.constant 0 : i32
    %sign3A_59 = arith.cmpi sgt, %sub3A_53, %sign3A_58 : i32
    %sign3A_60 = arith.extui %sign3A_59 : i1 to i32
    %sign3A_61 = arith.constant 0 : i32
    %sign3A_62 = arith.cmpi slt, %sub3A_53, %sign3A_61 : i32
    %sign3A_63 = arith.extui %sign3A_62 : i1 to i32
    %sign3A_64 = arith.subi %sign3A_60, %sign3A_63 : i32
    %sign3A_65 = arith.constant 0 : i32
    %sign3A_66 = arith.cmpi sgt, %jit3A_56, %sign3A_65 : i32
    %sign3A_67 = arith.extui %sign3A_66 : i1 to i32
    %sign3A_68 = arith.constant 0 : i32
    %sign3A_69 = arith.cmpi slt, %jit3A_56, %sign3A_68 : i32
    %sign3A_70 = arith.extui %sign3A_69 : i1 to i32
    %sign3A_71 = arith.subi %sign3A_67, %sign3A_70 : i32
    %ne3A_72 = arith.cmpi ne, %sign3A_64, %sign3A_71 : i32
    %rem3A_73 = arith.remsi %sub3A_53, %jit3A_56 : i32
    %ne3A_74 = arith.constant 0 : i32
    %ne3A_75 = arith.cmpi ne, %rem3A_73, %ne3A_74 : i32
    %and3A_76 = arith.andi %ne3A_72, %ne3A_75 : i1
    %sub3A_77 = arith.constant 1 : i32
    %sub3A_78 = arith.subi %div3A_57, %sub3A_77 : i32
    %select_n3A_79 = arith.select %and3A_76, %sub3A_78, %div3A_57 : i32
    %mul3A_80 = arith.constant 1536 : i32
    %mul3A_81 = arith.muli %select_n3A_79, %mul3A_80 : i32
    %add3A_82 = arith.addi %mul3A_55, %mul3A_81 : i32
    %dma_start3A_83 = arith.constant 0 : i32
    %dma_start3A_84 = arith.constant 0 : i32
    %dma_start3A_85 = arith.constant 0 : i32
    %dma_start3A_86 = tpu.memref_slice %arg8[%dma_start3A_83, %dma_start3A_85] : memref<2x6144xf32, #tpu.memory_space<vmem>> -> memref<1x6144xf32, #tpu.memory_space<vmem>>
    %dma_start3A_87 = tpu.memref_squeeze %dma_start3A_86 : memref<1x6144xf32, #tpu.memory_space<vmem>> -> memref<6144xf32, #tpu.memory_space<vmem>>
    %dma_start3A_88 = tpu.memref_slice %arg4[%add3A_82] : memref<3145728xf32, #tpu.memory_space<hbm>> -> memref<6144xf32, #tpu.memory_space<hbm>>
    %dma_start3A_89 = tpu.memref_slice %arg12[%dma_start3A_84] : memref<2x!tpu.dma_semaphore, #tpu.memory_space<semaphore_mem>> -> memref<1x!tpu.dma_semaphore, #tpu.memory_space<semaphore_mem>>
    %dma_start3A_90 = tpu.memref_squeeze %dma_start3A_89 : memref<1x!tpu.dma_semaphore, #tpu.memory_space<semaphore_mem>> -> memref<!tpu.dma_semaphore, #tpu.memory_space<semaphore_mem>>
    %dma_start3A_91 = arith.constant 0 : i32
    %dma_start3A_92 = tpu.memref_slice %arg8[%dma_start3A_83, %dma_start3A_91] : memref<2x6144xf32, #tpu.memory_space<vmem>> -> memref<1x6144xf32, #tpu.memory_space<vmem>>
    %dma_start3A_93 = tpu.memref_squeeze %dma_start3A_92 : memref<1x6144xf32, #tpu.memory_space<vmem>> -> memref<6144xf32, #tpu.memory_space<vmem>>
    %dma_start3A_94 = tpu.memref_slice %arg4[%add3A_82] : memref<3145728xf32, #tpu.memory_space<hbm>> -> memref<6144xf32, #tpu.memory_space<hbm>>
    tpu.enqueue_dma source(%dma_start3A_94 : memref<6144xf32, #tpu.memory_space<hbm>>) target(%dma_start3A_93 : memref<6144xf32, #tpu.memory_space<vmem>>) target_semaphore(%dma_start3A_90 : memref<!tpu.dma_semaphore, #tpu.memory_space<semaphore_mem>>)
    %add3A_95 = arith.constant 2048 : i32
    %add3A_96 = arith.addi %mul3A_2, %add3A_95 : i32
    %dma_start3A_97 = arith.constant 1 : i32
    %dma_start3A_98 = arith.constant 1 : i32
    %dma_start3A_99 = arith.constant 0 : i32
    %dma_start3A_100 = tpu.memref_slice %arg6[%dma_start3A_97, %dma_start3A_99] : memref<2x2048xi32, #tpu.memory_space<vmem>> -> memref<1x2048xi32, #tpu.memory_space<vmem>>
    %dma_start3A_101 = tpu.memref_squeeze %dma_start3A_100 : memref<1x2048xi32, #tpu.memory_space<vmem>> -> memref<2048xi32, #tpu.memory_space<vmem>>
    %dma_start3A_102 = tpu.memref_slice %arg3[%add3A_96] : memref<1048576xi32, #tpu.memory_space<hbm>> -> memref<2048xi32, #tpu.memory_space<hbm>>
    %dma_start3A_103 = tpu.memref_slice %arg11[%dma_start3A_98] : memref<2x!tpu.dma_semaphore, #tpu.memory_space<semaphore_mem>> -> memref<1x!tpu.dma_semaphore, #tpu.memory_space<semaphore_mem>>
    %dma_start3A_104 = tpu.memref_squeeze %dma_start3A_103 : memref<1x!tpu.dma_semaphore, #tpu.memory_space<semaphore_mem>> -> memref<!tpu.dma_semaphore, #tpu.memory_space<semaphore_mem>>
    %dma_start3A_105 = arith.constant 0 : i32
    %dma_start3A_106 = tpu.memref_slice %arg6[%dma_start3A_97, %dma_start3A_105] : memref<2x2048xi32, #tpu.memory_space<vmem>> -> memref<1x2048xi32, #tpu.memory_space<vmem>>
    %dma_start3A_107 = tpu.memref_squeeze %dma_start3A_106 : memref<1x2048xi32, #tpu.memory_space<vmem>> -> memref<2048xi32, #tpu.memory_space<vmem>>
    %dma_start3A_108 = tpu.memref_slice %arg3[%add3A_96] : memref<1048576xi32, #tpu.memory_space<hbm>> -> memref<2048xi32, #tpu.memory_space<hbm>>
    tpu.enqueue_dma source(%dma_start3A_108 : memref<2048xi32, #tpu.memory_space<hbm>>) target(%dma_start3A_107 : memref<2048xi32, #tpu.memory_space<vmem>>) target_semaphore(%dma_start3A_104 : memref<!tpu.dma_semaphore, #tpu.memory_space<semaphore_mem>>)
    %add3A_109 = arith.constant 2048 : i32
    %add3A_110 = arith.addi %mul3A_2, %add3A_109 : i32
    %jit3A_111 = arith.constant 262144 : i32
    %div3A_112 = arith.divsi %add3A_110, %jit3A_111 : i32
    %sign3A_113 = arith.constant 0 : i32
    %sign3A_114 = arith.cmpi sgt, %add3A_110, %sign3A_113 : i32
    %sign3A_115 = arith.extui %sign3A_114 : i1 to i32
    %sign3A_116 = arith.constant 0 : i32
    %sign3A_117 = arith.cmpi slt, %add3A_110, %sign3A_116 : i32
    %sign3A_118 = arith.extui %sign3A_117 : i1 to i32
    %sign3A_119 = arith.subi %sign3A_115, %sign3A_118 : i32
    %sign3A_120 = arith.constant 0 : i32
    %sign3A_121 = arith.cmpi sgt, %jit3A_111, %sign3A_120 : i32
    %sign3A_122 = arith.extui %sign3A_121 : i1 to i32
    %sign3A_123 = arith.constant 0 : i32
    %sign3A_124 = arith.cmpi slt, %jit3A_111, %sign3A_123 : i32
    %sign3A_125 = arith.extui %sign3A_124 : i1 to i32
    %sign3A_126 = arith.subi %sign3A_122, %sign3A_125 : i32
    %ne3A_127 = arith.cmpi ne, %sign3A_119, %sign3A_126 : i32
    %rem3A_128 = arith.remsi %add3A_110, %jit3A_111 : i32
    %ne3A_129 = arith.constant 0 : i32
    %ne3A_130 = arith.cmpi ne, %rem3A_128, %ne3A_129 : i32
    %and3A_131 = arith.andi %ne3A_127, %ne3A_130 : i1
    %sub3A_132 = arith.constant 1 : i32
    %sub3A_133 = arith.subi %div3A_112, %sub3A_132 : i32
    %select_n3A_134 = arith.select %and3A_131, %sub3A_133, %div3A_112 : i32
    %mul3A_135 = arith.constant 262144 : i32
    %mul3A_136 = arith.muli %select_n3A_134, %mul3A_135 : i32
    %sub3A_137 = arith.subi %add3A_110, %mul3A_136 : i32
    %mul3A_138 = arith.constant 786432 : i32
    %mul3A_139 = arith.muli %select_n3A_134, %mul3A_138 : i32
    %jit3A_140 = arith.constant 512 : i32
    %div3A_141 = arith.divsi %sub3A_137, %jit3A_140 : i32
    %sign3A_142 = arith.constant 0 : i32
    %sign3A_143 = arith.cmpi sgt, %sub3A_137, %sign3A_142 : i32
    %sign3A_144 = arith.extui %sign3A_143 : i1 to i32
    %sign3A_145 = arith.constant 0 : i32
    %sign3A_146 = arith.cmpi slt, %sub3A_137, %sign3A_145 : i32
    %sign3A_147 = arith.extui %sign3A_146 : i1 to i32
    %sign3A_148 = arith.subi %sign3A_144, %sign3A_147 : i32
    %sign3A_149 = arith.constant 0 : i32
    %sign3A_150 = arith.cmpi sgt, %jit3A_140, %sign3A_149 : i32
    %sign3A_151 = arith.extui %sign3A_150 : i1 to i32
    %sign3A_152 = arith.constant 0 : i32
    %sign3A_153 = arith.cmpi slt, %jit3A_140, %sign3A_152 : i32
    %sign3A_154 = arith.extui %sign3A_153 : i1 to i32
    %sign3A_155 = arith.subi %sign3A_151, %sign3A_154 : i32
    %ne3A_156 = arith.cmpi ne, %sign3A_148, %sign3A_155 : i32
    %rem3A_157 = arith.remsi %sub3A_137, %jit3A_140 : i32
    %ne3A_158 = arith.constant 0 : i32
    %ne3A_159 = arith.cmpi ne, %rem3A_157, %ne3A_158 : i32
    %and3A_160 = arith.andi %ne3A_156, %ne3A_159 : i1
    %sub3A_161 = arith.constant 1 : i32
    %sub3A_162 = arith.subi %div3A_141, %sub3A_161 : i32
    %select_n3A_163 = arith.select %and3A_160, %sub3A_162, %div3A_141 : i32
    %mul3A_164 = arith.constant 1536 : i32
    %mul3A_165 = arith.muli %select_n3A_163, %mul3A_164 : i32
    %add3A_166 = arith.addi %mul3A_139, %mul3A_165 : i32
    %dma_start3A_167 = arith.constant 1 : i32
    %dma_start3A_168 = arith.constant 1 : i32
    %dma_start3A_169 = arith.constant 0 : i32
    %dma_start3A_170 = tpu.memref_slice %arg8[%dma_start3A_167, %dma_start3A_169] : memref<2x6144xf32, #tpu.memory_space<vmem>> -> memref<1x6144xf32, #tpu.memory_space<vmem>>
    %dma_start3A_171 = tpu.memref_squeeze %dma_start3A_170 : memref<1x6144xf32, #tpu.memory_space<vmem>> -> memref<6144xf32, #tpu.memory_space<vmem>>
    %dma_start3A_172 = tpu.memref_slice %arg4[%add3A_166] : memref<3145728xf32, #tpu.memory_space<hbm>> -> memref<6144xf32, #tpu.memory_space<hbm>>
    %dma_start3A_173 = tpu.memref_slice %arg12[%dma_start3A_168] : memref<2x!tpu.dma_semaphore, #tpu.memory_space<semaphore_mem>> -> memref<1x!tpu.dma_semaphore, #tpu.memory_space<semaphore_mem>>
    %dma_start3A_174 = tpu.memref_squeeze %dma_start3A_173 : memref<1x!tpu.dma_semaphore, #tpu.memory_space<semaphore_mem>> -> memref<!tpu.dma_semaphore, #tpu.memory_space<semaphore_mem>>
    %dma_start3A_175 = arith.constant 0 : i32
    %dma_start3A_176 = tpu.memref_slice %arg8[%dma_start3A_167, %dma_start3A_175] : memref<2x6144xf32, #tpu.memory_space<vmem>> -> memref<1x6144xf32, #tpu.memory_space<vmem>>
    %dma_start3A_177 = tpu.memref_squeeze %dma_start3A_176 : memref<1x6144xf32, #tpu.memory_space<vmem>> -> memref<6144xf32, #tpu.memory_space<vmem>>
    %dma_start3A_178 = tpu.memref_slice %arg4[%add3A_166] : memref<3145728xf32, #tpu.memory_space<hbm>> -> memref<6144xf32, #tpu.memory_space<hbm>>
    tpu.enqueue_dma source(%dma_start3A_178 : memref<6144xf32, #tpu.memory_space<hbm>>) target(%dma_start3A_177 : memref<6144xf32, #tpu.memory_space<vmem>>) target_semaphore(%dma_start3A_174 : memref<!tpu.dma_semaphore, #tpu.memory_space<semaphore_mem>>)
    %add3A_179 = arith.constant 0 : i32
    %add3A_180 = arith.addi %mul3A_2, %add3A_179 : i32
    %dma_wait3A = arith.constant 0 : i32
    %dma_wait3A_181 = arith.constant 0 : i32
    %dma_wait3A_182 = arith.constant 0 : i32
    %dma_wait3A_183 = tpu.memref_slice %arg6[%dma_wait3A, %dma_wait3A_182] : memref<2x2048xi32, #tpu.memory_space<vmem>> -> memref<1x2048xi32, #tpu.memory_space<vmem>>
    %dma_wait3A_184 = tpu.memref_squeeze %dma_wait3A_183 : memref<1x2048xi32, #tpu.memory_space<vmem>> -> memref<2048xi32, #tpu.memory_space<vmem>>
    %dma_wait3A_185 = tpu.memref_slice %arg3[%add3A_180] : memref<1048576xi32, #tpu.memory_space<hbm>> -> memref<2048xi32, #tpu.memory_space<hbm>>
    %dma_wait3A_186 = tpu.memref_slice %arg11[%dma_wait3A_181] : memref<2x!tpu.dma_semaphore, #tpu.memory_space<semaphore_mem>> -> memref<1x!tpu.dma_semaphore, #tpu.memory_space<semaphore_mem>>
    %dma_wait3A_187 = tpu.memref_squeeze %dma_wait3A_186 : memref<1x!tpu.dma_semaphore, #tpu.memory_space<semaphore_mem>> -> memref<!tpu.dma_semaphore, #tpu.memory_space<semaphore_mem>>
    %dma_wait3A_188 = arith.constant 0 : i32
    %dma_wait3A_189 = tpu.memref_slice %arg6[%dma_wait3A, %dma_wait3A_188] : memref<2x2048xi32, #tpu.memory_space<vmem>> -> memref<1x2048xi32, #tpu.memory_space<vmem>>
    %dma_wait3A_190 = tpu.memref_squeeze %dma_wait3A_189 : memref<1x2048xi32, #tpu.memory_space<vmem>> -> memref<2048xi32, #tpu.memory_space<vmem>>
    %dma_wait3A_191 = tpu.memref_slice %arg3[%add3A_180] : memref<1048576xi32, #tpu.memory_space<hbm>> -> memref<2048xi32, #tpu.memory_space<hbm>>
    tpu.wait_dma2 semaphore(%dma_wait3A_187 : memref<!tpu.dma_semaphore, #tpu.memory_space<semaphore_mem>>) src(%dma_wait3A_191 : memref<2048xi32, #tpu.memory_space<hbm>>) dst(%dma_wait3A_190 : memref<2048xi32, #tpu.memory_space<vmem>>)
    %dma_start3A_192 = arith.constant 0 : i32
    %dma_start3A_193 = arith.constant 0 : i32
    %dma_start3A_194 = arith.constant 0 : i32
    %dma_start3A_195 = arith.constant 0 : i32
    %dma_start3A_196 = arith.constant 0 : i32
    %dma_start3A_197 = tpu.memref_slice %arg7[%dma_start3A_193, %dma_start3A_195, %dma_start3A_196] : memref<2x2048x16xf32, #tpu.memory_space<vmem>> -> memref<1x2048x16xf32, #tpu.memory_space<vmem>>
    %dma_start3A_198 = tpu.memref_squeeze %dma_start3A_197 : memref<1x2048x16xf32, #tpu.memory_space<vmem>> -> memref<2048x16xf32, #tpu.memory_space<vmem>>
    %dma_start3A_199 = arith.constant 0 : i32
    %dma_start3A_200 = tpu.memref_slice %arg6[%dma_start3A_192, %dma_start3A_199] : memref<2x2048xi32, #tpu.memory_space<vmem>> -> memref<1x2048xi32, #tpu.memory_space<vmem>>
    %dma_start3A_201 = tpu.memref_squeeze %dma_start3A_200 : memref<1x2048xi32, #tpu.memory_space<vmem>> -> memref<2048xi32, #tpu.memory_space<vmem>>
    %dma_start3A_202 = arith.constant 0 : i32
    %dma_start3A_203 = arith.constant 0 : i32
    %dma_start3A_204 = tpu.memref_slice %arg2[%dma_start3A_202, %dma_start3A_203] : memref<400000x16xf32, #tpu.memory_space<hbm>> -> memref<400000x16xf32, #tpu.memory_space<hbm>>
    %dma_start3A_205 = tpu.memref_slice %arg10[%dma_start3A_194] : memref<2x!tpu.dma_semaphore, #tpu.memory_space<semaphore_mem>> -> memref<1x!tpu.dma_semaphore, #tpu.memory_space<semaphore_mem>>
    %dma_start3A_206 = tpu.memref_squeeze %dma_start3A_205 : memref<1x!tpu.dma_semaphore, #tpu.memory_space<semaphore_mem>> -> memref<!tpu.dma_semaphore, #tpu.memory_space<semaphore_mem>>
    tpu.enqueue_indirect_dma source(%dma_start3A_204 : memref<400000x16xf32, #tpu.memory_space<hbm>>) target(%dma_start3A_198 : memref<2048x16xf32, #tpu.memory_space<vmem>>) offsets(%dma_start3A_201 : memref<2048xi32, #tpu.memory_space<vmem>>) semaphore(%dma_start3A_206 : memref<!tpu.dma_semaphore, #tpu.memory_space<semaphore_mem>>)
    %scan3A = arith.constant 0 : i32
    %scan3A_207 = arith.constant 0 : i32
    %scan3A_208 = arith.constant 8 : i32
    %scan3A_209 = arith.addi %scan3A_207, %scan3A_208 : i32
    %scan3A_210 = arith.constant 1 : i32
    scf.for %scan3A_302 = %scan3A_207 to %scan3A_209 step %scan3A_210  : i32 {
      %mul3A_303 = arith.constant 2 : i32
      %mul3A_304 = arith.muli %mul3A_303, %scan3A_302 : i32
      %add3A_305 = arith.constant 1 : i32
      %add3A_306 = arith.addi %mul3A_304, %add3A_305 : i32
      %lt3A = arith.constant 16 : i32
      %lt3A_307 = arith.cmpi slt, %add3A_306, %lt3A : i32
      %convert_element_type3A = arith.extui %lt3A_307 : i1 to i32
      %cond3A = arith.constant 0 : i32
      %cond3A_308 = arith.cmpi ne, %convert_element_type3A, %cond3A : i32
      scf.if %cond3A_308 {
        %add3A_579 = arith.constant 1 : i32
        %add3A_580 = arith.addi %mul3A_304, %add3A_579 : i32
        %mul3A_581 = arith.constant 2048 : i32
        %mul3A_582 = arith.muli %add3A_580, %mul3A_581 : i32
        %add3A_583 = arith.addi %mul3A_2, %mul3A_582 : i32
        %dma_wait3A_584 = arith.constant 1 : i32
        %dma_wait3A_585 = arith.constant 1 : i32
        %dma_wait3A_586 = arith.constant 0 : i32
        %dma_wait3A_587 = tpu.memref_slice %arg6[%dma_wait3A_584, %dma_wait3A_586] : memref<2x2048xi32, #tpu.memory_space<vmem>> -> memref<1x2048xi32, #tpu.memory_space<vmem>>
        %dma_wait3A_588 = tpu.memref_squeeze %dma_wait3A_587 : memref<1x2048xi32, #tpu.memory_space<vmem>> -> memref<2048xi32, #tpu.memory_space<vmem>>
        %dma_wait3A_589 = tpu.memref_slice %arg3[%add3A_583] : memref<1048576xi32, #tpu.memory_space<hbm>> -> memref<2048xi32, #tpu.memory_space<hbm>>
        %dma_wait3A_590 = tpu.memref_slice %arg11[%dma_wait3A_585] : memref<2x!tpu.dma_semaphore, #tpu.memory_space<semaphore_mem>> -> memref<1x!tpu.dma_semaphore, #tpu.memory_space<semaphore_mem>>
        %dma_wait3A_591 = tpu.memref_squeeze %dma_wait3A_590 : memref<1x!tpu.dma_semaphore, #tpu.memory_space<semaphore_mem>> -> memref<!tpu.dma_semaphore, #tpu.memory_space<semaphore_mem>>
        %dma_wait3A_592 = arith.constant 0 : i32
        %dma_wait3A_593 = tpu.memref_slice %arg6[%dma_wait3A_584, %dma_wait3A_592] : memref<2x2048xi32, #tpu.memory_space<vmem>> -> memref<1x2048xi32, #tpu.memory_space<vmem>>
        %dma_wait3A_594 = tpu.memref_squeeze %dma_wait3A_593 : memref<1x2048xi32, #tpu.memory_space<vmem>> -> memref<2048xi32, #tpu.memory_space<vmem>>
        %dma_wait3A_595 = tpu.memref_slice %arg3[%add3A_583] : memref<1048576xi32, #tpu.memory_space<hbm>> -> memref<2048xi32, #tpu.memory_space<hbm>>
        tpu.wait_dma2 semaphore(%dma_wait3A_591 : memref<!tpu.dma_semaphore, #tpu.memory_space<semaphore_mem>>) src(%dma_wait3A_595 : memref<2048xi32, #tpu.memory_space<hbm>>) dst(%dma_wait3A_594 : memref<2048xi32, #tpu.memory_space<vmem>>)
        %dma_start3A_596 = arith.constant 1 : i32
        %dma_start3A_597 = arith.constant 1 : i32
        %dma_start3A_598 = arith.constant 1 : i32
        %dma_start3A_599 = arith.constant 0 : i32
        %dma_start3A_600 = arith.constant 0 : i32
        %dma_start3A_601 = tpu.memref_slice %arg7[%dma_start3A_597, %dma_start3A_599, %dma_start3A_600] : memref<2x2048x16xf32, #tpu.memory_space<vmem>> -> memref<1x2048x16xf32, #tpu.memory_space<vmem>>
        %dma_start3A_602 = tpu.memref_squeeze %dma_start3A_601 : memref<1x2048x16xf32, #tpu.memory_space<vmem>> -> memref<2048x16xf32, #tpu.memory_space<vmem>>
        %dma_start3A_603 = arith.constant 0 : i32
        %dma_start3A_604 = tpu.memref_slice %arg6[%dma_start3A_596, %dma_start3A_603] : memref<2x2048xi32, #tpu.memory_space<vmem>> -> memref<1x2048xi32, #tpu.memory_space<vmem>>
        %dma_start3A_605 = tpu.memref_squeeze %dma_start3A_604 : memref<1x2048xi32, #tpu.memory_space<vmem>> -> memref<2048xi32, #tpu.memory_space<vmem>>
        %dma_start3A_606 = arith.constant 0 : i32
        %dma_start3A_607 = arith.constant 0 : i32
        %dma_start3A_608 = tpu.memref_slice %arg2[%dma_start3A_606, %dma_start3A_607] : memref<400000x16xf32, #tpu.memory_space<hbm>> -> memref<400000x16xf32, #tpu.memory_space<hbm>>
        %dma_start3A_609 = tpu.memref_slice %arg10[%dma_start3A_598] : memref<2x!tpu.dma_semaphore, #tpu.memory_space<semaphore_mem>> -> memref<1x!tpu.dma_semaphore, #tpu.memory_space<semaphore_mem>>
        %dma_start3A_610 = tpu.memref_squeeze %dma_start3A_609 : memref<1x!tpu.dma_semaphore, #tpu.memory_space<semaphore_mem>> -> memref<!tpu.dma_semaphore, #tpu.memory_space<semaphore_mem>>
        tpu.enqueue_indirect_dma source(%dma_start3A_608 : memref<400000x16xf32, #tpu.memory_space<hbm>>) target(%dma_start3A_602 : memref<2048x16xf32, #tpu.memory_space<vmem>>) offsets(%dma_start3A_605 : memref<2048xi32, #tpu.memory_space<vmem>>) semaphore(%dma_start3A_610 : memref<!tpu.dma_semaphore, #tpu.memory_space<semaphore_mem>>)
      } else {
      }
      %dma_wait3A_309 = arith.constant 0 : i32
      %dma_wait3A_310 = arith.constant 0 : i32
      %dma_wait3A_311 = arith.constant 0 : i32
      %dma_wait3A_312 = arith.constant 0 : i32
      %dma_wait3A_313 = arith.constant 0 : i32
      %dma_wait3A_314 = tpu.memref_slice %arg7[%dma_wait3A_310, %dma_wait3A_312, %dma_wait3A_313] : memref<2x2048x16xf32, #tpu.memory_space<vmem>> -> memref<1x2048x16xf32, #tpu.memory_space<vmem>>
      %dma_wait3A_315 = tpu.memref_squeeze %dma_wait3A_314 : memref<1x2048x16xf32, #tpu.memory_space<vmem>> -> memref<2048x16xf32, #tpu.memory_space<vmem>>
      %dma_wait3A_316 = arith.constant 0 : i32
      %dma_wait3A_317 = tpu.memref_slice %arg6[%dma_wait3A_309, %dma_wait3A_316] : memref<2x2048xi32, #tpu.memory_space<vmem>> -> memref<1x2048xi32, #tpu.memory_space<vmem>>
      %dma_wait3A_318 = tpu.memref_squeeze %dma_wait3A_317 : memref<1x2048xi32, #tpu.memory_space<vmem>> -> memref<2048xi32, #tpu.memory_space<vmem>>
      %dma_wait3A_319 = arith.constant 0 : i32
      %dma_wait3A_320 = arith.constant 0 : i32
      %dma_wait3A_321 = tpu.memref_slice %arg2[%dma_wait3A_319, %dma_wait3A_320] : memref<400000x16xf32, #tpu.memory_space<hbm>> -> memref<400000x16xf32, #tpu.memory_space<hbm>>
      %dma_wait3A_322 = tpu.memref_slice %arg10[%dma_wait3A_311] : memref<2x!tpu.dma_semaphore, #tpu.memory_space<semaphore_mem>> -> memref<1x!tpu.dma_semaphore, #tpu.memory_space<semaphore_mem>>
      %dma_wait3A_323 = tpu.memref_squeeze %dma_wait3A_322 : memref<1x!tpu.dma_semaphore, #tpu.memory_space<semaphore_mem>> -> memref<!tpu.dma_semaphore, #tpu.memory_space<semaphore_mem>>
      tpu.wait_indirect_dma semaphore(%dma_wait3A_323 : memref<!tpu.dma_semaphore, #tpu.memory_space<semaphore_mem>>) src(%dma_wait3A_321 : memref<400000x16xf32, #tpu.memory_space<hbm>>) dst(%dma_wait3A_315 : memref<2048x16xf32, #tpu.memory_space<vmem>>)
      %dma_wait3A_324 = arith.constant 0 : i32
      %dma_wait3A_325 = arith.constant 0 : i32
      %dma_wait3A_326 = arith.constant 0 : i32
      %dma_wait3A_327 = tpu.memref_slice %arg8[%dma_wait3A_324, %dma_wait3A_326] : memref<2x6144xf32, #tpu.memory_space<vmem>> -> memref<1x6144xf32, #tpu.memory_space<vmem>>
      %dma_wait3A_328 = tpu.memref_squeeze %dma_wait3A_327 : memref<1x6144xf32, #tpu.memory_space<vmem>> -> memref<6144xf32, #tpu.memory_space<vmem>>
      %dma_wait3A_329 = arith.constant 0 : i32
      %dma_wait3A_330 = tpu.memref_slice %arg4[%dma_wait3A_329] : memref<3145728xf32, #tpu.memory_space<hbm>> -> memref<6144xf32, #tpu.memory_space<hbm>>
      %dma_wait3A_331 = tpu.memref_slice %arg12[%dma_wait3A_325] : memref<2x!tpu.dma_semaphore, #tpu.memory_space<semaphore_mem>> -> memref<1x!tpu.dma_semaphore, #tpu.memory_space<semaphore_mem>>
      %dma_wait3A_332 = tpu.memref_squeeze %dma_wait3A_331 : memref<1x!tpu.dma_semaphore, #tpu.memory_space<semaphore_mem>> -> memref<!tpu.dma_semaphore, #tpu.memory_space<semaphore_mem>>
      %dma_wait3A_333 = arith.constant 0 : i32
      %dma_wait3A_334 = tpu.memref_slice %arg8[%dma_wait3A_324, %dma_wait3A_333] : memref<2x6144xf32, #tpu.memory_space<vmem>> -> memref<1x6144xf32, #tpu.memory_space<vmem>>
      %dma_wait3A_335 = tpu.memref_squeeze %dma_wait3A_334 : memref<1x6144xf32, #tpu.memory_space<vmem>> -> memref<6144xf32, #tpu.memory_space<vmem>>
      %dma_wait3A_336 = arith.constant 0 : i32
      %dma_wait3A_337 = tpu.memref_slice %arg4[%dma_wait3A_336] : memref<3145728xf32, #tpu.memory_space<hbm>> -> memref<6144xf32, #tpu.memory_space<hbm>>
      tpu.wait_dma2 semaphore(%dma_wait3A_332 : memref<!tpu.dma_semaphore, #tpu.memory_space<semaphore_mem>>) src(%dma_wait3A_337 : memref<6144xf32, #tpu.memory_space<hbm>>) dst(%dma_wait3A_335 : memref<6144xf32, #tpu.memory_space<vmem>>)
      %ge3A = arith.constant 2 : i32
      %ge3A_338 = arith.cmpi sge, %mul3A_304, %ge3A : i32
      %convert_element_type3A_339 = arith.extui %ge3A_338 : i1 to i32
      %cond3A_340 = arith.constant 0 : i32
      %cond3A_341 = arith.cmpi ne, %convert_element_type3A_339, %cond3A_340 : i32
      scf.if %cond3A_341 {
        %dma_wait3A_579 = arith.constant 0 : i32
        %dma_wait3A_580 = arith.constant 0 : i32
        %dma_wait3A_581 = arith.constant 0 : i32
        %dma_wait3A_582 = arith.constant 0 : i32
        %dma_wait3A_583 = tpu.memref_slice %arg9[%dma_wait3A_579, %dma_wait3A_580, %dma_wait3A_582] : memref<2x3x2048xf32, #tpu.memory_space<vmem>> -> memref<1x1x2048xf32, #tpu.memory_space<vmem>>
        %dma_wait3A_584 = tpu.memref_squeeze %dma_wait3A_583 : memref<1x1x2048xf32, #tpu.memory_space<vmem>> -> memref<2048xf32, #tpu.memory_space<vmem>>
        %dma_wait3A_585 = arith.constant 0 : i32
        %dma_wait3A_586 = tpu.memref_slice %arg5[%dma_wait3A_585] : memref<3145728xf32, #tpu.memory_space<hbm>> -> memref<2048xf32, #tpu.memory_space<hbm>>
        %dma_wait3A_587 = tpu.memref_slice %arg13[%dma_wait3A_581] : memref<2x!tpu.dma_semaphore, #tpu.memory_space<semaphore_mem>> -> memref<1x!tpu.dma_semaphore, #tpu.memory_space<semaphore_mem>>
        %dma_wait3A_588 = tpu.memref_squeeze %dma_wait3A_587 : memref<1x!tpu.dma_semaphore, #tpu.memory_space<semaphore_mem>> -> memref<!tpu.dma_semaphore, #tpu.memory_space<semaphore_mem>>
        %dma_wait3A_589 = arith.constant 0 : i32
        %dma_wait3A_590 = tpu.memref_slice %arg5[%dma_wait3A_589] : memref<3145728xf32, #tpu.memory_space<hbm>> -> memref<2048xf32, #tpu.memory_space<hbm>>
        %dma_wait3A_591 = arith.constant 0 : i32
        %dma_wait3A_592 = tpu.memref_slice %arg9[%dma_wait3A_579, %dma_wait3A_580, %dma_wait3A_591] : memref<2x3x2048xf32, #tpu.memory_space<vmem>> -> memref<1x1x2048xf32, #tpu.memory_space<vmem>>
        %dma_wait3A_593 = tpu.memref_squeeze %dma_wait3A_592 : memref<1x1x2048xf32, #tpu.memory_space<vmem>> -> memref<2048xf32, #tpu.memory_space<vmem>>
        tpu.wait_dma2 semaphore(%dma_wait3A_588 : memref<!tpu.dma_semaphore, #tpu.memory_space<semaphore_mem>>) src(%dma_wait3A_593 : memref<2048xf32, #tpu.memory_space<vmem>>) dst(%dma_wait3A_590 : memref<2048xf32, #tpu.memory_space<hbm>>)
        %dma_wait3A_594 = arith.constant 0 : i32
        %dma_wait3A_595 = arith.constant 1 : i32
        %dma_wait3A_596 = arith.constant 0 : i32
        %dma_wait3A_597 = arith.constant 0 : i32
        %dma_wait3A_598 = tpu.memref_slice %arg9[%dma_wait3A_594, %dma_wait3A_595, %dma_wait3A_597] : memref<2x3x2048xf32, #tpu.memory_space<vmem>> -> memref<1x1x2048xf32, #tpu.memory_space<vmem>>
        %dma_wait3A_599 = tpu.memref_squeeze %dma_wait3A_598 : memref<1x1x2048xf32, #tpu.memory_space<vmem>> -> memref<2048xf32, #tpu.memory_space<vmem>>
        %dma_wait3A_600 = arith.constant 0 : i32
        %dma_wait3A_601 = tpu.memref_slice %arg5[%dma_wait3A_600] : memref<3145728xf32, #tpu.memory_space<hbm>> -> memref<2048xf32, #tpu.memory_space<hbm>>
        %dma_wait3A_602 = tpu.memref_slice %arg13[%dma_wait3A_596] : memref<2x!tpu.dma_semaphore, #tpu.memory_space<semaphore_mem>> -> memref<1x!tpu.dma_semaphore, #tpu.memory_space<semaphore_mem>>
        %dma_wait3A_603 = tpu.memref_squeeze %dma_wait3A_602 : memref<1x!tpu.dma_semaphore, #tpu.memory_space<semaphore_mem>> -> memref<!tpu.dma_semaphore, #tpu.memory_space<semaphore_mem>>
        %dma_wait3A_604 = arith.constant 0 : i32
        %dma_wait3A_605 = tpu.memref_slice %arg5[%dma_wait3A_604] : memref<3145728xf32, #tpu.memory_space<hbm>> -> memref<2048xf32, #tpu.memory_space<hbm>>
        %dma_wait3A_606 = arith.constant 0 : i32
        %dma_wait3A_607 = tpu.memref_slice %arg9[%dma_wait3A_594, %dma_wait3A_595, %dma_wait3A_606] : memref<2x3x2048xf32, #tpu.memory_space<vmem>> -> memref<1x1x2048xf32, #tpu.memory_space<vmem>>
        %dma_wait3A_608 = tpu.memref_squeeze %dma_wait3A_607 : memref<1x1x2048xf32, #tpu.memory_space<vmem>> -> memref<2048xf32, #tpu.memory_space<vmem>>
        tpu.wait_dma2 semaphore(%dma_wait3A_603 : memref<!tpu.dma_semaphore, #tpu.memory_space<semaphore_mem>>) src(%dma_wait3A_608 : memref<2048xf32, #tpu.memory_space<vmem>>) dst(%dma_wait3A_605 : memref<2048xf32, #tpu.memory_space<hbm>>)
        %dma_wait3A_609 = arith.constant 0 : i32
        %dma_wait3A_610 = arith.constant 2 : i32
        %dma_wait3A_611 = arith.constant 0 : i32
        %dma_wait3A_612 = arith.constant 0 : i32
        %dma_wait3A_613 = tpu.memref_slice %arg9[%dma_wait3A_609, %dma_wait3A_610, %dma_wait3A_612] : memref<2x3x2048xf32, #tpu.memory_space<vmem>> -> memref<1x1x2048xf32, #tpu.memory_space<vmem>>
        %dma_wait3A_614 = tpu.memref_squeeze %dma_wait3A_613 : memref<1x1x2048xf32, #tpu.memory_space<vmem>> -> memref<2048xf32, #tpu.memory_space<vmem>>
        %dma_wait3A_615 = arith.constant 0 : i32
        %dma_wait3A_616 = tpu.memref_slice %arg5[%dma_wait3A_615] : memref<3145728xf32, #tpu.memory_space<hbm>> -> memref<2048xf32, #tpu.memory_space<hbm>>
        %dma_wait3A_617 = tpu.memref_slice %arg13[%dma_wait3A_611] : memref<2x!tpu.dma_semaphore, #tpu.memory_space<semaphore_mem>> -> memref<1x!tpu.dma_semaphore, #tpu.memory_space<semaphore_mem>>
        %dma_wait3A_618 = tpu.memref_squeeze %dma_wait3A_617 : memref<1x!tpu.dma_semaphore, #tpu.memory_space<semaphore_mem>> -> memref<!tpu.dma_semaphore, #tpu.memory_space<semaphore_mem>>
        %dma_wait3A_619 = arith.constant 0 : i32
        %dma_wait3A_620 = tpu.memref_slice %arg5[%dma_wait3A_619] : memref<3145728xf32, #tpu.memory_space<hbm>> -> memref<2048xf32, #tpu.memory_space<hbm>>
        %dma_wait3A_621 = arith.constant 0 : i32
        %dma_wait3A_622 = tpu.memref_slice %arg9[%dma_wait3A_609, %dma_wait3A_610, %dma_wait3A_621] : memref<2x3x2048xf32, #tpu.memory_space<vmem>> -> memref<1x1x2048xf32, #tpu.memory_space<vmem>>
        %dma_wait3A_623 = tpu.memref_squeeze %dma_wait3A_622 : memref<1x1x2048xf32, #tpu.memory_space<vmem>> -> memref<2048xf32, #tpu.memory_space<vmem>>
        tpu.wait_dma2 semaphore(%dma_wait3A_618 : memref<!tpu.dma_semaphore, #tpu.memory_space<semaphore_mem>>) src(%dma_wait3A_623 : memref<2048xf32, #tpu.memory_space<vmem>>) dst(%dma_wait3A_620 : memref<2048xf32, #tpu.memory_space<hbm>>)
      } else {
      }
      %mul3A_342 = arith.constant 2048 : i32
      %mul3A_343 = arith.muli %mul3A_304, %mul3A_342 : i32
      %add3A_344 = arith.addi %mul3A_2, %mul3A_343 : i32
      %jit3A_345 = arith.constant 262144 : i32
      %div3A_346 = arith.divsi %add3A_344, %jit3A_345 : i32
      %sign3A_347 = arith.constant 0 : i32
      %sign3A_348 = arith.cmpi sgt, %add3A_344, %sign3A_347 : i32
      %sign3A_349 = arith.extui %sign3A_348 : i1 to i32
      %sign3A_350 = arith.constant 0 : i32
      %sign3A_351 = arith.cmpi slt, %add3A_344, %sign3A_350 : i32
      %sign3A_352 = arith.extui %sign3A_351 : i1 to i32
      %sign3A_353 = arith.subi %sign3A_349, %sign3A_352 : i32
      %sign3A_354 = arith.constant 0 : i32
      %sign3A_355 = arith.cmpi sgt, %jit3A_345, %sign3A_354 : i32
      %sign3A_356 = arith.extui %sign3A_355 : i1 to i32
      %sign3A_357 = arith.constant 0 : i32
      %sign3A_358 = arith.cmpi slt, %jit3A_345, %sign3A_357 : i32
      %sign3A_359 = arith.extui %sign3A_358 : i1 to i32
      %sign3A_360 = arith.subi %sign3A_356, %sign3A_359 : i32
      %ne3A_361 = arith.cmpi ne, %sign3A_353, %sign3A_360 : i32
      %rem3A_362 = arith.remsi %add3A_344, %jit3A_345 : i32
      %ne3A_363 = arith.constant 0 : i32
      %ne3A_364 = arith.cmpi ne, %rem3A_362, %ne3A_363 : i32
      %and3A_365 = arith.andi %ne3A_361, %ne3A_364 : i1
      %sub3A_366 = arith.constant 1 : i32
      %sub3A_367 = arith.subi %div3A_346, %sub3A_366 : i32
      %select_n3A_368 = arith.select %and3A_365, %sub3A_367, %div3A_346 : i32
      %mul3A_369 = arith.constant 262144 : i32
      %mul3A_370 = arith.muli %select_n3A_368, %mul3A_369 : i32
      %sub3A_371 = arith.subi %add3A_344, %mul3A_370 : i32
      %scan3A_372 = arith.constant 0 : i32
      %scan3A_373 = arith.constant 0 : i32
      %scan3A_374 = arith.constant 64 : i32
      %scan3A_375 = arith.addi %scan3A_373, %scan3A_374 : i32
      %scan3A_376 = arith.constant 1 : i32
      scf.for %scan3A_579 = %scan3A_373 to %scan3A_375 step %scan3A_376  : i32 {
        %mul3A_580 = arith.constant 2 : i32
        %mul3A_581 = arith.muli %mul3A_580, %scan3A_579 : i32
        %add3A_582 = arith.constant 0 : i32
        %add3A_583 = arith.addi %mul3A_581, %add3A_582 : i32
        %jit3A_584 = arith.constant 32 : i32
        %div3A_585 = arith.divsi %add3A_583, %jit3A_584 : i32
        %sign3A_586 = arith.constant 0 : i32
        %sign3A_587 = arith.cmpi sgt, %add3A_583, %sign3A_586 : i32
        %sign3A_588 = arith.extui %sign3A_587 : i1 to i32
        %sign3A_589 = arith.constant 0 : i32
        %sign3A_590 = arith.cmpi slt, %add3A_583, %sign3A_589 : i32
        %sign3A_591 = arith.extui %sign3A_590 : i1 to i32
        %sign3A_592 = arith.subi %sign3A_588, %sign3A_591 : i32
        %sign3A_593 = arith.constant 0 : i32
        %sign3A_594 = arith.cmpi sgt, %jit3A_584, %sign3A_593 : i32
        %sign3A_595 = arith.extui %sign3A_594 : i1 to i32
        %sign3A_596 = arith.constant 0 : i32
        %sign3A_597 = arith.cmpi slt, %jit3A_584, %sign3A_596 : i32
        %sign3A_598 = arith.extui %sign3A_597 : i1 to i32
        %sign3A_599 = arith.subi %sign3A_595, %sign3A_598 : i32
        %ne3A_600 = arith.cmpi ne, %sign3A_592, %sign3A_599 : i32
        %rem3A_601 = arith.remsi %add3A_583, %jit3A_584 : i32
        %ne3A_602 = arith.constant 0 : i32
        %ne3A_603 = arith.cmpi ne, %rem3A_601, %ne3A_602 : i32
        %and3A_604 = arith.andi %ne3A_600, %ne3A_603 : i1
        %sub3A_605 = arith.constant 1 : i32
        %sub3A_606 = arith.subi %div3A_585, %sub3A_605 : i32
        %select_n3A_607 = arith.select %and3A_604, %sub3A_606, %div3A_585 : i32
        %mul3A_608 = arith.constant 16 : i32
        %mul3A_609 = arith.muli %mul3A_608, %add3A_583 : i32
        %mul3A_610 = arith.constant 512 : i32
        %mul3A_611 = arith.muli %select_n3A_607, %mul3A_610 : i32
        %sub3A_612 = arith.subi %mul3A_609, %mul3A_611 : i32
        %mul3A_613 = arith.constant 16 : i32
        %mul3A_614 = arith.muli %mul3A_613, %add3A_583 : i32
        %broadcast_in_dim3A_615 = vector.broadcast %mul3A_614 : i32 to vector<16xi32>
        %add3A_616 = arith.addi %broadcast_in_dim3A_615, %iota3A : vector<16xi32>
        %mul3A_617 = arith.constant 1536 : i32
        %mul3A_618 = arith.muli %select_n3A_607, %mul3A_617 : i32
        %add3A_619 = arith.addi %mul3A_618, %sub3A_612 : i32
        %add3A_620 = arith.constant 0 : i32
        %add3A_621 = arith.addi %add3A_619, %add3A_620 : i32
        %get3A = arith.constant 0 : i32
        %get3A_622 = arith.constant 0 : i32
        %get3A_623 = tpu.memref_slice %arg8[%get3A, %get3A_622] : memref<2x6144xf32, #tpu.memory_space<vmem>> -> memref<1x6144xf32, #tpu.memory_space<vmem>>
        %get3A_624 = tpu.memref_squeeze %get3A_623 : memref<1x6144xf32, #tpu.memory_space<vmem>> -> memref<6144xf32, #tpu.memory_space<vmem>>
        %get3A_625 = arith.index_cast %add3A_621 : i32 to index
        %get3A_626 = tpu.vector_load %get3A_624[%get3A_625] {strides = array<i32>} : memref<6144xf32, #tpu.memory_space<vmem>>, vector<16xf32>,
        %add3A_627 = arith.constant 512 : i32
        %add3A_628 = arith.addi %add3A_619, %add3A_627 : i32
        %get3A_629 = arith.constant 0 : i32
        %get3A_630 = arith.constant 0 : i32
        %get3A_631 = tpu.memref_slice %arg8[%get3A_629, %get3A_630] : memref<2x6144xf32, #tpu.memory_space<vmem>> -> memref<1x6144xf32, #tpu.memory_space<vmem>>
        %get3A_632 = tpu.memref_squeeze %get3A_631 : memref<1x6144xf32, #tpu.memory_space<vmem>> -> memref<6144xf32, #tpu.memory_space<vmem>>
        %get3A_633 = arith.index_cast %add3A_628 : i32 to index
        %get3A_634 = tpu.vector_load %get3A_632[%get3A_633] {strides = array<i32>} : memref<6144xf32, #tpu.memory_space<vmem>>, vector<16xf32>,
        %add3A_635 = arith.constant 1024 : i32
        %add3A_636 = arith.addi %add3A_619, %add3A_635 : i32
        %get3A_637 = arith.constant 0 : i32
        %get3A_638 = arith.constant 0 : i32
        %get3A_639 = tpu.memref_slice %arg8[%get3A_637, %get3A_638] : memref<2x6144xf32, #tpu.memory_space<vmem>> -> memref<1x6144xf32, #tpu.memory_space<vmem>>
        %get3A_640 = tpu.memref_squeeze %get3A_639 : memref<1x6144xf32, #tpu.memory_space<vmem>> -> memref<6144xf32, #tpu.memory_space<vmem>>
        %get3A_641 = arith.index_cast %add3A_636 : i32 to index
        %get3A_642 = tpu.vector_load %get3A_640[%get3A_641] {strides = array<i32>} : memref<6144xf32, #tpu.memory_space<vmem>>, vector<16xf32>,
        %gather3A = arith.constant 0 : i32
        %gather3A_643 = arith.constant 0 : i32
        %gather3A_644 = arith.constant 0 : i32
        %gather3A_645 = tpu.memref_slice %arg7[%gather3A, %gather3A_643, %gather3A_644] : memref<2x2048x16xf32, #tpu.memory_space<vmem>> -> memref<1x2048x16xf32, #tpu.memory_space<vmem>>
        %gather3A_646 = tpu.memref_squeeze %gather3A_645 : memref<1x2048x16xf32, #tpu.memory_space<vmem>> -> memref<2048x16xf32, #tpu.memory_space<vmem>>
        %gather3A_647 = tpu.vector_load_idx %gather3A_646[%add3A_616, %broadcast_in_dim3A_3] : memref<2048x16xf32, #tpu.memory_space<vmem>>[vector<16xi32>, vector<16xi32>], vector<16xf32>,
        %mul3A_648 = arith.mulf %gather3A_647, %get3A_626 : vector<16xf32>
        %gather3A_649 = arith.constant 0 : i32
        %gather3A_650 = arith.constant 0 : i32
        %gather3A_651 = arith.constant 0 : i32
        %gather3A_652 = tpu.memref_slice %arg7[%gather3A_649, %gather3A_650, %gather3A_651] : memref<2x2048x16xf32, #tpu.memory_space<vmem>> -> memref<1x2048x16xf32, #tpu.memory_space<vmem>>
        %gather3A_653 = tpu.memref_squeeze %gather3A_652 : memref<1x2048x16xf32, #tpu.memory_space<vmem>> -> memref<2048x16xf32, #tpu.memory_space<vmem>>
        %gather3A_654 = tpu.vector_load_idx %gather3A_653[%add3A_616, %broadcast_in_dim3A_5] : memref<2048x16xf32, #tpu.memory_space<vmem>>[vector<16xi32>, vector<16xi32>], vector<16xf32>,
        %mul3A_655 = arith.mulf %gather3A_654, %get3A_634 : vector<16xf32>
        %add3A_656 = arith.addf %mul3A_648, %mul3A_655 : vector<16xf32>
        %gather3A_657 = arith.constant 0 : i32
        %gather3A_658 = arith.constant 0 : i32
        %gather3A_659 = arith.constant 0 : i32
        %gather3A_660 = tpu.memref_slice %arg7[%gather3A_657, %gather3A_658, %gather3A_659] : memref<2x2048x16xf32, #tpu.memory_space<vmem>> -> memref<1x2048x16xf32, #tpu.memory_space<vmem>>
        %gather3A_661 = tpu.memref_squeeze %gather3A_660 : memref<1x2048x16xf32, #tpu.memory_space<vmem>> -> memref<2048x16xf32, #tpu.memory_space<vmem>>
        %gather3A_662 = tpu.vector_load_idx %gather3A_661[%add3A_616, %broadcast_in_dim3A_7] : memref<2048x16xf32, #tpu.memory_space<vmem>>[vector<16xi32>, vector<16xi32>], vector<16xf32>,
        %mul3A_663 = arith.mulf %gather3A_662, %get3A_642 : vector<16xf32>
        %add3A_664 = arith.addf %add3A_656, %mul3A_663 : vector<16xf32>
        %mul3A_665 = arith.constant 16 : i32
        %mul3A_666 = arith.muli %mul3A_665, %add3A_583 : i32
        %swap3A = arith.constant 0 : i32
        %swap3A_667 = arith.constant 0 : i32
        %swap3A_668 = arith.constant 0 : i32
        %swap3A_669 = tpu.memref_slice %arg9[%swap3A, %swap3A_667, %swap3A_668] : memref<2x3x2048xf32, #tpu.memory_space<vmem>> -> memref<1x1x2048xf32, #tpu.memory_space<vmem>>
        %swap3A_670 = tpu.memref_squeeze %swap3A_669 : memref<1x1x2048xf32, #tpu.memory_space<vmem>> -> memref<2048xf32, #tpu.memory_space<vmem>>
        %swap3A_671 = arith.index_cast %mul3A_666 : i32 to index
        %swap3A_672 = tpu.vector_load %swap3A_670[%swap3A_671] {strides = array<i32>} : memref<2048xf32, #tpu.memory_space<vmem>>, vector<16xf32>,
        tpu.vector_store %swap3A_670[%swap3A_671], %add3A_664 {strides = array<i32>} : memref<2048xf32, #tpu.memory_space<vmem>>, vector<16xf32>,
        %gather3A_673 = arith.constant 0 : i32
        %gather3A_674 = arith.constant 0 : i32
        %gather3A_675 = arith.constant 0 : i32
        %gather3A_676 = tpu.memref_slice %arg7[%gather3A_673, %gather3A_674, %gather3A_675] : memref<2x2048x16xf32, #tpu.memory_space<vmem>> -> memref<1x2048x16xf32, #tpu.memory_space<vmem>>
        %gather3A_677 = tpu.memref_squeeze %gather3A_676 : memref<1x2048x16xf32, #tpu.memory_space<vmem>> -> memref<2048x16xf32, #tpu.memory_space<vmem>>
        %gather3A_678 = tpu.vector_load_idx %gather3A_677[%add3A_616, %broadcast_in_dim3A_9] : memref<2048x16xf32, #tpu.memory_space<vmem>>[vector<16xi32>, vector<16xi32>], vector<16xf32>,
        %mul3A_679 = arith.mulf %gather3A_678, %get3A_626 : vector<16xf32>
        %gather3A_680 = arith.constant 0 : i32
        %gather3A_681 = arith.constant 0 : i32
        %gather3A_682 = arith.constant 0 : i32
        %gather3A_683 = tpu.memref_slice %arg7[%gather3A_680, %gather3A_681, %gather3A_682] : memref<2x2048x16xf32, #tpu.memory_space<vmem>> -> memref<1x2048x16xf32, #tpu.memory_space<vmem>>
        %gather3A_684 = tpu.memref_squeeze %gather3A_683 : memref<1x2048x16xf32, #tpu.memory_space<vmem>> -> memref<2048x16xf32, #tpu.memory_space<vmem>>
        %gather3A_685 = tpu.vector_load_idx %gather3A_684[%add3A_616, %broadcast_in_dim3A_11] : memref<2048x16xf32, #tpu.memory_space<vmem>>[vector<16xi32>, vector<16xi32>], vector<16xf32>,
        %mul3A_686 = arith.mulf %gather3A_685, %get3A_634 : vector<16xf32>
        %add3A_687 = arith.addf %mul3A_679, %mul3A_686 : vector<16xf32>
        %gather3A_688 = arith.constant 0 : i32
        %gather3A_689 = arith.constant 0 : i32
        %gather3A_690 = arith.constant 0 : i32
        %gather3A_691 = tpu.memref_slice %arg7[%gather3A_688, %gather3A_689, %gather3A_690] : memref<2x2048x16xf32, #tpu.memory_space<vmem>> -> memref<1x2048x16xf32, #tpu.memory_space<vmem>>
        %gather3A_692 = tpu.memref_squeeze %gather3A_691 : memref<1x2048x16xf32, #tpu.memory_space<vmem>> -> memref<2048x16xf32, #tpu.memory_space<vmem>>
        %gather3A_693 = tpu.vector_load_idx %gather3A_692[%add3A_616, %broadcast_in_dim3A_13] : memref<2048x16xf32, #tpu.memory_space<vmem>>[vector<16xi32>, vector<16xi32>], vector<16xf32>,
        %mul3A_694 = arith.mulf %gather3A_693, %get3A_642 : vector<16xf32>
        %add3A_695 = arith.addf %add3A_687, %mul3A_694 : vector<16xf32>
        %mul3A_696 = arith.constant 16 : i32
        %mul3A_697 = arith.muli %mul3A_696, %add3A_583 : i32
        %swap3A_698 = arith.constant 0 : i32
        %swap3A_699 = arith.constant 1 : i32
        %swap3A_700 = arith.constant 0 : i32
        %swap3A_701 = tpu.memref_slice %arg9[%swap3A_698, %swap3A_699, %swap3A_700] : memref<2x3x2048xf32, #tpu.memory_space<vmem>> -> memref<1x1x2048xf32, #tpu.memory_space<vmem>>
        %swap3A_702 = tpu.memref_squeeze %swap3A_701 : memref<1x1x2048xf32, #tpu.memory_space<vmem>> -> memref<2048xf32, #tpu.memory_space<vmem>>
        %swap3A_703 = arith.index_cast %mul3A_697 : i32 to index
        %swap3A_704 = tpu.vector_load %swap3A_702[%swap3A_703] {strides = array<i32>} : memref<2048xf32, #tpu.memory_space<vmem>>, vector<16xf32>,
        tpu.vector_store %swap3A_702[%swap3A_703], %add3A_695 {strides = array<i32>} : memref<2048xf32, #tpu.memory_space<vmem>>, vector<16xf32>,
        %gather3A_705 = arith.constant 0 : i32
        %gather3A_706 = arith.constant 0 : i32
        %gather3A_707 = arith.constant 0 : i32
        %gather3A_708 = tpu.memref_slice %arg7[%gather3A_705, %gather3A_706, %gather3A_707] : memref<2x2048x16xf32, #tpu.memory_space<vmem>> -> memref<1x2048x16xf32, #tpu.memory_space<vmem>>
        %gather3A_709 = tpu.memref_squeeze %gather3A_708 : memref<1x2048x16xf32, #tpu.memory_space<vmem>> -> memref<2048x16xf32, #tpu.memory_space<vmem>>
        %gather3A_710 = tpu.vector_load_idx %gather3A_709[%add3A_616, %broadcast_in_dim3A_15] : memref<2048x16xf32, #tpu.memory_space<vmem>>[vector<16xi32>, vector<16xi32>], vector<16xf32>,
        %mul3A_711 = arith.mulf %gather3A_710, %get3A_626 : vector<16xf32>
        %gather3A_712 = arith.constant 0 : i32
        %gather3A_713 = arith.constant 0 : i32
        %gather3A_714 = arith.constant 0 : i32
        %gather3A_715 = tpu.memref_slice %arg7[%gather3A_712, %gather3A_713, %gather3A_714] : memref<2x2048x16xf32, #tpu.memory_space<vmem>> -> memref<1x2048x16xf32, #tpu.memory_space<vmem>>
        %gather3A_716 = tpu.memref_squeeze %gather3A_715 : memref<1x2048x16xf32, #tpu.memory_space<vmem>> -> memref<2048x16xf32, #tpu.memory_space<vmem>>
        %gather3A_717 = tpu.vector_load_idx %gather3A_716[%add3A_616, %broadcast_in_dim3A_17] : memref<2048x16xf32, #tpu.memory_space<vmem>>[vector<16xi32>, vector<16xi32>], vector<16xf32>,
        %mul3A_718 = arith.mulf %gather3A_717, %get3A_634 : vector<16xf32>
        %add3A_719 = arith.addf %mul3A_711, %mul3A_718 : vector<16xf32>
        %gather3A_720 = arith.constant 0 : i32
        %gather3A_721 = arith.constant 0 : i32
        %gather3A_722 = arith.constant 0 : i32
        %gather3A_723 = tpu.memref_slice %arg7[%gather3A_720, %gather3A_721, %gather3A_722] : memref<2x2048x16xf32, #tpu.memory_space<vmem>> -> memref<1x2048x16xf32, #tpu.memory_space<vmem>>
        %gather3A_724 = tpu.memref_squeeze %gather3A_723 : memref<1x2048x16xf32, #tpu.memory_space<vmem>> -> memref<2048x16xf32, #tpu.memory_space<vmem>>
        %gather3A_725 = tpu.vector_load_idx %gather3A_724[%add3A_616, %broadcast_in_dim3A_19] : memref<2048x16xf32, #tpu.memory_space<vmem>>[vector<16xi32>, vector<16xi32>], vector<16xf32>,
        %mul3A_726 = arith.mulf %gather3A_725, %get3A_642 : vector<16xf32>
        %add3A_727 = arith.addf %add3A_719, %mul3A_726 : vector<16xf32>
        %mul3A_728 = arith.constant 16 : i32
        %mul3A_729 = arith.muli %mul3A_728, %add3A_583 : i32
        %swap3A_730 = arith.constant 0 : i32
        %swap3A_731 = arith.constant 2 : i32
        %swap3A_732 = arith.constant 0 : i32
        %swap3A_733 = tpu.memref_slice %arg9[%swap3A_730, %swap3A_731, %swap3A_732] : memref<2x3x2048xf32, #tpu.memory_space<vmem>> -> memref<1x1x2048xf32, #tpu.memory_space<vmem>>
        %swap3A_734 = tpu.memref_squeeze %swap3A_733 : memref<1x1x2048xf32, #tpu.memory_space<vmem>> -> memref<2048xf32, #tpu.memory_space<vmem>>
        %swap3A_735 = arith.index_cast %mul3A_729 : i32 to index
        %swap3A_736 = tpu.vector_load %swap3A_734[%swap3A_735] {strides = array<i32>} : memref<2048xf32, #tpu.memory_space<vmem>>, vector<16xf32>,
        tpu.vector_store %swap3A_734[%swap3A_735], %add3A_727 {strides = array<i32>} : memref<2048xf32, #tpu.memory_space<vmem>>, vector<16xf32>,
        %mul3A_737 = arith.constant 2 : i32
        %mul3A_738 = arith.muli %mul3A_737, %scan3A_579 : i32
        %add3A_739 = arith.constant 1 : i32
        %add3A_740 = arith.addi %mul3A_738, %add3A_739 : i32
        %jit3A_741 = arith.constant 32 : i32
        %div3A_742 = arith.divsi %add3A_740, %jit3A_741 : i32
        %sign3A_743 = arith.constant 0 : i32
        %sign3A_744 = arith.cmpi sgt, %add3A_740, %sign3A_743 : i32
        %sign3A_745 = arith.extui %sign3A_744 : i1 to i32
        %sign3A_746 = arith.constant 0 : i32
        %sign3A_747 = arith.cmpi slt, %add3A_740, %sign3A_746 : i32
        %sign3A_748 = arith.extui %sign3A_747 : i1 to i32
        %sign3A_749 = arith.subi %sign3A_745, %sign3A_748 : i32
        %sign3A_750 = arith.constant 0 : i32
        %sign3A_751 = arith.cmpi sgt, %jit3A_741, %sign3A_750 : i32
        %sign3A_752 = arith.extui %sign3A_751 : i1 to i32
        %sign3A_753 = arith.constant 0 : i32
        %sign3A_754 = arith.cmpi slt, %jit3A_741, %sign3A_753 : i32
        %sign3A_755 = arith.extui %sign3A_754 : i1 to i32
        %sign3A_756 = arith.subi %sign3A_752, %sign3A_755 : i32
        %ne3A_757 = arith.cmpi ne, %sign3A_749, %sign3A_756 : i32
        %rem3A_758 = arith.remsi %add3A_740, %jit3A_741 : i32
        %ne3A_759 = arith.constant 0 : i32
        %ne3A_760 = arith.cmpi ne, %rem3A_758, %ne3A_759 : i32
        %and3A_761 = arith.andi %ne3A_757, %ne3A_760 : i1
        %sub3A_762 = arith.constant 1 : i32
        %sub3A_763 = arith.subi %div3A_742, %sub3A_762 : i32
        %select_n3A_764 = arith.select %and3A_761, %sub3A_763, %div3A_742 : i32
        %mul3A_765 = arith.constant 16 : i32
        %mul3A_766 = arith.muli %mul3A_765, %add3A_740 : i32
        %mul3A_767 = arith.constant 512 : i32
        %mul3A_768 = arith.muli %select_n3A_764, %mul3A_767 : i32
        %sub3A_769 = arith.subi %mul3A_766, %mul3A_768 : i32
        %mul3A_770 = arith.constant 16 : i32
        %mul3A_771 = arith.muli %mul3A_770, %add3A_740 : i32
        %broadcast_in_dim3A_772 = vector.broadcast %mul3A_771 : i32 to vector<16xi32>
        %add3A_773 = arith.addi %broadcast_in_dim3A_772, %iota3A : vector<16xi32>
        %mul3A_774 = arith.constant 1536 : i32
        %mul3A_775 = arith.muli %select_n3A_764, %mul3A_774 : i32
        %add3A_776 = arith.addi %mul3A_775, %sub3A_769 : i32
        %add3A_777 = arith.constant 0 : i32
        %add3A_778 = arith.addi %add3A_776, %add3A_777 : i32
        %get3A_779 = arith.constant 0 : i32
        %get3A_780 = arith.constant 0 : i32
        %get3A_781 = tpu.memref_slice %arg8[%get3A_779, %get3A_780] : memref<2x6144xf32, #tpu.memory_space<vmem>> -> memref<1x6144xf32, #tpu.memory_space<vmem>>
        %get3A_782 = tpu.memref_squeeze %get3A_781 : memref<1x6144xf32, #tpu.memory_space<vmem>> -> memref<6144xf32, #tpu.memory_space<vmem>>
        %get3A_783 = arith.index_cast %add3A_778 : i32 to index
        %get3A_784 = tpu.vector_load %get3A_782[%get3A_783] {strides = array<i32>} : memref<6144xf32, #tpu.memory_space<vmem>>, vector<16xf32>,
        %add3A_785 = arith.constant 512 : i32
        %add3A_786 = arith.addi %add3A_776, %add3A_785 : i32
        %get3A_787 = arith.constant 0 : i32
        %get3A_788 = arith.constant 0 : i32
        %get3A_789 = tpu.memref_slice %arg8[%get3A_787, %get3A_788] : memref<2x6144xf32, #tpu.memory_space<vmem>> -> memref<1x6144xf32, #tpu.memory_space<vmem>>
        %get3A_790 = tpu.memref_squeeze %get3A_789 : memref<1x6144xf32, #tpu.memory_space<vmem>> -> memref<6144xf32, #tpu.memory_space<vmem>>
        %get3A_791 = arith.index_cast %add3A_786 : i32 to index
        %get3A_792 = tpu.vector_load %get3A_790[%get3A_791] {strides = array<i32>} : memref<6144xf32, #tpu.memory_space<vmem>>, vector<16xf32>,
        %add3A_793 = arith.constant 1024 : i32
        %add3A_794 = arith.addi %add3A_776, %add3A_793 : i32
        %get3A_795 = arith.constant 0 : i32
        %get3A_796 = arith.constant 0 : i32
        %get3A_797 = tpu.memref_slice %arg8[%get3A_795, %get3A_796] : memref<2x6144xf32, #tpu.memory_space<vmem>> -> memref<1x6144xf32, #tpu.memory_space<vmem>>
        %get3A_798 = tpu.memref_squeeze %get3A_797 : memref<1x6144xf32, #tpu.memory_space<vmem>> -> memref<6144xf32, #tpu.memory_space<vmem>>
        %get3A_799 = arith.index_cast %add3A_794 : i32 to index
        %get3A_800 = tpu.vector_load %get3A_798[%get3A_799] {strides = array<i32>} : memref<6144xf32, #tpu.memory_space<vmem>>, vector<16xf32>,
        %gather3A_801 = arith.constant 0 : i32
        %gather3A_802 = arith.constant 0 : i32
        %gather3A_803 = arith.constant 0 : i32
        %gather3A_804 = tpu.memref_slice %arg7[%gather3A_801, %gather3A_802, %gather3A_803] : memref<2x2048x16xf32, #tpu.memory_space<vmem>> -> memref<1x2048x16xf32, #tpu.memory_space<vmem>>
        %gather3A_805 = tpu.memref_squeeze %gather3A_804 : memref<1x2048x16xf32, #tpu.memory_space<vmem>> -> memref<2048x16xf32, #tpu.memory_space<vmem>>
        %gather3A_806 = tpu.vector_load_idx %gather3A_805[%add3A_773, %broadcast_in_dim3A_3] : memref<2048x16xf32, #tpu.memory_space<vmem>>[vector<16xi32>, vector<16xi32>], vector<16xf32>,
        %mul3A_807 = arith.mulf %gather3A_806, %get3A_784 : vector<16xf32>
        %gather3A_808 = arith.constant 0 : i32
        %gather3A_809 = arith.constant 0 : i32
        %gather3A_810 = arith.constant 0 : i32
        %gather3A_811 = tpu.memref_slice %arg7[%gather3A_808, %gather3A_809, %gather3A_810] : memref<2x2048x16xf32, #tpu.memory_space<vmem>> -> memref<1x2048x16xf32, #tpu.memory_space<vmem>>
        %gather3A_812 = tpu.memref_squeeze %gather3A_811 : memref<1x2048x16xf32, #tpu.memory_space<vmem>> -> memref<2048x16xf32, #tpu.memory_space<vmem>>
        %gather3A_813 = tpu.vector_load_idx %gather3A_812[%add3A_773, %broadcast_in_dim3A_5] : memref<2048x16xf32, #tpu.memory_space<vmem>>[vector<16xi32>, vector<16xi32>], vector<16xf32>,
        %mul3A_814 = arith.mulf %gather3A_813, %get3A_792 : vector<16xf32>
        %add3A_815 = arith.addf %mul3A_807, %mul3A_814 : vector<16xf32>
        %gather3A_816 = arith.constant 0 : i32
        %gather3A_817 = arith.constant 0 : i32
        %gather3A_818 = arith.constant 0 : i32
        %gather3A_819 = tpu.memref_slice %arg7[%gather3A_816, %gather3A_817, %gather3A_818] : memref<2x2048x16xf32, #tpu.memory_space<vmem>> -> memref<1x2048x16xf32, #tpu.memory_space<vmem>>
        %gather3A_820 = tpu.memref_squeeze %gather3A_819 : memref<1x2048x16xf32, #tpu.memory_space<vmem>> -> memref<2048x16xf32, #tpu.memory_space<vmem>>
        %gather3A_821 = tpu.vector_load_idx %gather3A_820[%add3A_773, %broadcast_in_dim3A_7] : memref<2048x16xf32, #tpu.memory_space<vmem>>[vector<16xi32>, vector<16xi32>], vector<16xf32>,
        %mul3A_822 = arith.mulf %gather3A_821, %get3A_800 : vector<16xf32>
        %add3A_823 = arith.addf %add3A_815, %mul3A_822 : vector<16xf32>
        %mul3A_824 = arith.constant 16 : i32
        %mul3A_825 = arith.muli %mul3A_824, %add3A_740 : i32
        %swap3A_826 = arith.constant 0 : i32
        %swap3A_827 = arith.constant 0 : i32
        %swap3A_828 = arith.constant 0 : i32
        %swap3A_829 = tpu.memref_slice %arg9[%swap3A_826, %swap3A_827, %swap3A_828] : memref<2x3x2048xf32, #tpu.memory_space<vmem>> -> memref<1x1x2048xf32, #tpu.memory_space<vmem>>
        %swap3A_830 = tpu.memref_squeeze %swap3A_829 : memref<1x1x2048xf32, #tpu.memory_space<vmem>> -> memref<2048xf32, #tpu.memory_space<vmem>>
        %swap3A_831 = arith.index_cast %mul3A_825 : i32 to index
        %swap3A_832 = tpu.vector_load %swap3A_830[%swap3A_831] {strides = array<i32>} : memref<2048xf32, #tpu.memory_space<vmem>>, vector<16xf32>,
        tpu.vector_store %swap3A_830[%swap3A_831], %add3A_823 {strides = array<i32>} : memref<2048xf32, #tpu.memory_space<vmem>>, vector<16xf32>,
        %gather3A_833 = arith.constant 0 : i32
        %gather3A_834 = arith.constant 0 : i32
        %gather3A_835 = arith.constant 0 : i32
        %gather3A_836 = tpu.memref_slice %arg7[%gather3A_833, %gather3A_834, %gather3A_835] : memref<2x2048x16xf32, #tpu.memory_space<vmem>> -> memref<1x2048x16xf32, #tpu.memory_space<vmem>>
        %gather3A_837 = tpu.memref_squeeze %gather3A_836 : memref<1x2048x16xf32, #tpu.memory_space<vmem>> -> memref<2048x16xf32, #tpu.memory_space<vmem>>
        %gather3A_838 = tpu.vector_load_idx %gather3A_837[%add3A_773, %broadcast_in_dim3A_9] : memref<2048x16xf32, #tpu.memory_space<vmem>>[vector<16xi32>, vector<16xi32>], vector<16xf32>,
        %mul3A_839 = arith.mulf %gather3A_838, %get3A_784 : vector<16xf32>
        %gather3A_840 = arith.constant 0 : i32
        %gather3A_841 = arith.constant 0 : i32
        %gather3A_842 = arith.constant 0 : i32
        %gather3A_843 = tpu.memref_slice %arg7[%gather3A_840, %gather3A_841, %gather3A_842] : memref<2x2048x16xf32, #tpu.memory_space<vmem>> -> memref<1x2048x16xf32, #tpu.memory_space<vmem>>
        %gather3A_844 = tpu.memref_squeeze %gather3A_843 : memref<1x2048x16xf32, #tpu.memory_space<vmem>> -> memref<2048x16xf32, #tpu.memory_space<vmem>>
        %gather3A_845 = tpu.vector_load_idx %gather3A_844[%add3A_773, %broadcast_in_dim3A_11] : memref<2048x16xf32, #tpu.memory_space<vmem>>[vector<16xi32>, vector<16xi32>], vector<16xf32>,
        %mul3A_846 = arith.mulf %gather3A_845, %get3A_792 : vector<16xf32>
        %add3A_847 = arith.addf %mul3A_839, %mul3A_846 : vector<16xf32>
        %gather3A_848 = arith.constant 0 : i32
        %gather3A_849 = arith.constant 0 : i32
        %gather3A_850 = arith.constant 0 : i32
        %gather3A_851 = tpu.memref_slice %arg7[%gather3A_848, %gather3A_849, %gather3A_850] : memref<2x2048x16xf32, #tpu.memory_space<vmem>> -> memref<1x2048x16xf32, #tpu.memory_space<vmem>>
        %gather3A_852 = tpu.memref_squeeze %gather3A_851 : memref<1x2048x16xf32, #tpu.memory_space<vmem>> -> memref<2048x16xf32, #tpu.memory_space<vmem>>
        %gather3A_853 = tpu.vector_load_idx %gather3A_852[%add3A_773, %broadcast_in_dim3A_13] : memref<2048x16xf32, #tpu.memory_space<vmem>>[vector<16xi32>, vector<16xi32>], vector<16xf32>,
        %mul3A_854 = arith.mulf %gather3A_853, %get3A_800 : vector<16xf32>
        %add3A_855 = arith.addf %add3A_847, %mul3A_854 : vector<16xf32>
        %mul3A_856 = arith.constant 16 : i32
        %mul3A_857 = arith.muli %mul3A_856, %add3A_740 : i32
        %swap3A_858 = arith.constant 0 : i32
        %swap3A_859 = arith.constant 1 : i32
        %swap3A_860 = arith.constant 0 : i32
        %swap3A_861 = tpu.memref_slice %arg9[%swap3A_858, %swap3A_859, %swap3A_860] : memref<2x3x2048xf32, #tpu.memory_space<vmem>> -> memref<1x1x2048xf32, #tpu.memory_space<vmem>>
        %swap3A_862 = tpu.memref_squeeze %swap3A_861 : memref<1x1x2048xf32, #tpu.memory_space<vmem>> -> memref<2048xf32, #tpu.memory_space<vmem>>
        %swap3A_863 = arith.index_cast %mul3A_857 : i32 to index
        %swap3A_864 = tpu.vector_load %swap3A_862[%swap3A_863] {strides = array<i32>} : memref<2048xf32, #tpu.memory_space<vmem>>, vector<16xf32>,
        tpu.vector_store %swap3A_862[%swap3A_863], %add3A_855 {strides = array<i32>} : memref<2048xf32, #tpu.memory_space<vmem>>, vector<16xf32>,
        %gather3A_865 = arith.constant 0 : i32
        %gather3A_866 = arith.constant 0 : i32
        %gather3A_867 = arith.constant 0 : i32
        %gather3A_868 = tpu.memref_slice %arg7[%gather3A_865, %gather3A_866, %gather3A_867] : memref<2x2048x16xf32, #tpu.memory_space<vmem>> -> memref<1x2048x16xf32, #tpu.memory_space<vmem>>
        %gather3A_869 = tpu.memref_squeeze %gather3A_868 : memref<1x2048x16xf32, #tpu.memory_space<vmem>> -> memref<2048x16xf32, #tpu.memory_space<vmem>>
        %gather3A_870 = tpu.vector_load_idx %gather3A_869[%add3A_773, %broadcast_in_dim3A_15] : memref<2048x16xf32, #tpu.memory_space<vmem>>[vector<16xi32>, vector<16xi32>], vector<16xf32>,
        %mul3A_871 = arith.mulf %gather3A_870, %get3A_784 : vector<16xf32>
        %gather3A_872 = arith.constant 0 : i32
        %gather3A_873 = arith.constant 0 : i32
        %gather3A_874 = arith.constant 0 : i32
        %gather3A_875 = tpu.memref_slice %arg7[%gather3A_872, %gather3A_873, %gather3A_874] : memref<2x2048x16xf32, #tpu.memory_space<vmem>> -> memref<1x2048x16xf32, #tpu.memory_space<vmem>>
        %gather3A_876 = tpu.memref_squeeze %gather3A_875 : memref<1x2048x16xf32, #tpu.memory_space<vmem>> -> memref<2048x16xf32, #tpu.memory_space<vmem>>
        %gather3A_877 = tpu.vector_load_idx %gather3A_876[%add3A_773, %broadcast_in_dim3A_17] : memref<2048x16xf32, #tpu.memory_space<vmem>>[vector<16xi32>, vector<16xi32>], vector<16xf32>,
        %mul3A_878 = arith.mulf %gather3A_877, %get3A_792 : vector<16xf32>
        %add3A_879 = arith.addf %mul3A_871, %mul3A_878 : vector<16xf32>
        %gather3A_880 = arith.constant 0 : i32
        %gather3A_881 = arith.constant 0 : i32
        %gather3A_882 = arith.constant 0 : i32
        %gather3A_883 = tpu.memref_slice %arg7[%gather3A_880, %gather3A_881, %gather3A_882] : memref<2x2048x16xf32, #tpu.memory_space<vmem>> -> memref<1x2048x16xf32, #tpu.memory_space<vmem>>
        %gather3A_884 = tpu.memref_squeeze %gather3A_883 : memref<1x2048x16xf32, #tpu.memory_space<vmem>> -> memref<2048x16xf32, #tpu.memory_space<vmem>>
        %gather3A_885 = tpu.vector_load_idx %gather3A_884[%add3A_773, %broadcast_in_dim3A_19] : memref<2048x16xf32, #tpu.memory_space<vmem>>[vector<16xi32>, vector<16xi32>], vector<16xf32>,
        %mul3A_886 = arith.mulf %gather3A_885, %get3A_800 : vector<16xf32>
        %add3A_887 = arith.addf %add3A_879, %mul3A_886 : vector<16xf32>
        %mul3A_888 = arith.constant 16 : i32
        %mul3A_889 = arith.muli %mul3A_888, %add3A_740 : i32
        %swap3A_890 = arith.constant 0 : i32
        %swap3A_891 = arith.constant 2 : i32
        %swap3A_892 = arith.constant 0 : i32
        %swap3A_893 = tpu.memref_slice %arg9[%swap3A_890, %swap3A_891, %swap3A_892] : memref<2x3x2048xf32, #tpu.memory_space<vmem>> -> memref<1x1x2048xf32, #tpu.memory_space<vmem>>
        %swap3A_894 = tpu.memref_squeeze %swap3A_893 : memref<1x1x2048xf32, #tpu.memory_space<vmem>> -> memref<2048xf32, #tpu.memory_space<vmem>>
        %swap3A_895 = arith.index_cast %mul3A_889 : i32 to index
        %swap3A_896 = tpu.vector_load %swap3A_894[%swap3A_895] {strides = array<i32>} : memref<2048xf32, #tpu.memory_space<vmem>>, vector<16xf32>,
        tpu.vector_store %swap3A_894[%swap3A_895], %add3A_887 {strides = array<i32>} : memref<2048xf32, #tpu.memory_space<vmem>>, vector<16xf32>,
      }
      %scan3A_377 = arith.constant 64 : i32
      %mul3A_378 = arith.constant 786432 : i32
      %mul3A_379 = arith.muli %select_n3A_368, %mul3A_378 : i32
      %add3A_380 = arith.constant 0 : i32
      %add3A_381 = arith.addi %mul3A_379, %add3A_380 : i32
      %add3A_382 = arith.addi %add3A_381, %sub3A_371 : i32
      %dma_start3A_383 = arith.constant 0 : i32
      %dma_start3A_384 = arith.constant 0 : i32
      %dma_start3A_385 = arith.constant 0 : i32
      %dma_start3A_386 = arith.constant 0 : i32
      %dma_start3A_387 = tpu.memref_slice %arg9[%dma_start3A_383, %dma_start3A_384, %dma_start3A_386] : memref<2x3x2048xf32, #tpu.memory_space<vmem>> -> memref<1x1x2048xf32, #tpu.memory_space<vmem>>
      %dma_start3A_388 = tpu.memref_squeeze %dma_start3A_387 : memref<1x1x2048xf32, #tpu.memory_space<vmem>> -> memref<2048xf32, #tpu.memory_space<vmem>>
      %dma_start3A_389 = tpu.memref_slice %arg5[%add3A_382] : memref<3145728xf32, #tpu.memory_space<hbm>> -> memref<2048xf32, #tpu.memory_space<hbm>>
      %dma_start3A_390 = tpu.memref_slice %arg13[%dma_start3A_385] : memref<2x!tpu.dma_semaphore, #tpu.memory_space<semaphore_mem>> -> memref<1x!tpu.dma_semaphore, #tpu.memory_space<semaphore_mem>>
      %dma_start3A_391 = tpu.memref_squeeze %dma_start3A_390 : memref<1x!tpu.dma_semaphore, #tpu.memory_space<semaphore_mem>> -> memref<!tpu.dma_semaphore, #tpu.memory_space<semaphore_mem>>
      %dma_start3A_392 = tpu.memref_slice %arg5[%add3A_382] : memref<3145728xf32, #tpu.memory_space<hbm>> -> memref<2048xf32, #tpu.memory_space<hbm>>
      %dma_start3A_393 = arith.constant 0 : i32
      %dma_start3A_394 = tpu.memref_slice %arg9[%dma_start3A_383, %dma_start3A_384, %dma_start3A_393] : memref<2x3x2048xf32, #tpu.memory_space<vmem>> -> memref<1x1x2048xf32, #tpu.memory_space<vmem>>
      %dma_start3A_395 = tpu.memref_squeeze %dma_start3A_394 : memref<1x1x2048xf32, #tpu.memory_space<vmem>> -> memref<2048xf32, #tpu.memory_space<vmem>>
      tpu.enqueue_dma source(%dma_start3A_395 : memref<2048xf32, #tpu.memory_space<vmem>>) target(%dma_start3A_392 : memref<2048xf32, #tpu.memory_space<hbm>>) target_semaphore(%dma_start3A_391 : memref<!tpu.dma_semaphore, #tpu.memory_space<semaphore_mem>>)
      %mul3A_396 = arith.constant 786432 : i32
      %mul3A_397 = arith.muli %select_n3A_368, %mul3A_396 : i32
      %add3A_398 = arith.constant 262144 : i32
      %add3A_399 = arith.addi %mul3A_397, %add3A_398 : i32
      %add3A_400 = arith.addi %add3A_399, %sub3A_371 : i32
      %dma_start3A_401 = arith.constant 0 : i32
      %dma_start3A_402 = arith.constant 1 : i32
      %dma_start3A_403 = arith.constant 0 : i32
      %dma_start3A_404 = arith.constant 0 : i32
      %dma_start3A_405 = tpu.memref_slice %arg9[%dma_start3A_401, %dma_start3A_402, %dma_start3A_404] : memref<2x3x2048xf32, #tpu.memory_space<vmem>> -> memref<1x1x2048xf32, #tpu.memory_space<vmem>>
      %dma_start3A_406 = tpu.memref_squeeze %dma_start3A_405 : memref<1x1x2048xf32, #tpu.memory_space<vmem>> -> memref<2048xf32, #tpu.memory_space<vmem>>
      %dma_start3A_407 = tpu.memref_slice %arg5[%add3A_400] : memref<3145728xf32, #tpu.memory_space<hbm>> -> memref<2048xf32, #tpu.memory_space<hbm>>
      %dma_start3A_408 = tpu.memref_slice %arg13[%dma_start3A_403] : memref<2x!tpu.dma_semaphore, #tpu.memory_space<semaphore_mem>> -> memref<1x!tpu.dma_semaphore, #tpu.memory_space<semaphore_mem>>
      %dma_start3A_409 = tpu.memref_squeeze %dma_start3A_408 : memref<1x!tpu.dma_semaphore, #tpu.memory_space<semaphore_mem>> -> memref<!tpu.dma_semaphore, #tpu.memory_space<semaphore_mem>>
      %dma_start3A_410 = tpu.memref_slice %arg5[%add3A_400] : memref<3145728xf32, #tpu.memory_space<hbm>> -> memref<2048xf32, #tpu.memory_space<hbm>>
      %dma_start3A_411 = arith.constant 0 : i32
      %dma_start3A_412 = tpu.memref_slice %arg9[%dma_start3A_401, %dma_start3A_402, %dma_start3A_411] : memref<2x3x2048xf32, #tpu.memory_space<vmem>> -> memref<1x1x2048xf32, #tpu.memory_space<vmem>>
      %dma_start3A_413 = tpu.memref_squeeze %dma_start3A_412 : memref<1x1x2048xf32, #tpu.memory_space<vmem>> -> memref<2048xf32, #tpu.memory_space<vmem>>
      tpu.enqueue_dma source(%dma_start3A_413 : memref<2048xf32, #tpu.memory_space<vmem>>) target(%dma_start3A_410 : memref<2048xf32, #tpu.memory_space<hbm>>) target_semaphore(%dma_start3A_409 : memref<!tpu.dma_semaphore, #tpu.memory_space<semaphore_mem>>)
      %mul3A_414 = arith.constant 786432 : i32
      %mul3A_415 = arith.muli %select_n3A_368, %mul3A_414 : i32
      %add3A_416 = arith.constant 524288 : i32
      %add3A_417 = arith.addi %mul3A_415, %add3A_416 : i32
      %add3A_418 = arith.addi %add3A_417, %sub3A_371 : i32
      %dma_start3A_419 = arith.constant 0 : i32
      %dma_start3A_420 = arith.constant 2 : i32
      %dma_start3A_421 = arith.constant 0 : i32
      %dma_start3A_422 = arith.constant 0 : i32
      %dma_start3A_423 = tpu.memref_slice %arg9[%dma_start3A_419, %dma_start3A_420, %dma_start3A_422] : memref<2x3x2048xf32, #tpu.memory_space<vmem>> -> memref<1x1x2048xf32, #tpu.memory_space<vmem>>
      %dma_start3A_424 = tpu.memref_squeeze %dma_start3A_423 : memref<1x1x2048xf32, #tpu.memory_space<vmem>> -> memref<2048xf32, #tpu.memory_space<vmem>>
      %dma_start3A_425 = tpu.memref_slice %arg5[%add3A_418] : memref<3145728xf32, #tpu.memory_space<hbm>> -> memref<2048xf32, #tpu.memory_space<hbm>>
      %dma_start3A_426 = tpu.memref_slice %arg13[%dma_start3A_421] : memref<2x!tpu.dma_semaphore, #tpu.memory_space<semaphore_mem>> -> memref<1x!tpu.dma_semaphore, #tpu.memory_space<semaphore_mem>>
      %dma_start3A_427 = tpu.memref_squeeze %dma_start3A_426 : memref<1x!tpu.dma_semaphore, #tpu.memory_space<semaphore_mem>> -> memref<!tpu.dma_semaphore, #tpu.memory_space<semaphore_mem>>
      %dma_start3A_428 = tpu.memref_slice %arg5[%add3A_418] : memref<3145728xf32, #tpu.memory_space<hbm>> -> memref<2048xf32, #tpu.memory_space<hbm>>
      %dma_start3A_429 = arith.constant 0 : i32
      %dma_start3A_430 = tpu.memref_slice %arg9[%dma_start3A_419, %dma_start3A_420, %dma_start3A_429] : memref<2x3x2048xf32, #tpu.memory_space<vmem>> -> memref<1x1x2048xf32, #tpu.memory_space<vmem>>
      %dma_start3A_431 = tpu.memref_squeeze %dma_start3A_430 : memref<1x1x2048xf32, #tpu.memory_space<vmem>> -> memref<2048xf32, #tpu.memory_space<vmem>>
      tpu.enqueue_dma source(%dma_start3A_431 : memref<2048xf32, #tpu.memory_space<vmem>>) target(%dma_start3A_428 : memref<2048xf32, #tpu.memory_space<hbm>>) target_semaphore(%dma_start3A_427 : memref<!tpu.dma_semaphore, #tpu.memory_space<semaphore_mem>>)
      %add3A_432 = arith.constant 2 : i32
      %add3A_433 = arith.addi %mul3A_304, %add3A_432 : i32
      %lt3A_434 = arith.constant 16 : i32
      %lt3A_435 = arith.cmpi slt, %add3A_433, %lt3A_434 : i32
      %convert_element_type3A_436 = arith.extui %lt3A_435 : i1 to i32
      %cond3A_437 = arith.constant 0 : i32
      %cond3A_438 = arith.cmpi ne, %convert_element_type3A_436, %cond3A_437 : i32
      scf.if %cond3A_438 {
        %add3A_579 = arith.constant 2 : i32
        %add3A_580 = arith.addi %mul3A_304, %add3A_579 : i32
        %mul3A_581 = arith.constant 2048 : i32
        %mul3A_582 = arith.muli %add3A_580, %mul3A_581 : i32
        %add3A_583 = arith.addi %mul3A_2, %mul3A_582 : i32
        %dma_start3A_584 = arith.constant 0 : i32
        %dma_start3A_585 = arith.constant 0 : i32
        %dma_start3A_586 = arith.constant 0 : i32
        %dma_start3A_587 = tpu.memref_slice %arg6[%dma_start3A_584, %dma_start3A_586] : memref<2x2048xi32, #tpu.memory_space<vmem>> -> memref<1x2048xi32, #tpu.memory_space<vmem>>
        %dma_start3A_588 = tpu.memref_squeeze %dma_start3A_587 : memref<1x2048xi32, #tpu.memory_space<vmem>> -> memref<2048xi32, #tpu.memory_space<vmem>>
        %dma_start3A_589 = tpu.memref_slice %arg3[%add3A_583] : memref<1048576xi32, #tpu.memory_space<hbm>> -> memref<2048xi32, #tpu.memory_space<hbm>>
        %dma_start3A_590 = tpu.memref_slice %arg11[%dma_start3A_585] : memref<2x!tpu.dma_semaphore, #tpu.memory_space<semaphore_mem>> -> memref<1x!tpu.dma_semaphore, #tpu.memory_space<semaphore_mem>>
        %dma_start3A_591 = tpu.memref_squeeze %dma_start3A_590 : memref<1x!tpu.dma_semaphore, #tpu.memory_space<semaphore_mem>> -> memref<!tpu.dma_semaphore, #tpu.memory_space<semaphore_mem>>
        %dma_start3A_592 = arith.constant 0 : i32
        %dma_start3A_593 = tpu.memref_slice %arg6[%dma_start3A_584, %dma_start3A_592] : memref<2x2048xi32, #tpu.memory_space<vmem>> -> memref<1x2048xi32, #tpu.memory_space<vmem>>
        %dma_start3A_594 = tpu.memref_squeeze %dma_start3A_593 : memref<1x2048xi32, #tpu.memory_space<vmem>> -> memref<2048xi32, #tpu.memory_space<vmem>>
        %dma_start3A_595 = tpu.memref_slice %arg3[%add3A_583] : memref<1048576xi32, #tpu.memory_space<hbm>> -> memref<2048xi32, #tpu.memory_space<hbm>>
        tpu.enqueue_dma source(%dma_start3A_595 : memref<2048xi32, #tpu.memory_space<hbm>>) target(%dma_start3A_594 : memref<2048xi32, #tpu.memory_space<vmem>>) target_semaphore(%dma_start3A_591 : memref<!tpu.dma_semaphore, #tpu.memory_space<semaphore_mem>>)
        %add3A_596 = arith.constant 2 : i32
        %add3A_597 = arith.addi %mul3A_304, %add3A_596 : i32
        %mul3A_598 = arith.constant 2048 : i32
        %mul3A_599 = arith.muli %add3A_597, %mul3A_598 : i32
        %add3A_600 = arith.addi %mul3A_2, %mul3A_599 : i32
        %jit3A_601 = arith.constant 262144 : i32
        %div3A_602 = arith.divsi %add3A_600, %jit3A_601 : i32
        %sign3A_603 = arith.constant 0 : i32
        %sign3A_604 = arith.cmpi sgt, %add3A_600, %sign3A_603 : i32
        %sign3A_605 = arith.extui %sign3A_604 : i1 to i32
        %sign3A_606 = arith.constant 0 : i32
        %sign3A_607 = arith.cmpi slt, %add3A_600, %sign3A_606 : i32
        %sign3A_608 = arith.extui %sign3A_607 : i1 to i32
        %sign3A_609 = arith.subi %sign3A_605, %sign3A_608 : i32
        %sign3A_610 = arith.constant 0 : i32
        %sign3A_611 = arith.cmpi sgt, %jit3A_601, %sign3A_610 : i32
        %sign3A_612 = arith.extui %sign3A_611 : i1 to i32
        %sign3A_613 = arith.constant 0 : i32
        %sign3A_614 = arith.cmpi slt, %jit3A_601, %sign3A_613 : i32
        %sign3A_615 = arith.extui %sign3A_614 : i1 to i32
        %sign3A_616 = arith.subi %sign3A_612, %sign3A_615 : i32
        %ne3A_617 = arith.cmpi ne, %sign3A_609, %sign3A_616 : i32
        %rem3A_618 = arith.remsi %add3A_600, %jit3A_601 : i32
        %ne3A_619 = arith.constant 0 : i32
        %ne3A_620 = arith.cmpi ne, %rem3A_618, %ne3A_619 : i32
        %and3A_621 = arith.andi %ne3A_617, %ne3A_620 : i1
        %sub3A_622 = arith.constant 1 : i32
        %sub3A_623 = arith.subi %div3A_602, %sub3A_622 : i32
        %select_n3A_624 = arith.select %and3A_621, %sub3A_623, %div3A_602 : i32
        %mul3A_625 = arith.constant 262144 : i32
        %mul3A_626 = arith.muli %select_n3A_624, %mul3A_625 : i32
        %sub3A_627 = arith.subi %add3A_600, %mul3A_626 : i32
        %mul3A_628 = arith.constant 786432 : i32
        %mul3A_629 = arith.muli %select_n3A_624, %mul3A_628 : i32
        %jit3A_630 = arith.constant 512 : i32
        %div3A_631 = arith.divsi %sub3A_627, %jit3A_630 : i32
        %sign3A_632 = arith.constant 0 : i32
        %sign3A_633 = arith.cmpi sgt, %sub3A_627, %sign3A_632 : i32
        %sign3A_634 = arith.extui %sign3A_633 : i1 to i32
        %sign3A_635 = arith.constant 0 : i32
        %sign3A_636 = arith.cmpi slt, %sub3A_627, %sign3A_635 : i32
        %sign3A_637 = arith.extui %sign3A_636 : i1 to i32
        %sign3A_638 = arith.subi %sign3A_634, %sign3A_637 : i32
        %sign3A_639 = arith.constant 0 : i32
        %sign3A_640 = arith.cmpi sgt, %jit3A_630, %sign3A_639 : i32
        %sign3A_641 = arith.extui %sign3A_640 : i1 to i32
        %sign3A_642 = arith.constant 0 : i32
        %sign3A_643 = arith.cmpi slt, %jit3A_630, %sign3A_642 : i32
        %sign3A_644 = arith.extui %sign3A_643 : i1 to i32
        %sign3A_645 = arith.subi %sign3A_641, %sign3A_644 : i32
        %ne3A_646 = arith.cmpi ne, %sign3A_638, %sign3A_645 : i32
        %rem3A_647 = arith.remsi %sub3A_627, %jit3A_630 : i32
        %ne3A_648 = arith.constant 0 : i32
        %ne3A_649 = arith.cmpi ne, %rem3A_647, %ne3A_648 : i32
        %and3A_650 = arith.andi %ne3A_646, %ne3A_649 : i1
        %sub3A_651 = arith.constant 1 : i32
        %sub3A_652 = arith.subi %div3A_631, %sub3A_651 : i32
        %select_n3A_653 = arith.select %and3A_650, %sub3A_652, %div3A_631 : i32
        %mul3A_654 = arith.constant 1536 : i32
        %mul3A_655 = arith.muli %select_n3A_653, %mul3A_654 : i32
        %add3A_656 = arith.addi %mul3A_629, %mul3A_655 : i32
        %dma_start3A_657 = arith.constant 0 : i32
        %dma_start3A_658 = arith.constant 0 : i32
        %dma_start3A_659 = arith.constant 0 : i32
        %dma_start3A_660 = tpu.memref_slice %arg8[%dma_start3A_657, %dma_start3A_659] : memref<2x6144xf32, #tpu.memory_space<vmem>> -> memref<1x6144xf32, #tpu.memory_space<vmem>>
        %dma_start3A_661 = tpu.memref_squeeze %dma_start3A_660 : memref<1x6144xf32, #tpu.memory_space<vmem>> -> memref<6144xf32, #tpu.memory_space<vmem>>
        %dma_start3A_662 = tpu.memref_slice %arg4[%add3A_656] : memref<3145728xf32, #tpu.memory_space<hbm>> -> memref<6144xf32, #tpu.memory_space<hbm>>
        %dma_start3A_663 = tpu.memref_slice %arg12[%dma_start3A_658] : memref<2x!tpu.dma_semaphore, #tpu.memory_space<semaphore_mem>> -> memref<1x!tpu.dma_semaphore, #tpu.memory_space<semaphore_mem>>
        %dma_start3A_664 = tpu.memref_squeeze %dma_start3A_663 : memref<1x!tpu.dma_semaphore, #tpu.memory_space<semaphore_mem>> -> memref<!tpu.dma_semaphore, #tpu.memory_space<semaphore_mem>>
        %dma_start3A_665 = arith.constant 0 : i32
        %dma_start3A_666 = tpu.memref_slice %arg8[%dma_start3A_657, %dma_start3A_665] : memref<2x6144xf32, #tpu.memory_space<vmem>> -> memref<1x6144xf32, #tpu.memory_space<vmem>>
        %dma_start3A_667 = tpu.memref_squeeze %dma_start3A_666 : memref<1x6144xf32, #tpu.memory_space<vmem>> -> memref<6144xf32, #tpu.memory_space<vmem>>
        %dma_start3A_668 = tpu.memref_slice %arg4[%add3A_656] : memref<3145728xf32, #tpu.memory_space<hbm>> -> memref<6144xf32, #tpu.memory_space<hbm>>
        tpu.enqueue_dma source(%dma_start3A_668 : memref<6144xf32, #tpu.memory_space<hbm>>) target(%dma_start3A_667 : memref<6144xf32, #tpu.memory_space<vmem>>) target_semaphore(%dma_start3A_664 : memref<!tpu.dma_semaphore, #tpu.memory_space<semaphore_mem>>)
      } else {
      }
      %add3A_439 = arith.constant 1 : i32
      %add3A_440 = arith.addi %mul3A_304, %add3A_439 : i32
      %add3A_441 = arith.constant 1 : i32
      %add3A_442 = arith.addi %add3A_440, %add3A_441 : i32
      %lt3A_443 = arith.constant 16 : i32
      %lt3A_444 = arith.cmpi slt, %add3A_442, %lt3A_443 : i32
      %convert_element_type3A_445 = arith.extui %lt3A_444 : i1 to i32
      %cond3A_446 = arith.constant 0 : i32
      %cond3A_447 = arith.cmpi ne, %convert_element_type3A_445, %cond3A_446 : i32
      scf.if %cond3A_447 {
        %add3A_579 = arith.constant 1 : i32
        %add3A_580 = arith.addi %add3A_440, %add3A_579 : i32
        %mul3A_581 = arith.constant 2048 : i32
        %mul3A_582 = arith.muli %add3A_580, %mul3A_581 : i32
        %add3A_583 = arith.addi %mul3A_2, %mul3A_582 : i32
        %dma_wait3A_584 = arith.constant 0 : i32
        %dma_wait3A_585 = arith.constant 0 : i32
        %dma_wait3A_586 = arith.constant 0 : i32
        %dma_wait3A_587 = tpu.memref_slice %arg6[%dma_wait3A_584, %dma_wait3A_586] : memref<2x2048xi32, #tpu.memory_space<vmem>> -> memref<1x2048xi32, #tpu.memory_space<vmem>>
        %dma_wait3A_588 = tpu.memref_squeeze %dma_wait3A_587 : memref<1x2048xi32, #tpu.memory_space<vmem>> -> memref<2048xi32, #tpu.memory_space<vmem>>
        %dma_wait3A_589 = tpu.memref_slice %arg3[%add3A_583] : memref<1048576xi32, #tpu.memory_space<hbm>> -> memref<2048xi32, #tpu.memory_space<hbm>>
        %dma_wait3A_590 = tpu.memref_slice %arg11[%dma_wait3A_585] : memref<2x!tpu.dma_semaphore, #tpu.memory_space<semaphore_mem>> -> memref<1x!tpu.dma_semaphore, #tpu.memory_space<semaphore_mem>>
        %dma_wait3A_591 = tpu.memref_squeeze %dma_wait3A_590 : memref<1x!tpu.dma_semaphore, #tpu.memory_space<semaphore_mem>> -> memref<!tpu.dma_semaphore, #tpu.memory_space<semaphore_mem>>
        %dma_wait3A_592 = arith.constant 0 : i32
        %dma_wait3A_593 = tpu.memref_slice %arg6[%dma_wait3A_584, %dma_wait3A_592] : memref<2x2048xi32, #tpu.memory_space<vmem>> -> memref<1x2048xi32, #tpu.memory_space<vmem>>
        %dma_wait3A_594 = tpu.memref_squeeze %dma_wait3A_593 : memref<1x2048xi32, #tpu.memory_space<vmem>> -> memref<2048xi32, #tpu.memory_space<vmem>>
        %dma_wait3A_595 = tpu.memref_slice %arg3[%add3A_583] : memref<1048576xi32, #tpu.memory_space<hbm>> -> memref<2048xi32, #tpu.memory_space<hbm>>
        tpu.wait_dma2 semaphore(%dma_wait3A_591 : memref<!tpu.dma_semaphore, #tpu.memory_space<semaphore_mem>>) src(%dma_wait3A_595 : memref<2048xi32, #tpu.memory_space<hbm>>) dst(%dma_wait3A_594 : memref<2048xi32, #tpu.memory_space<vmem>>)
        %dma_start3A_596 = arith.constant 0 : i32
        %dma_start3A_597 = arith.constant 0 : i32
        %dma_start3A_598 = arith.constant 0 : i32
        %dma_start3A_599 = arith.constant 0 : i32
        %dma_start3A_600 = arith.constant 0 : i32
        %dma_start3A_601 = tpu.memref_slice %arg7[%dma_start3A_597, %dma_start3A_599, %dma_start3A_600] : memref<2x2048x16xf32, #tpu.memory_space<vmem>> -> memref<1x2048x16xf32, #tpu.memory_space<vmem>>
        %dma_start3A_602 = tpu.memref_squeeze %dma_start3A_601 : memref<1x2048x16xf32, #tpu.memory_space<vmem>> -> memref<2048x16xf32, #tpu.memory_space<vmem>>
        %dma_start3A_603 = arith.constant 0 : i32
        %dma_start3A_604 = tpu.memref_slice %arg6[%dma_start3A_596, %dma_start3A_603] : memref<2x2048xi32, #tpu.memory_space<vmem>> -> memref<1x2048xi32, #tpu.memory_space<vmem>>
        %dma_start3A_605 = tpu.memref_squeeze %dma_start3A_604 : memref<1x2048xi32, #tpu.memory_space<vmem>> -> memref<2048xi32, #tpu.memory_space<vmem>>
        %dma_start3A_606 = arith.constant 0 : i32
        %dma_start3A_607 = arith.constant 0 : i32
        %dma_start3A_608 = tpu.memref_slice %arg2[%dma_start3A_606, %dma_start3A_607] : memref<400000x16xf32, #tpu.memory_space<hbm>> -> memref<400000x16xf32, #tpu.memory_space<hbm>>
        %dma_start3A_609 = tpu.memref_slice %arg10[%dma_start3A_598] : memref<2x!tpu.dma_semaphore, #tpu.memory_space<semaphore_mem>> -> memref<1x!tpu.dma_semaphore, #tpu.memory_space<semaphore_mem>>
        %dma_start3A_610 = tpu.memref_squeeze %dma_start3A_609 : memref<1x!tpu.dma_semaphore, #tpu.memory_space<semaphore_mem>> -> memref<!tpu.dma_semaphore, #tpu.memory_space<semaphore_mem>>
        tpu.enqueue_indirect_dma source(%dma_start3A_608 : memref<400000x16xf32, #tpu.memory_space<hbm>>) target(%dma_start3A_602 : memref<2048x16xf32, #tpu.memory_space<vmem>>) offsets(%dma_start3A_605 : memref<2048xi32, #tpu.memory_space<vmem>>) semaphore(%dma_start3A_610 : memref<!tpu.dma_semaphore, #tpu.memory_space<semaphore_mem>>)
      } else {
      }
      %dma_wait3A_448 = arith.constant 1 : i32
      %dma_wait3A_449 = arith.constant 1 : i32
      %dma_wait3A_450 = arith.constant 1 : i32
      %dma_wait3A_451 = arith.constant 0 : i32
      %dma_wait3A_452 = arith.constant 0 : i32
      %dma_wait3A_453 = tpu.memref_slice %arg7[%dma_wait3A_449, %dma_wait3A_451, %dma_wait3A_452] : memref<2x2048x16xf32, #tpu.memory_space<vmem>> -> memref<1x2048x16xf32, #tpu.memory_space<vmem>>
      %dma_wait3A_454 = tpu.memref_squeeze %dma_wait3A_453 : memref<1x2048x16xf32, #tpu.memory_space<vmem>> -> memref<2048x16xf32, #tpu.memory_space<vmem>>
      %dma_wait3A_455 = arith.constant 0 : i32
      %dma_wait3A_456 = tpu.memref_slice %arg6[%dma_wait3A_448, %dma_wait3A_455] : memref<2x2048xi32, #tpu.memory_space<vmem>> -> memref<1x2048xi32, #tpu.memory_space<vmem>>
      %dma_wait3A_457 = tpu.memref_squeeze %dma_wait3A_456 : memref<1x2048xi32, #tpu.memory_space<vmem>> -> memref<2048xi32, #tpu.memory_space<vmem>>
      %dma_wait3A_458 = arith.constant 0 : i32
      %dma_wait3A_459 = arith.constant 0 : i32
      %dma_wait3A_460 = tpu.memref_slice %arg2[%dma_wait3A_458, %dma_wait3A_459] : memref<400000x16xf32, #tpu.memory_space<hbm>> -> memref<400000x16xf32, #tpu.memory_space<hbm>>
      %dma_wait3A_461 = tpu.memref_slice %arg10[%dma_wait3A_450] : memref<2x!tpu.dma_semaphore, #tpu.memory_space<semaphore_mem>> -> memref<1x!tpu.dma_semaphore, #tpu.memory_space<semaphore_mem>>
      %dma_wait3A_462 = tpu.memref_squeeze %dma_wait3A_461 : memref<1x!tpu.dma_semaphore, #tpu.memory_space<semaphore_mem>> -> memref<!tpu.dma_semaphore, #tpu.memory_space<semaphore_mem>>
      tpu.wait_indirect_dma semaphore(%dma_wait3A_462 : memref<!tpu.dma_semaphore, #tpu.memory_space<semaphore_mem>>) src(%dma_wait3A_460 : memref<400000x16xf32, #tpu.memory_space<hbm>>) dst(%dma_wait3A_454 : memref<2048x16xf32, #tpu.memory_space<vmem>>)
      %dma_wait3A_463 = arith.constant 1 : i32
      %dma_wait3A_464 = arith.constant 1 : i32
      %dma_wait3A_465 = arith.constant 0 : i32
      %dma_wait3A_466 = tpu.memref_slice %arg8[%dma_wait3A_463, %dma_wait3A_465] : memref<2x6144xf32, #tpu.memory_space<vmem>> -> memref<1x6144xf32, #tpu.memory_space<vmem>>
      %dma_wait3A_467 = tpu.memref_squeeze %dma_wait3A_466 : memref<1x6144xf32, #tpu.memory_space<vmem>> -> memref<6144xf32, #tpu.memory_space<vmem>>
      %dma_wait3A_468 = arith.constant 0 : i32
      %dma_wait3A_469 = tpu.memref_slice %arg4[%dma_wait3A_468] : memref<3145728xf32, #tpu.memory_space<hbm>> -> memref<6144xf32, #tpu.memory_space<hbm>>
      %dma_wait3A_470 = tpu.memref_slice %arg12[%dma_wait3A_464] : memref<2x!tpu.dma_semaphore, #tpu.memory_space<semaphore_mem>> -> memref<1x!tpu.dma_semaphore, #tpu.memory_space<semaphore_mem>>
      %dma_wait3A_471 = tpu.memref_squeeze %dma_wait3A_470 : memref<1x!tpu.dma_semaphore, #tpu.memory_space<semaphore_mem>> -> memref<!tpu.dma_semaphore, #tpu.memory_space<semaphore_mem>>
      %dma_wait3A_472 = arith.constant 0 : i32
      %dma_wait3A_473 = tpu.memref_slice %arg8[%dma_wait3A_463, %dma_wait3A_472] : memref<2x6144xf32, #tpu.memory_space<vmem>> -> memref<1x6144xf32, #tpu.memory_space<vmem>>
      %dma_wait3A_474 = tpu.memref_squeeze %dma_wait3A_473 : memref<1x6144xf32, #tpu.memory_space<vmem>> -> memref<6144xf32, #tpu.memory_space<vmem>>
      %dma_wait3A_475 = arith.constant 0 : i32
      %dma_wait3A_476 = tpu.memref_slice %arg4[%dma_wait3A_475] : memref<3145728xf32, #tpu.memory_space<hbm>> -> memref<6144xf32, #tpu.memory_space<hbm>>
      tpu.wait_dma2 semaphore(%dma_wait3A_471 : memref<!tpu.dma_semaphore, #tpu.memory_space<semaphore_mem>>) src(%dma_wait3A_476 : memref<6144xf32, #tpu.memory_space<hbm>>) dst(%dma_wait3A_474 : memref<6144xf32, #tpu.memory_space<vmem>>)
      %ge3A_477 = arith.constant 2 : i32
      %ge3A_478 = arith.cmpi sge, %add3A_440, %ge3A_477 : i32
      %convert_element_type3A_479 = arith.extui %ge3A_478 : i1 to i32
      %cond3A_480 = arith.constant 0 : i32
      %cond3A_481 = arith.cmpi ne, %convert_element_type3A_479, %cond3A_480 : i32
      scf.if %cond3A_481 {
        %dma_wait3A_579 = arith.constant 1 : i32
        %dma_wait3A_580 = arith.constant 0 : i32
        %dma_wait3A_581 = arith.constant 1 : i32
        %dma_wait3A_582 = arith.constant 0 : i32
        %dma_wait3A_583 = tpu.memref_slice %arg9[%dma_wait3A_579, %dma_wait3A_580, %dma_wait3A_582] : memref<2x3x2048xf32, #tpu.memory_space<vmem>> -> memref<1x1x2048xf32, #tpu.memory_space<vmem>>
        %dma_wait3A_584 = tpu.memref_squeeze %dma_wait3A_583 : memref<1x1x2048xf32, #tpu.memory_space<vmem>> -> memref<2048xf32, #tpu.memory_space<vmem>>
        %dma_wait3A_585 = arith.constant 0 : i32
        %dma_wait3A_586 = tpu.memref_slice %arg5[%dma_wait3A_585] : memref<3145728xf32, #tpu.memory_space<hbm>> -> memref<2048xf32, #tpu.memory_space<hbm>>
        %dma_wait3A_587 = tpu.memref_slice %arg13[%dma_wait3A_581] : memref<2x!tpu.dma_semaphore, #tpu.memory_space<semaphore_mem>> -> memref<1x!tpu.dma_semaphore, #tpu.memory_space<semaphore_mem>>
        %dma_wait3A_588 = tpu.memref_squeeze %dma_wait3A_587 : memref<1x!tpu.dma_semaphore, #tpu.memory_space<semaphore_mem>> -> memref<!tpu.dma_semaphore, #tpu.memory_space<semaphore_mem>>
        %dma_wait3A_589 = arith.constant 0 : i32
        %dma_wait3A_590 = tpu.memref_slice %arg5[%dma_wait3A_589] : memref<3145728xf32, #tpu.memory_space<hbm>> -> memref<2048xf32, #tpu.memory_space<hbm>>
        %dma_wait3A_591 = arith.constant 0 : i32
        %dma_wait3A_592 = tpu.memref_slice %arg9[%dma_wait3A_579, %dma_wait3A_580, %dma_wait3A_591] : memref<2x3x2048xf32, #tpu.memory_space<vmem>> -> memref<1x1x2048xf32, #tpu.memory_space<vmem>>
        %dma_wait3A_593 = tpu.memref_squeeze %dma_wait3A_592 : memref<1x1x2048xf32, #tpu.memory_space<vmem>> -> memref<2048xf32, #tpu.memory_space<vmem>>
        tpu.wait_dma2 semaphore(%dma_wait3A_588 : memref<!tpu.dma_semaphore, #tpu.memory_space<semaphore_mem>>) src(%dma_wait3A_593 : memref<2048xf32, #tpu.memory_space<vmem>>) dst(%dma_wait3A_590 : memref<2048xf32, #tpu.memory_space<hbm>>)
        %dma_wait3A_594 = arith.constant 1 : i32
        %dma_wait3A_595 = arith.constant 1 : i32
        %dma_wait3A_596 = arith.constant 1 : i32
        %dma_wait3A_597 = arith.constant 0 : i32
        %dma_wait3A_598 = tpu.memref_slice %arg9[%dma_wait3A_594, %dma_wait3A_595, %dma_wait3A_597] : memref<2x3x2048xf32, #tpu.memory_space<vmem>> -> memref<1x1x2048xf32, #tpu.memory_space<vmem>>
        %dma_wait3A_599 = tpu.memref_squeeze %dma_wait3A_598 : memref<1x1x2048xf32, #tpu.memory_space<vmem>> -> memref<2048xf32, #tpu.memory_space<vmem>>
        %dma_wait3A_600 = arith.constant 0 : i32
        %dma_wait3A_601 = tpu.memref_slice %arg5[%dma_wait3A_600] : memref<3145728xf32, #tpu.memory_space<hbm>> -> memref<2048xf32, #tpu.memory_space<hbm>>
        %dma_wait3A_602 = tpu.memref_slice %arg13[%dma_wait3A_596] : memref<2x!tpu.dma_semaphore, #tpu.memory_space<semaphore_mem>> -> memref<1x!tpu.dma_semaphore, #tpu.memory_space<semaphore_mem>>
        %dma_wait3A_603 = tpu.memref_squeeze %dma_wait3A_602 : memref<1x!tpu.dma_semaphore, #tpu.memory_space<semaphore_mem>> -> memref<!tpu.dma_semaphore, #tpu.memory_space<semaphore_mem>>
        %dma_wait3A_604 = arith.constant 0 : i32
        %dma_wait3A_605 = tpu.memref_slice %arg5[%dma_wait3A_604] : memref<3145728xf32, #tpu.memory_space<hbm>> -> memref<2048xf32, #tpu.memory_space<hbm>>
        %dma_wait3A_606 = arith.constant 0 : i32
        %dma_wait3A_607 = tpu.memref_slice %arg9[%dma_wait3A_594, %dma_wait3A_595, %dma_wait3A_606] : memref<2x3x2048xf32, #tpu.memory_space<vmem>> -> memref<1x1x2048xf32, #tpu.memory_space<vmem>>
        %dma_wait3A_608 = tpu.memref_squeeze %dma_wait3A_607 : memref<1x1x2048xf32, #tpu.memory_space<vmem>> -> memref<2048xf32, #tpu.memory_space<vmem>>
        tpu.wait_dma2 semaphore(%dma_wait3A_603 : memref<!tpu.dma_semaphore, #tpu.memory_space<semaphore_mem>>) src(%dma_wait3A_608 : memref<2048xf32, #tpu.memory_space<vmem>>) dst(%dma_wait3A_605 : memref<2048xf32, #tpu.memory_space<hbm>>)
        %dma_wait3A_609 = arith.constant 1 : i32
        %dma_wait3A_610 = arith.constant 2 : i32
        %dma_wait3A_611 = arith.constant 1 : i32
        %dma_wait3A_612 = arith.constant 0 : i32
        %dma_wait3A_613 = tpu.memref_slice %arg9[%dma_wait3A_609, %dma_wait3A_610, %dma_wait3A_612] : memref<2x3x2048xf32, #tpu.memory_space<vmem>> -> memref<1x1x2048xf32, #tpu.memory_space<vmem>>
        %dma_wait3A_614 = tpu.memref_squeeze %dma_wait3A_613 : memref<1x1x2048xf32, #tpu.memory_space<vmem>> -> memref<2048xf32, #tpu.memory_space<vmem>>
        %dma_wait3A_615 = arith.constant 0 : i32
        %dma_wait3A_616 = tpu.memref_slice %arg5[%dma_wait3A_615] : memref<3145728xf32, #tpu.memory_space<hbm>> -> memref<2048xf32, #tpu.memory_space<hbm>>
        %dma_wait3A_617 = tpu.memref_slice %arg13[%dma_wait3A_611] : memref<2x!tpu.dma_semaphore, #tpu.memory_space<semaphore_mem>> -> memref<1x!tpu.dma_semaphore, #tpu.memory_space<semaphore_mem>>
        %dma_wait3A_618 = tpu.memref_squeeze %dma_wait3A_617 : memref<1x!tpu.dma_semaphore, #tpu.memory_space<semaphore_mem>> -> memref<!tpu.dma_semaphore, #tpu.memory_space<semaphore_mem>>
        %dma_wait3A_619 = arith.constant 0 : i32
        %dma_wait3A_620 = tpu.memref_slice %arg5[%dma_wait3A_619] : memref<3145728xf32, #tpu.memory_space<hbm>> -> memref<2048xf32, #tpu.memory_space<hbm>>
        %dma_wait3A_621 = arith.constant 0 : i32
        %dma_wait3A_622 = tpu.memref_slice %arg9[%dma_wait3A_609, %dma_wait3A_610, %dma_wait3A_621] : memref<2x3x2048xf32, #tpu.memory_space<vmem>> -> memref<1x1x2048xf32, #tpu.memory_space<vmem>>
        %dma_wait3A_623 = tpu.memref_squeeze %dma_wait3A_622 : memref<1x1x2048xf32, #tpu.memory_space<vmem>> -> memref<2048xf32, #tpu.memory_space<vmem>>
        tpu.wait_dma2 semaphore(%dma_wait3A_618 : memref<!tpu.dma_semaphore, #tpu.memory_space<semaphore_mem>>) src(%dma_wait3A_623 : memref<2048xf32, #tpu.memory_space<vmem>>) dst(%dma_wait3A_620 : memref<2048xf32, #tpu.memory_space<hbm>>)
      } else {
      }
      %mul3A_482 = arith.constant 2048 : i32
      %mul3A_483 = arith.muli %add3A_440, %mul3A_482 : i32
      %add3A_484 = arith.addi %mul3A_2, %mul3A_483 : i32
      %jit3A_485 = arith.constant 262144 : i32
      %div3A_486 = arith.divsi %add3A_484, %jit3A_485 : i32
      %sign3A_487 = arith.constant 0 : i32
      %sign3A_488 = arith.cmpi sgt, %add3A_484, %sign3A_487 : i32
      %sign3A_489 = arith.extui %sign3A_488 : i1 to i32
      %sign3A_490 = arith.constant 0 : i32
      %sign3A_491 = arith.cmpi slt, %add3A_484, %sign3A_490 : i32
      %sign3A_492 = arith.extui %sign3A_491 : i1 to i32
      %sign3A_493 = arith.subi %sign3A_489, %sign3A_492 : i32
      %sign3A_494 = arith.constant 0 : i32
      %sign3A_495 = arith.cmpi sgt, %jit3A_485, %sign3A_494 : i32
      %sign3A_496 = arith.extui %sign3A_495 : i1 to i32
      %sign3A_497 = arith.constant 0 : i32
      %sign3A_498 = arith.cmpi slt, %jit3A_485, %sign3A_497 : i32
      %sign3A_499 = arith.extui %sign3A_498 : i1 to i32
      %sign3A_500 = arith.subi %sign3A_496, %sign3A_499 : i32
      %ne3A_501 = arith.cmpi ne, %sign3A_493, %sign3A_500 : i32
      %rem3A_502 = arith.remsi %add3A_484, %jit3A_485 : i32
      %ne3A_503 = arith.constant 0 : i32
      %ne3A_504 = arith.cmpi ne, %rem3A_502, %ne3A_503 : i32
      %and3A_505 = arith.andi %ne3A_501, %ne3A_504 : i1
      %sub3A_506 = arith.constant 1 : i32
      %sub3A_507 = arith.subi %div3A_486, %sub3A_506 : i32
      %select_n3A_508 = arith.select %and3A_505, %sub3A_507, %div3A_486 : i32
      %mul3A_509 = arith.constant 262144 : i32
      %mul3A_510 = arith.muli %select_n3A_508, %mul3A_509 : i32
      %sub3A_511 = arith.subi %add3A_484, %mul3A_510 : i32
      %scan3A_512 = arith.constant 0 : i32
      %scan3A_513 = arith.constant 0 : i32
      %scan3A_514 = arith.constant 64 : i32
      %scan3A_515 = arith.addi %scan3A_513, %scan3A_514 : i32
      %scan3A_516 = arith.constant 1 : i32
      scf.for %scan3A_579 = %scan3A_513 to %scan3A_515 step %scan3A_516  : i32 {
        %mul3A_580 = arith.constant 2 : i32
        %mul3A_581 = arith.muli %mul3A_580, %scan3A_579 : i32
        %add3A_582 = arith.constant 0 : i32
        %add3A_583 = arith.addi %mul3A_581, %add3A_582 : i32
        %jit3A_584 = arith.constant 32 : i32
        %div3A_585 = arith.divsi %add3A_583, %jit3A_584 : i32
        %sign3A_586 = arith.constant 0 : i32
        %sign3A_587 = arith.cmpi sgt, %add3A_583, %sign3A_586 : i32
        %sign3A_588 = arith.extui %sign3A_587 : i1 to i32
        %sign3A_589 = arith.constant 0 : i32
        %sign3A_590 = arith.cmpi slt, %add3A_583, %sign3A_589 : i32
        %sign3A_591 = arith.extui %sign3A_590 : i1 to i32
        %sign3A_592 = arith.subi %sign3A_588, %sign3A_591 : i32
        %sign3A_593 = arith.constant 0 : i32
        %sign3A_594 = arith.cmpi sgt, %jit3A_584, %sign3A_593 : i32
        %sign3A_595 = arith.extui %sign3A_594 : i1 to i32
        %sign3A_596 = arith.constant 0 : i32
        %sign3A_597 = arith.cmpi slt, %jit3A_584, %sign3A_596 : i32
        %sign3A_598 = arith.extui %sign3A_597 : i1 to i32
        %sign3A_599 = arith.subi %sign3A_595, %sign3A_598 : i32
        %ne3A_600 = arith.cmpi ne, %sign3A_592, %sign3A_599 : i32
        %rem3A_601 = arith.remsi %add3A_583, %jit3A_584 : i32
        %ne3A_602 = arith.constant 0 : i32
        %ne3A_603 = arith.cmpi ne, %rem3A_601, %ne3A_602 : i32
        %and3A_604 = arith.andi %ne3A_600, %ne3A_603 : i1
        %sub3A_605 = arith.constant 1 : i32
        %sub3A_606 = arith.subi %div3A_585, %sub3A_605 : i32
        %select_n3A_607 = arith.select %and3A_604, %sub3A_606, %div3A_585 : i32
        %mul3A_608 = arith.constant 16 : i32
        %mul3A_609 = arith.muli %mul3A_608, %add3A_583 : i32
        %mul3A_610 = arith.constant 512 : i32
        %mul3A_611 = arith.muli %select_n3A_607, %mul3A_610 : i32
        %sub3A_612 = arith.subi %mul3A_609, %mul3A_611 : i32
        %mul3A_613 = arith.constant 16 : i32
        %mul3A_614 = arith.muli %mul3A_613, %add3A_583 : i32
        %broadcast_in_dim3A_615 = vector.broadcast %mul3A_614 : i32 to vector<16xi32>
        %add3A_616 = arith.addi %broadcast_in_dim3A_615, %iota3A : vector<16xi32>
        %mul3A_617 = arith.constant 1536 : i32
        %mul3A_618 = arith.muli %select_n3A_607, %mul3A_617 : i32
        %add3A_619 = arith.addi %mul3A_618, %sub3A_612 : i32
        %add3A_620 = arith.constant 0 : i32
        %add3A_621 = arith.addi %add3A_619, %add3A_620 : i32
        %get3A = arith.constant 1 : i32
        %get3A_622 = arith.constant 0 : i32
        %get3A_623 = tpu.memref_slice %arg8[%get3A, %get3A_622] : memref<2x6144xf32, #tpu.memory_space<vmem>> -> memref<1x6144xf32, #tpu.memory_space<vmem>>
        %get3A_624 = tpu.memref_squeeze %get3A_623 : memref<1x6144xf32, #tpu.memory_space<vmem>> -> memref<6144xf32, #tpu.memory_space<vmem>>
        %get3A_625 = arith.index_cast %add3A_621 : i32 to index
        %get3A_626 = tpu.vector_load %get3A_624[%get3A_625] {strides = array<i32>} : memref<6144xf32, #tpu.memory_space<vmem>>, vector<16xf32>,
        %add3A_627 = arith.constant 512 : i32
        %add3A_628 = arith.addi %add3A_619, %add3A_627 : i32
        %get3A_629 = arith.constant 1 : i32
        %get3A_630 = arith.constant 0 : i32
        %get3A_631 = tpu.memref_slice %arg8[%get3A_629, %get3A_630] : memref<2x6144xf32, #tpu.memory_space<vmem>> -> memref<1x6144xf32, #tpu.memory_space<vmem>>
        %get3A_632 = tpu.memref_squeeze %get3A_631 : memref<1x6144xf32, #tpu.memory_space<vmem>> -> memref<6144xf32, #tpu.memory_space<vmem>>
        %get3A_633 = arith.index_cast %add3A_628 : i32 to index
        %get3A_634 = tpu.vector_load %get3A_632[%get3A_633] {strides = array<i32>} : memref<6144xf32, #tpu.memory_space<vmem>>, vector<16xf32>,
        %add3A_635 = arith.constant 1024 : i32
        %add3A_636 = arith.addi %add3A_619, %add3A_635 : i32
        %get3A_637 = arith.constant 1 : i32
        %get3A_638 = arith.constant 0 : i32
        %get3A_639 = tpu.memref_slice %arg8[%get3A_637, %get3A_638] : memref<2x6144xf32, #tpu.memory_space<vmem>> -> memref<1x6144xf32, #tpu.memory_space<vmem>>
        %get3A_640 = tpu.memref_squeeze %get3A_639 : memref<1x6144xf32, #tpu.memory_space<vmem>> -> memref<6144xf32, #tpu.memory_space<vmem>>
        %get3A_641 = arith.index_cast %add3A_636 : i32 to index
        %get3A_642 = tpu.vector_load %get3A_640[%get3A_641] {strides = array<i32>} : memref<6144xf32, #tpu.memory_space<vmem>>, vector<16xf32>,
        %gather3A = arith.constant 1 : i32
        %gather3A_643 = arith.constant 0 : i32
        %gather3A_644 = arith.constant 0 : i32
        %gather3A_645 = tpu.memref_slice %arg7[%gather3A, %gather3A_643, %gather3A_644] : memref<2x2048x16xf32, #tpu.memory_space<vmem>> -> memref<1x2048x16xf32, #tpu.memory_space<vmem>>
        %gather3A_646 = tpu.memref_squeeze %gather3A_645 : memref<1x2048x16xf32, #tpu.memory_space<vmem>> -> memref<2048x16xf32, #tpu.memory_space<vmem>>
        %gather3A_647 = tpu.vector_load_idx %gather3A_646[%add3A_616, %broadcast_in_dim3A_3] : memref<2048x16xf32, #tpu.memory_space<vmem>>[vector<16xi32>, vector<16xi32>], vector<16xf32>,
        %mul3A_648 = arith.mulf %gather3A_647, %get3A_626 : vector<16xf32>
        %gather3A_649 = arith.constant 1 : i32
        %gather3A_650 = arith.constant 0 : i32
        %gather3A_651 = arith.constant 0 : i32
        %gather3A_652 = tpu.memref_slice %arg7[%gather3A_649, %gather3A_650, %gather3A_651] : memref<2x2048x16xf32, #tpu.memory_space<vmem>> -> memref<1x2048x16xf32, #tpu.memory_space<vmem>>
        %gather3A_653 = tpu.memref_squeeze %gather3A_652 : memref<1x2048x16xf32, #tpu.memory_space<vmem>> -> memref<2048x16xf32, #tpu.memory_space<vmem>>
        %gather3A_654 = tpu.vector_load_idx %gather3A_653[%add3A_616, %broadcast_in_dim3A_5] : memref<2048x16xf32, #tpu.memory_space<vmem>>[vector<16xi32>, vector<16xi32>], vector<16xf32>,
        %mul3A_655 = arith.mulf %gather3A_654, %get3A_634 : vector<16xf32>
        %add3A_656 = arith.addf %mul3A_648, %mul3A_655 : vector<16xf32>
        %gather3A_657 = arith.constant 1 : i32
        %gather3A_658 = arith.constant 0 : i32
        %gather3A_659 = arith.constant 0 : i32
        %gather3A_660 = tpu.memref_slice %arg7[%gather3A_657, %gather3A_658, %gather3A_659] : memref<2x2048x16xf32, #tpu.memory_space<vmem>> -> memref<1x2048x16xf32, #tpu.memory_space<vmem>>
        %gather3A_661 = tpu.memref_squeeze %gather3A_660 : memref<1x2048x16xf32, #tpu.memory_space<vmem>> -> memref<2048x16xf32, #tpu.memory_space<vmem>>
        %gather3A_662 = tpu.vector_load_idx %gather3A_661[%add3A_616, %broadcast_in_dim3A_7] : memref<2048x16xf32, #tpu.memory_space<vmem>>[vector<16xi32>, vector<16xi32>], vector<16xf32>,
        %mul3A_663 = arith.mulf %gather3A_662, %get3A_642 : vector<16xf32>
        %add3A_664 = arith.addf %add3A_656, %mul3A_663 : vector<16xf32>
        %mul3A_665 = arith.constant 16 : i32
        %mul3A_666 = arith.muli %mul3A_665, %add3A_583 : i32
        %swap3A = arith.constant 1 : i32
        %swap3A_667 = arith.constant 0 : i32
        %swap3A_668 = arith.constant 0 : i32
        %swap3A_669 = tpu.memref_slice %arg9[%swap3A, %swap3A_667, %swap3A_668] : memref<2x3x2048xf32, #tpu.memory_space<vmem>> -> memref<1x1x2048xf32, #tpu.memory_space<vmem>>
        %swap3A_670 = tpu.memref_squeeze %swap3A_669 : memref<1x1x2048xf32, #tpu.memory_space<vmem>> -> memref<2048xf32, #tpu.memory_space<vmem>>
        %swap3A_671 = arith.index_cast %mul3A_666 : i32 to index
        %swap3A_672 = tpu.vector_load %swap3A_670[%swap3A_671] {strides = array<i32>} : memref<2048xf32, #tpu.memory_space<vmem>>, vector<16xf32>,
        tpu.vector_store %swap3A_670[%swap3A_671], %add3A_664 {strides = array<i32>} : memref<2048xf32, #tpu.memory_space<vmem>>, vector<16xf32>,
        %gather3A_673 = arith.constant 1 : i32
        %gather3A_674 = arith.constant 0 : i32
        %gather3A_675 = arith.constant 0 : i32
        %gather3A_676 = tpu.memref_slice %arg7[%gather3A_673, %gather3A_674, %gather3A_675] : memref<2x2048x16xf32, #tpu.memory_space<vmem>> -> memref<1x2048x16xf32, #tpu.memory_space<vmem>>
        %gather3A_677 = tpu.memref_squeeze %gather3A_676 : memref<1x2048x16xf32, #tpu.memory_space<vmem>> -> memref<2048x16xf32, #tpu.memory_space<vmem>>
        %gather3A_678 = tpu.vector_load_idx %gather3A_677[%add3A_616, %broadcast_in_dim3A_9] : memref<2048x16xf32, #tpu.memory_space<vmem>>[vector<16xi32>, vector<16xi32>], vector<16xf32>,
        %mul3A_679 = arith.mulf %gather3A_678, %get3A_626 : vector<16xf32>
        %gather3A_680 = arith.constant 1 : i32
        %gather3A_681 = arith.constant 0 : i32
        %gather3A_682 = arith.constant 0 : i32
        %gather3A_683 = tpu.memref_slice %arg7[%gather3A_680, %gather3A_681, %gather3A_682] : memref<2x2048x16xf32, #tpu.memory_space<vmem>> -> memref<1x2048x16xf32, #tpu.memory_space<vmem>>
        %gather3A_684 = tpu.memref_squeeze %gather3A_683 : memref<1x2048x16xf32, #tpu.memory_space<vmem>> -> memref<2048x16xf32, #tpu.memory_space<vmem>>
        %gather3A_685 = tpu.vector_load_idx %gather3A_684[%add3A_616, %broadcast_in_dim3A_11] : memref<2048x16xf32, #tpu.memory_space<vmem>>[vector<16xi32>, vector<16xi32>], vector<16xf32>,
        %mul3A_686 = arith.mulf %gather3A_685, %get3A_634 : vector<16xf32>
        %add3A_687 = arith.addf %mul3A_679, %mul3A_686 : vector<16xf32>
        %gather3A_688 = arith.constant 1 : i32
        %gather3A_689 = arith.constant 0 : i32
        %gather3A_690 = arith.constant 0 : i32
        %gather3A_691 = tpu.memref_slice %arg7[%gather3A_688, %gather3A_689, %gather3A_690] : memref<2x2048x16xf32, #tpu.memory_space<vmem>> -> memref<1x2048x16xf32, #tpu.memory_space<vmem>>
        %gather3A_692 = tpu.memref_squeeze %gather3A_691 : memref<1x2048x16xf32, #tpu.memory_space<vmem>> -> memref<2048x16xf32, #tpu.memory_space<vmem>>
        %gather3A_693 = tpu.vector_load_idx %gather3A_692[%add3A_616, %broadcast_in_dim3A_13] : memref<2048x16xf32, #tpu.memory_space<vmem>>[vector<16xi32>, vector<16xi32>], vector<16xf32>,
        %mul3A_694 = arith.mulf %gather3A_693, %get3A_642 : vector<16xf32>
        %add3A_695 = arith.addf %add3A_687, %mul3A_694 : vector<16xf32>
        %mul3A_696 = arith.constant 16 : i32
        %mul3A_697 = arith.muli %mul3A_696, %add3A_583 : i32
        %swap3A_698 = arith.constant 1 : i32
        %swap3A_699 = arith.constant 1 : i32
        %swap3A_700 = arith.constant 0 : i32
        %swap3A_701 = tpu.memref_slice %arg9[%swap3A_698, %swap3A_699, %swap3A_700] : memref<2x3x2048xf32, #tpu.memory_space<vmem>> -> memref<1x1x2048xf32, #tpu.memory_space<vmem>>
        %swap3A_702 = tpu.memref_squeeze %swap3A_701 : memref<1x1x2048xf32, #tpu.memory_space<vmem>> -> memref<2048xf32, #tpu.memory_space<vmem>>
        %swap3A_703 = arith.index_cast %mul3A_697 : i32 to index
        %swap3A_704 = tpu.vector_load %swap3A_702[%swap3A_703] {strides = array<i32>} : memref<2048xf32, #tpu.memory_space<vmem>>, vector<16xf32>,
        tpu.vector_store %swap3A_702[%swap3A_703], %add3A_695 {strides = array<i32>} : memref<2048xf32, #tpu.memory_space<vmem>>, vector<16xf32>,
        %gather3A_705 = arith.constant 1 : i32
        %gather3A_706 = arith.constant 0 : i32
        %gather3A_707 = arith.constant 0 : i32
        %gather3A_708 = tpu.memref_slice %arg7[%gather3A_705, %gather3A_706, %gather3A_707] : memref<2x2048x16xf32, #tpu.memory_space<vmem>> -> memref<1x2048x16xf32, #tpu.memory_space<vmem>>
        %gather3A_709 = tpu.memref_squeeze %gather3A_708 : memref<1x2048x16xf32, #tpu.memory_space<vmem>> -> memref<2048x16xf32, #tpu.memory_space<vmem>>
        %gather3A_710 = tpu.vector_load_idx %gather3A_709[%add3A_616, %broadcast_in_dim3A_15] : memref<2048x16xf32, #tpu.memory_space<vmem>>[vector<16xi32>, vector<16xi32>], vector<16xf32>,
        %mul3A_711 = arith.mulf %gather3A_710, %get3A_626 : vector<16xf32>
        %gather3A_712 = arith.constant 1 : i32
        %gather3A_713 = arith.constant 0 : i32
        %gather3A_714 = arith.constant 0 : i32
        %gather3A_715 = tpu.memref_slice %arg7[%gather3A_712, %gather3A_713, %gather3A_714] : memref<2x2048x16xf32, #tpu.memory_space<vmem>> -> memref<1x2048x16xf32, #tpu.memory_space<vmem>>
        %gather3A_716 = tpu.memref_squeeze %gather3A_715 : memref<1x2048x16xf32, #tpu.memory_space<vmem>> -> memref<2048x16xf32, #tpu.memory_space<vmem>>
        %gather3A_717 = tpu.vector_load_idx %gather3A_716[%add3A_616, %broadcast_in_dim3A_17] : memref<2048x16xf32, #tpu.memory_space<vmem>>[vector<16xi32>, vector<16xi32>], vector<16xf32>,
        %mul3A_718 = arith.mulf %gather3A_717, %get3A_634 : vector<16xf32>
        %add3A_719 = arith.addf %mul3A_711, %mul3A_718 : vector<16xf32>
        %gather3A_720 = arith.constant 1 : i32
        %gather3A_721 = arith.constant 0 : i32
        %gather3A_722 = arith.constant 0 : i32
        %gather3A_723 = tpu.memref_slice %arg7[%gather3A_720, %gather3A_721, %gather3A_722] : memref<2x2048x16xf32, #tpu.memory_space<vmem>> -> memref<1x2048x16xf32, #tpu.memory_space<vmem>>
        %gather3A_724 = tpu.memref_squeeze %gather3A_723 : memref<1x2048x16xf32, #tpu.memory_space<vmem>> -> memref<2048x16xf32, #tpu.memory_space<vmem>>
        %gather3A_725 = tpu.vector_load_idx %gather3A_724[%add3A_616, %broadcast_in_dim3A_19] : memref<2048x16xf32, #tpu.memory_space<vmem>>[vector<16xi32>, vector<16xi32>], vector<16xf32>,
        %mul3A_726 = arith.mulf %gather3A_725, %get3A_642 : vector<16xf32>
        %add3A_727 = arith.addf %add3A_719, %mul3A_726 : vector<16xf32>
        %mul3A_728 = arith.constant 16 : i32
        %mul3A_729 = arith.muli %mul3A_728, %add3A_583 : i32
        %swap3A_730 = arith.constant 1 : i32
        %swap3A_731 = arith.constant 2 : i32
        %swap3A_732 = arith.constant 0 : i32
        %swap3A_733 = tpu.memref_slice %arg9[%swap3A_730, %swap3A_731, %swap3A_732] : memref<2x3x2048xf32, #tpu.memory_space<vmem>> -> memref<1x1x2048xf32, #tpu.memory_space<vmem>>
        %swap3A_734 = tpu.memref_squeeze %swap3A_733 : memref<1x1x2048xf32, #tpu.memory_space<vmem>> -> memref<2048xf32, #tpu.memory_space<vmem>>
        %swap3A_735 = arith.index_cast %mul3A_729 : i32 to index
        %swap3A_736 = tpu.vector_load %swap3A_734[%swap3A_735] {strides = array<i32>} : memref<2048xf32, #tpu.memory_space<vmem>>, vector<16xf32>,
        tpu.vector_store %swap3A_734[%swap3A_735], %add3A_727 {strides = array<i32>} : memref<2048xf32, #tpu.memory_space<vmem>>, vector<16xf32>,
        %mul3A_737 = arith.constant 2 : i32
        %mul3A_738 = arith.muli %mul3A_737, %scan3A_579 : i32
        %add3A_739 = arith.constant 1 : i32
        %add3A_740 = arith.addi %mul3A_738, %add3A_739 : i32
        %jit3A_741 = arith.constant 32 : i32
        %div3A_742 = arith.divsi %add3A_740, %jit3A_741 : i32
        %sign3A_743 = arith.constant 0 : i32
        %sign3A_744 = arith.cmpi sgt, %add3A_740, %sign3A_743 : i32
        %sign3A_745 = arith.extui %sign3A_744 : i1 to i32
        %sign3A_746 = arith.constant 0 : i32
        %sign3A_747 = arith.cmpi slt, %add3A_740, %sign3A_746 : i32
        %sign3A_748 = arith.extui %sign3A_747 : i1 to i32
        %sign3A_749 = arith.subi %sign3A_745, %sign3A_748 : i32
        %sign3A_750 = arith.constant 0 : i32
        %sign3A_751 = arith.cmpi sgt, %jit3A_741, %sign3A_750 : i32
        %sign3A_752 = arith.extui %sign3A_751 : i1 to i32
        %sign3A_753 = arith.constant 0 : i32
        %sign3A_754 = arith.cmpi slt, %jit3A_741, %sign3A_753 : i32
        %sign3A_755 = arith.extui %sign3A_754 : i1 to i32
        %sign3A_756 = arith.subi %sign3A_752, %sign3A_755 : i32
        %ne3A_757 = arith.cmpi ne, %sign3A_749, %sign3A_756 : i32
        %rem3A_758 = arith.remsi %add3A_740, %jit3A_741 : i32
        %ne3A_759 = arith.constant 0 : i32
        %ne3A_760 = arith.cmpi ne, %rem3A_758, %ne3A_759 : i32
        %and3A_761 = arith.andi %ne3A_757, %ne3A_760 : i1
        %sub3A_762 = arith.constant 1 : i32
        %sub3A_763 = arith.subi %div3A_742, %sub3A_762 : i32
        %select_n3A_764 = arith.select %and3A_761, %sub3A_763, %div3A_742 : i32
        %mul3A_765 = arith.constant 16 : i32
        %mul3A_766 = arith.muli %mul3A_765, %add3A_740 : i32
        %mul3A_767 = arith.constant 512 : i32
        %mul3A_768 = arith.muli %select_n3A_764, %mul3A_767 : i32
        %sub3A_769 = arith.subi %mul3A_766, %mul3A_768 : i32
        %mul3A_770 = arith.constant 16 : i32
        %mul3A_771 = arith.muli %mul3A_770, %add3A_740 : i32
        %broadcast_in_dim3A_772 = vector.broadcast %mul3A_771 : i32 to vector<16xi32>
        %add3A_773 = arith.addi %broadcast_in_dim3A_772, %iota3A : vector<16xi32>
        %mul3A_774 = arith.constant 1536 : i32
        %mul3A_775 = arith.muli %select_n3A_764, %mul3A_774 : i32
        %add3A_776 = arith.addi %mul3A_775, %sub3A_769 : i32
        %add3A_777 = arith.constant 0 : i32
        %add3A_778 = arith.addi %add3A_776, %add3A_777 : i32
        %get3A_779 = arith.constant 1 : i32
        %get3A_780 = arith.constant 0 : i32
        %get3A_781 = tpu.memref_slice %arg8[%get3A_779, %get3A_780] : memref<2x6144xf32, #tpu.memory_space<vmem>> -> memref<1x6144xf32, #tpu.memory_space<vmem>>
        %get3A_782 = tpu.memref_squeeze %get3A_781 : memref<1x6144xf32, #tpu.memory_space<vmem>> -> memref<6144xf32, #tpu.memory_space<vmem>>
        %get3A_783 = arith.index_cast %add3A_778 : i32 to index
        %get3A_784 = tpu.vector_load %get3A_782[%get3A_783] {strides = array<i32>} : memref<6144xf32, #tpu.memory_space<vmem>>, vector<16xf32>,
        %add3A_785 = arith.constant 512 : i32
        %add3A_786 = arith.addi %add3A_776, %add3A_785 : i32
        %get3A_787 = arith.constant 1 : i32
        %get3A_788 = arith.constant 0 : i32
        %get3A_789 = tpu.memref_slice %arg8[%get3A_787, %get3A_788] : memref<2x6144xf32, #tpu.memory_space<vmem>> -> memref<1x6144xf32, #tpu.memory_space<vmem>>
        %get3A_790 = tpu.memref_squeeze %get3A_789 : memref<1x6144xf32, #tpu.memory_space<vmem>> -> memref<6144xf32, #tpu.memory_space<vmem>>
        %get3A_791 = arith.index_cast %add3A_786 : i32 to index
        %get3A_792 = tpu.vector_load %get3A_790[%get3A_791] {strides = array<i32>} : memref<6144xf32, #tpu.memory_space<vmem>>, vector<16xf32>,
        %add3A_793 = arith.constant 1024 : i32
        %add3A_794 = arith.addi %add3A_776, %add3A_793 : i32
        %get3A_795 = arith.constant 1 : i32
        %get3A_796 = arith.constant 0 : i32
        %get3A_797 = tpu.memref_slice %arg8[%get3A_795, %get3A_796] : memref<2x6144xf32, #tpu.memory_space<vmem>> -> memref<1x6144xf32, #tpu.memory_space<vmem>>
        %get3A_798 = tpu.memref_squeeze %get3A_797 : memref<1x6144xf32, #tpu.memory_space<vmem>> -> memref<6144xf32, #tpu.memory_space<vmem>>
        %get3A_799 = arith.index_cast %add3A_794 : i32 to index
        %get3A_800 = tpu.vector_load %get3A_798[%get3A_799] {strides = array<i32>} : memref<6144xf32, #tpu.memory_space<vmem>>, vector<16xf32>,
        %gather3A_801 = arith.constant 1 : i32
        %gather3A_802 = arith.constant 0 : i32
        %gather3A_803 = arith.constant 0 : i32
        %gather3A_804 = tpu.memref_slice %arg7[%gather3A_801, %gather3A_802, %gather3A_803] : memref<2x2048x16xf32, #tpu.memory_space<vmem>> -> memref<1x2048x16xf32, #tpu.memory_space<vmem>>
        %gather3A_805 = tpu.memref_squeeze %gather3A_804 : memref<1x2048x16xf32, #tpu.memory_space<vmem>> -> memref<2048x16xf32, #tpu.memory_space<vmem>>
        %gather3A_806 = tpu.vector_load_idx %gather3A_805[%add3A_773, %broadcast_in_dim3A_3] : memref<2048x16xf32, #tpu.memory_space<vmem>>[vector<16xi32>, vector<16xi32>], vector<16xf32>,
        %mul3A_807 = arith.mulf %gather3A_806, %get3A_784 : vector<16xf32>
        %gather3A_808 = arith.constant 1 : i32
        %gather3A_809 = arith.constant 0 : i32
        %gather3A_810 = arith.constant 0 : i32
        %gather3A_811 = tpu.memref_slice %arg7[%gather3A_808, %gather3A_809, %gather3A_810] : memref<2x2048x16xf32, #tpu.memory_space<vmem>> -> memref<1x2048x16xf32, #tpu.memory_space<vmem>>
        %gather3A_812 = tpu.memref_squeeze %gather3A_811 : memref<1x2048x16xf32, #tpu.memory_space<vmem>> -> memref<2048x16xf32, #tpu.memory_space<vmem>>
        %gather3A_813 = tpu.vector_load_idx %gather3A_812[%add3A_773, %broadcast_in_dim3A_5] : memref<2048x16xf32, #tpu.memory_space<vmem>>[vector<16xi32>, vector<16xi32>], vector<16xf32>,
        %mul3A_814 = arith.mulf %gather3A_813, %get3A_792 : vector<16xf32>
        %add3A_815 = arith.addf %mul3A_807, %mul3A_814 : vector<16xf32>
        %gather3A_816 = arith.constant 1 : i32
        %gather3A_817 = arith.constant 0 : i32
        %gather3A_818 = arith.constant 0 : i32
        %gather3A_819 = tpu.memref_slice %arg7[%gather3A_816, %gather3A_817, %gather3A_818] : memref<2x2048x16xf32, #tpu.memory_space<vmem>> -> memref<1x2048x16xf32, #tpu.memory_space<vmem>>
        %gather3A_820 = tpu.memref_squeeze %gather3A_819 : memref<1x2048x16xf32, #tpu.memory_space<vmem>> -> memref<2048x16xf32, #tpu.memory_space<vmem>>
        %gather3A_821 = tpu.vector_load_idx %gather3A_820[%add3A_773, %broadcast_in_dim3A_7] : memref<2048x16xf32, #tpu.memory_space<vmem>>[vector<16xi32>, vector<16xi32>], vector<16xf32>,
        %mul3A_822 = arith.mulf %gather3A_821, %get3A_800 : vector<16xf32>
        %add3A_823 = arith.addf %add3A_815, %mul3A_822 : vector<16xf32>
        %mul3A_824 = arith.constant 16 : i32
        %mul3A_825 = arith.muli %mul3A_824, %add3A_740 : i32
        %swap3A_826 = arith.constant 1 : i32
        %swap3A_827 = arith.constant 0 : i32
        %swap3A_828 = arith.constant 0 : i32
        %swap3A_829 = tpu.memref_slice %arg9[%swap3A_826, %swap3A_827, %swap3A_828] : memref<2x3x2048xf32, #tpu.memory_space<vmem>> -> memref<1x1x2048xf32, #tpu.memory_space<vmem>>
        %swap3A_830 = tpu.memref_squeeze %swap3A_829 : memref<1x1x2048xf32, #tpu.memory_space<vmem>> -> memref<2048xf32, #tpu.memory_space<vmem>>
        %swap3A_831 = arith.index_cast %mul3A_825 : i32 to index
        %swap3A_832 = tpu.vector_load %swap3A_830[%swap3A_831] {strides = array<i32>} : memref<2048xf32, #tpu.memory_space<vmem>>, vector<16xf32>,
        tpu.vector_store %swap3A_830[%swap3A_831], %add3A_823 {strides = array<i32>} : memref<2048xf32, #tpu.memory_space<vmem>>, vector<16xf32>,
        %gather3A_833 = arith.constant 1 : i32
        %gather3A_834 = arith.constant 0 : i32
        %gather3A_835 = arith.constant 0 : i32
        %gather3A_836 = tpu.memref_slice %arg7[%gather3A_833, %gather3A_834, %gather3A_835] : memref<2x2048x16xf32, #tpu.memory_space<vmem>> -> memref<1x2048x16xf32, #tpu.memory_space<vmem>>
        %gather3A_837 = tpu.memref_squeeze %gather3A_836 : memref<1x2048x16xf32, #tpu.memory_space<vmem>> -> memref<2048x16xf32, #tpu.memory_space<vmem>>
        %gather3A_838 = tpu.vector_load_idx %gather3A_837[%add3A_773, %broadcast_in_dim3A_9] : memref<2048x16xf32, #tpu.memory_space<vmem>>[vector<16xi32>, vector<16xi32>], vector<16xf32>,
        %mul3A_839 = arith.mulf %gather3A_838, %get3A_784 : vector<16xf32>
        %gather3A_840 = arith.constant 1 : i32
        %gather3A_841 = arith.constant 0 : i32
        %gather3A_842 = arith.constant 0 : i32
        %gather3A_843 = tpu.memref_slice %arg7[%gather3A_840, %gather3A_841, %gather3A_842] : memref<2x2048x16xf32, #tpu.memory_space<vmem>> -> memref<1x2048x16xf32, #tpu.memory_space<vmem>>
        %gather3A_844 = tpu.memref_squeeze %gather3A_843 : memref<1x2048x16xf32, #tpu.memory_space<vmem>> -> memref<2048x16xf32, #tpu.memory_space<vmem>>
        %gather3A_845 = tpu.vector_load_idx %gather3A_844[%add3A_773, %broadcast_in_dim3A_11] : memref<2048x16xf32, #tpu.memory_space<vmem>>[vector<16xi32>, vector<16xi32>], vector<16xf32>,
        %mul3A_846 = arith.mulf %gather3A_845, %get3A_792 : vector<16xf32>
        %add3A_847 = arith.addf %mul3A_839, %mul3A_846 : vector<16xf32>
        %gather3A_848 = arith.constant 1 : i32
        %gather3A_849 = arith.constant 0 : i32
        %gather3A_850 = arith.constant 0 : i32
        %gather3A_851 = tpu.memref_slice %arg7[%gather3A_848, %gather3A_849, %gather3A_850] : memref<2x2048x16xf32, #tpu.memory_space<vmem>> -> memref<1x2048x16xf32, #tpu.memory_space<vmem>>
        %gather3A_852 = tpu.memref_squeeze %gather3A_851 : memref<1x2048x16xf32, #tpu.memory_space<vmem>> -> memref<2048x16xf32, #tpu.memory_space<vmem>>
        %gather3A_853 = tpu.vector_load_idx %gather3A_852[%add3A_773, %broadcast_in_dim3A_13] : memref<2048x16xf32, #tpu.memory_space<vmem>>[vector<16xi32>, vector<16xi32>], vector<16xf32>,
        %mul3A_854 = arith.mulf %gather3A_853, %get3A_800 : vector<16xf32>
        %add3A_855 = arith.addf %add3A_847, %mul3A_854 : vector<16xf32>
        %mul3A_856 = arith.constant 16 : i32
        %mul3A_857 = arith.muli %mul3A_856, %add3A_740 : i32
        %swap3A_858 = arith.constant 1 : i32
        %swap3A_859 = arith.constant 1 : i32
        %swap3A_860 = arith.constant 0 : i32
        %swap3A_861 = tpu.memref_slice %arg9[%swap3A_858, %swap3A_859, %swap3A_860] : memref<2x3x2048xf32, #tpu.memory_space<vmem>> -> memref<1x1x2048xf32, #tpu.memory_space<vmem>>
        %swap3A_862 = tpu.memref_squeeze %swap3A_861 : memref<1x1x2048xf32, #tpu.memory_space<vmem>> -> memref<2048xf32, #tpu.memory_space<vmem>>
        %swap3A_863 = arith.index_cast %mul3A_857 : i32 to index
        %swap3A_864 = tpu.vector_load %swap3A_862[%swap3A_863] {strides = array<i32>} : memref<2048xf32, #tpu.memory_space<vmem>>, vector<16xf32>,
        tpu.vector_store %swap3A_862[%swap3A_863], %add3A_855 {strides = array<i32>} : memref<2048xf32, #tpu.memory_space<vmem>>, vector<16xf32>,
        %gather3A_865 = arith.constant 1 : i32
        %gather3A_866 = arith.constant 0 : i32
        %gather3A_867 = arith.constant 0 : i32
        %gather3A_868 = tpu.memref_slice %arg7[%gather3A_865, %gather3A_866, %gather3A_867] : memref<2x2048x16xf32, #tpu.memory_space<vmem>> -> memref<1x2048x16xf32, #tpu.memory_space<vmem>>
        %gather3A_869 = tpu.memref_squeeze %gather3A_868 : memref<1x2048x16xf32, #tpu.memory_space<vmem>> -> memref<2048x16xf32, #tpu.memory_space<vmem>>
        %gather3A_870 = tpu.vector_load_idx %gather3A_869[%add3A_773, %broadcast_in_dim3A_15] : memref<2048x16xf32, #tpu.memory_space<vmem>>[vector<16xi32>, vector<16xi32>], vector<16xf32>,
        %mul3A_871 = arith.mulf %gather3A_870, %get3A_784 : vector<16xf32>
        %gather3A_872 = arith.constant 1 : i32
        %gather3A_873 = arith.constant 0 : i32
        %gather3A_874 = arith.constant 0 : i32
        %gather3A_875 = tpu.memref_slice %arg7[%gather3A_872, %gather3A_873, %gather3A_874] : memref<2x2048x16xf32, #tpu.memory_space<vmem>> -> memref<1x2048x16xf32, #tpu.memory_space<vmem>>
        %gather3A_876 = tpu.memref_squeeze %gather3A_875 : memref<1x2048x16xf32, #tpu.memory_space<vmem>> -> memref<2048x16xf32, #tpu.memory_space<vmem>>
        %gather3A_877 = tpu.vector_load_idx %gather3A_876[%add3A_773, %broadcast_in_dim3A_17] : memref<2048x16xf32, #tpu.memory_space<vmem>>[vector<16xi32>, vector<16xi32>], vector<16xf32>,
        %mul3A_878 = arith.mulf %gather3A_877, %get3A_792 : vector<16xf32>
        %add3A_879 = arith.addf %mul3A_871, %mul3A_878 : vector<16xf32>
        %gather3A_880 = arith.constant 1 : i32
        %gather3A_881 = arith.constant 0 : i32
        %gather3A_882 = arith.constant 0 : i32
        %gather3A_883 = tpu.memref_slice %arg7[%gather3A_880, %gather3A_881, %gather3A_882] : memref<2x2048x16xf32, #tpu.memory_space<vmem>> -> memref<1x2048x16xf32, #tpu.memory_space<vmem>>
        %gather3A_884 = tpu.memref_squeeze %gather3A_883 : memref<1x2048x16xf32, #tpu.memory_space<vmem>> -> memref<2048x16xf32, #tpu.memory_space<vmem>>
        %gather3A_885 = tpu.vector_load_idx %gather3A_884[%add3A_773, %broadcast_in_dim3A_19] : memref<2048x16xf32, #tpu.memory_space<vmem>>[vector<16xi32>, vector<16xi32>], vector<16xf32>,
        %mul3A_886 = arith.mulf %gather3A_885, %get3A_800 : vector<16xf32>
        %add3A_887 = arith.addf %add3A_879, %mul3A_886 : vector<16xf32>
        %mul3A_888 = arith.constant 16 : i32
        %mul3A_889 = arith.muli %mul3A_888, %add3A_740 : i32
        %swap3A_890 = arith.constant 1 : i32
        %swap3A_891 = arith.constant 2 : i32
        %swap3A_892 = arith.constant 0 : i32
        %swap3A_893 = tpu.memref_slice %arg9[%swap3A_890, %swap3A_891, %swap3A_892] : memref<2x3x2048xf32, #tpu.memory_space<vmem>> -> memref<1x1x2048xf32, #tpu.memory_space<vmem>>
        %swap3A_894 = tpu.memref_squeeze %swap3A_893 : memref<1x1x2048xf32, #tpu.memory_space<vmem>> -> memref<2048xf32, #tpu.memory_space<vmem>>
        %swap3A_895 = arith.index_cast %mul3A_889 : i32 to index
        %swap3A_896 = tpu.vector_load %swap3A_894[%swap3A_895] {strides = array<i32>} : memref<2048xf32, #tpu.memory_space<vmem>>, vector<16xf32>,
        tpu.vector_store %swap3A_894[%swap3A_895], %add3A_887 {strides = array<i32>} : memref<2048xf32, #tpu.memory_space<vmem>>, vector<16xf32>,
      }
      %scan3A_517 = arith.constant 64 : i32
      %mul3A_518 = arith.constant 786432 : i32
      %mul3A_519 = arith.muli %select_n3A_508, %mul3A_518 : i32
      %add3A_520 = arith.constant 0 : i32
      %add3A_521 = arith.addi %mul3A_519, %add3A_520 : i32
      %add3A_522 = arith.addi %add3A_521, %sub3A_511 : i32
      %dma_start3A_523 = arith.constant 1 : i32
      %dma_start3A_524 = arith.constant 0 : i32
      %dma_start3A_525 = arith.constant 1 : i32
      %dma_start3A_526 = arith.constant 0 : i32
      %dma_start3A_527 = tpu.memref_slice %arg9[%dma_start3A_523, %dma_start3A_524, %dma_start3A_526] : memref<2x3x2048xf32, #tpu.memory_space<vmem>> -> memref<1x1x2048xf32, #tpu.memory_space<vmem>>
      %dma_start3A_528 = tpu.memref_squeeze %dma_start3A_527 : memref<1x1x2048xf32, #tpu.memory_space<vmem>> -> memref<2048xf32, #tpu.memory_space<vmem>>
      %dma_start3A_529 = tpu.memref_slice %arg5[%add3A_522] : memref<3145728xf32, #tpu.memory_space<hbm>> -> memref<2048xf32, #tpu.memory_space<hbm>>
      %dma_start3A_530 = tpu.memref_slice %arg13[%dma_start3A_525] : memref<2x!tpu.dma_semaphore, #tpu.memory_space<semaphore_mem>> -> memref<1x!tpu.dma_semaphore, #tpu.memory_space<semaphore_mem>>
      %dma_start3A_531 = tpu.memref_squeeze %dma_start3A_530 : memref<1x!tpu.dma_semaphore, #tpu.memory_space<semaphore_mem>> -> memref<!tpu.dma_semaphore, #tpu.memory_space<semaphore_mem>>
      %dma_start3A_532 = tpu.memref_slice %arg5[%add3A_522] : memref<3145728xf32, #tpu.memory_space<hbm>> -> memref<2048xf32, #tpu.memory_space<hbm>>
      %dma_start3A_533 = arith.constant 0 : i32
      %dma_start3A_534 = tpu.memref_slice %arg9[%dma_start3A_523, %dma_start3A_524, %dma_start3A_533] : memref<2x3x2048xf32, #tpu.memory_space<vmem>> -> memref<1x1x2048xf32, #tpu.memory_space<vmem>>
      %dma_start3A_535 = tpu.memref_squeeze %dma_start3A_534 : memref<1x1x2048xf32, #tpu.memory_space<vmem>> -> memref<2048xf32, #tpu.memory_space<vmem>>
      tpu.enqueue_dma source(%dma_start3A_535 : memref<2048xf32, #tpu.memory_space<vmem>>) target(%dma_start3A_532 : memref<2048xf32, #tpu.memory_space<hbm>>) target_semaphore(%dma_start3A_531 : memref<!tpu.dma_semaphore, #tpu.memory_space<semaphore_mem>>)
      %mul3A_536 = arith.constant 786432 : i32
      %mul3A_537 = arith.muli %select_n3A_508, %mul3A_536 : i32
      %add3A_538 = arith.constant 262144 : i32
      %add3A_539 = arith.addi %mul3A_537, %add3A_538 : i32
      %add3A_540 = arith.addi %add3A_539, %sub3A_511 : i32
      %dma_start3A_541 = arith.constant 1 : i32
      %dma_start3A_542 = arith.constant 1 : i32
      %dma_start3A_543 = arith.constant 1 : i32
      %dma_start3A_544 = arith.constant 0 : i32
      %dma_start3A_545 = tpu.memref_slice %arg9[%dma_start3A_541, %dma_start3A_542, %dma_start3A_544] : memref<2x3x2048xf32, #tpu.memory_space<vmem>> -> memref<1x1x2048xf32, #tpu.memory_space<vmem>>
      %dma_start3A_546 = tpu.memref_squeeze %dma_start3A_545 : memref<1x1x2048xf32, #tpu.memory_space<vmem>> -> memref<2048xf32, #tpu.memory_space<vmem>>
      %dma_start3A_547 = tpu.memref_slice %arg5[%add3A_540] : memref<3145728xf32, #tpu.memory_space<hbm>> -> memref<2048xf32, #tpu.memory_space<hbm>>
      %dma_start3A_548 = tpu.memref_slice %arg13[%dma_start3A_543] : memref<2x!tpu.dma_semaphore, #tpu.memory_space<semaphore_mem>> -> memref<1x!tpu.dma_semaphore, #tpu.memory_space<semaphore_mem>>
      %dma_start3A_549 = tpu.memref_squeeze %dma_start3A_548 : memref<1x!tpu.dma_semaphore, #tpu.memory_space<semaphore_mem>> -> memref<!tpu.dma_semaphore, #tpu.memory_space<semaphore_mem>>
      %dma_start3A_550 = tpu.memref_slice %arg5[%add3A_540] : memref<3145728xf32, #tpu.memory_space<hbm>> -> memref<2048xf32, #tpu.memory_space<hbm>>
      %dma_start3A_551 = arith.constant 0 : i32
      %dma_start3A_552 = tpu.memref_slice %arg9[%dma_start3A_541, %dma_start3A_542, %dma_start3A_551] : memref<2x3x2048xf32, #tpu.memory_space<vmem>> -> memref<1x1x2048xf32, #tpu.memory_space<vmem>>
      %dma_start3A_553 = tpu.memref_squeeze %dma_start3A_552 : memref<1x1x2048xf32, #tpu.memory_space<vmem>> -> memref<2048xf32, #tpu.memory_space<vmem>>
      tpu.enqueue_dma source(%dma_start3A_553 : memref<2048xf32, #tpu.memory_space<vmem>>) target(%dma_start3A_550 : memref<2048xf32, #tpu.memory_space<hbm>>) target_semaphore(%dma_start3A_549 : memref<!tpu.dma_semaphore, #tpu.memory_space<semaphore_mem>>)
      %mul3A_554 = arith.constant 786432 : i32
      %mul3A_555 = arith.muli %select_n3A_508, %mul3A_554 : i32
      %add3A_556 = arith.constant 524288 : i32
      %add3A_557 = arith.addi %mul3A_555, %add3A_556 : i32
      %add3A_558 = arith.addi %add3A_557, %sub3A_511 : i32
      %dma_start3A_559 = arith.constant 1 : i32
      %dma_start3A_560 = arith.constant 2 : i32
      %dma_start3A_561 = arith.constant 1 : i32
      %dma_start3A_562 = arith.constant 0 : i32
      %dma_start3A_563 = tpu.memref_slice %arg9[%dma_start3A_559, %dma_start3A_560, %dma_start3A_562] : memref<2x3x2048xf32, #tpu.memory_space<vmem>> -> memref<1x1x2048xf32, #tpu.memory_space<vmem>>
      %dma_start3A_564 = tpu.memref_squeeze %dma_start3A_563 : memref<1x1x2048xf32, #tpu.memory_space<vmem>> -> memref<2048xf32, #tpu.memory_space<vmem>>
      %dma_start3A_565 = tpu.memref_slice %arg5[%add3A_558] : memref<3145728xf32, #tpu.memory_space<hbm>> -> memref<2048xf32, #tpu.memory_space<hbm>>
      %dma_start3A_566 = tpu.memref_slice %arg13[%dma_start3A_561] : memref<2x!tpu.dma_semaphore, #tpu.memory_space<semaphore_mem>> -> memref<1x!tpu.dma_semaphore, #tpu.memory_space<semaphore_mem>>
      %dma_start3A_567 = tpu.memref_squeeze %dma_start3A_566 : memref<1x!tpu.dma_semaphore, #tpu.memory_space<semaphore_mem>> -> memref<!tpu.dma_semaphore, #tpu.memory_space<semaphore_mem>>
      %dma_start3A_568 = tpu.memref_slice %arg5[%add3A_558] : memref<3145728xf32, #tpu.memory_space<hbm>> -> memref<2048xf32, #tpu.memory_space<hbm>>
      %dma_start3A_569 = arith.constant 0 : i32
      %dma_start3A_570 = tpu.memref_slice %arg9[%dma_start3A_559, %dma_start3A_560, %dma_start3A_569] : memref<2x3x2048xf32, #tpu.memory_space<vmem>> -> memref<1x1x2048xf32, #tpu.memory_space<vmem>>
      %dma_start3A_571 = tpu.memref_squeeze %dma_start3A_570 : memref<1x1x2048xf32, #tpu.memory_space<vmem>> -> memref<2048xf32, #tpu.memory_space<vmem>>
      tpu.enqueue_dma source(%dma_start3A_571 : memref<2048xf32, #tpu.memory_space<vmem>>) target(%dma_start3A_568 : memref<2048xf32, #tpu.memory_space<hbm>>) target_semaphore(%dma_start3A_567 : memref<!tpu.dma_semaphore, #tpu.memory_space<semaphore_mem>>)
      %add3A_572 = arith.constant 2 : i32
      %add3A_573 = arith.addi %add3A_440, %add3A_572 : i32
      %lt3A_574 = arith.constant 16 : i32
      %lt3A_575 = arith.cmpi slt, %add3A_573, %lt3A_574 : i32
      %convert_element_type3A_576 = arith.extui %lt3A_575 : i1 to i32
      %cond3A_577 = arith.constant 0 : i32
      %cond3A_578 = arith.cmpi ne, %convert_element_type3A_576, %cond3A_577 : i32
      scf.if %cond3A_578 {
        %add3A_579 = arith.constant 2 : i32
        %add3A_580 = arith.addi %add3A_440, %add3A_579 : i32
        %mul3A_581 = arith.constant 2048 : i32
        %mul3A_582 = arith.muli %add3A_580, %mul3A_581 : i32
        %add3A_583 = arith.addi %mul3A_2, %mul3A_582 : i32
        %dma_start3A_584 = arith.constant 1 : i32
        %dma_start3A_585 = arith.constant 1 : i32
        %dma_start3A_586 = arith.constant 0 : i32
        %dma_start3A_587 = tpu.memref_slice %arg6[%dma_start3A_584, %dma_start3A_586] : memref<2x2048xi32, #tpu.memory_space<vmem>> -> memref<1x2048xi32, #tpu.memory_space<vmem>>
        %dma_start3A_588 = tpu.memref_squeeze %dma_start3A_587 : memref<1x2048xi32, #tpu.memory_space<vmem>> -> memref<2048xi32, #tpu.memory_space<vmem>>
        %dma_start3A_589 = tpu.memref_slice %arg3[%add3A_583] : memref<1048576xi32, #tpu.memory_space<hbm>> -> memref<2048xi32, #tpu.memory_space<hbm>>
        %dma_start3A_590 = tpu.memref_slice %arg11[%dma_start3A_585] : memref<2x!tpu.dma_semaphore, #tpu.memory_space<semaphore_mem>> -> memref<1x!tpu.dma_semaphore, #tpu.memory_space<semaphore_mem>>
        %dma_start3A_591 = tpu.memref_squeeze %dma_start3A_590 : memref<1x!tpu.dma_semaphore, #tpu.memory_space<semaphore_mem>> -> memref<!tpu.dma_semaphore, #tpu.memory_space<semaphore_mem>>
        %dma_start3A_592 = arith.constant 0 : i32
        %dma_start3A_593 = tpu.memref_slice %arg6[%dma_start3A_584, %dma_start3A_592] : memref<2x2048xi32, #tpu.memory_space<vmem>> -> memref<1x2048xi32, #tpu.memory_space<vmem>>
        %dma_start3A_594 = tpu.memref_squeeze %dma_start3A_593 : memref<1x2048xi32, #tpu.memory_space<vmem>> -> memref<2048xi32, #tpu.memory_space<vmem>>
        %dma_start3A_595 = tpu.memref_slice %arg3[%add3A_583] : memref<1048576xi32, #tpu.memory_space<hbm>> -> memref<2048xi32, #tpu.memory_space<hbm>>
        tpu.enqueue_dma source(%dma_start3A_595 : memref<2048xi32, #tpu.memory_space<hbm>>) target(%dma_start3A_594 : memref<2048xi32, #tpu.memory_space<vmem>>) target_semaphore(%dma_start3A_591 : memref<!tpu.dma_semaphore, #tpu.memory_space<semaphore_mem>>)
        %add3A_596 = arith.constant 2 : i32
        %add3A_597 = arith.addi %add3A_440, %add3A_596 : i32
        %mul3A_598 = arith.constant 2048 : i32
        %mul3A_599 = arith.muli %add3A_597, %mul3A_598 : i32
        %add3A_600 = arith.addi %mul3A_2, %mul3A_599 : i32
        %jit3A_601 = arith.constant 262144 : i32
        %div3A_602 = arith.divsi %add3A_600, %jit3A_601 : i32
        %sign3A_603 = arith.constant 0 : i32
        %sign3A_604 = arith.cmpi sgt, %add3A_600, %sign3A_603 : i32
        %sign3A_605 = arith.extui %sign3A_604 : i1 to i32
        %sign3A_606 = arith.constant 0 : i32
        %sign3A_607 = arith.cmpi slt, %add3A_600, %sign3A_606 : i32
        %sign3A_608 = arith.extui %sign3A_607 : i1 to i32
        %sign3A_609 = arith.subi %sign3A_605, %sign3A_608 : i32
        %sign3A_610 = arith.constant 0 : i32
        %sign3A_611 = arith.cmpi sgt, %jit3A_601, %sign3A_610 : i32
        %sign3A_612 = arith.extui %sign3A_611 : i1 to i32
        %sign3A_613 = arith.constant 0 : i32
        %sign3A_614 = arith.cmpi slt, %jit3A_601, %sign3A_613 : i32
        %sign3A_615 = arith.extui %sign3A_614 : i1 to i32
        %sign3A_616 = arith.subi %sign3A_612, %sign3A_615 : i32
        %ne3A_617 = arith.cmpi ne, %sign3A_609, %sign3A_616 : i32
        %rem3A_618 = arith.remsi %add3A_600, %jit3A_601 : i32
        %ne3A_619 = arith.constant 0 : i32
        %ne3A_620 = arith.cmpi ne, %rem3A_618, %ne3A_619 : i32
        %and3A_621 = arith.andi %ne3A_617, %ne3A_620 : i1
        %sub3A_622 = arith.constant 1 : i32
        %sub3A_623 = arith.subi %div3A_602, %sub3A_622 : i32
        %select_n3A_624 = arith.select %and3A_621, %sub3A_623, %div3A_602 : i32
        %mul3A_625 = arith.constant 262144 : i32
        %mul3A_626 = arith.muli %select_n3A_624, %mul3A_625 : i32
        %sub3A_627 = arith.subi %add3A_600, %mul3A_626 : i32
        %mul3A_628 = arith.constant 786432 : i32
        %mul3A_629 = arith.muli %select_n3A_624, %mul3A_628 : i32
        %jit3A_630 = arith.constant 512 : i32
        %div3A_631 = arith.divsi %sub3A_627, %jit3A_630 : i32
        %sign3A_632 = arith.constant 0 : i32
        %sign3A_633 = arith.cmpi sgt, %sub3A_627, %sign3A_632 : i32
        %sign3A_634 = arith.extui %sign3A_633 : i1 to i32
        %sign3A_635 = arith.constant 0 : i32
        %sign3A_636 = arith.cmpi slt, %sub3A_627, %sign3A_635 : i32
        %sign3A_637 = arith.extui %sign3A_636 : i1 to i32
        %sign3A_638 = arith.subi %sign3A_634, %sign3A_637 : i32
        %sign3A_639 = arith.constant 0 : i32
        %sign3A_640 = arith.cmpi sgt, %jit3A_630, %sign3A_639 : i32
        %sign3A_641 = arith.extui %sign3A_640 : i1 to i32
        %sign3A_642 = arith.constant 0 : i32
        %sign3A_643 = arith.cmpi slt, %jit3A_630, %sign3A_642 : i32
        %sign3A_644 = arith.extui %sign3A_643 : i1 to i32
        %sign3A_645 = arith.subi %sign3A_641, %sign3A_644 : i32
        %ne3A_646 = arith.cmpi ne, %sign3A_638, %sign3A_645 : i32
        %rem3A_647 = arith.remsi %sub3A_627, %jit3A_630 : i32
        %ne3A_648 = arith.constant 0 : i32
        %ne3A_649 = arith.cmpi ne, %rem3A_647, %ne3A_648 : i32
        %and3A_650 = arith.andi %ne3A_646, %ne3A_649 : i1
        %sub3A_651 = arith.constant 1 : i32
        %sub3A_652 = arith.subi %div3A_631, %sub3A_651 : i32
        %select_n3A_653 = arith.select %and3A_650, %sub3A_652, %div3A_631 : i32
        %mul3A_654 = arith.constant 1536 : i32
        %mul3A_655 = arith.muli %select_n3A_653, %mul3A_654 : i32
        %add3A_656 = arith.addi %mul3A_629, %mul3A_655 : i32
        %dma_start3A_657 = arith.constant 1 : i32
        %dma_start3A_658 = arith.constant 1 : i32
        %dma_start3A_659 = arith.constant 0 : i32
        %dma_start3A_660 = tpu.memref_slice %arg8[%dma_start3A_657, %dma_start3A_659] : memref<2x6144xf32, #tpu.memory_space<vmem>> -> memref<1x6144xf32, #tpu.memory_space<vmem>>
        %dma_start3A_661 = tpu.memref_squeeze %dma_start3A_660 : memref<1x6144xf32, #tpu.memory_space<vmem>> -> memref<6144xf32, #tpu.memory_space<vmem>>
        %dma_start3A_662 = tpu.memref_slice %arg4[%add3A_656] : memref<3145728xf32, #tpu.memory_space<hbm>> -> memref<6144xf32, #tpu.memory_space<hbm>>
        %dma_start3A_663 = tpu.memref_slice %arg12[%dma_start3A_658] : memref<2x!tpu.dma_semaphore, #tpu.memory_space<semaphore_mem>> -> memref<1x!tpu.dma_semaphore, #tpu.memory_space<semaphore_mem>>
        %dma_start3A_664 = tpu.memref_squeeze %dma_start3A_663 : memref<1x!tpu.dma_semaphore, #tpu.memory_space<semaphore_mem>> -> memref<!tpu.dma_semaphore, #tpu.memory_space<semaphore_mem>>
        %dma_start3A_665 = arith.constant 0 : i32
        %dma_start3A_666 = tpu.memref_slice %arg8[%dma_start3A_657, %dma_start3A_665] : memref<2x6144xf32, #tpu.memory_space<vmem>> -> memref<1x6144xf32, #tpu.memory_space<vmem>>
        %dma_start3A_667 = tpu.memref_squeeze %dma_start3A_666 : memref<1x6144xf32, #tpu.memory_space<vmem>> -> memref<6144xf32, #tpu.memory_space<vmem>>
        %dma_start3A_668 = tpu.memref_slice %arg4[%add3A_656] : memref<3145728xf32, #tpu.memory_space<hbm>> -> memref<6144xf32, #tpu.memory_space<hbm>>
        tpu.enqueue_dma source(%dma_start3A_668 : memref<6144xf32, #tpu.memory_space<hbm>>) target(%dma_start3A_667 : memref<6144xf32, #tpu.memory_space<vmem>>) target_semaphore(%dma_start3A_664 : memref<!tpu.dma_semaphore, #tpu.memory_space<semaphore_mem>>)
      } else {
      }
    }
    %scan3A_211 = arith.constant 8 : i32
    %dma_wait3A_212 = arith.constant 0 : i32
    %dma_wait3A_213 = arith.constant 0 : i32
    %dma_wait3A_214 = arith.constant 0 : i32
    %dma_wait3A_215 = arith.constant 0 : i32
    %dma_wait3A_216 = tpu.memref_slice %arg9[%dma_wait3A_212, %dma_wait3A_213, %dma_wait3A_215] : memref<2x3x2048xf32, #tpu.memory_space<vmem>> -> memref<1x1x2048xf32, #tpu.memory_space<vmem>>
    %dma_wait3A_217 = tpu.memref_squeeze %dma_wait3A_216 : memref<1x1x2048xf32, #tpu.memory_space<vmem>> -> memref<2048xf32, #tpu.memory_space<vmem>>
    %dma_wait3A_218 = arith.constant 0 : i32
    %dma_wait3A_219 = tpu.memref_slice %arg5[%dma_wait3A_218] : memref<3145728xf32, #tpu.memory_space<hbm>> -> memref<2048xf32, #tpu.memory_space<hbm>>
    %dma_wait3A_220 = tpu.memref_slice %arg13[%dma_wait3A_214] : memref<2x!tpu.dma_semaphore, #tpu.memory_space<semaphore_mem>> -> memref<1x!tpu.dma_semaphore, #tpu.memory_space<semaphore_mem>>
    %dma_wait3A_221 = tpu.memref_squeeze %dma_wait3A_220 : memref<1x!tpu.dma_semaphore, #tpu.memory_space<semaphore_mem>> -> memref<!tpu.dma_semaphore, #tpu.memory_space<semaphore_mem>>
    %dma_wait3A_222 = arith.constant 0 : i32
    %dma_wait3A_223 = tpu.memref_slice %arg5[%dma_wait3A_222] : memref<3145728xf32, #tpu.memory_space<hbm>> -> memref<2048xf32, #tpu.memory_space<hbm>>
    %dma_wait3A_224 = arith.constant 0 : i32
    %dma_wait3A_225 = tpu.memref_slice %arg9[%dma_wait3A_212, %dma_wait3A_213, %dma_wait3A_224] : memref<2x3x2048xf32, #tpu.memory_space<vmem>> -> memref<1x1x2048xf32, #tpu.memory_space<vmem>>
    %dma_wait3A_226 = tpu.memref_squeeze %dma_wait3A_225 : memref<1x1x2048xf32, #tpu.memory_space<vmem>> -> memref<2048xf32, #tpu.memory_space<vmem>>
    tpu.wait_dma2 semaphore(%dma_wait3A_221 : memref<!tpu.dma_semaphore, #tpu.memory_space<semaphore_mem>>) src(%dma_wait3A_226 : memref<2048xf32, #tpu.memory_space<vmem>>) dst(%dma_wait3A_223 : memref<2048xf32, #tpu.memory_space<hbm>>)
    %dma_wait3A_227 = arith.constant 0 : i32
    %dma_wait3A_228 = arith.constant 1 : i32
    %dma_wait3A_229 = arith.constant 0 : i32
    %dma_wait3A_230 = arith.constant 0 : i32
    %dma_wait3A_231 = tpu.memref_slice %arg9[%dma_wait3A_227, %dma_wait3A_228, %dma_wait3A_230] : memref<2x3x2048xf32, #tpu.memory_space<vmem>> -> memref<1x1x2048xf32, #tpu.memory_space<vmem>>
    %dma_wait3A_232 = tpu.memref_squeeze %dma_wait3A_231 : memref<1x1x2048xf32, #tpu.memory_space<vmem>> -> memref<2048xf32, #tpu.memory_space<vmem>>
    %dma_wait3A_233 = arith.constant 0 : i32
    %dma_wait3A_234 = tpu.memref_slice %arg5[%dma_wait3A_233] : memref<3145728xf32, #tpu.memory_space<hbm>> -> memref<2048xf32, #tpu.memory_space<hbm>>
    %dma_wait3A_235 = tpu.memref_slice %arg13[%dma_wait3A_229] : memref<2x!tpu.dma_semaphore, #tpu.memory_space<semaphore_mem>> -> memref<1x!tpu.dma_semaphore, #tpu.memory_space<semaphore_mem>>
    %dma_wait3A_236 = tpu.memref_squeeze %dma_wait3A_235 : memref<1x!tpu.dma_semaphore, #tpu.memory_space<semaphore_mem>> -> memref<!tpu.dma_semaphore, #tpu.memory_space<semaphore_mem>>
    %dma_wait3A_237 = arith.constant 0 : i32
    %dma_wait3A_238 = tpu.memref_slice %arg5[%dma_wait3A_237] : memref<3145728xf32, #tpu.memory_space<hbm>> -> memref<2048xf32, #tpu.memory_space<hbm>>
    %dma_wait3A_239 = arith.constant 0 : i32
    %dma_wait3A_240 = tpu.memref_slice %arg9[%dma_wait3A_227, %dma_wait3A_228, %dma_wait3A_239] : memref<2x3x2048xf32, #tpu.memory_space<vmem>> -> memref<1x1x2048xf32, #tpu.memory_space<vmem>>
    %dma_wait3A_241 = tpu.memref_squeeze %dma_wait3A_240 : memref<1x1x2048xf32, #tpu.memory_space<vmem>> -> memref<2048xf32, #tpu.memory_space<vmem>>
    tpu.wait_dma2 semaphore(%dma_wait3A_236 : memref<!tpu.dma_semaphore, #tpu.memory_space<semaphore_mem>>) src(%dma_wait3A_241 : memref<2048xf32, #tpu.memory_space<vmem>>) dst(%dma_wait3A_238 : memref<2048xf32, #tpu.memory_space<hbm>>)
    %dma_wait3A_242 = arith.constant 0 : i32
    %dma_wait3A_243 = arith.constant 2 : i32
    %dma_wait3A_244 = arith.constant 0 : i32
    %dma_wait3A_245 = arith.constant 0 : i32
    %dma_wait3A_246 = tpu.memref_slice %arg9[%dma_wait3A_242, %dma_wait3A_243, %dma_wait3A_245] : memref<2x3x2048xf32, #tpu.memory_space<vmem>> -> memref<1x1x2048xf32, #tpu.memory_space<vmem>>
    %dma_wait3A_247 = tpu.memref_squeeze %dma_wait3A_246 : memref<1x1x2048xf32, #tpu.memory_space<vmem>> -> memref<2048xf32, #tpu.memory_space<vmem>>
    %dma_wait3A_248 = arith.constant 0 : i32
    %dma_wait3A_249 = tpu.memref_slice %arg5[%dma_wait3A_248] : memref<3145728xf32, #tpu.memory_space<hbm>> -> memref<2048xf32, #tpu.memory_space<hbm>>
    %dma_wait3A_250 = tpu.memref_slice %arg13[%dma_wait3A_244] : memref<2x!tpu.dma_semaphore, #tpu.memory_space<semaphore_mem>> -> memref<1x!tpu.dma_semaphore, #tpu.memory_space<semaphore_mem>>
    %dma_wait3A_251 = tpu.memref_squeeze %dma_wait3A_250 : memref<1x!tpu.dma_semaphore, #tpu.memory_space<semaphore_mem>> -> memref<!tpu.dma_semaphore, #tpu.memory_space<semaphore_mem>>
    %dma_wait3A_252 = arith.constant 0 : i32
    %dma_wait3A_253 = tpu.memref_slice %arg5[%dma_wait3A_252] : memref<3145728xf32, #tpu.memory_space<hbm>> -> memref<2048xf32, #tpu.memory_space<hbm>>
    %dma_wait3A_254 = arith.constant 0 : i32
    %dma_wait3A_255 = tpu.memref_slice %arg9[%dma_wait3A_242, %dma_wait3A_243, %dma_wait3A_254] : memref<2x3x2048xf32, #tpu.memory_space<vmem>> -> memref<1x1x2048xf32, #tpu.memory_space<vmem>>
    %dma_wait3A_256 = tpu.memref_squeeze %dma_wait3A_255 : memref<1x1x2048xf32, #tpu.memory_space<vmem>> -> memref<2048xf32, #tpu.memory_space<vmem>>
    tpu.wait_dma2 semaphore(%dma_wait3A_251 : memref<!tpu.dma_semaphore, #tpu.memory_space<semaphore_mem>>) src(%dma_wait3A_256 : memref<2048xf32, #tpu.memory_space<vmem>>) dst(%dma_wait3A_253 : memref<2048xf32, #tpu.memory_space<hbm>>)
    %dma_wait3A_257 = arith.constant 1 : i32
    %dma_wait3A_258 = arith.constant 0 : i32
    %dma_wait3A_259 = arith.constant 1 : i32
    %dma_wait3A_260 = arith.constant 0 : i32
    %dma_wait3A_261 = tpu.memref_slice %arg9[%dma_wait3A_257, %dma_wait3A_258, %dma_wait3A_260] : memref<2x3x2048xf32, #tpu.memory_space<vmem>> -> memref<1x1x2048xf32, #tpu.memory_space<vmem>>
    %dma_wait3A_262 = tpu.memref_squeeze %dma_wait3A_261 : memref<1x1x2048xf32, #tpu.memory_space<vmem>> -> memref<2048xf32, #tpu.memory_space<vmem>>
    %dma_wait3A_263 = arith.constant 0 : i32
    %dma_wait3A_264 = tpu.memref_slice %arg5[%dma_wait3A_263] : memref<3145728xf32, #tpu.memory_space<hbm>> -> memref<2048xf32, #tpu.memory_space<hbm>>
    %dma_wait3A_265 = tpu.memref_slice %arg13[%dma_wait3A_259] : memref<2x!tpu.dma_semaphore, #tpu.memory_space<semaphore_mem>> -> memref<1x!tpu.dma_semaphore, #tpu.memory_space<semaphore_mem>>
    %dma_wait3A_266 = tpu.memref_squeeze %dma_wait3A_265 : memref<1x!tpu.dma_semaphore, #tpu.memory_space<semaphore_mem>> -> memref<!tpu.dma_semaphore, #tpu.memory_space<semaphore_mem>>
    %dma_wait3A_267 = arith.constant 0 : i32
    %dma_wait3A_268 = tpu.memref_slice %arg5[%dma_wait3A_267] : memref<3145728xf32, #tpu.memory_space<hbm>> -> memref<2048xf32, #tpu.memory_space<hbm>>
    %dma_wait3A_269 = arith.constant 0 : i32
    %dma_wait3A_270 = tpu.memref_slice %arg9[%dma_wait3A_257, %dma_wait3A_258, %dma_wait3A_269] : memref<2x3x2048xf32, #tpu.memory_space<vmem>> -> memref<1x1x2048xf32, #tpu.memory_space<vmem>>
    %dma_wait3A_271 = tpu.memref_squeeze %dma_wait3A_270 : memref<1x1x2048xf32, #tpu.memory_space<vmem>> -> memref<2048xf32, #tpu.memory_space<vmem>>
    tpu.wait_dma2 semaphore(%dma_wait3A_266 : memref<!tpu.dma_semaphore, #tpu.memory_space<semaphore_mem>>) src(%dma_wait3A_271 : memref<2048xf32, #tpu.memory_space<vmem>>) dst(%dma_wait3A_268 : memref<2048xf32, #tpu.memory_space<hbm>>)
    %dma_wait3A_272 = arith.constant 1 : i32
    %dma_wait3A_273 = arith.constant 1 : i32
    %dma_wait3A_274 = arith.constant 1 : i32
    %dma_wait3A_275 = arith.constant 0 : i32
    %dma_wait3A_276 = tpu.memref_slice %arg9[%dma_wait3A_272, %dma_wait3A_273, %dma_wait3A_275] : memref<2x3x2048xf32, #tpu.memory_space<vmem>> -> memref<1x1x2048xf32, #tpu.memory_space<vmem>>
    %dma_wait3A_277 = tpu.memref_squeeze %dma_wait3A_276 : memref<1x1x2048xf32, #tpu.memory_space<vmem>> -> memref<2048xf32, #tpu.memory_space<vmem>>
    %dma_wait3A_278 = arith.constant 0 : i32
    %dma_wait3A_279 = tpu.memref_slice %arg5[%dma_wait3A_278] : memref<3145728xf32, #tpu.memory_space<hbm>> -> memref<2048xf32, #tpu.memory_space<hbm>>
    %dma_wait3A_280 = tpu.memref_slice %arg13[%dma_wait3A_274] : memref<2x!tpu.dma_semaphore, #tpu.memory_space<semaphore_mem>> -> memref<1x!tpu.dma_semaphore, #tpu.memory_space<semaphore_mem>>
    %dma_wait3A_281 = tpu.memref_squeeze %dma_wait3A_280 : memref<1x!tpu.dma_semaphore, #tpu.memory_space<semaphore_mem>> -> memref<!tpu.dma_semaphore, #tpu.memory_space<semaphore_mem>>
    %dma_wait3A_282 = arith.constant 0 : i32
    %dma_wait3A_283 = tpu.memref_slice %arg5[%dma_wait3A_282] : memref<3145728xf32, #tpu.memory_space<hbm>> -> memref<2048xf32, #tpu.memory_space<hbm>>
    %dma_wait3A_284 = arith.constant 0 : i32
    %dma_wait3A_285 = tpu.memref_slice %arg9[%dma_wait3A_272, %dma_wait3A_273, %dma_wait3A_284] : memref<2x3x2048xf32, #tpu.memory_space<vmem>> -> memref<1x1x2048xf32, #tpu.memory_space<vmem>>
    %dma_wait3A_286 = tpu.memref_squeeze %dma_wait3A_285 : memref<1x1x2048xf32, #tpu.memory_space<vmem>> -> memref<2048xf32, #tpu.memory_space<vmem>>
    tpu.wait_dma2 semaphore(%dma_wait3A_281 : memref<!tpu.dma_semaphore, #tpu.memory_space<semaphore_mem>>) src(%dma_wait3A_286 : memref<2048xf32, #tpu.memory_space<vmem>>) dst(%dma_wait3A_283 : memref<2048xf32, #tpu.memory_space<hbm>>)
    %dma_wait3A_287 = arith.constant 1 : i32
    %dma_wait3A_288 = arith.constant 2 : i32
    %dma_wait3A_289 = arith.constant 1 : i32
    %dma_wait3A_290 = arith.constant 0 : i32
    %dma_wait3A_291 = tpu.memref_slice %arg9[%dma_wait3A_287, %dma_wait3A_288, %dma_wait3A_290] : memref<2x3x2048xf32, #tpu.memory_space<vmem>> -> memref<1x1x2048xf32, #tpu.memory_space<vmem>>
    %dma_wait3A_292 = tpu.memref_squeeze %dma_wait3A_291 : memref<1x1x2048xf32, #tpu.memory_space<vmem>> -> memref<2048xf32, #tpu.memory_space<vmem>>
    %dma_wait3A_293 = arith.constant 0 : i32
    %dma_wait3A_294 = tpu.memref_slice %arg5[%dma_wait3A_293] : memref<3145728xf32, #tpu.memory_space<hbm>> -> memref<2048xf32, #tpu.memory_space<hbm>>
    %dma_wait3A_295 = tpu.memref_slice %arg13[%dma_wait3A_289] : memref<2x!tpu.dma_semaphore, #tpu.memory_space<semaphore_mem>> -> memref<1x!tpu.dma_semaphore, #tpu.memory_space<semaphore_mem>>
    %dma_wait3A_296 = tpu.memref_squeeze %dma_wait3A_295 : memref<1x!tpu.dma_semaphore, #tpu.memory_space<semaphore_mem>> -> memref<!tpu.dma_semaphore, #tpu.memory_space<semaphore_mem>>
    %dma_wait3A_297 = arith.constant 0 : i32
    %dma_wait3A_298 = tpu.memref_slice %arg5[%dma_wait3A_297] : memref<3145728xf32, #tpu.memory_space<hbm>> -> memref<2048xf32, #tpu.memory_space<hbm>>
    %dma_wait3A_299 = arith.constant 0 : i32
    %dma_wait3A_300 = tpu.memref_slice %arg9[%dma_wait3A_287, %dma_wait3A_288, %dma_wait3A_299] : memref<2x3x2048xf32, #tpu.memory_space<vmem>> -> memref<1x1x2048xf32, #tpu.memory_space<vmem>>
    %dma_wait3A_301 = tpu.memref_squeeze %dma_wait3A_300 : memref<1x1x2048xf32, #tpu.memory_space<vmem>> -> memref<2048xf32, #tpu.memory_space<vmem>>
    tpu.wait_dma2 semaphore(%dma_wait3A_296 : memref<!tpu.dma_semaphore, #tpu.memory_space<semaphore_mem>>) src(%dma_wait3A_301 : memref<2048xf32, #tpu.memory_space<vmem>>) dst(%dma_wait3A_298 : memref<2048xf32, #tpu.memory_space<hbm>>)
    return
  }
}

#map = affine_map<(d0, d1) -> (0, 0)>
module attributes {stable_mosaic.version = 14 : i64} {
  func.func @_stage0_body(%arg0: i32, %arg1: i32, %arg2: memref<3x200000xf32, #tpu.memory_space<hbm>>, %arg3: memref<200000x8xf32, #tpu.memory_space<hbm>>, %arg4: memref<2000xf32, #tpu.memory_space<vmem>>, %arg5: memref<2000xf32, #tpu.memory_space<vmem>>, %arg6: memref<2000xf32, #tpu.memory_space<vmem>>, %arg7: memref<2000x8xf32, #tpu.memory_space<vmem>>) attributes {dimension_semantics = [#tpu.dimension_semantics<core_parallel>, #tpu.dimension_semantics<subcore_parallel>], iteration_bounds = array<i64: 2, 16>, scalar_prefetch = 0 : i64, scratch_operands = 4 : i64, tpu.core_type = #tpu.core_type<sc_vector_subcore>, window_params = [{transform_indices = #map}, {transform_indices = #map}]} {
    %mul3A = arith.constant 2 : i32
    %mul3A_0 = arith.muli %arg1, %mul3A : i32
    %add3A = arith.addi %mul3A_0, %arg0 : i32
    %iota3A = tpu.iota {dimensions = array<i32: 0>} : vector<16xi32>
    %scan3A = arith.constant 0 : i32
    %scan3A_1 = arith.constant 0 : i32
    %scan3A_2 = arith.constant 4 : i32
    %scan3A_3 = arith.addi %scan3A_1, %scan3A_2 : i32
    %scan3A_4 = arith.constant 1 : i32
    scf.for %scan3A_6 = %scan3A_1 to %scan3A_3 step %scan3A_4  : i32 {
      %mul3A_7 = arith.constant 32 : i32
      %mul3A_8 = arith.muli %scan3A_6, %mul3A_7 : i32
      %add3A_9 = arith.addi %add3A, %mul3A_8 : i32
      %lt3A = arith.constant 100 : i32
      %lt3A_10 = arith.cmpi slt, %add3A_9, %lt3A : i32
      %convert_element_type3A = arith.extui %lt3A_10 : i1 to i32
      %cond3A = arith.constant 0 : i32
      %cond3A_11 = arith.cmpi ne, %convert_element_type3A, %cond3A : i32
      scf.if %cond3A_11 {
        %mul3A_12 = arith.constant 2000 : i32
        %mul3A_13 = arith.muli %add3A_9, %mul3A_12 : i32
        %run_scoped3A = arith.constant 0 : i32
        "tpu.region"() ({
          %run_scoped3A_22 = tpu.sem_alloc : memref<!tpu.dma_semaphore, #tpu.memory_space<semaphore_mem>>
          %dma_start3A = tpu.memref_slice %arg2[%run_scoped3A, %mul3A_13] : memref<3x200000xf32, #tpu.memory_space<hbm>> -> memref<1x2000xf32, #tpu.memory_space<hbm>>
          %dma_start3A_23 = tpu.memref_squeeze %dma_start3A : memref<1x2000xf32, #tpu.memory_space<hbm>> -> memref<2000xf32, #tpu.memory_space<hbm>>
          %dma_start3A_24 = tpu.memref_slice %arg2[%run_scoped3A, %mul3A_13] : memref<3x200000xf32, #tpu.memory_space<hbm>> -> memref<1x2000xf32, #tpu.memory_space<hbm>>
          %dma_start3A_25 = tpu.memref_squeeze %dma_start3A_24 : memref<1x2000xf32, #tpu.memory_space<hbm>> -> memref<2000xf32, #tpu.memory_space<hbm>>
          tpu.enqueue_dma source(%dma_start3A_25 : memref<2000xf32, #tpu.memory_space<hbm>>) target(%arg4 : memref<2000xf32, #tpu.memory_space<vmem>>) target_semaphore(%run_scoped3A_22 : memref<!tpu.dma_semaphore, #tpu.memory_space<semaphore_mem>>)
          %dma_wait3A = tpu.memref_slice %arg2[%run_scoped3A, %mul3A_13] : memref<3x200000xf32, #tpu.memory_space<hbm>> -> memref<1x2000xf32, #tpu.memory_space<hbm>>
          %dma_wait3A_26 = tpu.memref_squeeze %dma_wait3A : memref<1x2000xf32, #tpu.memory_space<hbm>> -> memref<2000xf32, #tpu.memory_space<hbm>>
          %dma_wait3A_27 = tpu.memref_slice %arg2[%run_scoped3A, %mul3A_13] : memref<3x200000xf32, #tpu.memory_space<hbm>> -> memref<1x2000xf32, #tpu.memory_space<hbm>>
          %dma_wait3A_28 = tpu.memref_squeeze %dma_wait3A_27 : memref<1x2000xf32, #tpu.memory_space<hbm>> -> memref<2000xf32, #tpu.memory_space<hbm>>
          tpu.wait_dma2 semaphore(%run_scoped3A_22 : memref<!tpu.dma_semaphore, #tpu.memory_space<semaphore_mem>>) src(%dma_wait3A_28 : memref<2000xf32, #tpu.memory_space<hbm>>) dst(%arg4 : memref<2000xf32, #tpu.memory_space<vmem>>)
          tpu.yield
        }) : () -> ()
        %run_scoped3A_14 = arith.constant 1 : i32
        "tpu.region"() ({
          %run_scoped3A_22 = tpu.sem_alloc : memref<!tpu.dma_semaphore, #tpu.memory_space<semaphore_mem>>
          %dma_start3A = tpu.memref_slice %arg2[%run_scoped3A_14, %mul3A_13] : memref<3x200000xf32, #tpu.memory_space<hbm>> -> memref<1x2000xf32, #tpu.memory_space<hbm>>
          %dma_start3A_23 = tpu.memref_squeeze %dma_start3A : memref<1x2000xf32, #tpu.memory_space<hbm>> -> memref<2000xf32, #tpu.memory_space<hbm>>
          %dma_start3A_24 = tpu.memref_slice %arg2[%run_scoped3A_14, %mul3A_13] : memref<3x200000xf32, #tpu.memory_space<hbm>> -> memref<1x2000xf32, #tpu.memory_space<hbm>>
          %dma_start3A_25 = tpu.memref_squeeze %dma_start3A_24 : memref<1x2000xf32, #tpu.memory_space<hbm>> -> memref<2000xf32, #tpu.memory_space<hbm>>
          tpu.enqueue_dma source(%dma_start3A_25 : memref<2000xf32, #tpu.memory_space<hbm>>) target(%arg5 : memref<2000xf32, #tpu.memory_space<vmem>>) target_semaphore(%run_scoped3A_22 : memref<!tpu.dma_semaphore, #tpu.memory_space<semaphore_mem>>)
          %dma_wait3A = tpu.memref_slice %arg2[%run_scoped3A_14, %mul3A_13] : memref<3x200000xf32, #tpu.memory_space<hbm>> -> memref<1x2000xf32, #tpu.memory_space<hbm>>
          %dma_wait3A_26 = tpu.memref_squeeze %dma_wait3A : memref<1x2000xf32, #tpu.memory_space<hbm>> -> memref<2000xf32, #tpu.memory_space<hbm>>
          %dma_wait3A_27 = tpu.memref_slice %arg2[%run_scoped3A_14, %mul3A_13] : memref<3x200000xf32, #tpu.memory_space<hbm>> -> memref<1x2000xf32, #tpu.memory_space<hbm>>
          %dma_wait3A_28 = tpu.memref_squeeze %dma_wait3A_27 : memref<1x2000xf32, #tpu.memory_space<hbm>> -> memref<2000xf32, #tpu.memory_space<hbm>>
          tpu.wait_dma2 semaphore(%run_scoped3A_22 : memref<!tpu.dma_semaphore, #tpu.memory_space<semaphore_mem>>) src(%dma_wait3A_28 : memref<2000xf32, #tpu.memory_space<hbm>>) dst(%arg5 : memref<2000xf32, #tpu.memory_space<vmem>>)
          tpu.yield
        }) : () -> ()
        %run_scoped3A_15 = arith.constant 2 : i32
        "tpu.region"() ({
          %run_scoped3A_22 = tpu.sem_alloc : memref<!tpu.dma_semaphore, #tpu.memory_space<semaphore_mem>>
          %dma_start3A = tpu.memref_slice %arg2[%run_scoped3A_15, %mul3A_13] : memref<3x200000xf32, #tpu.memory_space<hbm>> -> memref<1x2000xf32, #tpu.memory_space<hbm>>
          %dma_start3A_23 = tpu.memref_squeeze %dma_start3A : memref<1x2000xf32, #tpu.memory_space<hbm>> -> memref<2000xf32, #tpu.memory_space<hbm>>
          %dma_start3A_24 = tpu.memref_slice %arg2[%run_scoped3A_15, %mul3A_13] : memref<3x200000xf32, #tpu.memory_space<hbm>> -> memref<1x2000xf32, #tpu.memory_space<hbm>>
          %dma_start3A_25 = tpu.memref_squeeze %dma_start3A_24 : memref<1x2000xf32, #tpu.memory_space<hbm>> -> memref<2000xf32, #tpu.memory_space<hbm>>
          tpu.enqueue_dma source(%dma_start3A_25 : memref<2000xf32, #tpu.memory_space<hbm>>) target(%arg6 : memref<2000xf32, #tpu.memory_space<vmem>>) target_semaphore(%run_scoped3A_22 : memref<!tpu.dma_semaphore, #tpu.memory_space<semaphore_mem>>)
          %dma_wait3A = tpu.memref_slice %arg2[%run_scoped3A_15, %mul3A_13] : memref<3x200000xf32, #tpu.memory_space<hbm>> -> memref<1x2000xf32, #tpu.memory_space<hbm>>
          %dma_wait3A_26 = tpu.memref_squeeze %dma_wait3A : memref<1x2000xf32, #tpu.memory_space<hbm>> -> memref<2000xf32, #tpu.memory_space<hbm>>
          %dma_wait3A_27 = tpu.memref_slice %arg2[%run_scoped3A_15, %mul3A_13] : memref<3x200000xf32, #tpu.memory_space<hbm>> -> memref<1x2000xf32, #tpu.memory_space<hbm>>
          %dma_wait3A_28 = tpu.memref_squeeze %dma_wait3A_27 : memref<1x2000xf32, #tpu.memory_space<hbm>> -> memref<2000xf32, #tpu.memory_space<hbm>>
          tpu.wait_dma2 semaphore(%run_scoped3A_22 : memref<!tpu.dma_semaphore, #tpu.memory_space<semaphore_mem>>) src(%dma_wait3A_28 : memref<2000xf32, #tpu.memory_space<hbm>>) dst(%arg6 : memref<2000xf32, #tpu.memory_space<vmem>>)
          tpu.yield
        }) : () -> ()
        %scan3A_16 = arith.constant 0 : i32
        %scan3A_17 = arith.constant 0 : i32
        %scan3A_18 = arith.constant 125 : i32
        %scan3A_19 = arith.addi %scan3A_17, %scan3A_18 : i32
        %scan3A_20 = arith.constant 1 : i32
        scf.for %scan3A_22 = %scan3A_17 to %scan3A_19 step %scan3A_20  : i32 {
          %mul3A_23 = arith.constant 16 : i32
          %mul3A_24 = arith.muli %mul3A_23, %scan3A_22 : i32
          %add3A_25 = vector.broadcast %mul3A_24 : i32 to vector<16xi32>
          %add3A_26 = arith.addi %iota3A, %add3A_25 : vector<16xi32>
          %mul3A_27 = arith.constant 16 : i32
          %mul3A_28 = arith.muli %mul3A_27, %scan3A_22 : i32
          %get3A = arith.index_cast %mul3A_28 : i32 to index
          %get3A_29 = tpu.vector_load %arg4[%get3A] {strides = array<i32>} : memref<2000xf32, #tpu.memory_space<vmem>>, vector<16xf32>,
          %broadcast_in_dim3A = arith.constant 0 : i32
          %broadcast_in_dim3A_30 = vector.broadcast %broadcast_in_dim3A : i32 to vector<16xi32>
          tpu.vector_store_idx %arg7[%add3A_26, %broadcast_in_dim3A_30], %get3A_29 : memref<2000x8xf32, #tpu.memory_space<vmem>>[vector<16xi32>, vector<16xi32>], vector<16xf32>,
          %mul3A_31 = arith.constant 16 : i32
          %mul3A_32 = arith.muli %mul3A_31, %scan3A_22 : i32
          %get3A_33 = arith.index_cast %mul3A_32 : i32 to index
          %get3A_34 = tpu.vector_load %arg5[%get3A_33] {strides = array<i32>} : memref<2000xf32, #tpu.memory_space<vmem>>, vector<16xf32>,
          %broadcast_in_dim3A_35 = arith.constant 1 : i32
          %broadcast_in_dim3A_36 = vector.broadcast %broadcast_in_dim3A_35 : i32 to vector<16xi32>
          tpu.vector_store_idx %arg7[%add3A_26, %broadcast_in_dim3A_36], %get3A_34 : memref<2000x8xf32, #tpu.memory_space<vmem>>[vector<16xi32>, vector<16xi32>], vector<16xf32>,
          %mul3A_37 = arith.constant 16 : i32
          %mul3A_38 = arith.muli %mul3A_37, %scan3A_22 : i32
          %get3A_39 = arith.index_cast %mul3A_38 : i32 to index
          %get3A_40 = tpu.vector_load %arg6[%get3A_39] {strides = array<i32>} : memref<2000xf32, #tpu.memory_space<vmem>>, vector<16xf32>,
          %broadcast_in_dim3A_41 = arith.constant 2 : i32
          %broadcast_in_dim3A_42 = vector.broadcast %broadcast_in_dim3A_41 : i32 to vector<16xi32>
          tpu.vector_store_idx %arg7[%add3A_26, %broadcast_in_dim3A_42], %get3A_40 : memref<2000x8xf32, #tpu.memory_space<vmem>>[vector<16xi32>, vector<16xi32>], vector<16xf32>,
        }
        %scan3A_21 = arith.constant 125 : i32
        "tpu.region"() ({
          %run_scoped3A_22 = tpu.sem_alloc : memref<!tpu.dma_semaphore, #tpu.memory_space<semaphore_mem>>
          %dma_start3A = arith.constant 0 : i32
          %dma_start3A_23 = tpu.memref_slice %arg3[%mul3A_13, %dma_start3A] : memref<200000x8xf32, #tpu.memory_space<hbm>> -> memref<2000x8xf32, #tpu.memory_space<hbm>>
          %dma_start3A_24 = arith.constant 0 : i32
          %dma_start3A_25 = tpu.memref_slice %arg3[%mul3A_13, %dma_start3A_24] : memref<200000x8xf32, #tpu.memory_space<hbm>> -> memref<2000x8xf32, #tpu.memory_space<hbm>>
          tpu.enqueue_dma source(%arg7 : memref<2000x8xf32, #tpu.memory_space<vmem>>) target(%dma_start3A_25 : memref<2000x8xf32, #tpu.memory_space<hbm>>) target_semaphore(%run_scoped3A_22 : memref<!tpu.dma_semaphore, #tpu.memory_space<semaphore_mem>>)
          %dma_wait3A = arith.constant 0 : i32
          %dma_wait3A_26 = tpu.memref_slice %arg3[%mul3A_13, %dma_wait3A] : memref<200000x8xf32, #tpu.memory_space<hbm>> -> memref<2000x8xf32, #tpu.memory_space<hbm>>
          %dma_wait3A_27 = arith.constant 0 : i32
          %dma_wait3A_28 = tpu.memref_slice %arg3[%mul3A_13, %dma_wait3A_27] : memref<200000x8xf32, #tpu.memory_space<hbm>> -> memref<2000x8xf32, #tpu.memory_space<hbm>>
          tpu.wait_dma2 semaphore(%run_scoped3A_22 : memref<!tpu.dma_semaphore, #tpu.memory_space<semaphore_mem>>) src(%arg7 : memref<2000x8xf32, #tpu.memory_space<vmem>>) dst(%dma_wait3A_28 : memref<2000x8xf32, #tpu.memory_space<hbm>>)
          tpu.yield
        }) : () -> ()
      } else {
      }
    }
    %scan3A_5 = arith.constant 4 : i32
    return
  }
}

#map = affine_map<(d0, d1) -> (0, 0)>
#map1 = affine_map<(d0, d1) -> (0)>
module attributes {stable_mosaic.version = 14 : i64} {
  func.func @_stage1_body(%arg0: i32, %arg1: i32, %arg2: memref<200000x8xf32, #tpu.memory_space<hbm>>, %arg3: memref<400000xi32, #tpu.memory_space<hbm>>, %arg4: memref<400000xi32, #tpu.memory_space<hbm>>, %arg5: memref<400000xi32, #tpu.memory_space<hbm>>, %arg6: memref<6400000xf32, #tpu.memory_space<hbm>>, %arg7: memref<2x3x800xi32, #tpu.memory_space<vmem>>, %arg8: memref<2x3x800x8xf32, #tpu.memory_space<vmem>>, %arg9: memref<2x12800xf32, #tpu.memory_space<vmem>>, %arg10: memref<2x!tpu.dma_semaphore, #tpu.memory_space<semaphore_mem>>, %arg11: memref<2x!tpu.dma_semaphore, #tpu.memory_space<semaphore_mem>>, %arg12: memref<2x!tpu.dma_semaphore, #tpu.memory_space<semaphore_mem>>) attributes {dimension_semantics = [#tpu.dimension_semantics<core_parallel>, #tpu.dimension_semantics<subcore_parallel>], iteration_bounds = array<i64: 2, 16>, scalar_prefetch = 0 : i64, scratch_operands = 6 : i64, tpu.core_type = #tpu.core_type<sc_vector_subcore>, window_params = [{transform_indices = #map}, {transform_indices = #map1}, {transform_indices = #map1}, {transform_indices = #map1}, {transform_indices = #map1}]} {
    %mul3A = arith.constant 2 : i32
    %mul3A_0 = arith.muli %arg1, %mul3A : i32
    %add3A = arith.addi %mul3A_0, %arg0 : i32
    %iota3A = tpu.iota {dimensions = array<i32: 0>} : vector<16xi32>
    %add3A_1 = arith.constant 0 : i32
    %add3A_2 = arith.addi %add3A, %add3A_1 : i32
    %lt3A = arith.constant 500 : i32
    %lt3A_3 = arith.cmpi slt, %add3A_2, %lt3A : i32
    %convert_element_type3A = arith.extui %lt3A_3 : i1 to i32
    %cond3A = arith.constant 0 : i32
    %cond3A_4 = arith.cmpi ne, %convert_element_type3A, %cond3A : i32
    scf.if %cond3A_4 {
      %add3A_41 = arith.constant 0 : i32
      %add3A_42 = arith.addi %add3A, %add3A_41 : i32
      %mul3A_43 = arith.constant 800 : i32
      %mul3A_44 = arith.muli %add3A_42, %mul3A_43 : i32
      %dma_start3A = arith.constant 0 : i32
      %dma_start3A_45 = arith.constant 0 : i32
      %dma_start3A_46 = arith.constant 0 : i32
      %dma_start3A_47 = arith.constant 0 : i32
      %dma_start3A_48 = tpu.memref_slice %arg7[%dma_start3A, %dma_start3A_45, %dma_start3A_47] : memref<2x3x800xi32, #tpu.memory_space<vmem>> -> memref<1x1x800xi32, #tpu.memory_space<vmem>>
      %dma_start3A_49 = tpu.memref_squeeze %dma_start3A_48 : memref<1x1x800xi32, #tpu.memory_space<vmem>> -> memref<800xi32, #tpu.memory_space<vmem>>
      %dma_start3A_50 = tpu.memref_slice %arg3[%mul3A_44] : memref<400000xi32, #tpu.memory_space<hbm>> -> memref<800xi32, #tpu.memory_space<hbm>>
      %dma_start3A_51 = tpu.memref_slice %arg10[%dma_start3A_46] : memref<2x!tpu.dma_semaphore, #tpu.memory_space<semaphore_mem>> -> memref<1x!tpu.dma_semaphore, #tpu.memory_space<semaphore_mem>>
      %dma_start3A_52 = tpu.memref_squeeze %dma_start3A_51 : memref<1x!tpu.dma_semaphore, #tpu.memory_space<semaphore_mem>> -> memref<!tpu.dma_semaphore, #tpu.memory_space<semaphore_mem>>
      %dma_start3A_53 = arith.constant 0 : i32
      %dma_start3A_54 = tpu.memref_slice %arg7[%dma_start3A, %dma_start3A_45, %dma_start3A_53] : memref<2x3x800xi32, #tpu.memory_space<vmem>> -> memref<1x1x800xi32, #tpu.memory_space<vmem>>
      %dma_start3A_55 = tpu.memref_squeeze %dma_start3A_54 : memref<1x1x800xi32, #tpu.memory_space<vmem>> -> memref<800xi32, #tpu.memory_space<vmem>>
      %dma_start3A_56 = tpu.memref_slice %arg3[%mul3A_44] : memref<400000xi32, #tpu.memory_space<hbm>> -> memref<800xi32, #tpu.memory_space<hbm>>
      tpu.enqueue_dma source(%dma_start3A_56 : memref<800xi32, #tpu.memory_space<hbm>>) target(%dma_start3A_55 : memref<800xi32, #tpu.memory_space<vmem>>) target_semaphore(%dma_start3A_52 : memref<!tpu.dma_semaphore, #tpu.memory_space<semaphore_mem>>)
      %dma_start3A_57 = arith.constant 0 : i32
      %dma_start3A_58 = arith.constant 1 : i32
      %dma_start3A_59 = arith.constant 0 : i32
      %dma_start3A_60 = arith.constant 0 : i32
      %dma_start3A_61 = tpu.memref_slice %arg7[%dma_start3A_57, %dma_start3A_58, %dma_start3A_60] : memref<2x3x800xi32, #tpu.memory_space<vmem>> -> memref<1x1x800xi32, #tpu.memory_space<vmem>>
      %dma_start3A_62 = tpu.memref_squeeze %dma_start3A_61 : memref<1x1x800xi32, #tpu.memory_space<vmem>> -> memref<800xi32, #tpu.memory_space<vmem>>
      %dma_start3A_63 = tpu.memref_slice %arg4[%mul3A_44] : memref<400000xi32, #tpu.memory_space<hbm>> -> memref<800xi32, #tpu.memory_space<hbm>>
      %dma_start3A_64 = tpu.memref_slice %arg10[%dma_start3A_59] : memref<2x!tpu.dma_semaphore, #tpu.memory_space<semaphore_mem>> -> memref<1x!tpu.dma_semaphore, #tpu.memory_space<semaphore_mem>>
      %dma_start3A_65 = tpu.memref_squeeze %dma_start3A_64 : memref<1x!tpu.dma_semaphore, #tpu.memory_space<semaphore_mem>> -> memref<!tpu.dma_semaphore, #tpu.memory_space<semaphore_mem>>
      %dma_start3A_66 = arith.constant 0 : i32
      %dma_start3A_67 = tpu.memref_slice %arg7[%dma_start3A_57, %dma_start3A_58, %dma_start3A_66] : memref<2x3x800xi32, #tpu.memory_space<vmem>> -> memref<1x1x800xi32, #tpu.memory_space<vmem>>
      %dma_start3A_68 = tpu.memref_squeeze %dma_start3A_67 : memref<1x1x800xi32, #tpu.memory_space<vmem>> -> memref<800xi32, #tpu.memory_space<vmem>>
      %dma_start3A_69 = tpu.memref_slice %arg4[%mul3A_44] : memref<400000xi32, #tpu.memory_space<hbm>> -> memref<800xi32, #tpu.memory_space<hbm>>
      tpu.enqueue_dma source(%dma_start3A_69 : memref<800xi32, #tpu.memory_space<hbm>>) target(%dma_start3A_68 : memref<800xi32, #tpu.memory_space<vmem>>) target_semaphore(%dma_start3A_65 : memref<!tpu.dma_semaphore, #tpu.memory_space<semaphore_mem>>)
      %dma_start3A_70 = arith.constant 0 : i32
      %dma_start3A_71 = arith.constant 2 : i32
      %dma_start3A_72 = arith.constant 0 : i32
      %dma_start3A_73 = arith.constant 0 : i32
      %dma_start3A_74 = tpu.memref_slice %arg7[%dma_start3A_70, %dma_start3A_71, %dma_start3A_73] : memref<2x3x800xi32, #tpu.memory_space<vmem>> -> memref<1x1x800xi32, #tpu.memory_space<vmem>>
      %dma_start3A_75 = tpu.memref_squeeze %dma_start3A_74 : memref<1x1x800xi32, #tpu.memory_space<vmem>> -> memref<800xi32, #tpu.memory_space<vmem>>
      %dma_start3A_76 = tpu.memref_slice %arg5[%mul3A_44] : memref<400000xi32, #tpu.memory_space<hbm>> -> memref<800xi32, #tpu.memory_space<hbm>>
      %dma_start3A_77 = tpu.memref_slice %arg10[%dma_start3A_72] : memref<2x!tpu.dma_semaphore, #tpu.memory_space<semaphore_mem>> -> memref<1x!tpu.dma_semaphore, #tpu.memory_space<semaphore_mem>>
      %dma_start3A_78 = tpu.memref_squeeze %dma_start3A_77 : memref<1x!tpu.dma_semaphore, #tpu.memory_space<semaphore_mem>> -> memref<!tpu.dma_semaphore, #tpu.memory_space<semaphore_mem>>
      %dma_start3A_79 = arith.constant 0 : i32
      %dma_start3A_80 = tpu.memref_slice %arg7[%dma_start3A_70, %dma_start3A_71, %dma_start3A_79] : memref<2x3x800xi32, #tpu.memory_space<vmem>> -> memref<1x1x800xi32, #tpu.memory_space<vmem>>
      %dma_start3A_81 = tpu.memref_squeeze %dma_start3A_80 : memref<1x1x800xi32, #tpu.memory_space<vmem>> -> memref<800xi32, #tpu.memory_space<vmem>>
      %dma_start3A_82 = tpu.memref_slice %arg5[%mul3A_44] : memref<400000xi32, #tpu.memory_space<hbm>> -> memref<800xi32, #tpu.memory_space<hbm>>
      tpu.enqueue_dma source(%dma_start3A_82 : memref<800xi32, #tpu.memory_space<hbm>>) target(%dma_start3A_81 : memref<800xi32, #tpu.memory_space<vmem>>) target_semaphore(%dma_start3A_78 : memref<!tpu.dma_semaphore, #tpu.memory_space<semaphore_mem>>)
    } else {
    }
    %add3A_5 = arith.constant 32 : i32
    %add3A_6 = arith.addi %add3A, %add3A_5 : i32
    %lt3A_7 = arith.constant 500 : i32
    %lt3A_8 = arith.cmpi slt, %add3A_6, %lt3A_7 : i32
    %convert_element_type3A_9 = arith.extui %lt3A_8 : i1 to i32
    %cond3A_10 = arith.constant 0 : i32
    %cond3A_11 = arith.cmpi ne, %convert_element_type3A_9, %cond3A_10 : i32
    scf.if %cond3A_11 {
      %add3A_41 = arith.constant 32 : i32
      %add3A_42 = arith.addi %add3A, %add3A_41 : i32
      %mul3A_43 = arith.constant 800 : i32
      %mul3A_44 = arith.muli %add3A_42, %mul3A_43 : i32
      %dma_start3A = arith.constant 1 : i32
      %dma_start3A_45 = arith.constant 0 : i32
      %dma_start3A_46 = arith.constant 1 : i32
      %dma_start3A_47 = arith.constant 0 : i32
      %dma_start3A_48 = tpu.memref_slice %arg7[%dma_start3A, %dma_start3A_45, %dma_start3A_47] : memref<2x3x800xi32, #tpu.memory_space<vmem>> -> memref<1x1x800xi32, #tpu.memory_space<vmem>>
      %dma_start3A_49 = tpu.memref_squeeze %dma_start3A_48 : memref<1x1x800xi32, #tpu.memory_space<vmem>> -> memref<800xi32, #tpu.memory_space<vmem>>
      %dma_start3A_50 = tpu.memref_slice %arg3[%mul3A_44] : memref<400000xi32, #tpu.memory_space<hbm>> -> memref<800xi32, #tpu.memory_space<hbm>>
      %dma_start3A_51 = tpu.memref_slice %arg10[%dma_start3A_46] : memref<2x!tpu.dma_semaphore, #tpu.memory_space<semaphore_mem>> -> memref<1x!tpu.dma_semaphore, #tpu.memory_space<semaphore_mem>>
      %dma_start3A_52 = tpu.memref_squeeze %dma_start3A_51 : memref<1x!tpu.dma_semaphore, #tpu.memory_space<semaphore_mem>> -> memref<!tpu.dma_semaphore, #tpu.memory_space<semaphore_mem>>
      %dma_start3A_53 = arith.constant 0 : i32
      %dma_start3A_54 = tpu.memref_slice %arg7[%dma_start3A, %dma_start3A_45, %dma_start3A_53] : memref<2x3x800xi32, #tpu.memory_space<vmem>> -> memref<1x1x800xi32, #tpu.memory_space<vmem>>
      %dma_start3A_55 = tpu.memref_squeeze %dma_start3A_54 : memref<1x1x800xi32, #tpu.memory_space<vmem>> -> memref<800xi32, #tpu.memory_space<vmem>>
      %dma_start3A_56 = tpu.memref_slice %arg3[%mul3A_44] : memref<400000xi32, #tpu.memory_space<hbm>> -> memref<800xi32, #tpu.memory_space<hbm>>
      tpu.enqueue_dma source(%dma_start3A_56 : memref<800xi32, #tpu.memory_space<hbm>>) target(%dma_start3A_55 : memref<800xi32, #tpu.memory_space<vmem>>) target_semaphore(%dma_start3A_52 : memref<!tpu.dma_semaphore, #tpu.memory_space<semaphore_mem>>)
      %dma_start3A_57 = arith.constant 1 : i32
      %dma_start3A_58 = arith.constant 1 : i32
      %dma_start3A_59 = arith.constant 1 : i32
      %dma_start3A_60 = arith.constant 0 : i32
      %dma_start3A_61 = tpu.memref_slice %arg7[%dma_start3A_57, %dma_start3A_58, %dma_start3A_60] : memref<2x3x800xi32, #tpu.memory_space<vmem>> -> memref<1x1x800xi32, #tpu.memory_space<vmem>>
      %dma_start3A_62 = tpu.memref_squeeze %dma_start3A_61 : memref<1x1x800xi32, #tpu.memory_space<vmem>> -> memref<800xi32, #tpu.memory_space<vmem>>
      %dma_start3A_63 = tpu.memref_slice %arg4[%mul3A_44] : memref<400000xi32, #tpu.memory_space<hbm>> -> memref<800xi32, #tpu.memory_space<hbm>>
      %dma_start3A_64 = tpu.memref_slice %arg10[%dma_start3A_59] : memref<2x!tpu.dma_semaphore, #tpu.memory_space<semaphore_mem>> -> memref<1x!tpu.dma_semaphore, #tpu.memory_space<semaphore_mem>>
      %dma_start3A_65 = tpu.memref_squeeze %dma_start3A_64 : memref<1x!tpu.dma_semaphore, #tpu.memory_space<semaphore_mem>> -> memref<!tpu.dma_semaphore, #tpu.memory_space<semaphore_mem>>
      %dma_start3A_66 = arith.constant 0 : i32
      %dma_start3A_67 = tpu.memref_slice %arg7[%dma_start3A_57, %dma_start3A_58, %dma_start3A_66] : memref<2x3x800xi32, #tpu.memory_space<vmem>> -> memref<1x1x800xi32, #tpu.memory_space<vmem>>
      %dma_start3A_68 = tpu.memref_squeeze %dma_start3A_67 : memref<1x1x800xi32, #tpu.memory_space<vmem>> -> memref<800xi32, #tpu.memory_space<vmem>>
      %dma_start3A_69 = tpu.memref_slice %arg4[%mul3A_44] : memref<400000xi32, #tpu.memory_space<hbm>> -> memref<800xi32, #tpu.memory_space<hbm>>
      tpu.enqueue_dma source(%dma_start3A_69 : memref<800xi32, #tpu.memory_space<hbm>>) target(%dma_start3A_68 : memref<800xi32, #tpu.memory_space<vmem>>) target_semaphore(%dma_start3A_65 : memref<!tpu.dma_semaphore, #tpu.memory_space<semaphore_mem>>)
      %dma_start3A_70 = arith.constant 1 : i32
      %dma_start3A_71 = arith.constant 2 : i32
      %dma_start3A_72 = arith.constant 1 : i32
      %dma_start3A_73 = arith.constant 0 : i32
      %dma_start3A_74 = tpu.memref_slice %arg7[%dma_start3A_70, %dma_start3A_71, %dma_start3A_73] : memref<2x3x800xi32, #tpu.memory_space<vmem>> -> memref<1x1x800xi32, #tpu.memory_space<vmem>>
      %dma_start3A_75 = tpu.memref_squeeze %dma_start3A_74 : memref<1x1x800xi32, #tpu.memory_space<vmem>> -> memref<800xi32, #tpu.memory_space<vmem>>
      %dma_start3A_76 = tpu.memref_slice %arg5[%mul3A_44] : memref<400000xi32, #tpu.memory_space<hbm>> -> memref<800xi32, #tpu.memory_space<hbm>>
      %dma_start3A_77 = tpu.memref_slice %arg10[%dma_start3A_72] : memref<2x!tpu.dma_semaphore, #tpu.memory_space<semaphore_mem>> -> memref<1x!tpu.dma_semaphore, #tpu.memory_space<semaphore_mem>>
      %dma_start3A_78 = tpu.memref_squeeze %dma_start3A_77 : memref<1x!tpu.dma_semaphore, #tpu.memory_space<semaphore_mem>> -> memref<!tpu.dma_semaphore, #tpu.memory_space<semaphore_mem>>
      %dma_start3A_79 = arith.constant 0 : i32
      %dma_start3A_80 = tpu.memref_slice %arg7[%dma_start3A_70, %dma_start3A_71, %dma_start3A_79] : memref<2x3x800xi32, #tpu.memory_space<vmem>> -> memref<1x1x800xi32, #tpu.memory_space<vmem>>
      %dma_start3A_81 = tpu.memref_squeeze %dma_start3A_80 : memref<1x1x800xi32, #tpu.memory_space<vmem>> -> memref<800xi32, #tpu.memory_space<vmem>>
      %dma_start3A_82 = tpu.memref_slice %arg5[%mul3A_44] : memref<400000xi32, #tpu.memory_space<hbm>> -> memref<800xi32, #tpu.memory_space<hbm>>
      tpu.enqueue_dma source(%dma_start3A_82 : memref<800xi32, #tpu.memory_space<hbm>>) target(%dma_start3A_81 : memref<800xi32, #tpu.memory_space<vmem>>) target_semaphore(%dma_start3A_78 : memref<!tpu.dma_semaphore, #tpu.memory_space<semaphore_mem>>)
    } else {
    }
    %add3A_12 = arith.constant 0 : i32
    %add3A_13 = arith.addi %add3A, %add3A_12 : i32
    %lt3A_14 = arith.constant 500 : i32
    %lt3A_15 = arith.cmpi slt, %add3A_13, %lt3A_14 : i32
    %convert_element_type3A_16 = arith.extui %lt3A_15 : i1 to i32
    %cond3A_17 = arith.constant 0 : i32
    %cond3A_18 = arith.cmpi ne, %convert_element_type3A_16, %cond3A_17 : i32
    scf.if %cond3A_18 {
      %dma_wait3A = arith.constant 0 : i32
      %dma_wait3A_41 = arith.constant 0 : i32
      %dma_wait3A_42 = arith.constant 0 : i32
      %dma_wait3A_43 = arith.constant 0 : i32
      %dma_wait3A_44 = tpu.memref_slice %arg7[%dma_wait3A, %dma_wait3A_41, %dma_wait3A_43] : memref<2x3x800xi32, #tpu.memory_space<vmem>> -> memref<1x1x800xi32, #tpu.memory_space<vmem>>
      %dma_wait3A_45 = tpu.memref_squeeze %dma_wait3A_44 : memref<1x1x800xi32, #tpu.memory_space<vmem>> -> memref<800xi32, #tpu.memory_space<vmem>>
      %dma_wait3A_46 = arith.constant 0 : i32
      %dma_wait3A_47 = tpu.memref_slice %arg3[%dma_wait3A_46] : memref<400000xi32, #tpu.memory_space<hbm>> -> memref<800xi32, #tpu.memory_space<hbm>>
      %dma_wait3A_48 = tpu.memref_slice %arg10[%dma_wait3A_42] : memref<2x!tpu.dma_semaphore, #tpu.memory_space<semaphore_mem>> -> memref<1x!tpu.dma_semaphore, #tpu.memory_space<semaphore_mem>>
      %dma_wait3A_49 = tpu.memref_squeeze %dma_wait3A_48 : memref<1x!tpu.dma_semaphore, #tpu.memory_space<semaphore_mem>> -> memref<!tpu.dma_semaphore, #tpu.memory_space<semaphore_mem>>
      %dma_wait3A_50 = arith.constant 0 : i32
      %dma_wait3A_51 = tpu.memref_slice %arg7[%dma_wait3A, %dma_wait3A_41, %dma_wait3A_50] : memref<2x3x800xi32, #tpu.memory_space<vmem>> -> memref<1x1x800xi32, #tpu.memory_space<vmem>>
      %dma_wait3A_52 = tpu.memref_squeeze %dma_wait3A_51 : memref<1x1x800xi32, #tpu.memory_space<vmem>> -> memref<800xi32, #tpu.memory_space<vmem>>
      %dma_wait3A_53 = arith.constant 0 : i32
      %dma_wait3A_54 = tpu.memref_slice %arg3[%dma_wait3A_53] : memref<400000xi32, #tpu.memory_space<hbm>> -> memref<800xi32, #tpu.memory_space<hbm>>
      tpu.wait_dma2 semaphore(%dma_wait3A_49 : memref<!tpu.dma_semaphore, #tpu.memory_space<semaphore_mem>>) src(%dma_wait3A_54 : memref<800xi32, #tpu.memory_space<hbm>>) dst(%dma_wait3A_52 : memref<800xi32, #tpu.memory_space<vmem>>)
      %dma_wait3A_55 = arith.constant 0 : i32
      %dma_wait3A_56 = arith.constant 1 : i32
      %dma_wait3A_57 = arith.constant 0 : i32
      %dma_wait3A_58 = arith.constant 0 : i32
      %dma_wait3A_59 = tpu.memref_slice %arg7[%dma_wait3A_55, %dma_wait3A_56, %dma_wait3A_58] : memref<2x3x800xi32, #tpu.memory_space<vmem>> -> memref<1x1x800xi32, #tpu.memory_space<vmem>>
      %dma_wait3A_60 = tpu.memref_squeeze %dma_wait3A_59 : memref<1x1x800xi32, #tpu.memory_space<vmem>> -> memref<800xi32, #tpu.memory_space<vmem>>
      %dma_wait3A_61 = arith.constant 0 : i32
      %dma_wait3A_62 = tpu.memref_slice %arg4[%dma_wait3A_61] : memref<400000xi32, #tpu.memory_space<hbm>> -> memref<800xi32, #tpu.memory_space<hbm>>
      %dma_wait3A_63 = tpu.memref_slice %arg10[%dma_wait3A_57] : memref<2x!tpu.dma_semaphore, #tpu.memory_space<semaphore_mem>> -> memref<1x!tpu.dma_semaphore, #tpu.memory_space<semaphore_mem>>
      %dma_wait3A_64 = tpu.memref_squeeze %dma_wait3A_63 : memref<1x!tpu.dma_semaphore, #tpu.memory_space<semaphore_mem>> -> memref<!tpu.dma_semaphore, #tpu.memory_space<semaphore_mem>>
      %dma_wait3A_65 = arith.constant 0 : i32
      %dma_wait3A_66 = tpu.memref_slice %arg7[%dma_wait3A_55, %dma_wait3A_56, %dma_wait3A_65] : memref<2x3x800xi32, #tpu.memory_space<vmem>> -> memref<1x1x800xi32, #tpu.memory_space<vmem>>
      %dma_wait3A_67 = tpu.memref_squeeze %dma_wait3A_66 : memref<1x1x800xi32, #tpu.memory_space<vmem>> -> memref<800xi32, #tpu.memory_space<vmem>>
      %dma_wait3A_68 = arith.constant 0 : i32
      %dma_wait3A_69 = tpu.memref_slice %arg4[%dma_wait3A_68] : memref<400000xi32, #tpu.memory_space<hbm>> -> memref<800xi32, #tpu.memory_space<hbm>>
      tpu.wait_dma2 semaphore(%dma_wait3A_64 : memref<!tpu.dma_semaphore, #tpu.memory_space<semaphore_mem>>) src(%dma_wait3A_69 : memref<800xi32, #tpu.memory_space<hbm>>) dst(%dma_wait3A_67 : memref<800xi32, #tpu.memory_space<vmem>>)
      %dma_wait3A_70 = arith.constant 0 : i32
      %dma_wait3A_71 = arith.constant 2 : i32
      %dma_wait3A_72 = arith.constant 0 : i32
      %dma_wait3A_73 = arith.constant 0 : i32
      %dma_wait3A_74 = tpu.memref_slice %arg7[%dma_wait3A_70, %dma_wait3A_71, %dma_wait3A_73] : memref<2x3x800xi32, #tpu.memory_space<vmem>> -> memref<1x1x800xi32, #tpu.memory_space<vmem>>
      %dma_wait3A_75 = tpu.memref_squeeze %dma_wait3A_74 : memref<1x1x800xi32, #tpu.memory_space<vmem>> -> memref<800xi32, #tpu.memory_space<vmem>>
      %dma_wait3A_76 = arith.constant 0 : i32
      %dma_wait3A_77 = tpu.memref_slice %arg5[%dma_wait3A_76] : memref<400000xi32, #tpu.memory_space<hbm>> -> memref<800xi32, #tpu.memory_space<hbm>>
      %dma_wait3A_78 = tpu.memref_slice %arg10[%dma_wait3A_72] : memref<2x!tpu.dma_semaphore, #tpu.memory_space<semaphore_mem>> -> memref<1x!tpu.dma_semaphore, #tpu.memory_space<semaphore_mem>>
      %dma_wait3A_79 = tpu.memref_squeeze %dma_wait3A_78 : memref<1x!tpu.dma_semaphore, #tpu.memory_space<semaphore_mem>> -> memref<!tpu.dma_semaphore, #tpu.memory_space<semaphore_mem>>
      %dma_wait3A_80 = arith.constant 0 : i32
      %dma_wait3A_81 = tpu.memref_slice %arg7[%dma_wait3A_70, %dma_wait3A_71, %dma_wait3A_80] : memref<2x3x800xi32, #tpu.memory_space<vmem>> -> memref<1x1x800xi32, #tpu.memory_space<vmem>>
      %dma_wait3A_82 = tpu.memref_squeeze %dma_wait3A_81 : memref<1x1x800xi32, #tpu.memory_space<vmem>> -> memref<800xi32, #tpu.memory_space<vmem>>
      %dma_wait3A_83 = arith.constant 0 : i32
      %dma_wait3A_84 = tpu.memref_slice %arg5[%dma_wait3A_83] : memref<400000xi32, #tpu.memory_space<hbm>> -> memref<800xi32, #tpu.memory_space<hbm>>
      tpu.wait_dma2 semaphore(%dma_wait3A_79 : memref<!tpu.dma_semaphore, #tpu.memory_space<semaphore_mem>>) src(%dma_wait3A_84 : memref<800xi32, #tpu.memory_space<hbm>>) dst(%dma_wait3A_82 : memref<800xi32, #tpu.memory_space<vmem>>)
      %dma_start3A = arith.constant 0 : i32
      %dma_start3A_85 = arith.constant 0 : i32
      %dma_start3A_86 = arith.constant 0 : i32
      %dma_start3A_87 = arith.constant 0 : i32
      %dma_start3A_88 = arith.constant 0 : i32
      %dma_start3A_89 = arith.constant 0 : i32
      %dma_start3A_90 = arith.constant 0 : i32
      %dma_start3A_91 = tpu.memref_slice %arg8[%dma_start3A_86, %dma_start3A_87, %dma_start3A_89, %dma_start3A_90] : memref<2x3x800x8xf32, #tpu.memory_space<vmem>> -> memref<1x1x800x8xf32, #tpu.memory_space<vmem>>
      %dma_start3A_92 = tpu.memref_squeeze %dma_start3A_91 : memref<1x1x800x8xf32, #tpu.memory_space<vmem>> -> memref<800x8xf32, #tpu.memory_space<vmem>>
      %dma_start3A_93 = arith.constant 0 : i32
      %dma_start3A_94 = tpu.memref_slice %arg7[%dma_start3A, %dma_start3A_85, %dma_start3A_93] : memref<2x3x800xi32, #tpu.memory_space<vmem>> -> memref<1x1x800xi32, #tpu.memory_space<vmem>>
      %dma_start3A_95 = tpu.memref_squeeze %dma_start3A_94 : memref<1x1x800xi32, #tpu.memory_space<vmem>> -> memref<800xi32, #tpu.memory_space<vmem>>
      %dma_start3A_96 = arith.constant 0 : i32
      %dma_start3A_97 = arith.constant 0 : i32
      %dma_start3A_98 = tpu.memref_slice %arg2[%dma_start3A_96, %dma_start3A_97] : memref<200000x8xf32, #tpu.memory_space<hbm>> -> memref<200000x8xf32, #tpu.memory_space<hbm>>
      %dma_start3A_99 = tpu.memref_slice %arg11[%dma_start3A_88] : memref<2x!tpu.dma_semaphore, #tpu.memory_space<semaphore_mem>> -> memref<1x!tpu.dma_semaphore, #tpu.memory_space<semaphore_mem>>
      %dma_start3A_100 = tpu.memref_squeeze %dma_start3A_99 : memref<1x!tpu.dma_semaphore, #tpu.memory_space<semaphore_mem>> -> memref<!tpu.dma_semaphore, #tpu.memory_space<semaphore_mem>>
      tpu.enqueue_indirect_dma source(%dma_start3A_98 : memref<200000x8xf32, #tpu.memory_space<hbm>>) target(%dma_start3A_92 : memref<800x8xf32, #tpu.memory_space<vmem>>) offsets(%dma_start3A_95 : memref<800xi32, #tpu.memory_space<vmem>>) semaphore(%dma_start3A_100 : memref<!tpu.dma_semaphore, #tpu.memory_space<semaphore_mem>>)
      %dma_start3A_101 = arith.constant 0 : i32
      %dma_start3A_102 = arith.constant 1 : i32
      %dma_start3A_103 = arith.constant 0 : i32
      %dma_start3A_104 = arith.constant 1 : i32
      %dma_start3A_105 = arith.constant 0 : i32
      %dma_start3A_106 = arith.constant 0 : i32
      %dma_start3A_107 = arith.constant 0 : i32
      %dma_start3A_108 = tpu.memref_slice %arg8[%dma_start3A_103, %dma_start3A_104, %dma_start3A_106, %dma_start3A_107] : memref<2x3x800x8xf32, #tpu.memory_space<vmem>> -> memref<1x1x800x8xf32, #tpu.memory_space<vmem>>
      %dma_start3A_109 = tpu.memref_squeeze %dma_start3A_108 : memref<1x1x800x8xf32, #tpu.memory_space<vmem>> -> memref<800x8xf32, #tpu.memory_space<vmem>>
      %dma_start3A_110 = arith.constant 0 : i32
      %dma_start3A_111 = tpu.memref_slice %arg7[%dma_start3A_101, %dma_start3A_102, %dma_start3A_110] : memref<2x3x800xi32, #tpu.memory_space<vmem>> -> memref<1x1x800xi32, #tpu.memory_space<vmem>>
      %dma_start3A_112 = tpu.memref_squeeze %dma_start3A_111 : memref<1x1x800xi32, #tpu.memory_space<vmem>> -> memref<800xi32, #tpu.memory_space<vmem>>
      %dma_start3A_113 = arith.constant 0 : i32
      %dma_start3A_114 = arith.constant 0 : i32
      %dma_start3A_115 = tpu.memref_slice %arg2[%dma_start3A_113, %dma_start3A_114] : memref<200000x8xf32, #tpu.memory_space<hbm>> -> memref<200000x8xf32, #tpu.memory_space<hbm>>
      %dma_start3A_116 = tpu.memref_slice %arg11[%dma_start3A_105] : memref<2x!tpu.dma_semaphore, #tpu.memory_space<semaphore_mem>> -> memref<1x!tpu.dma_semaphore, #tpu.memory_space<semaphore_mem>>
      %dma_start3A_117 = tpu.memref_squeeze %dma_start3A_116 : memref<1x!tpu.dma_semaphore, #tpu.memory_space<semaphore_mem>> -> memref<!tpu.dma_semaphore, #tpu.memory_space<semaphore_mem>>
      tpu.enqueue_indirect_dma source(%dma_start3A_115 : memref<200000x8xf32, #tpu.memory_space<hbm>>) target(%dma_start3A_109 : memref<800x8xf32, #tpu.memory_space<vmem>>) offsets(%dma_start3A_112 : memref<800xi32, #tpu.memory_space<vmem>>) semaphore(%dma_start3A_117 : memref<!tpu.dma_semaphore, #tpu.memory_space<semaphore_mem>>)
      %dma_start3A_118 = arith.constant 0 : i32
      %dma_start3A_119 = arith.constant 2 : i32
      %dma_start3A_120 = arith.constant 0 : i32
      %dma_start3A_121 = arith.constant 2 : i32
      %dma_start3A_122 = arith.constant 0 : i32
      %dma_start3A_123 = arith.constant 0 : i32
      %dma_start3A_124 = arith.constant 0 : i32
      %dma_start3A_125 = tpu.memref_slice %arg8[%dma_start3A_120, %dma_start3A_121, %dma_start3A_123, %dma_start3A_124] : memref<2x3x800x8xf32, #tpu.memory_space<vmem>> -> memref<1x1x800x8xf32, #tpu.memory_space<vmem>>
      %dma_start3A_126 = tpu.memref_squeeze %dma_start3A_125 : memref<1x1x800x8xf32, #tpu.memory_space<vmem>> -> memref<800x8xf32, #tpu.memory_space<vmem>>
      %dma_start3A_127 = arith.constant 0 : i32
      %dma_start3A_128 = tpu.memref_slice %arg7[%dma_start3A_118, %dma_start3A_119, %dma_start3A_127] : memref<2x3x800xi32, #tpu.memory_space<vmem>> -> memref<1x1x800xi32, #tpu.memory_space<vmem>>
      %dma_start3A_129 = tpu.memref_squeeze %dma_start3A_128 : memref<1x1x800xi32, #tpu.memory_space<vmem>> -> memref<800xi32, #tpu.memory_space<vmem>>
      %dma_start3A_130 = arith.constant 0 : i32
      %dma_start3A_131 = arith.constant 0 : i32
      %dma_start3A_132 = tpu.memref_slice %arg2[%dma_start3A_130, %dma_start3A_131] : memref<200000x8xf32, #tpu.memory_space<hbm>> -> memref<200000x8xf32, #tpu.memory_space<hbm>>
      %dma_start3A_133 = tpu.memref_slice %arg11[%dma_start3A_122] : memref<2x!tpu.dma_semaphore, #tpu.memory_space<semaphore_mem>> -> memref<1x!tpu.dma_semaphore, #tpu.memory_space<semaphore_mem>>
      %dma_start3A_134 = tpu.memref_squeeze %dma_start3A_133 : memref<1x!tpu.dma_semaphore, #tpu.memory_space<semaphore_mem>> -> memref<!tpu.dma_semaphore, #tpu.memory_space<semaphore_mem>>
      tpu.enqueue_indirect_dma source(%dma_start3A_132 : memref<200000x8xf32, #tpu.memory_space<hbm>>) target(%dma_start3A_126 : memref<800x8xf32, #tpu.memory_space<vmem>>) offsets(%dma_start3A_129 : memref<800xi32, #tpu.memory_space<vmem>>) semaphore(%dma_start3A_134 : memref<!tpu.dma_semaphore, #tpu.memory_space<semaphore_mem>>)
    } else {
    }
    %scan3A = arith.constant 0 : i32
    %scan3A_19 = arith.constant 0 : i32
    %scan3A_20 = arith.constant 8 : i32
    %scan3A_21 = arith.addi %scan3A_19, %scan3A_20 : i32
    %scan3A_22 = arith.constant 1 : i32
    scf.for %scan3A_41 = %scan3A_19 to %scan3A_21 step %scan3A_22  : i32 {
      %mul3A_42 = arith.constant 2 : i32
      %mul3A_43 = arith.muli %mul3A_42, %scan3A_41 : i32
      %add3A_44 = arith.constant 1 : i32
      %add3A_45 = arith.addi %mul3A_43, %add3A_44 : i32
      %mul3A_46 = arith.constant 32 : i32
      %mul3A_47 = arith.muli %add3A_45, %mul3A_46 : i32
      %add3A_48 = arith.addi %add3A, %mul3A_47 : i32
      %lt3A_49 = arith.constant 500 : i32
      %lt3A_50 = arith.cmpi slt, %add3A_48, %lt3A_49 : i32
      %convert_element_type3A_51 = arith.extui %lt3A_50 : i1 to i32
      %cond3A_52 = arith.constant 0 : i32
      %cond3A_53 = arith.cmpi ne, %convert_element_type3A_51, %cond3A_52 : i32
      scf.if %cond3A_53 {
        %dma_wait3A = arith.constant 1 : i32
        %dma_wait3A_126 = arith.constant 0 : i32
        %dma_wait3A_127 = arith.constant 1 : i32
        %dma_wait3A_128 = arith.constant 0 : i32
        %dma_wait3A_129 = tpu.memref_slice %arg7[%dma_wait3A, %dma_wait3A_126, %dma_wait3A_128] : memref<2x3x800xi32, #tpu.memory_space<vmem>> -> memref<1x1x800xi32, #tpu.memory_space<vmem>>
        %dma_wait3A_130 = tpu.memref_squeeze %dma_wait3A_129 : memref<1x1x800xi32, #tpu.memory_space<vmem>> -> memref<800xi32, #tpu.memory_space<vmem>>
        %dma_wait3A_131 = arith.constant 0 : i32
        %dma_wait3A_132 = tpu.memref_slice %arg3[%dma_wait3A_131] : memref<400000xi32, #tpu.memory_space<hbm>> -> memref<800xi32, #tpu.memory_space<hbm>>
        %dma_wait3A_133 = tpu.memref_slice %arg10[%dma_wait3A_127] : memref<2x!tpu.dma_semaphore, #tpu.memory_space<semaphore_mem>> -> memref<1x!tpu.dma_semaphore, #tpu.memory_space<semaphore_mem>>
        %dma_wait3A_134 = tpu.memref_squeeze %dma_wait3A_133 : memref<1x!tpu.dma_semaphore, #tpu.memory_space<semaphore_mem>> -> memref<!tpu.dma_semaphore, #tpu.memory_space<semaphore_mem>>
        %dma_wait3A_135 = arith.constant 0 : i32
        %dma_wait3A_136 = tpu.memref_slice %arg7[%dma_wait3A, %dma_wait3A_126, %dma_wait3A_135] : memref<2x3x800xi32, #tpu.memory_space<vmem>> -> memref<1x1x800xi32, #tpu.memory_space<vmem>>
        %dma_wait3A_137 = tpu.memref_squeeze %dma_wait3A_136 : memref<1x1x800xi32, #tpu.memory_space<vmem>> -> memref<800xi32, #tpu.memory_space<vmem>>
        %dma_wait3A_138 = arith.constant 0 : i32
        %dma_wait3A_139 = tpu.memref_slice %arg3[%dma_wait3A_138] : memref<400000xi32, #tpu.memory_space<hbm>> -> memref<800xi32, #tpu.memory_space<hbm>>
        tpu.wait_dma2 semaphore(%dma_wait3A_134 : memref<!tpu.dma_semaphore, #tpu.memory_space<semaphore_mem>>) src(%dma_wait3A_139 : memref<800xi32, #tpu.memory_space<hbm>>) dst(%dma_wait3A_137 : memref<800xi32, #tpu.memory_space<vmem>>)
        %dma_wait3A_140 = arith.constant 1 : i32
        %dma_wait3A_141 = arith.constant 1 : i32
        %dma_wait3A_142 = arith.constant 1 : i32
        %dma_wait3A_143 = arith.constant 0 : i32
        %dma_wait3A_144 = tpu.memref_slice %arg7[%dma_wait3A_140, %dma_wait3A_141, %dma_wait3A_143] : memref<2x3x800xi32, #tpu.memory_space<vmem>> -> memref<1x1x800xi32, #tpu.memory_space<vmem>>
        %dma_wait3A_145 = tpu.memref_squeeze %dma_wait3A_144 : memref<1x1x800xi32, #tpu.memory_space<vmem>> -> memref<800xi32, #tpu.memory_space<vmem>>
        %dma_wait3A_146 = arith.constant 0 : i32
        %dma_wait3A_147 = tpu.memref_slice %arg4[%dma_wait3A_146] : memref<400000xi32, #tpu.memory_space<hbm>> -> memref<800xi32, #tpu.memory_space<hbm>>
        %dma_wait3A_148 = tpu.memref_slice %arg10[%dma_wait3A_142] : memref<2x!tpu.dma_semaphore, #tpu.memory_space<semaphore_mem>> -> memref<1x!tpu.dma_semaphore, #tpu.memory_space<semaphore_mem>>
        %dma_wait3A_149 = tpu.memref_squeeze %dma_wait3A_148 : memref<1x!tpu.dma_semaphore, #tpu.memory_space<semaphore_mem>> -> memref<!tpu.dma_semaphore, #tpu.memory_space<semaphore_mem>>
        %dma_wait3A_150 = arith.constant 0 : i32
        %dma_wait3A_151 = tpu.memref_slice %arg7[%dma_wait3A_140, %dma_wait3A_141, %dma_wait3A_150] : memref<2x3x800xi32, #tpu.memory_space<vmem>> -> memref<1x1x800xi32, #tpu.memory_space<vmem>>
        %dma_wait3A_152 = tpu.memref_squeeze %dma_wait3A_151 : memref<1x1x800xi32, #tpu.memory_space<vmem>> -> memref<800xi32, #tpu.memory_space<vmem>>
        %dma_wait3A_153 = arith.constant 0 : i32
        %dma_wait3A_154 = tpu.memref_slice %arg4[%dma_wait3A_153] : memref<400000xi32, #tpu.memory_space<hbm>> -> memref<800xi32, #tpu.memory_space<hbm>>
        tpu.wait_dma2 semaphore(%dma_wait3A_149 : memref<!tpu.dma_semaphore, #tpu.memory_space<semaphore_mem>>) src(%dma_wait3A_154 : memref<800xi32, #tpu.memory_space<hbm>>) dst(%dma_wait3A_152 : memref<800xi32, #tpu.memory_space<vmem>>)
        %dma_wait3A_155 = arith.constant 1 : i32
        %dma_wait3A_156 = arith.constant 2 : i32
        %dma_wait3A_157 = arith.constant 1 : i32
        %dma_wait3A_158 = arith.constant 0 : i32
        %dma_wait3A_159 = tpu.memref_slice %arg7[%dma_wait3A_155, %dma_wait3A_156, %dma_wait3A_158] : memref<2x3x800xi32, #tpu.memory_space<vmem>> -> memref<1x1x800xi32, #tpu.memory_space<vmem>>
        %dma_wait3A_160 = tpu.memref_squeeze %dma_wait3A_159 : memref<1x1x800xi32, #tpu.memory_space<vmem>> -> memref<800xi32, #tpu.memory_space<vmem>>
        %dma_wait3A_161 = arith.constant 0 : i32
        %dma_wait3A_162 = tpu.memref_slice %arg5[%dma_wait3A_161] : memref<400000xi32, #tpu.memory_space<hbm>> -> memref<800xi32, #tpu.memory_space<hbm>>
        %dma_wait3A_163 = tpu.memref_slice %arg10[%dma_wait3A_157] : memref<2x!tpu.dma_semaphore, #tpu.memory_space<semaphore_mem>> -> memref<1x!tpu.dma_semaphore, #tpu.memory_space<semaphore_mem>>
        %dma_wait3A_164 = tpu.memref_squeeze %dma_wait3A_163 : memref<1x!tpu.dma_semaphore, #tpu.memory_space<semaphore_mem>> -> memref<!tpu.dma_semaphore, #tpu.memory_space<semaphore_mem>>
        %dma_wait3A_165 = arith.constant 0 : i32
        %dma_wait3A_166 = tpu.memref_slice %arg7[%dma_wait3A_155, %dma_wait3A_156, %dma_wait3A_165] : memref<2x3x800xi32, #tpu.memory_space<vmem>> -> memref<1x1x800xi32, #tpu.memory_space<vmem>>
        %dma_wait3A_167 = tpu.memref_squeeze %dma_wait3A_166 : memref<1x1x800xi32, #tpu.memory_space<vmem>> -> memref<800xi32, #tpu.memory_space<vmem>>
        %dma_wait3A_168 = arith.constant 0 : i32
        %dma_wait3A_169 = tpu.memref_slice %arg5[%dma_wait3A_168] : memref<400000xi32, #tpu.memory_space<hbm>> -> memref<800xi32, #tpu.memory_space<hbm>>
        tpu.wait_dma2 semaphore(%dma_wait3A_164 : memref<!tpu.dma_semaphore, #tpu.memory_space<semaphore_mem>>) src(%dma_wait3A_169 : memref<800xi32, #tpu.memory_space<hbm>>) dst(%dma_wait3A_167 : memref<800xi32, #tpu.memory_space<vmem>>)
        %dma_start3A = arith.constant 1 : i32
        %dma_start3A_170 = arith.constant 0 : i32
        %dma_start3A_171 = arith.constant 1 : i32
        %dma_start3A_172 = arith.constant 0 : i32
        %dma_start3A_173 = arith.constant 1 : i32
        %dma_start3A_174 = arith.constant 0 : i32
        %dma_start3A_175 = arith.constant 0 : i32
        %dma_start3A_176 = tpu.memref_slice %arg8[%dma_start3A_171, %dma_start3A_172, %dma_start3A_174, %dma_start3A_175] : memref<2x3x800x8xf32, #tpu.memory_space<vmem>> -> memref<1x1x800x8xf32, #tpu.memory_space<vmem>>
        %dma_start3A_177 = tpu.memref_squeeze %dma_start3A_176 : memref<1x1x800x8xf32, #tpu.memory_space<vmem>> -> memref<800x8xf32, #tpu.memory_space<vmem>>
        %dma_start3A_178 = arith.constant 0 : i32
        %dma_start3A_179 = tpu.memref_slice %arg7[%dma_start3A, %dma_start3A_170, %dma_start3A_178] : memref<2x3x800xi32, #tpu.memory_space<vmem>> -> memref<1x1x800xi32, #tpu.memory_space<vmem>>
        %dma_start3A_180 = tpu.memref_squeeze %dma_start3A_179 : memref<1x1x800xi32, #tpu.memory_space<vmem>> -> memref<800xi32, #tpu.memory_space<vmem>>
        %dma_start3A_181 = arith.constant 0 : i32
        %dma_start3A_182 = arith.constant 0 : i32
        %dma_start3A_183 = tpu.memref_slice %arg2[%dma_start3A_181, %dma_start3A_182] : memref<200000x8xf32, #tpu.memory_space<hbm>> -> memref<200000x8xf32, #tpu.memory_space<hbm>>
        %dma_start3A_184 = tpu.memref_slice %arg11[%dma_start3A_173] : memref<2x!tpu.dma_semaphore, #tpu.memory_space<semaphore_mem>> -> memref<1x!tpu.dma_semaphore, #tpu.memory_space<semaphore_mem>>
        %dma_start3A_185 = tpu.memref_squeeze %dma_start3A_184 : memref<1x!tpu.dma_semaphore, #tpu.memory_space<semaphore_mem>> -> memref<!tpu.dma_semaphore, #tpu.memory_space<semaphore_mem>>
        tpu.enqueue_indirect_dma source(%dma_start3A_183 : memref<200000x8xf32, #tpu.memory_space<hbm>>) target(%dma_start3A_177 : memref<800x8xf32, #tpu.memory_space<vmem>>) offsets(%dma_start3A_180 : memref<800xi32, #tpu.memory_space<vmem>>) semaphore(%dma_start3A_185 : memref<!tpu.dma_semaphore, #tpu.memory_space<semaphore_mem>>)
        %dma_start3A_186 = arith.constant 1 : i32
        %dma_start3A_187 = arith.constant 1 : i32
        %dma_start3A_188 = arith.constant 1 : i32
        %dma_start3A_189 = arith.constant 1 : i32
        %dma_start3A_190 = arith.constant 1 : i32
        %dma_start3A_191 = arith.constant 0 : i32
        %dma_start3A_192 = arith.constant 0 : i32
        %dma_start3A_193 = tpu.memref_slice %arg8[%dma_start3A_188, %dma_start3A_189, %dma_start3A_191, %dma_start3A_192] : memref<2x3x800x8xf32, #tpu.memory_space<vmem>> -> memref<1x1x800x8xf32, #tpu.memory_space<vmem>>
        %dma_start3A_194 = tpu.memref_squeeze %dma_start3A_193 : memref<1x1x800x8xf32, #tpu.memory_space<vmem>> -> memref<800x8xf32, #tpu.memory_space<vmem>>
        %dma_start3A_195 = arith.constant 0 : i32
        %dma_start3A_196 = tpu.memref_slice %arg7[%dma_start3A_186, %dma_start3A_187, %dma_start3A_195] : memref<2x3x800xi32, #tpu.memory_space<vmem>> -> memref<1x1x800xi32, #tpu.memory_space<vmem>>
        %dma_start3A_197 = tpu.memref_squeeze %dma_start3A_196 : memref<1x1x800xi32, #tpu.memory_space<vmem>> -> memref<800xi32, #tpu.memory_space<vmem>>
        %dma_start3A_198 = arith.constant 0 : i32
        %dma_start3A_199 = arith.constant 0 : i32
        %dma_start3A_200 = tpu.memref_slice %arg2[%dma_start3A_198, %dma_start3A_199] : memref<200000x8xf32, #tpu.memory_space<hbm>> -> memref<200000x8xf32, #tpu.memory_space<hbm>>
        %dma_start3A_201 = tpu.memref_slice %arg11[%dma_start3A_190] : memref<2x!tpu.dma_semaphore, #tpu.memory_space<semaphore_mem>> -> memref<1x!tpu.dma_semaphore, #tpu.memory_space<semaphore_mem>>
        %dma_start3A_202 = tpu.memref_squeeze %dma_start3A_201 : memref<1x!tpu.dma_semaphore, #tpu.memory_space<semaphore_mem>> -> memref<!tpu.dma_semaphore, #tpu.memory_space<semaphore_mem>>
        tpu.enqueue_indirect_dma source(%dma_start3A_200 : memref<200000x8xf32, #tpu.memory_space<hbm>>) target(%dma_start3A_194 : memref<800x8xf32, #tpu.memory_space<vmem>>) offsets(%dma_start3A_197 : memref<800xi32, #tpu.memory_space<vmem>>) semaphore(%dma_start3A_202 : memref<!tpu.dma_semaphore, #tpu.memory_space<semaphore_mem>>)
        %dma_start3A_203 = arith.constant 1 : i32
        %dma_start3A_204 = arith.constant 2 : i32
        %dma_start3A_205 = arith.constant 1 : i32
        %dma_start3A_206 = arith.constant 2 : i32
        %dma_start3A_207 = arith.constant 1 : i32
        %dma_start3A_208 = arith.constant 0 : i32
        %dma_start3A_209 = arith.constant 0 : i32
        %dma_start3A_210 = tpu.memref_slice %arg8[%dma_start3A_205, %dma_start3A_206, %dma_start3A_208, %dma_start3A_209] : memref<2x3x800x8xf32, #tpu.memory_space<vmem>> -> memref<1x1x800x8xf32, #tpu.memory_space<vmem>>
        %dma_start3A_211 = tpu.memref_squeeze %dma_start3A_210 : memref<1x1x800x8xf32, #tpu.memory_space<vmem>> -> memref<800x8xf32, #tpu.memory_space<vmem>>
        %dma_start3A_212 = arith.constant 0 : i32
        %dma_start3A_213 = tpu.memref_slice %arg7[%dma_start3A_203, %dma_start3A_204, %dma_start3A_212] : memref<2x3x800xi32, #tpu.memory_space<vmem>> -> memref<1x1x800xi32, #tpu.memory_space<vmem>>
        %dma_start3A_214 = tpu.memref_squeeze %dma_start3A_213 : memref<1x1x800xi32, #tpu.memory_space<vmem>> -> memref<800xi32, #tpu.memory_space<vmem>>
        %dma_start3A_215 = arith.constant 0 : i32
        %dma_start3A_216 = arith.constant 0 : i32
        %dma_start3A_217 = tpu.memref_slice %arg2[%dma_start3A_215, %dma_start3A_216] : memref<200000x8xf32, #tpu.memory_space<hbm>> -> memref<200000x8xf32, #tpu.memory_space<hbm>>
        %dma_start3A_218 = tpu.memref_slice %arg11[%dma_start3A_207] : memref<2x!tpu.dma_semaphore, #tpu.memory_space<semaphore_mem>> -> memref<1x!tpu.dma_semaphore, #tpu.memory_space<semaphore_mem>>
        %dma_start3A_219 = tpu.memref_squeeze %dma_start3A_218 : memref<1x!tpu.dma_semaphore, #tpu.memory_space<semaphore_mem>> -> memref<!tpu.dma_semaphore, #tpu.memory_space<semaphore_mem>>
        tpu.enqueue_indirect_dma source(%dma_start3A_217 : memref<200000x8xf32, #tpu.memory_space<hbm>>) target(%dma_start3A_211 : memref<800x8xf32, #tpu.memory_space<vmem>>) offsets(%dma_start3A_214 : memref<800xi32, #tpu.memory_space<vmem>>) semaphore(%dma_start3A_219 : memref<!tpu.dma_semaphore, #tpu.memory_space<semaphore_mem>>)
      } else {
      }
      %sub3A = arith.constant 2 : i32
      %sub3A_54 = arith.subi %mul3A_43, %sub3A : i32
      %ge3A = arith.constant 0 : i32
      %ge3A_55 = arith.cmpi sge, %sub3A_54, %ge3A : i32
      %mul3A_56 = arith.constant 32 : i32
      %mul3A_57 = arith.muli %sub3A_54, %mul3A_56 : i32
      %add3A_58 = arith.addi %add3A, %mul3A_57 : i32
      %lt3A_59 = arith.constant 500 : i32
      %lt3A_60 = arith.cmpi slt, %add3A_58, %lt3A_59 : i32
      %and3A_61 = arith.andi %ge3A_55, %lt3A_60 : i1
      %convert_element_type3A_62 = arith.extui %and3A_61 : i1 to i32
      %cond3A_63 = arith.constant 0 : i32
      %cond3A_64 = arith.cmpi ne, %convert_element_type3A_62, %cond3A_63 : i32
      scf.if %cond3A_64 {
        %dma_wait3A = arith.constant 0 : i32
        %dma_wait3A_126 = arith.constant 0 : i32
        %dma_wait3A_127 = arith.constant 0 : i32
        %dma_wait3A_128 = tpu.memref_slice %arg9[%dma_wait3A, %dma_wait3A_127] : memref<2x12800xf32, #tpu.memory_space<vmem>> -> memref<1x12800xf32, #tpu.memory_space<vmem>>
        %dma_wait3A_129 = tpu.memref_squeeze %dma_wait3A_128 : memref<1x12800xf32, #tpu.memory_space<vmem>> -> memref<12800xf32, #tpu.memory_space<vmem>>
        %dma_wait3A_130 = arith.constant 0 : i32
        %dma_wait3A_131 = tpu.memref_slice %arg6[%dma_wait3A_130] : memref<6400000xf32, #tpu.memory_space<hbm>> -> memref<12800xf32, #tpu.memory_space<hbm>>
        %dma_wait3A_132 = tpu.memref_slice %arg12[%dma_wait3A_126] : memref<2x!tpu.dma_semaphore, #tpu.memory_space<semaphore_mem>> -> memref<1x!tpu.dma_semaphore, #tpu.memory_space<semaphore_mem>>
        %dma_wait3A_133 = tpu.memref_squeeze %dma_wait3A_132 : memref<1x!tpu.dma_semaphore, #tpu.memory_space<semaphore_mem>> -> memref<!tpu.dma_semaphore, #tpu.memory_space<semaphore_mem>>
        %dma_wait3A_134 = arith.constant 0 : i32
        %dma_wait3A_135 = tpu.memref_slice %arg6[%dma_wait3A_134] : memref<6400000xf32, #tpu.memory_space<hbm>> -> memref<12800xf32, #tpu.memory_space<hbm>>
        %dma_wait3A_136 = arith.constant 0 : i32
        %dma_wait3A_137 = tpu.memref_slice %arg9[%dma_wait3A, %dma_wait3A_136] : memref<2x12800xf32, #tpu.memory_space<vmem>> -> memref<1x12800xf32, #tpu.memory_space<vmem>>
        %dma_wait3A_138 = tpu.memref_squeeze %dma_wait3A_137 : memref<1x12800xf32, #tpu.memory_space<vmem>> -> memref<12800xf32, #tpu.memory_space<vmem>>
        tpu.wait_dma2 semaphore(%dma_wait3A_133 : memref<!tpu.dma_semaphore, #tpu.memory_space<semaphore_mem>>) src(%dma_wait3A_138 : memref<12800xf32, #tpu.memory_space<vmem>>) dst(%dma_wait3A_135 : memref<12800xf32, #tpu.memory_space<hbm>>)
      } else {
      }
      %mul3A_65 = arith.constant 32 : i32
      %mul3A_66 = arith.muli %mul3A_43, %mul3A_65 : i32
      %add3A_67 = arith.addi %add3A, %mul3A_66 : i32
      %lt3A_68 = arith.constant 500 : i32
      %lt3A_69 = arith.cmpi slt, %add3A_67, %lt3A_68 : i32
      %convert_element_type3A_70 = arith.extui %lt3A_69 : i1 to i32
      %cond3A_71 = arith.constant 0 : i32
      %cond3A_72 = arith.cmpi ne, %convert_element_type3A_70, %cond3A_71 : i32
      scf.if %cond3A_72 {
        %mul3A_126 = arith.constant 32 : i32
        %mul3A_127 = arith.muli %mul3A_43, %mul3A_126 : i32
        %add3A_128 = arith.addi %add3A, %mul3A_127 : i32
        %mul3A_129 = arith.constant 800 : i32
        %mul3A_130 = arith.muli %add3A_128, %mul3A_129 : i32
        %dma_wait3A = arith.constant 0 : i32
        %dma_wait3A_131 = arith.constant 0 : i32
        %dma_wait3A_132 = arith.constant 0 : i32
        %dma_wait3A_133 = arith.constant 0 : i32
        %dma_wait3A_134 = arith.constant 0 : i32
        %dma_wait3A_135 = arith.constant 0 : i32
        %dma_wait3A_136 = arith.constant 0 : i32
        %dma_wait3A_137 = tpu.memref_slice %arg8[%dma_wait3A_132, %dma_wait3A_133, %dma_wait3A_135, %dma_wait3A_136] : memref<2x3x800x8xf32, #tpu.memory_space<vmem>> -> memref<1x1x800x8xf32, #tpu.memory_space<vmem>>
        %dma_wait3A_138 = tpu.memref_squeeze %dma_wait3A_137 : memref<1x1x800x8xf32, #tpu.memory_space<vmem>> -> memref<800x8xf32, #tpu.memory_space<vmem>>
        %dma_wait3A_139 = arith.constant 0 : i32
        %dma_wait3A_140 = tpu.memref_slice %arg7[%dma_wait3A, %dma_wait3A_131, %dma_wait3A_139] : memref<2x3x800xi32, #tpu.memory_space<vmem>> -> memref<1x1x800xi32, #tpu.memory_space<vmem>>
        %dma_wait3A_141 = tpu.memref_squeeze %dma_wait3A_140 : memref<1x1x800xi32, #tpu.memory_space<vmem>> -> memref<800xi32, #tpu.memory_space<vmem>>
        %dma_wait3A_142 = arith.constant 0 : i32
        %dma_wait3A_143 = arith.constant 0 : i32
        %dma_wait3A_144 = tpu.memref_slice %arg2[%dma_wait3A_142, %dma_wait3A_143] : memref<200000x8xf32, #tpu.memory_space<hbm>> -> memref<200000x8xf32, #tpu.memory_space<hbm>>
        %dma_wait3A_145 = tpu.memref_slice %arg11[%dma_wait3A_134] : memref<2x!tpu.dma_semaphore, #tpu.memory_space<semaphore_mem>> -> memref<1x!tpu.dma_semaphore, #tpu.memory_space<semaphore_mem>>
        %dma_wait3A_146 = tpu.memref_squeeze %dma_wait3A_145 : memref<1x!tpu.dma_semaphore, #tpu.memory_space<semaphore_mem>> -> memref<!tpu.dma_semaphore, #tpu.memory_space<semaphore_mem>>
        tpu.wait_indirect_dma semaphore(%dma_wait3A_146 : memref<!tpu.dma_semaphore, #tpu.memory_space<semaphore_mem>>) src(%dma_wait3A_144 : memref<200000x8xf32, #tpu.memory_space<hbm>>) dst(%dma_wait3A_138 : memref<800x8xf32, #tpu.memory_space<vmem>>)
        %dma_wait3A_147 = arith.constant 0 : i32
        %dma_wait3A_148 = arith.constant 1 : i32
        %dma_wait3A_149 = arith.constant 0 : i32
        %dma_wait3A_150 = arith.constant 1 : i32
        %dma_wait3A_151 = arith.constant 0 : i32
        %dma_wait3A_152 = arith.constant 0 : i32
        %dma_wait3A_153 = arith.constant 0 : i32
        %dma_wait3A_154 = tpu.memref_slice %arg8[%dma_wait3A_149, %dma_wait3A_150, %dma_wait3A_152, %dma_wait3A_153] : memref<2x3x800x8xf32, #tpu.memory_space<vmem>> -> memref<1x1x800x8xf32, #tpu.memory_space<vmem>>
        %dma_wait3A_155 = tpu.memref_squeeze %dma_wait3A_154 : memref<1x1x800x8xf32, #tpu.memory_space<vmem>> -> memref<800x8xf32, #tpu.memory_space<vmem>>
        %dma_wait3A_156 = arith.constant 0 : i32
        %dma_wait3A_157 = tpu.memref_slice %arg7[%dma_wait3A_147, %dma_wait3A_148, %dma_wait3A_156] : memref<2x3x800xi32, #tpu.memory_space<vmem>> -> memref<1x1x800xi32, #tpu.memory_space<vmem>>
        %dma_wait3A_158 = tpu.memref_squeeze %dma_wait3A_157 : memref<1x1x800xi32, #tpu.memory_space<vmem>> -> memref<800xi32, #tpu.memory_space<vmem>>
        %dma_wait3A_159 = arith.constant 0 : i32
        %dma_wait3A_160 = arith.constant 0 : i32
        %dma_wait3A_161 = tpu.memref_slice %arg2[%dma_wait3A_159, %dma_wait3A_160] : memref<200000x8xf32, #tpu.memory_space<hbm>> -> memref<200000x8xf32, #tpu.memory_space<hbm>>
        %dma_wait3A_162 = tpu.memref_slice %arg11[%dma_wait3A_151] : memref<2x!tpu.dma_semaphore, #tpu.memory_space<semaphore_mem>> -> memref<1x!tpu.dma_semaphore, #tpu.memory_space<semaphore_mem>>
        %dma_wait3A_163 = tpu.memref_squeeze %dma_wait3A_162 : memref<1x!tpu.dma_semaphore, #tpu.memory_space<semaphore_mem>> -> memref<!tpu.dma_semaphore, #tpu.memory_space<semaphore_mem>>
        tpu.wait_indirect_dma semaphore(%dma_wait3A_163 : memref<!tpu.dma_semaphore, #tpu.memory_space<semaphore_mem>>) src(%dma_wait3A_161 : memref<200000x8xf32, #tpu.memory_space<hbm>>) dst(%dma_wait3A_155 : memref<800x8xf32, #tpu.memory_space<vmem>>)
        %dma_wait3A_164 = arith.constant 0 : i32
        %dma_wait3A_165 = arith.constant 2 : i32
        %dma_wait3A_166 = arith.constant 0 : i32
        %dma_wait3A_167 = arith.constant 2 : i32
        %dma_wait3A_168 = arith.constant 0 : i32
        %dma_wait3A_169 = arith.constant 0 : i32
        %dma_wait3A_170 = arith.constant 0 : i32
        %dma_wait3A_171 = tpu.memref_slice %arg8[%dma_wait3A_166, %dma_wait3A_167, %dma_wait3A_169, %dma_wait3A_170] : memref<2x3x800x8xf32, #tpu.memory_space<vmem>> -> memref<1x1x800x8xf32, #tpu.memory_space<vmem>>
        %dma_wait3A_172 = tpu.memref_squeeze %dma_wait3A_171 : memref<1x1x800x8xf32, #tpu.memory_space<vmem>> -> memref<800x8xf32, #tpu.memory_space<vmem>>
        %dma_wait3A_173 = arith.constant 0 : i32
        %dma_wait3A_174 = tpu.memref_slice %arg7[%dma_wait3A_164, %dma_wait3A_165, %dma_wait3A_173] : memref<2x3x800xi32, #tpu.memory_space<vmem>> -> memref<1x1x800xi32, #tpu.memory_space<vmem>>
        %dma_wait3A_175 = tpu.memref_squeeze %dma_wait3A_174 : memref<1x1x800xi32, #tpu.memory_space<vmem>> -> memref<800xi32, #tpu.memory_space<vmem>>
        %dma_wait3A_176 = arith.constant 0 : i32
        %dma_wait3A_177 = arith.constant 0 : i32
        %dma_wait3A_178 = tpu.memref_slice %arg2[%dma_wait3A_176, %dma_wait3A_177] : memref<200000x8xf32, #tpu.memory_space<hbm>> -> memref<200000x8xf32, #tpu.memory_space<hbm>>
        %dma_wait3A_179 = tpu.memref_slice %arg11[%dma_wait3A_168] : memref<2x!tpu.dma_semaphore, #tpu.memory_space<semaphore_mem>> -> memref<1x!tpu.dma_semaphore, #tpu.memory_space<semaphore_mem>>
        %dma_wait3A_180 = tpu.memref_squeeze %dma_wait3A_179 : memref<1x!tpu.dma_semaphore, #tpu.memory_space<semaphore_mem>> -> memref<!tpu.dma_semaphore, #tpu.memory_space<semaphore_mem>>
        tpu.wait_indirect_dma semaphore(%dma_wait3A_180 : memref<!tpu.dma_semaphore, #tpu.memory_space<semaphore_mem>>) src(%dma_wait3A_178 : memref<200000x8xf32, #tpu.memory_space<hbm>>) dst(%dma_wait3A_172 : memref<800x8xf32, #tpu.memory_space<vmem>>)
        %mul3A_181 = arith.constant 16 : i32
        %mul3A_182 = vector.broadcast %mul3A_181 : i32 to vector<16xi32>
        %mul3A_183 = arith.muli %iota3A, %mul3A_182 : vector<16xi32>
        %scan3A_184 = arith.constant 0 : i32
        %scan3A_185 = arith.constant 0 : i32
        %scan3A_186 = arith.constant 50 : i32
        %scan3A_187 = arith.addi %scan3A_185, %scan3A_186 : i32
        %scan3A_188 = arith.constant 1 : i32
        scf.for %scan3A_203 = %scan3A_185 to %scan3A_187 step %scan3A_188  : i32 {
          %mul3A_204 = arith.constant 16 : i32
          %mul3A_205 = arith.muli %mul3A_204, %scan3A_203 : i32
          %add3A_206 = vector.broadcast %mul3A_205 : i32 to vector<16xi32>
          %add3A_207 = arith.addi %iota3A, %add3A_206 : vector<16xi32>
          %mul3A_208 = arith.constant 256 : i32
          %mul3A_209 = arith.muli %mul3A_208, %scan3A_203 : i32
          %add3A_210 = vector.broadcast %mul3A_209 : i32 to vector<16xi32>
          %add3A_211 = arith.addi %mul3A_183, %add3A_210 : vector<16xi32>
          %broadcast_in_dim3A = arith.constant 0 : i32
          %broadcast_in_dim3A_212 = vector.broadcast %broadcast_in_dim3A : i32 to vector<16xi32>
          %gather3A = arith.constant 0 : i32
          %gather3A_213 = arith.constant 0 : i32
          %gather3A_214 = arith.constant 0 : i32
          %gather3A_215 = arith.constant 0 : i32
          %gather3A_216 = tpu.memref_slice %arg8[%gather3A, %gather3A_213, %gather3A_214, %gather3A_215] : memref<2x3x800x8xf32, #tpu.memory_space<vmem>> -> memref<1x1x800x8xf32, #tpu.memory_space<vmem>>
          %gather3A_217 = tpu.memref_squeeze %gather3A_216 : memref<1x1x800x8xf32, #tpu.memory_space<vmem>> -> memref<800x8xf32, #tpu.memory_space<vmem>>
          %gather3A_218 = tpu.vector_load_idx %gather3A_217[%add3A_207, %broadcast_in_dim3A_212] : memref<800x8xf32, #tpu.memory_space<vmem>>[vector<16xi32>, vector<16xi32>], vector<16xf32>,
          %add3A_219 = arith.constant 0 : i32
          %add3A_220 = vector.broadcast %add3A_219 : i32 to vector<16xi32>
          %add3A_221 = arith.addi %add3A_211, %add3A_220 : vector<16xi32>
          %scatter3A = arith.constant 0 : i32
          %scatter3A_222 = arith.constant 0 : i32
          %scatter3A_223 = tpu.memref_slice %arg9[%scatter3A, %scatter3A_222] : memref<2x12800xf32, #tpu.memory_space<vmem>> -> memref<1x12800xf32, #tpu.memory_space<vmem>>
          %scatter3A_224 = tpu.memref_squeeze %scatter3A_223 : memref<1x12800xf32, #tpu.memory_space<vmem>> -> memref<12800xf32, #tpu.memory_space<vmem>>
          tpu.vector_store_idx %scatter3A_224[%add3A_221], %gather3A_218 : memref<12800xf32, #tpu.memory_space<vmem>>[vector<16xi32>], vector<16xf32>,
          %broadcast_in_dim3A_225 = arith.constant 1 : i32
          %broadcast_in_dim3A_226 = vector.broadcast %broadcast_in_dim3A_225 : i32 to vector<16xi32>
          %gather3A_227 = arith.constant 0 : i32
          %gather3A_228 = arith.constant 0 : i32
          %gather3A_229 = arith.constant 0 : i32
          %gather3A_230 = arith.constant 0 : i32
          %gather3A_231 = tpu.memref_slice %arg8[%gather3A_227, %gather3A_228, %gather3A_229, %gather3A_230] : memref<2x3x800x8xf32, #tpu.memory_space<vmem>> -> memref<1x1x800x8xf32, #tpu.memory_space<vmem>>
          %gather3A_232 = tpu.memref_squeeze %gather3A_231 : memref<1x1x800x8xf32, #tpu.memory_space<vmem>> -> memref<800x8xf32, #tpu.memory_space<vmem>>
          %gather3A_233 = tpu.vector_load_idx %gather3A_232[%add3A_207, %broadcast_in_dim3A_226] : memref<800x8xf32, #tpu.memory_space<vmem>>[vector<16xi32>, vector<16xi32>], vector<16xf32>,
          %add3A_234 = arith.constant 1 : i32
          %add3A_235 = vector.broadcast %add3A_234 : i32 to vector<16xi32>
          %add3A_236 = arith.addi %add3A_211, %add3A_235 : vector<16xi32>
          %scatter3A_237 = arith.constant 0 : i32
          %scatter3A_238 = arith.constant 0 : i32
          %scatter3A_239 = tpu.memref_slice %arg9[%scatter3A_237, %scatter3A_238] : memref<2x12800xf32, #tpu.memory_space<vmem>> -> memref<1x12800xf32, #tpu.memory_space<vmem>>
          %scatter3A_240 = tpu.memref_squeeze %scatter3A_239 : memref<1x12800xf32, #tpu.memory_space<vmem>> -> memref<12800xf32, #tpu.memory_space<vmem>>
          tpu.vector_store_idx %scatter3A_240[%add3A_236], %gather3A_233 : memref<12800xf32, #tpu.memory_space<vmem>>[vector<16xi32>], vector<16xf32>,
          %broadcast_in_dim3A_241 = arith.constant 2 : i32
          %broadcast_in_dim3A_242 = vector.broadcast %broadcast_in_dim3A_241 : i32 to vector<16xi32>
          %gather3A_243 = arith.constant 0 : i32
          %gather3A_244 = arith.constant 0 : i32
          %gather3A_245 = arith.constant 0 : i32
          %gather3A_246 = arith.constant 0 : i32
          %gather3A_247 = tpu.memref_slice %arg8[%gather3A_243, %gather3A_244, %gather3A_245, %gather3A_246] : memref<2x3x800x8xf32, #tpu.memory_space<vmem>> -> memref<1x1x800x8xf32, #tpu.memory_space<vmem>>
          %gather3A_248 = tpu.memref_squeeze %gather3A_247 : memref<1x1x800x8xf32, #tpu.memory_space<vmem>> -> memref<800x8xf32, #tpu.memory_space<vmem>>
          %gather3A_249 = tpu.vector_load_idx %gather3A_248[%add3A_207, %broadcast_in_dim3A_242] : memref<800x8xf32, #tpu.memory_space<vmem>>[vector<16xi32>, vector<16xi32>], vector<16xf32>,
          %add3A_250 = arith.constant 2 : i32
          %add3A_251 = vector.broadcast %add3A_250 : i32 to vector<16xi32>
          %add3A_252 = arith.addi %add3A_211, %add3A_251 : vector<16xi32>
          %scatter3A_253 = arith.constant 0 : i32
          %scatter3A_254 = arith.constant 0 : i32
          %scatter3A_255 = tpu.memref_slice %arg9[%scatter3A_253, %scatter3A_254] : memref<2x12800xf32, #tpu.memory_space<vmem>> -> memref<1x12800xf32, #tpu.memory_space<vmem>>
          %scatter3A_256 = tpu.memref_squeeze %scatter3A_255 : memref<1x12800xf32, #tpu.memory_space<vmem>> -> memref<12800xf32, #tpu.memory_space<vmem>>
          tpu.vector_store_idx %scatter3A_256[%add3A_252], %gather3A_249 : memref<12800xf32, #tpu.memory_space<vmem>>[vector<16xi32>], vector<16xf32>,
          %broadcast_in_dim3A_257 = arith.constant 0 : i32
          %broadcast_in_dim3A_258 = vector.broadcast %broadcast_in_dim3A_257 : i32 to vector<16xi32>
          %gather3A_259 = arith.constant 0 : i32
          %gather3A_260 = arith.constant 1 : i32
          %gather3A_261 = arith.constant 0 : i32
          %gather3A_262 = arith.constant 0 : i32
          %gather3A_263 = tpu.memref_slice %arg8[%gather3A_259, %gather3A_260, %gather3A_261, %gather3A_262] : memref<2x3x800x8xf32, #tpu.memory_space<vmem>> -> memref<1x1x800x8xf32, #tpu.memory_space<vmem>>
          %gather3A_264 = tpu.memref_squeeze %gather3A_263 : memref<1x1x800x8xf32, #tpu.memory_space<vmem>> -> memref<800x8xf32, #tpu.memory_space<vmem>>
          %gather3A_265 = tpu.vector_load_idx %gather3A_264[%add3A_207, %broadcast_in_dim3A_258] : memref<800x8xf32, #tpu.memory_space<vmem>>[vector<16xi32>, vector<16xi32>], vector<16xf32>,
          %add3A_266 = arith.constant 4 : i32
          %add3A_267 = vector.broadcast %add3A_266 : i32 to vector<16xi32>
          %add3A_268 = arith.addi %add3A_211, %add3A_267 : vector<16xi32>
          %scatter3A_269 = arith.constant 0 : i32
          %scatter3A_270 = arith.constant 0 : i32
          %scatter3A_271 = tpu.memref_slice %arg9[%scatter3A_269, %scatter3A_270] : memref<2x12800xf32, #tpu.memory_space<vmem>> -> memref<1x12800xf32, #tpu.memory_space<vmem>>
          %scatter3A_272 = tpu.memref_squeeze %scatter3A_271 : memref<1x12800xf32, #tpu.memory_space<vmem>> -> memref<12800xf32, #tpu.memory_space<vmem>>
          tpu.vector_store_idx %scatter3A_272[%add3A_268], %gather3A_265 : memref<12800xf32, #tpu.memory_space<vmem>>[vector<16xi32>], vector<16xf32>,
          %broadcast_in_dim3A_273 = arith.constant 1 : i32
          %broadcast_in_dim3A_274 = vector.broadcast %broadcast_in_dim3A_273 : i32 to vector<16xi32>
          %gather3A_275 = arith.constant 0 : i32
          %gather3A_276 = arith.constant 1 : i32
          %gather3A_277 = arith.constant 0 : i32
          %gather3A_278 = arith.constant 0 : i32
          %gather3A_279 = tpu.memref_slice %arg8[%gather3A_275, %gather3A_276, %gather3A_277, %gather3A_278] : memref<2x3x800x8xf32, #tpu.memory_space<vmem>> -> memref<1x1x800x8xf32, #tpu.memory_space<vmem>>
          %gather3A_280 = tpu.memref_squeeze %gather3A_279 : memref<1x1x800x8xf32, #tpu.memory_space<vmem>> -> memref<800x8xf32, #tpu.memory_space<vmem>>
          %gather3A_281 = tpu.vector_load_idx %gather3A_280[%add3A_207, %broadcast_in_dim3A_274] : memref<800x8xf32, #tpu.memory_space<vmem>>[vector<16xi32>, vector<16xi32>], vector<16xf32>,
          %add3A_282 = arith.constant 5 : i32
          %add3A_283 = vector.broadcast %add3A_282 : i32 to vector<16xi32>
          %add3A_284 = arith.addi %add3A_211, %add3A_283 : vector<16xi32>
          %scatter3A_285 = arith.constant 0 : i32
          %scatter3A_286 = arith.constant 0 : i32
          %scatter3A_287 = tpu.memref_slice %arg9[%scatter3A_285, %scatter3A_286] : memref<2x12800xf32, #tpu.memory_space<vmem>> -> memref<1x12800xf32, #tpu.memory_space<vmem>>
          %scatter3A_288 = tpu.memref_squeeze %scatter3A_287 : memref<1x12800xf32, #tpu.memory_space<vmem>> -> memref<12800xf32, #tpu.memory_space<vmem>>
          tpu.vector_store_idx %scatter3A_288[%add3A_284], %gather3A_281 : memref<12800xf32, #tpu.memory_space<vmem>>[vector<16xi32>], vector<16xf32>,
          %broadcast_in_dim3A_289 = arith.constant 2 : i32
          %broadcast_in_dim3A_290 = vector.broadcast %broadcast_in_dim3A_289 : i32 to vector<16xi32>
          %gather3A_291 = arith.constant 0 : i32
          %gather3A_292 = arith.constant 1 : i32
          %gather3A_293 = arith.constant 0 : i32
          %gather3A_294 = arith.constant 0 : i32
          %gather3A_295 = tpu.memref_slice %arg8[%gather3A_291, %gather3A_292, %gather3A_293, %gather3A_294] : memref<2x3x800x8xf32, #tpu.memory_space<vmem>> -> memref<1x1x800x8xf32, #tpu.memory_space<vmem>>
          %gather3A_296 = tpu.memref_squeeze %gather3A_295 : memref<1x1x800x8xf32, #tpu.memory_space<vmem>> -> memref<800x8xf32, #tpu.memory_space<vmem>>
          %gather3A_297 = tpu.vector_load_idx %gather3A_296[%add3A_207, %broadcast_in_dim3A_290] : memref<800x8xf32, #tpu.memory_space<vmem>>[vector<16xi32>, vector<16xi32>], vector<16xf32>,
          %add3A_298 = arith.constant 6 : i32
          %add3A_299 = vector.broadcast %add3A_298 : i32 to vector<16xi32>
          %add3A_300 = arith.addi %add3A_211, %add3A_299 : vector<16xi32>
          %scatter3A_301 = arith.constant 0 : i32
          %scatter3A_302 = arith.constant 0 : i32
          %scatter3A_303 = tpu.memref_slice %arg9[%scatter3A_301, %scatter3A_302] : memref<2x12800xf32, #tpu.memory_space<vmem>> -> memref<1x12800xf32, #tpu.memory_space<vmem>>
          %scatter3A_304 = tpu.memref_squeeze %scatter3A_303 : memref<1x12800xf32, #tpu.memory_space<vmem>> -> memref<12800xf32, #tpu.memory_space<vmem>>
          tpu.vector_store_idx %scatter3A_304[%add3A_300], %gather3A_297 : memref<12800xf32, #tpu.memory_space<vmem>>[vector<16xi32>], vector<16xf32>,
          %broadcast_in_dim3A_305 = arith.constant 0 : i32
          %broadcast_in_dim3A_306 = vector.broadcast %broadcast_in_dim3A_305 : i32 to vector<16xi32>
          %gather3A_307 = arith.constant 0 : i32
          %gather3A_308 = arith.constant 2 : i32
          %gather3A_309 = arith.constant 0 : i32
          %gather3A_310 = arith.constant 0 : i32
          %gather3A_311 = tpu.memref_slice %arg8[%gather3A_307, %gather3A_308, %gather3A_309, %gather3A_310] : memref<2x3x800x8xf32, #tpu.memory_space<vmem>> -> memref<1x1x800x8xf32, #tpu.memory_space<vmem>>
          %gather3A_312 = tpu.memref_squeeze %gather3A_311 : memref<1x1x800x8xf32, #tpu.memory_space<vmem>> -> memref<800x8xf32, #tpu.memory_space<vmem>>
          %gather3A_313 = tpu.vector_load_idx %gather3A_312[%add3A_207, %broadcast_in_dim3A_306] : memref<800x8xf32, #tpu.memory_space<vmem>>[vector<16xi32>, vector<16xi32>], vector<16xf32>,
          %add3A_314 = arith.constant 8 : i32
          %add3A_315 = vector.broadcast %add3A_314 : i32 to vector<16xi32>
          %add3A_316 = arith.addi %add3A_211, %add3A_315 : vector<16xi32>
          %scatter3A_317 = arith.constant 0 : i32
          %scatter3A_318 = arith.constant 0 : i32
          %scatter3A_319 = tpu.memref_slice %arg9[%scatter3A_317, %scatter3A_318] : memref<2x12800xf32, #tpu.memory_space<vmem>> -> memref<1x12800xf32, #tpu.memory_space<vmem>>
          %scatter3A_320 = tpu.memref_squeeze %scatter3A_319 : memref<1x12800xf32, #tpu.memory_space<vmem>> -> memref<12800xf32, #tpu.memory_space<vmem>>
          tpu.vector_store_idx %scatter3A_320[%add3A_316], %gather3A_313 : memref<12800xf32, #tpu.memory_space<vmem>>[vector<16xi32>], vector<16xf32>,
          %broadcast_in_dim3A_321 = arith.constant 1 : i32
          %broadcast_in_dim3A_322 = vector.broadcast %broadcast_in_dim3A_321 : i32 to vector<16xi32>
          %gather3A_323 = arith.constant 0 : i32
          %gather3A_324 = arith.constant 2 : i32
          %gather3A_325 = arith.constant 0 : i32
          %gather3A_326 = arith.constant 0 : i32
          %gather3A_327 = tpu.memref_slice %arg8[%gather3A_323, %gather3A_324, %gather3A_325, %gather3A_326] : memref<2x3x800x8xf32, #tpu.memory_space<vmem>> -> memref<1x1x800x8xf32, #tpu.memory_space<vmem>>
          %gather3A_328 = tpu.memref_squeeze %gather3A_327 : memref<1x1x800x8xf32, #tpu.memory_space<vmem>> -> memref<800x8xf32, #tpu.memory_space<vmem>>
          %gather3A_329 = tpu.vector_load_idx %gather3A_328[%add3A_207, %broadcast_in_dim3A_322] : memref<800x8xf32, #tpu.memory_space<vmem>>[vector<16xi32>, vector<16xi32>], vector<16xf32>,
          %add3A_330 = arith.constant 9 : i32
          %add3A_331 = vector.broadcast %add3A_330 : i32 to vector<16xi32>
          %add3A_332 = arith.addi %add3A_211, %add3A_331 : vector<16xi32>
          %scatter3A_333 = arith.constant 0 : i32
          %scatter3A_334 = arith.constant 0 : i32
          %scatter3A_335 = tpu.memref_slice %arg9[%scatter3A_333, %scatter3A_334] : memref<2x12800xf32, #tpu.memory_space<vmem>> -> memref<1x12800xf32, #tpu.memory_space<vmem>>
          %scatter3A_336 = tpu.memref_squeeze %scatter3A_335 : memref<1x12800xf32, #tpu.memory_space<vmem>> -> memref<12800xf32, #tpu.memory_space<vmem>>
          tpu.vector_store_idx %scatter3A_336[%add3A_332], %gather3A_329 : memref<12800xf32, #tpu.memory_space<vmem>>[vector<16xi32>], vector<16xf32>,
          %broadcast_in_dim3A_337 = arith.constant 2 : i32
          %broadcast_in_dim3A_338 = vector.broadcast %broadcast_in_dim3A_337 : i32 to vector<16xi32>
          %gather3A_339 = arith.constant 0 : i32
          %gather3A_340 = arith.constant 2 : i32
          %gather3A_341 = arith.constant 0 : i32
          %gather3A_342 = arith.constant 0 : i32
          %gather3A_343 = tpu.memref_slice %arg8[%gather3A_339, %gather3A_340, %gather3A_341, %gather3A_342] : memref<2x3x800x8xf32, #tpu.memory_space<vmem>> -> memref<1x1x800x8xf32, #tpu.memory_space<vmem>>
          %gather3A_344 = tpu.memref_squeeze %gather3A_343 : memref<1x1x800x8xf32, #tpu.memory_space<vmem>> -> memref<800x8xf32, #tpu.memory_space<vmem>>
          %gather3A_345 = tpu.vector_load_idx %gather3A_344[%add3A_207, %broadcast_in_dim3A_338] : memref<800x8xf32, #tpu.memory_space<vmem>>[vector<16xi32>, vector<16xi32>], vector<16xf32>,
          %add3A_346 = arith.constant 10 : i32
          %add3A_347 = vector.broadcast %add3A_346 : i32 to vector<16xi32>
          %add3A_348 = arith.addi %add3A_211, %add3A_347 : vector<16xi32>
          %scatter3A_349 = arith.constant 0 : i32
          %scatter3A_350 = arith.constant 0 : i32
          %scatter3A_351 = tpu.memref_slice %arg9[%scatter3A_349, %scatter3A_350] : memref<2x12800xf32, #tpu.memory_space<vmem>> -> memref<1x12800xf32, #tpu.memory_space<vmem>>
          %scatter3A_352 = tpu.memref_squeeze %scatter3A_351 : memref<1x12800xf32, #tpu.memory_space<vmem>> -> memref<12800xf32, #tpu.memory_space<vmem>>
          tpu.vector_store_idx %scatter3A_352[%add3A_348], %gather3A_345 : memref<12800xf32, #tpu.memory_space<vmem>>[vector<16xi32>], vector<16xf32>,
        }
        %scan3A_189 = arith.constant 50 : i32
        %mul3A_190 = arith.constant 16 : i32
        %mul3A_191 = arith.muli %mul3A_130, %mul3A_190 : i32
        %dma_start3A = arith.constant 0 : i32
        %dma_start3A_192 = arith.constant 0 : i32
        %dma_start3A_193 = arith.constant 0 : i32
        %dma_start3A_194 = tpu.memref_slice %arg9[%dma_start3A, %dma_start3A_193] : memref<2x12800xf32, #tpu.memory_space<vmem>> -> memref<1x12800xf32, #tpu.memory_space<vmem>>
        %dma_start3A_195 = tpu.memref_squeeze %dma_start3A_194 : memref<1x12800xf32, #tpu.memory_space<vmem>> -> memref<12800xf32, #tpu.memory_space<vmem>>
        %dma_start3A_196 = tpu.memref_slice %arg6[%mul3A_191] : memref<6400000xf32, #tpu.memory_space<hbm>> -> memref<12800xf32, #tpu.memory_space<hbm>>
        %dma_start3A_197 = tpu.memref_slice %arg12[%dma_start3A_192] : memref<2x!tpu.dma_semaphore, #tpu.memory_space<semaphore_mem>> -> memref<1x!tpu.dma_semaphore, #tpu.memory_space<semaphore_mem>>
        %dma_start3A_198 = tpu.memref_squeeze %dma_start3A_197 : memref<1x!tpu.dma_semaphore, #tpu.memory_space<semaphore_mem>> -> memref<!tpu.dma_semaphore, #tpu.memory_space<semaphore_mem>>
        %dma_start3A_199 = tpu.memref_slice %arg6[%mul3A_191] : memref<6400000xf32, #tpu.memory_space<hbm>> -> memref<12800xf32, #tpu.memory_space<hbm>>
        %dma_start3A_200 = arith.constant 0 : i32
        %dma_start3A_201 = tpu.memref_slice %arg9[%dma_start3A, %dma_start3A_200] : memref<2x12800xf32, #tpu.memory_space<vmem>> -> memref<1x12800xf32, #tpu.memory_space<vmem>>
        %dma_start3A_202 = tpu.memref_squeeze %dma_start3A_201 : memref<1x12800xf32, #tpu.memory_space<vmem>> -> memref<12800xf32, #tpu.memory_space<vmem>>
        tpu.enqueue_dma source(%dma_start3A_202 : memref<12800xf32, #tpu.memory_space<vmem>>) target(%dma_start3A_199 : memref<12800xf32, #tpu.memory_space<hbm>>) target_semaphore(%dma_start3A_198 : memref<!tpu.dma_semaphore, #tpu.memory_space<semaphore_mem>>)
      } else {
      }
      %add3A_73 = arith.constant 2 : i32
      %add3A_74 = arith.addi %mul3A_43, %add3A_73 : i32
      %mul3A_75 = arith.constant 32 : i32
      %mul3A_76 = arith.muli %add3A_74, %mul3A_75 : i32
      %add3A_77 = arith.addi %add3A, %mul3A_76 : i32
      %lt3A_78 = arith.constant 500 : i32
      %lt3A_79 = arith.cmpi slt, %add3A_77, %lt3A_78 : i32
      %convert_element_type3A_80 = arith.extui %lt3A_79 : i1 to i32
      %cond3A_81 = arith.constant 0 : i32
      %cond3A_82 = arith.cmpi ne, %convert_element_type3A_80, %cond3A_81 : i32
      scf.if %cond3A_82 {
        %mul3A_126 = arith.constant 32 : i32
        %mul3A_127 = arith.muli %add3A_74, %mul3A_126 : i32
        %add3A_128 = arith.addi %add3A, %mul3A_127 : i32
        %mul3A_129 = arith.constant 800 : i32
        %mul3A_130 = arith.muli %add3A_128, %mul3A_129 : i32
        %dma_start3A = arith.constant 0 : i32
        %dma_start3A_131 = arith.constant 0 : i32
        %dma_start3A_132 = arith.constant 0 : i32
        %dma_start3A_133 = arith.constant 0 : i32
        %dma_start3A_134 = tpu.memref_slice %arg7[%dma_start3A, %dma_start3A_131, %dma_start3A_133] : memref<2x3x800xi32, #tpu.memory_space<vmem>> -> memref<1x1x800xi32, #tpu.memory_space<vmem>>
        %dma_start3A_135 = tpu.memref_squeeze %dma_start3A_134 : memref<1x1x800xi32, #tpu.memory_space<vmem>> -> memref<800xi32, #tpu.memory_space<vmem>>
        %dma_start3A_136 = tpu.memref_slice %arg3[%mul3A_130] : memref<400000xi32, #tpu.memory_space<hbm>> -> memref<800xi32, #tpu.memory_space<hbm>>
        %dma_start3A_137 = tpu.memref_slice %arg10[%dma_start3A_132] : memref<2x!tpu.dma_semaphore, #tpu.memory_space<semaphore_mem>> -> memref<1x!tpu.dma_semaphore, #tpu.memory_space<semaphore_mem>>
        %dma_start3A_138 = tpu.memref_squeeze %dma_start3A_137 : memref<1x!tpu.dma_semaphore, #tpu.memory_space<semaphore_mem>> -> memref<!tpu.dma_semaphore, #tpu.memory_space<semaphore_mem>>
        %dma_start3A_139 = arith.constant 0 : i32
        %dma_start3A_140 = tpu.memref_slice %arg7[%dma_start3A, %dma_start3A_131, %dma_start3A_139] : memref<2x3x800xi32, #tpu.memory_space<vmem>> -> memref<1x1x800xi32, #tpu.memory_space<vmem>>
        %dma_start3A_141 = tpu.memref_squeeze %dma_start3A_140 : memref<1x1x800xi32, #tpu.memory_space<vmem>> -> memref<800xi32, #tpu.memory_space<vmem>>
        %dma_start3A_142 = tpu.memref_slice %arg3[%mul3A_130] : memref<400000xi32, #tpu.memory_space<hbm>> -> memref<800xi32, #tpu.memory_space<hbm>>
        tpu.enqueue_dma source(%dma_start3A_142 : memref<800xi32, #tpu.memory_space<hbm>>) target(%dma_start3A_141 : memref<800xi32, #tpu.memory_space<vmem>>) target_semaphore(%dma_start3A_138 : memref<!tpu.dma_semaphore, #tpu.memory_space<semaphore_mem>>)
        %dma_start3A_143 = arith.constant 0 : i32
        %dma_start3A_144 = arith.constant 1 : i32
        %dma_start3A_145 = arith.constant 0 : i32
        %dma_start3A_146 = arith.constant 0 : i32
        %dma_start3A_147 = tpu.memref_slice %arg7[%dma_start3A_143, %dma_start3A_144, %dma_start3A_146] : memref<2x3x800xi32, #tpu.memory_space<vmem>> -> memref<1x1x800xi32, #tpu.memory_space<vmem>>
        %dma_start3A_148 = tpu.memref_squeeze %dma_start3A_147 : memref<1x1x800xi32, #tpu.memory_space<vmem>> -> memref<800xi32, #tpu.memory_space<vmem>>
        %dma_start3A_149 = tpu.memref_slice %arg4[%mul3A_130] : memref<400000xi32, #tpu.memory_space<hbm>> -> memref<800xi32, #tpu.memory_space<hbm>>
        %dma_start3A_150 = tpu.memref_slice %arg10[%dma_start3A_145] : memref<2x!tpu.dma_semaphore, #tpu.memory_space<semaphore_mem>> -> memref<1x!tpu.dma_semaphore, #tpu.memory_space<semaphore_mem>>
        %dma_start3A_151 = tpu.memref_squeeze %dma_start3A_150 : memref<1x!tpu.dma_semaphore, #tpu.memory_space<semaphore_mem>> -> memref<!tpu.dma_semaphore, #tpu.memory_space<semaphore_mem>>
        %dma_start3A_152 = arith.constant 0 : i32
        %dma_start3A_153 = tpu.memref_slice %arg7[%dma_start3A_143, %dma_start3A_144, %dma_start3A_152] : memref<2x3x800xi32, #tpu.memory_space<vmem>> -> memref<1x1x800xi32, #tpu.memory_space<vmem>>
        %dma_start3A_154 = tpu.memref_squeeze %dma_start3A_153 : memref<1x1x800xi32, #tpu.memory_space<vmem>> -> memref<800xi32, #tpu.memory_space<vmem>>
        %dma_start3A_155 = tpu.memref_slice %arg4[%mul3A_130] : memref<400000xi32, #tpu.memory_space<hbm>> -> memref<800xi32, #tpu.memory_space<hbm>>
        tpu.enqueue_dma source(%dma_start3A_155 : memref<800xi32, #tpu.memory_space<hbm>>) target(%dma_start3A_154 : memref<800xi32, #tpu.memory_space<vmem>>) target_semaphore(%dma_start3A_151 : memref<!tpu.dma_semaphore, #tpu.memory_space<semaphore_mem>>)
        %dma_start3A_156 = arith.constant 0 : i32
        %dma_start3A_157 = arith.constant 2 : i32
        %dma_start3A_158 = arith.constant 0 : i32
        %dma_start3A_159 = arith.constant 0 : i32
        %dma_start3A_160 = tpu.memref_slice %arg7[%dma_start3A_156, %dma_start3A_157, %dma_start3A_159] : memref<2x3x800xi32, #tpu.memory_space<vmem>> -> memref<1x1x800xi32, #tpu.memory_space<vmem>>
        %dma_start3A_161 = tpu.memref_squeeze %dma_start3A_160 : memref<1x1x800xi32, #tpu.memory_space<vmem>> -> memref<800xi32, #tpu.memory_space<vmem>>
        %dma_start3A_162 = tpu.memref_slice %arg5[%mul3A_130] : memref<400000xi32, #tpu.memory_space<hbm>> -> memref<800xi32, #tpu.memory_space<hbm>>
        %dma_start3A_163 = tpu.memref_slice %arg10[%dma_start3A_158] : memref<2x!tpu.dma_semaphore, #tpu.memory_space<semaphore_mem>> -> memref<1x!tpu.dma_semaphore, #tpu.memory_space<semaphore_mem>>
        %dma_start3A_164 = tpu.memref_squeeze %dma_start3A_163 : memref<1x!tpu.dma_semaphore, #tpu.memory_space<semaphore_mem>> -> memref<!tpu.dma_semaphore, #tpu.memory_space<semaphore_mem>>
        %dma_start3A_165 = arith.constant 0 : i32
        %dma_start3A_166 = tpu.memref_slice %arg7[%dma_start3A_156, %dma_start3A_157, %dma_start3A_165] : memref<2x3x800xi32, #tpu.memory_space<vmem>> -> memref<1x1x800xi32, #tpu.memory_space<vmem>>
        %dma_start3A_167 = tpu.memref_squeeze %dma_start3A_166 : memref<1x1x800xi32, #tpu.memory_space<vmem>> -> memref<800xi32, #tpu.memory_space<vmem>>
        %dma_start3A_168 = tpu.memref_slice %arg5[%mul3A_130] : memref<400000xi32, #tpu.memory_space<hbm>> -> memref<800xi32, #tpu.memory_space<hbm>>
        tpu.enqueue_dma source(%dma_start3A_168 : memref<800xi32, #tpu.memory_space<hbm>>) target(%dma_start3A_167 : memref<800xi32, #tpu.memory_space<vmem>>) target_semaphore(%dma_start3A_164 : memref<!tpu.dma_semaphore, #tpu.memory_space<semaphore_mem>>)
      } else {
      }
      %add3A_83 = arith.constant 1 : i32
      %add3A_84 = arith.addi %mul3A_43, %add3A_83 : i32
      %add3A_85 = arith.constant 1 : i32
      %add3A_86 = arith.addi %add3A_84, %add3A_85 : i32
      %mul3A_87 = arith.constant 32 : i32
      %mul3A_88 = arith.muli %add3A_86, %mul3A_87 : i32
      %add3A_89 = arith.addi %add3A, %mul3A_88 : i32
      %lt3A_90 = arith.constant 500 : i32
      %lt3A_91 = arith.cmpi slt, %add3A_89, %lt3A_90 : i32
      %convert_element_type3A_92 = arith.extui %lt3A_91 : i1 to i32
      %cond3A_93 = arith.constant 0 : i32
      %cond3A_94 = arith.cmpi ne, %convert_element_type3A_92, %cond3A_93 : i32
      scf.if %cond3A_94 {
        %dma_wait3A = arith.constant 0 : i32
        %dma_wait3A_126 = arith.constant 0 : i32
        %dma_wait3A_127 = arith.constant 0 : i32
        %dma_wait3A_128 = arith.constant 0 : i32
        %dma_wait3A_129 = tpu.memref_slice %arg7[%dma_wait3A, %dma_wait3A_126, %dma_wait3A_128] : memref<2x3x800xi32, #tpu.memory_space<vmem>> -> memref<1x1x800xi32, #tpu.memory_space<vmem>>
        %dma_wait3A_130 = tpu.memref_squeeze %dma_wait3A_129 : memref<1x1x800xi32, #tpu.memory_space<vmem>> -> memref<800xi32, #tpu.memory_space<vmem>>
        %dma_wait3A_131 = arith.constant 0 : i32
        %dma_wait3A_132 = tpu.memref_slice %arg3[%dma_wait3A_131] : memref<400000xi32, #tpu.memory_space<hbm>> -> memref<800xi32, #tpu.memory_space<hbm>>
        %dma_wait3A_133 = tpu.memref_slice %arg10[%dma_wait3A_127] : memref<2x!tpu.dma_semaphore, #tpu.memory_space<semaphore_mem>> -> memref<1x!tpu.dma_semaphore, #tpu.memory_space<semaphore_mem>>
        %dma_wait3A_134 = tpu.memref_squeeze %dma_wait3A_133 : memref<1x!tpu.dma_semaphore, #tpu.memory_space<semaphore_mem>> -> memref<!tpu.dma_semaphore, #tpu.memory_space<semaphore_mem>>
        %dma_wait3A_135 = arith.constant 0 : i32
        %dma_wait3A_136 = tpu.memref_slice %arg7[%dma_wait3A, %dma_wait3A_126, %dma_wait3A_135] : memref<2x3x800xi32, #tpu.memory_space<vmem>> -> memref<1x1x800xi32, #tpu.memory_space<vmem>>
        %dma_wait3A_137 = tpu.memref_squeeze %dma_wait3A_136 : memref<1x1x800xi32, #tpu.memory_space<vmem>> -> memref<800xi32, #tpu.memory_space<vmem>>
        %dma_wait3A_138 = arith.constant 0 : i32
        %dma_wait3A_139 = tpu.memref_slice %arg3[%dma_wait3A_138] : memref<400000xi32, #tpu.memory_space<hbm>> -> memref<800xi32, #tpu.memory_space<hbm>>
        tpu.wait_dma2 semaphore(%dma_wait3A_134 : memref<!tpu.dma_semaphore, #tpu.memory_space<semaphore_mem>>) src(%dma_wait3A_139 : memref<800xi32, #tpu.memory_space<hbm>>) dst(%dma_wait3A_137 : memref<800xi32, #tpu.memory_space<vmem>>)
        %dma_wait3A_140 = arith.constant 0 : i32
        %dma_wait3A_141 = arith.constant 1 : i32
        %dma_wait3A_142 = arith.constant 0 : i32
        %dma_wait3A_143 = arith.constant 0 : i32
        %dma_wait3A_144 = tpu.memref_slice %arg7[%dma_wait3A_140, %dma_wait3A_141, %dma_wait3A_143] : memref<2x3x800xi32, #tpu.memory_space<vmem>> -> memref<1x1x800xi32, #tpu.memory_space<vmem>>
        %dma_wait3A_145 = tpu.memref_squeeze %dma_wait3A_144 : memref<1x1x800xi32, #tpu.memory_space<vmem>> -> memref<800xi32, #tpu.memory_space<vmem>>
        %dma_wait3A_146 = arith.constant 0 : i32
        %dma_wait3A_147 = tpu.memref_slice %arg4[%dma_wait3A_146] : memref<400000xi32, #tpu.memory_space<hbm>> -> memref<800xi32, #tpu.memory_space<hbm>>
        %dma_wait3A_148 = tpu.memref_slice %arg10[%dma_wait3A_142] : memref<2x!tpu.dma_semaphore, #tpu.memory_space<semaphore_mem>> -> memref<1x!tpu.dma_semaphore, #tpu.memory_space<semaphore_mem>>
        %dma_wait3A_149 = tpu.memref_squeeze %dma_wait3A_148 : memref<1x!tpu.dma_semaphore, #tpu.memory_space<semaphore_mem>> -> memref<!tpu.dma_semaphore, #tpu.memory_space<semaphore_mem>>
        %dma_wait3A_150 = arith.constant 0 : i32
        %dma_wait3A_151 = tpu.memref_slice %arg7[%dma_wait3A_140, %dma_wait3A_141, %dma_wait3A_150] : memref<2x3x800xi32, #tpu.memory_space<vmem>> -> memref<1x1x800xi32, #tpu.memory_space<vmem>>
        %dma_wait3A_152 = tpu.memref_squeeze %dma_wait3A_151 : memref<1x1x800xi32, #tpu.memory_space<vmem>> -> memref<800xi32, #tpu.memory_space<vmem>>
        %dma_wait3A_153 = arith.constant 0 : i32
        %dma_wait3A_154 = tpu.memref_slice %arg4[%dma_wait3A_153] : memref<400000xi32, #tpu.memory_space<hbm>> -> memref<800xi32, #tpu.memory_space<hbm>>
        tpu.wait_dma2 semaphore(%dma_wait3A_149 : memref<!tpu.dma_semaphore, #tpu.memory_space<semaphore_mem>>) src(%dma_wait3A_154 : memref<800xi32, #tpu.memory_space<hbm>>) dst(%dma_wait3A_152 : memref<800xi32, #tpu.memory_space<vmem>>)
        %dma_wait3A_155 = arith.constant 0 : i32
        %dma_wait3A_156 = arith.constant 2 : i32
        %dma_wait3A_157 = arith.constant 0 : i32
        %dma_wait3A_158 = arith.constant 0 : i32
        %dma_wait3A_159 = tpu.memref_slice %arg7[%dma_wait3A_155, %dma_wait3A_156, %dma_wait3A_158] : memref<2x3x800xi32, #tpu.memory_space<vmem>> -> memref<1x1x800xi32, #tpu.memory_space<vmem>>
        %dma_wait3A_160 = tpu.memref_squeeze %dma_wait3A_159 : memref<1x1x800xi32, #tpu.memory_space<vmem>> -> memref<800xi32, #tpu.memory_space<vmem>>
        %dma_wait3A_161 = arith.constant 0 : i32
        %dma_wait3A_162 = tpu.memref_slice %arg5[%dma_wait3A_161] : memref<400000xi32, #tpu.memory_space<hbm>> -> memref<800xi32, #tpu.memory_space<hbm>>
        %dma_wait3A_163 = tpu.memref_slice %arg10[%dma_wait3A_157] : memref<2x!tpu.dma_semaphore, #tpu.memory_space<semaphore_mem>> -> memref<1x!tpu.dma_semaphore, #tpu.memory_space<semaphore_mem>>
        %dma_wait3A_164 = tpu.memref_squeeze %dma_wait3A_163 : memref<1x!tpu.dma_semaphore, #tpu.memory_space<semaphore_mem>> -> memref<!tpu.dma_semaphore, #tpu.memory_space<semaphore_mem>>
        %dma_wait3A_165 = arith.constant 0 : i32
        %dma_wait3A_166 = tpu.memref_slice %arg7[%dma_wait3A_155, %dma_wait3A_156, %dma_wait3A_165] : memref<2x3x800xi32, #tpu.memory_space<vmem>> -> memref<1x1x800xi32, #tpu.memory_space<vmem>>
        %dma_wait3A_167 = tpu.memref_squeeze %dma_wait3A_166 : memref<1x1x800xi32, #tpu.memory_space<vmem>> -> memref<800xi32, #tpu.memory_space<vmem>>
        %dma_wait3A_168 = arith.constant 0 : i32
        %dma_wait3A_169 = tpu.memref_slice %arg5[%dma_wait3A_168] : memref<400000xi32, #tpu.memory_space<hbm>> -> memref<800xi32, #tpu.memory_space<hbm>>
        tpu.wait_dma2 semaphore(%dma_wait3A_164 : memref<!tpu.dma_semaphore, #tpu.memory_space<semaphore_mem>>) src(%dma_wait3A_169 : memref<800xi32, #tpu.memory_space<hbm>>) dst(%dma_wait3A_167 : memref<800xi32, #tpu.memory_space<vmem>>)
        %dma_start3A = arith.constant 0 : i32
        %dma_start3A_170 = arith.constant 0 : i32
        %dma_start3A_171 = arith.constant 0 : i32
        %dma_start3A_172 = arith.constant 0 : i32
        %dma_start3A_173 = arith.constant 0 : i32
        %dma_start3A_174 = arith.constant 0 : i32
        %dma_start3A_175 = arith.constant 0 : i32
        %dma_start3A_176 = tpu.memref_slice %arg8[%dma_start3A_171, %dma_start3A_172, %dma_start3A_174, %dma_start3A_175] : memref<2x3x800x8xf32, #tpu.memory_space<vmem>> -> memref<1x1x800x8xf32, #tpu.memory_space<vmem>>
        %dma_start3A_177 = tpu.memref_squeeze %dma_start3A_176 : memref<1x1x800x8xf32, #tpu.memory_space<vmem>> -> memref<800x8xf32, #tpu.memory_space<vmem>>
        %dma_start3A_178 = arith.constant 0 : i32
        %dma_start3A_179 = tpu.memref_slice %arg7[%dma_start3A, %dma_start3A_170, %dma_start3A_178] : memref<2x3x800xi32, #tpu.memory_space<vmem>> -> memref<1x1x800xi32, #tpu.memory_space<vmem>>
        %dma_start3A_180 = tpu.memref_squeeze %dma_start3A_179 : memref<1x1x800xi32, #tpu.memory_space<vmem>> -> memref<800xi32, #tpu.memory_space<vmem>>
        %dma_start3A_181 = arith.constant 0 : i32
        %dma_start3A_182 = arith.constant 0 : i32
        %dma_start3A_183 = tpu.memref_slice %arg2[%dma_start3A_181, %dma_start3A_182] : memref<200000x8xf32, #tpu.memory_space<hbm>> -> memref<200000x8xf32, #tpu.memory_space<hbm>>
        %dma_start3A_184 = tpu.memref_slice %arg11[%dma_start3A_173] : memref<2x!tpu.dma_semaphore, #tpu.memory_space<semaphore_mem>> -> memref<1x!tpu.dma_semaphore, #tpu.memory_space<semaphore_mem>>
        %dma_start3A_185 = tpu.memref_squeeze %dma_start3A_184 : memref<1x!tpu.dma_semaphore, #tpu.memory_space<semaphore_mem>> -> memref<!tpu.dma_semaphore, #tpu.memory_space<semaphore_mem>>
        tpu.enqueue_indirect_dma source(%dma_start3A_183 : memref<200000x8xf32, #tpu.memory_space<hbm>>) target(%dma_start3A_177 : memref<800x8xf32, #tpu.memory_space<vmem>>) offsets(%dma_start3A_180 : memref<800xi32, #tpu.memory_space<vmem>>) semaphore(%dma_start3A_185 : memref<!tpu.dma_semaphore, #tpu.memory_space<semaphore_mem>>)
        %dma_start3A_186 = arith.constant 0 : i32
        %dma_start3A_187 = arith.constant 1 : i32
        %dma_start3A_188 = arith.constant 0 : i32
        %dma_start3A_189 = arith.constant 1 : i32
        %dma_start3A_190 = arith.constant 0 : i32
        %dma_start3A_191 = arith.constant 0 : i32
        %dma_start3A_192 = arith.constant 0 : i32
        %dma_start3A_193 = tpu.memref_slice %arg8[%dma_start3A_188, %dma_start3A_189, %dma_start3A_191, %dma_start3A_192] : memref<2x3x800x8xf32, #tpu.memory_space<vmem>> -> memref<1x1x800x8xf32, #tpu.memory_space<vmem>>
        %dma_start3A_194 = tpu.memref_squeeze %dma_start3A_193 : memref<1x1x800x8xf32, #tpu.memory_space<vmem>> -> memref<800x8xf32, #tpu.memory_space<vmem>>
        %dma_start3A_195 = arith.constant 0 : i32
        %dma_start3A_196 = tpu.memref_slice %arg7[%dma_start3A_186, %dma_start3A_187, %dma_start3A_195] : memref<2x3x800xi32, #tpu.memory_space<vmem>> -> memref<1x1x800xi32, #tpu.memory_space<vmem>>
        %dma_start3A_197 = tpu.memref_squeeze %dma_start3A_196 : memref<1x1x800xi32, #tpu.memory_space<vmem>> -> memref<800xi32, #tpu.memory_space<vmem>>
        %dma_start3A_198 = arith.constant 0 : i32
        %dma_start3A_199 = arith.constant 0 : i32
        %dma_start3A_200 = tpu.memref_slice %arg2[%dma_start3A_198, %dma_start3A_199] : memref<200000x8xf32, #tpu.memory_space<hbm>> -> memref<200000x8xf32, #tpu.memory_space<hbm>>
        %dma_start3A_201 = tpu.memref_slice %arg11[%dma_start3A_190] : memref<2x!tpu.dma_semaphore, #tpu.memory_space<semaphore_mem>> -> memref<1x!tpu.dma_semaphore, #tpu.memory_space<semaphore_mem>>
        %dma_start3A_202 = tpu.memref_squeeze %dma_start3A_201 : memref<1x!tpu.dma_semaphore, #tpu.memory_space<semaphore_mem>> -> memref<!tpu.dma_semaphore, #tpu.memory_space<semaphore_mem>>
        tpu.enqueue_indirect_dma source(%dma_start3A_200 : memref<200000x8xf32, #tpu.memory_space<hbm>>) target(%dma_start3A_194 : memref<800x8xf32, #tpu.memory_space<vmem>>) offsets(%dma_start3A_197 : memref<800xi32, #tpu.memory_space<vmem>>) semaphore(%dma_start3A_202 : memref<!tpu.dma_semaphore, #tpu.memory_space<semaphore_mem>>)
        %dma_start3A_203 = arith.constant 0 : i32
        %dma_start3A_204 = arith.constant 2 : i32
        %dma_start3A_205 = arith.constant 0 : i32
        %dma_start3A_206 = arith.constant 2 : i32
        %dma_start3A_207 = arith.constant 0 : i32
        %dma_start3A_208 = arith.constant 0 : i32
        %dma_start3A_209 = arith.constant 0 : i32
        %dma_start3A_210 = tpu.memref_slice %arg8[%dma_start3A_205, %dma_start3A_206, %dma_start3A_208, %dma_start3A_209] : memref<2x3x800x8xf32, #tpu.memory_space<vmem>> -> memref<1x1x800x8xf32, #tpu.memory_space<vmem>>
        %dma_start3A_211 = tpu.memref_squeeze %dma_start3A_210 : memref<1x1x800x8xf32, #tpu.memory_space<vmem>> -> memref<800x8xf32, #tpu.memory_space<vmem>>
        %dma_start3A_212 = arith.constant 0 : i32
        %dma_start3A_213 = tpu.memref_slice %arg7[%dma_start3A_203, %dma_start3A_204, %dma_start3A_212] : memref<2x3x800xi32, #tpu.memory_space<vmem>> -> memref<1x1x800xi32, #tpu.memory_space<vmem>>
        %dma_start3A_214 = tpu.memref_squeeze %dma_start3A_213 : memref<1x1x800xi32, #tpu.memory_space<vmem>> -> memref<800xi32, #tpu.memory_space<vmem>>
        %dma_start3A_215 = arith.constant 0 : i32
        %dma_start3A_216 = arith.constant 0 : i32
        %dma_start3A_217 = tpu.memref_slice %arg2[%dma_start3A_215, %dma_start3A_216] : memref<200000x8xf32, #tpu.memory_space<hbm>> -> memref<200000x8xf32, #tpu.memory_space<hbm>>
        %dma_start3A_218 = tpu.memref_slice %arg11[%dma_start3A_207] : memref<2x!tpu.dma_semaphore, #tpu.memory_space<semaphore_mem>> -> memref<1x!tpu.dma_semaphore, #tpu.memory_space<semaphore_mem>>
        %dma_start3A_219 = tpu.memref_squeeze %dma_start3A_218 : memref<1x!tpu.dma_semaphore, #tpu.memory_space<semaphore_mem>> -> memref<!tpu.dma_semaphore, #tpu.memory_space<semaphore_mem>>
        tpu.enqueue_indirect_dma source(%dma_start3A_217 : memref<200000x8xf32, #tpu.memory_space<hbm>>) target(%dma_start3A_211 : memref<800x8xf32, #tpu.memory_space<vmem>>) offsets(%dma_start3A_214 : memref<800xi32, #tpu.memory_space<vmem>>) semaphore(%dma_start3A_219 : memref<!tpu.dma_semaphore, #tpu.memory_space<semaphore_mem>>)
      } else {
      }
      %sub3A_95 = arith.constant 2 : i32
      %sub3A_96 = arith.subi %add3A_84, %sub3A_95 : i32
      %ge3A_97 = arith.constant 0 : i32
      %ge3A_98 = arith.cmpi sge, %sub3A_96, %ge3A_97 : i32
      %mul3A_99 = arith.constant 32 : i32
      %mul3A_100 = arith.muli %sub3A_96, %mul3A_99 : i32
      %add3A_101 = arith.addi %add3A, %mul3A_100 : i32
      %lt3A_102 = arith.constant 500 : i32
      %lt3A_103 = arith.cmpi slt, %add3A_101, %lt3A_102 : i32
      %and3A_104 = arith.andi %ge3A_98, %lt3A_103 : i1
      %convert_element_type3A_105 = arith.extui %and3A_104 : i1 to i32
      %cond3A_106 = arith.constant 0 : i32
      %cond3A_107 = arith.cmpi ne, %convert_element_type3A_105, %cond3A_106 : i32
      scf.if %cond3A_107 {
        %dma_wait3A = arith.constant 1 : i32
        %dma_wait3A_126 = arith.constant 1 : i32
        %dma_wait3A_127 = arith.constant 0 : i32
        %dma_wait3A_128 = tpu.memref_slice %arg9[%dma_wait3A, %dma_wait3A_127] : memref<2x12800xf32, #tpu.memory_space<vmem>> -> memref<1x12800xf32, #tpu.memory_space<vmem>>
        %dma_wait3A_129 = tpu.memref_squeeze %dma_wait3A_128 : memref<1x12800xf32, #tpu.memory_space<vmem>> -> memref<12800xf32, #tpu.memory_space<vmem>>
        %dma_wait3A_130 = arith.constant 0 : i32
        %dma_wait3A_131 = tpu.memref_slice %arg6[%dma_wait3A_130] : memref<6400000xf32, #tpu.memory_space<hbm>> -> memref<12800xf32, #tpu.memory_space<hbm>>
        %dma_wait3A_132 = tpu.memref_slice %arg12[%dma_wait3A_126] : memref<2x!tpu.dma_semaphore, #tpu.memory_space<semaphore_mem>> -> memref<1x!tpu.dma_semaphore, #tpu.memory_space<semaphore_mem>>
        %dma_wait3A_133 = tpu.memref_squeeze %dma_wait3A_132 : memref<1x!tpu.dma_semaphore, #tpu.memory_space<semaphore_mem>> -> memref<!tpu.dma_semaphore, #tpu.memory_space<semaphore_mem>>
        %dma_wait3A_134 = arith.constant 0 : i32
        %dma_wait3A_135 = tpu.memref_slice %arg6[%dma_wait3A_134] : memref<6400000xf32, #tpu.memory_space<hbm>> -> memref<12800xf32, #tpu.memory_space<hbm>>
        %dma_wait3A_136 = arith.constant 0 : i32
        %dma_wait3A_137 = tpu.memref_slice %arg9[%dma_wait3A, %dma_wait3A_136] : memref<2x12800xf32, #tpu.memory_space<vmem>> -> memref<1x12800xf32, #tpu.memory_space<vmem>>
        %dma_wait3A_138 = tpu.memref_squeeze %dma_wait3A_137 : memref<1x12800xf32, #tpu.memory_space<vmem>> -> memref<12800xf32, #tpu.memory_space<vmem>>
        tpu.wait_dma2 semaphore(%dma_wait3A_133 : memref<!tpu.dma_semaphore, #tpu.memory_space<semaphore_mem>>) src(%dma_wait3A_138 : memref<12800xf32, #tpu.memory_space<vmem>>) dst(%dma_wait3A_135 : memref<12800xf32, #tpu.memory_space<hbm>>)
      } else {
      }
      %mul3A_108 = arith.constant 32 : i32
      %mul3A_109 = arith.muli %add3A_84, %mul3A_108 : i32
      %add3A_110 = arith.addi %add3A, %mul3A_109 : i32
      %lt3A_111 = arith.constant 500 : i32
      %lt3A_112 = arith.cmpi slt, %add3A_110, %lt3A_111 : i32
      %convert_element_type3A_113 = arith.extui %lt3A_112 : i1 to i32
      %cond3A_114 = arith.constant 0 : i32
      %cond3A_115 = arith.cmpi ne, %convert_element_type3A_113, %cond3A_114 : i32
      scf.if %cond3A_115 {
        %mul3A_126 = arith.constant 32 : i32
        %mul3A_127 = arith.muli %add3A_84, %mul3A_126 : i32
        %add3A_128 = arith.addi %add3A, %mul3A_127 : i32
        %mul3A_129 = arith.constant 800 : i32
        %mul3A_130 = arith.muli %add3A_128, %mul3A_129 : i32
        %dma_wait3A = arith.constant 1 : i32
        %dma_wait3A_131 = arith.constant 0 : i32
        %dma_wait3A_132 = arith.constant 1 : i32
        %dma_wait3A_133 = arith.constant 0 : i32
        %dma_wait3A_134 = arith.constant 1 : i32
        %dma_wait3A_135 = arith.constant 0 : i32
        %dma_wait3A_136 = arith.constant 0 : i32
        %dma_wait3A_137 = tpu.memref_slice %arg8[%dma_wait3A_132, %dma_wait3A_133, %dma_wait3A_135, %dma_wait3A_136] : memref<2x3x800x8xf32, #tpu.memory_space<vmem>> -> memref<1x1x800x8xf32, #tpu.memory_space<vmem>>
        %dma_wait3A_138 = tpu.memref_squeeze %dma_wait3A_137 : memref<1x1x800x8xf32, #tpu.memory_space<vmem>> -> memref<800x8xf32, #tpu.memory_space<vmem>>
        %dma_wait3A_139 = arith.constant 0 : i32
        %dma_wait3A_140 = tpu.memref_slice %arg7[%dma_wait3A, %dma_wait3A_131, %dma_wait3A_139] : memref<2x3x800xi32, #tpu.memory_space<vmem>> -> memref<1x1x800xi32, #tpu.memory_space<vmem>>
        %dma_wait3A_141 = tpu.memref_squeeze %dma_wait3A_140 : memref<1x1x800xi32, #tpu.memory_space<vmem>> -> memref<800xi32, #tpu.memory_space<vmem>>
        %dma_wait3A_142 = arith.constant 0 : i32
        %dma_wait3A_143 = arith.constant 0 : i32
        %dma_wait3A_144 = tpu.memref_slice %arg2[%dma_wait3A_142, %dma_wait3A_143] : memref<200000x8xf32, #tpu.memory_space<hbm>> -> memref<200000x8xf32, #tpu.memory_space<hbm>>
        %dma_wait3A_145 = tpu.memref_slice %arg11[%dma_wait3A_134] : memref<2x!tpu.dma_semaphore, #tpu.memory_space<semaphore_mem>> -> memref<1x!tpu.dma_semaphore, #tpu.memory_space<semaphore_mem>>
        %dma_wait3A_146 = tpu.memref_squeeze %dma_wait3A_145 : memref<1x!tpu.dma_semaphore, #tpu.memory_space<semaphore_mem>> -> memref<!tpu.dma_semaphore, #tpu.memory_space<semaphore_mem>>
        tpu.wait_indirect_dma semaphore(%dma_wait3A_146 : memref<!tpu.dma_semaphore, #tpu.memory_space<semaphore_mem>>) src(%dma_wait3A_144 : memref<200000x8xf32, #tpu.memory_space<hbm>>) dst(%dma_wait3A_138 : memref<800x8xf32, #tpu.memory_space<vmem>>)
        %dma_wait3A_147 = arith.constant 1 : i32
        %dma_wait3A_148 = arith.constant 1 : i32
        %dma_wait3A_149 = arith.constant 1 : i32
        %dma_wait3A_150 = arith.constant 1 : i32
        %dma_wait3A_151 = arith.constant 1 : i32
        %dma_wait3A_152 = arith.constant 0 : i32
        %dma_wait3A_153 = arith.constant 0 : i32
        %dma_wait3A_154 = tpu.memref_slice %arg8[%dma_wait3A_149, %dma_wait3A_150, %dma_wait3A_152, %dma_wait3A_153] : memref<2x3x800x8xf32, #tpu.memory_space<vmem>> -> memref<1x1x800x8xf32, #tpu.memory_space<vmem>>
        %dma_wait3A_155 = tpu.memref_squeeze %dma_wait3A_154 : memref<1x1x800x8xf32, #tpu.memory_space<vmem>> -> memref<800x8xf32, #tpu.memory_space<vmem>>
        %dma_wait3A_156 = arith.constant 0 : i32
        %dma_wait3A_157 = tpu.memref_slice %arg7[%dma_wait3A_147, %dma_wait3A_148, %dma_wait3A_156] : memref<2x3x800xi32, #tpu.memory_space<vmem>> -> memref<1x1x800xi32, #tpu.memory_space<vmem>>
        %dma_wait3A_158 = tpu.memref_squeeze %dma_wait3A_157 : memref<1x1x800xi32, #tpu.memory_space<vmem>> -> memref<800xi32, #tpu.memory_space<vmem>>
        %dma_wait3A_159 = arith.constant 0 : i32
        %dma_wait3A_160 = arith.constant 0 : i32
        %dma_wait3A_161 = tpu.memref_slice %arg2[%dma_wait3A_159, %dma_wait3A_160] : memref<200000x8xf32, #tpu.memory_space<hbm>> -> memref<200000x8xf32, #tpu.memory_space<hbm>>
        %dma_wait3A_162 = tpu.memref_slice %arg11[%dma_wait3A_151] : memref<2x!tpu.dma_semaphore, #tpu.memory_space<semaphore_mem>> -> memref<1x!tpu.dma_semaphore, #tpu.memory_space<semaphore_mem>>
        %dma_wait3A_163 = tpu.memref_squeeze %dma_wait3A_162 : memref<1x!tpu.dma_semaphore, #tpu.memory_space<semaphore_mem>> -> memref<!tpu.dma_semaphore, #tpu.memory_space<semaphore_mem>>
        tpu.wait_indirect_dma semaphore(%dma_wait3A_163 : memref<!tpu.dma_semaphore, #tpu.memory_space<semaphore_mem>>) src(%dma_wait3A_161 : memref<200000x8xf32, #tpu.memory_space<hbm>>) dst(%dma_wait3A_155 : memref<800x8xf32, #tpu.memory_space<vmem>>)
        %dma_wait3A_164 = arith.constant 1 : i32
        %dma_wait3A_165 = arith.constant 2 : i32
        %dma_wait3A_166 = arith.constant 1 : i32
        %dma_wait3A_167 = arith.constant 2 : i32
        %dma_wait3A_168 = arith.constant 1 : i32
        %dma_wait3A_169 = arith.constant 0 : i32
        %dma_wait3A_170 = arith.constant 0 : i32
        %dma_wait3A_171 = tpu.memref_slice %arg8[%dma_wait3A_166, %dma_wait3A_167, %dma_wait3A_169, %dma_wait3A_170] : memref<2x3x800x8xf32, #tpu.memory_space<vmem>> -> memref<1x1x800x8xf32, #tpu.memory_space<vmem>>
        %dma_wait3A_172 = tpu.memref_squeeze %dma_wait3A_171 : memref<1x1x800x8xf32, #tpu.memory_space<vmem>> -> memref<800x8xf32, #tpu.memory_space<vmem>>
        %dma_wait3A_173 = arith.constant 0 : i32
        %dma_wait3A_174 = tpu.memref_slice %arg7[%dma_wait3A_164, %dma_wait3A_165, %dma_wait3A_173] : memref<2x3x800xi32, #tpu.memory_space<vmem>> -> memref<1x1x800xi32, #tpu.memory_space<vmem>>
        %dma_wait3A_175 = tpu.memref_squeeze %dma_wait3A_174 : memref<1x1x800xi32, #tpu.memory_space<vmem>> -> memref<800xi32, #tpu.memory_space<vmem>>
        %dma_wait3A_176 = arith.constant 0 : i32
        %dma_wait3A_177 = arith.constant 0 : i32
        %dma_wait3A_178 = tpu.memref_slice %arg2[%dma_wait3A_176, %dma_wait3A_177] : memref<200000x8xf32, #tpu.memory_space<hbm>> -> memref<200000x8xf32, #tpu.memory_space<hbm>>
        %dma_wait3A_179 = tpu.memref_slice %arg11[%dma_wait3A_168] : memref<2x!tpu.dma_semaphore, #tpu.memory_space<semaphore_mem>> -> memref<1x!tpu.dma_semaphore, #tpu.memory_space<semaphore_mem>>
        %dma_wait3A_180 = tpu.memref_squeeze %dma_wait3A_179 : memref<1x!tpu.dma_semaphore, #tpu.memory_space<semaphore_mem>> -> memref<!tpu.dma_semaphore, #tpu.memory_space<semaphore_mem>>
        tpu.wait_indirect_dma semaphore(%dma_wait3A_180 : memref<!tpu.dma_semaphore, #tpu.memory_space<semaphore_mem>>) src(%dma_wait3A_178 : memref<200000x8xf32, #tpu.memory_space<hbm>>) dst(%dma_wait3A_172 : memref<800x8xf32, #tpu.memory_space<vmem>>)
        %mul3A_181 = arith.constant 16 : i32
        %mul3A_182 = vector.broadcast %mul3A_181 : i32 to vector<16xi32>
        %mul3A_183 = arith.muli %iota3A, %mul3A_182 : vector<16xi32>
        %scan3A_184 = arith.constant 0 : i32
        %scan3A_185 = arith.constant 0 : i32
        %scan3A_186 = arith.constant 50 : i32
        %scan3A_187 = arith.addi %scan3A_185, %scan3A_186 : i32
        %scan3A_188 = arith.constant 1 : i32
        scf.for %scan3A_203 = %scan3A_185 to %scan3A_187 step %scan3A_188  : i32 {
          %mul3A_204 = arith.constant 16 : i32
          %mul3A_205 = arith.muli %mul3A_204, %scan3A_203 : i32
          %add3A_206 = vector.broadcast %mul3A_205 : i32 to vector<16xi32>
          %add3A_207 = arith.addi %iota3A, %add3A_206 : vector<16xi32>
          %mul3A_208 = arith.constant 256 : i32
          %mul3A_209 = arith.muli %mul3A_208, %scan3A_203 : i32
          %add3A_210 = vector.broadcast %mul3A_209 : i32 to vector<16xi32>
          %add3A_211 = arith.addi %mul3A_183, %add3A_210 : vector<16xi32>
          %broadcast_in_dim3A = arith.constant 0 : i32
          %broadcast_in_dim3A_212 = vector.broadcast %broadcast_in_dim3A : i32 to vector<16xi32>
          %gather3A = arith.constant 1 : i32
          %gather3A_213 = arith.constant 0 : i32
          %gather3A_214 = arith.constant 0 : i32
          %gather3A_215 = arith.constant 0 : i32
          %gather3A_216 = tpu.memref_slice %arg8[%gather3A, %gather3A_213, %gather3A_214, %gather3A_215] : memref<2x3x800x8xf32, #tpu.memory_space<vmem>> -> memref<1x1x800x8xf32, #tpu.memory_space<vmem>>
          %gather3A_217 = tpu.memref_squeeze %gather3A_216 : memref<1x1x800x8xf32, #tpu.memory_space<vmem>> -> memref<800x8xf32, #tpu.memory_space<vmem>>
          %gather3A_218 = tpu.vector_load_idx %gather3A_217[%add3A_207, %broadcast_in_dim3A_212] : memref<800x8xf32, #tpu.memory_space<vmem>>[vector<16xi32>, vector<16xi32>], vector<16xf32>,
          %add3A_219 = arith.constant 0 : i32
          %add3A_220 = vector.broadcast %add3A_219 : i32 to vector<16xi32>
          %add3A_221 = arith.addi %add3A_211, %add3A_220 : vector<16xi32>
          %scatter3A = arith.constant 1 : i32
          %scatter3A_222 = arith.constant 0 : i32
          %scatter3A_223 = tpu.memref_slice %arg9[%scatter3A, %scatter3A_222] : memref<2x12800xf32, #tpu.memory_space<vmem>> -> memref<1x12800xf32, #tpu.memory_space<vmem>>
          %scatter3A_224 = tpu.memref_squeeze %scatter3A_223 : memref<1x12800xf32, #tpu.memory_space<vmem>> -> memref<12800xf32, #tpu.memory_space<vmem>>
          tpu.vector_store_idx %scatter3A_224[%add3A_221], %gather3A_218 : memref<12800xf32, #tpu.memory_space<vmem>>[vector<16xi32>], vector<16xf32>,
          %broadcast_in_dim3A_225 = arith.constant 1 : i32
          %broadcast_in_dim3A_226 = vector.broadcast %broadcast_in_dim3A_225 : i32 to vector<16xi32>
          %gather3A_227 = arith.constant 1 : i32
          %gather3A_228 = arith.constant 0 : i32
          %gather3A_229 = arith.constant 0 : i32
          %gather3A_230 = arith.constant 0 : i32
          %gather3A_231 = tpu.memref_slice %arg8[%gather3A_227, %gather3A_228, %gather3A_229, %gather3A_230] : memref<2x3x800x8xf32, #tpu.memory_space<vmem>> -> memref<1x1x800x8xf32, #tpu.memory_space<vmem>>
          %gather3A_232 = tpu.memref_squeeze %gather3A_231 : memref<1x1x800x8xf32, #tpu.memory_space<vmem>> -> memref<800x8xf32, #tpu.memory_space<vmem>>
          %gather3A_233 = tpu.vector_load_idx %gather3A_232[%add3A_207, %broadcast_in_dim3A_226] : memref<800x8xf32, #tpu.memory_space<vmem>>[vector<16xi32>, vector<16xi32>], vector<16xf32>,
          %add3A_234 = arith.constant 1 : i32
          %add3A_235 = vector.broadcast %add3A_234 : i32 to vector<16xi32>
          %add3A_236 = arith.addi %add3A_211, %add3A_235 : vector<16xi32>
          %scatter3A_237 = arith.constant 1 : i32
          %scatter3A_238 = arith.constant 0 : i32
          %scatter3A_239 = tpu.memref_slice %arg9[%scatter3A_237, %scatter3A_238] : memref<2x12800xf32, #tpu.memory_space<vmem>> -> memref<1x12800xf32, #tpu.memory_space<vmem>>
          %scatter3A_240 = tpu.memref_squeeze %scatter3A_239 : memref<1x12800xf32, #tpu.memory_space<vmem>> -> memref<12800xf32, #tpu.memory_space<vmem>>
          tpu.vector_store_idx %scatter3A_240[%add3A_236], %gather3A_233 : memref<12800xf32, #tpu.memory_space<vmem>>[vector<16xi32>], vector<16xf32>,
          %broadcast_in_dim3A_241 = arith.constant 2 : i32
          %broadcast_in_dim3A_242 = vector.broadcast %broadcast_in_dim3A_241 : i32 to vector<16xi32>
          %gather3A_243 = arith.constant 1 : i32
          %gather3A_244 = arith.constant 0 : i32
          %gather3A_245 = arith.constant 0 : i32
          %gather3A_246 = arith.constant 0 : i32
          %gather3A_247 = tpu.memref_slice %arg8[%gather3A_243, %gather3A_244, %gather3A_245, %gather3A_246] : memref<2x3x800x8xf32, #tpu.memory_space<vmem>> -> memref<1x1x800x8xf32, #tpu.memory_space<vmem>>
          %gather3A_248 = tpu.memref_squeeze %gather3A_247 : memref<1x1x800x8xf32, #tpu.memory_space<vmem>> -> memref<800x8xf32, #tpu.memory_space<vmem>>
          %gather3A_249 = tpu.vector_load_idx %gather3A_248[%add3A_207, %broadcast_in_dim3A_242] : memref<800x8xf32, #tpu.memory_space<vmem>>[vector<16xi32>, vector<16xi32>], vector<16xf32>,
          %add3A_250 = arith.constant 2 : i32
          %add3A_251 = vector.broadcast %add3A_250 : i32 to vector<16xi32>
          %add3A_252 = arith.addi %add3A_211, %add3A_251 : vector<16xi32>
          %scatter3A_253 = arith.constant 1 : i32
          %scatter3A_254 = arith.constant 0 : i32
          %scatter3A_255 = tpu.memref_slice %arg9[%scatter3A_253, %scatter3A_254] : memref<2x12800xf32, #tpu.memory_space<vmem>> -> memref<1x12800xf32, #tpu.memory_space<vmem>>
          %scatter3A_256 = tpu.memref_squeeze %scatter3A_255 : memref<1x12800xf32, #tpu.memory_space<vmem>> -> memref<12800xf32, #tpu.memory_space<vmem>>
          tpu.vector_store_idx %scatter3A_256[%add3A_252], %gather3A_249 : memref<12800xf32, #tpu.memory_space<vmem>>[vector<16xi32>], vector<16xf32>,
          %broadcast_in_dim3A_257 = arith.constant 0 : i32
          %broadcast_in_dim3A_258 = vector.broadcast %broadcast_in_dim3A_257 : i32 to vector<16xi32>
          %gather3A_259 = arith.constant 1 : i32
          %gather3A_260 = arith.constant 1 : i32
          %gather3A_261 = arith.constant 0 : i32
          %gather3A_262 = arith.constant 0 : i32
          %gather3A_263 = tpu.memref_slice %arg8[%gather3A_259, %gather3A_260, %gather3A_261, %gather3A_262] : memref<2x3x800x8xf32, #tpu.memory_space<vmem>> -> memref<1x1x800x8xf32, #tpu.memory_space<vmem>>
          %gather3A_264 = tpu.memref_squeeze %gather3A_263 : memref<1x1x800x8xf32, #tpu.memory_space<vmem>> -> memref<800x8xf32, #tpu.memory_space<vmem>>
          %gather3A_265 = tpu.vector_load_idx %gather3A_264[%add3A_207, %broadcast_in_dim3A_258] : memref<800x8xf32, #tpu.memory_space<vmem>>[vector<16xi32>, vector<16xi32>], vector<16xf32>,
          %add3A_266 = arith.constant 4 : i32
          %add3A_267 = vector.broadcast %add3A_266 : i32 to vector<16xi32>
          %add3A_268 = arith.addi %add3A_211, %add3A_267 : vector<16xi32>
          %scatter3A_269 = arith.constant 1 : i32
          %scatter3A_270 = arith.constant 0 : i32
          %scatter3A_271 = tpu.memref_slice %arg9[%scatter3A_269, %scatter3A_270] : memref<2x12800xf32, #tpu.memory_space<vmem>> -> memref<1x12800xf32, #tpu.memory_space<vmem>>
          %scatter3A_272 = tpu.memref_squeeze %scatter3A_271 : memref<1x12800xf32, #tpu.memory_space<vmem>> -> memref<12800xf32, #tpu.memory_space<vmem>>
          tpu.vector_store_idx %scatter3A_272[%add3A_268], %gather3A_265 : memref<12800xf32, #tpu.memory_space<vmem>>[vector<16xi32>], vector<16xf32>,
          %broadcast_in_dim3A_273 = arith.constant 1 : i32
          %broadcast_in_dim3A_274 = vector.broadcast %broadcast_in_dim3A_273 : i32 to vector<16xi32>
          %gather3A_275 = arith.constant 1 : i32
          %gather3A_276 = arith.constant 1 : i32
          %gather3A_277 = arith.constant 0 : i32
          %gather3A_278 = arith.constant 0 : i32
          %gather3A_279 = tpu.memref_slice %arg8[%gather3A_275, %gather3A_276, %gather3A_277, %gather3A_278] : memref<2x3x800x8xf32, #tpu.memory_space<vmem>> -> memref<1x1x800x8xf32, #tpu.memory_space<vmem>>
          %gather3A_280 = tpu.memref_squeeze %gather3A_279 : memref<1x1x800x8xf32, #tpu.memory_space<vmem>> -> memref<800x8xf32, #tpu.memory_space<vmem>>
          %gather3A_281 = tpu.vector_load_idx %gather3A_280[%add3A_207, %broadcast_in_dim3A_274] : memref<800x8xf32, #tpu.memory_space<vmem>>[vector<16xi32>, vector<16xi32>], vector<16xf32>,
          %add3A_282 = arith.constant 5 : i32
          %add3A_283 = vector.broadcast %add3A_282 : i32 to vector<16xi32>
          %add3A_284 = arith.addi %add3A_211, %add3A_283 : vector<16xi32>
          %scatter3A_285 = arith.constant 1 : i32
          %scatter3A_286 = arith.constant 0 : i32
          %scatter3A_287 = tpu.memref_slice %arg9[%scatter3A_285, %scatter3A_286] : memref<2x12800xf32, #tpu.memory_space<vmem>> -> memref<1x12800xf32, #tpu.memory_space<vmem>>
          %scatter3A_288 = tpu.memref_squeeze %scatter3A_287 : memref<1x12800xf32, #tpu.memory_space<vmem>> -> memref<12800xf32, #tpu.memory_space<vmem>>
          tpu.vector_store_idx %scatter3A_288[%add3A_284], %gather3A_281 : memref<12800xf32, #tpu.memory_space<vmem>>[vector<16xi32>], vector<16xf32>,
          %broadcast_in_dim3A_289 = arith.constant 2 : i32
          %broadcast_in_dim3A_290 = vector.broadcast %broadcast_in_dim3A_289 : i32 to vector<16xi32>
          %gather3A_291 = arith.constant 1 : i32
          %gather3A_292 = arith.constant 1 : i32
          %gather3A_293 = arith.constant 0 : i32
          %gather3A_294 = arith.constant 0 : i32
          %gather3A_295 = tpu.memref_slice %arg8[%gather3A_291, %gather3A_292, %gather3A_293, %gather3A_294] : memref<2x3x800x8xf32, #tpu.memory_space<vmem>> -> memref<1x1x800x8xf32, #tpu.memory_space<vmem>>
          %gather3A_296 = tpu.memref_squeeze %gather3A_295 : memref<1x1x800x8xf32, #tpu.memory_space<vmem>> -> memref<800x8xf32, #tpu.memory_space<vmem>>
          %gather3A_297 = tpu.vector_load_idx %gather3A_296[%add3A_207, %broadcast_in_dim3A_290] : memref<800x8xf32, #tpu.memory_space<vmem>>[vector<16xi32>, vector<16xi32>], vector<16xf32>,
          %add3A_298 = arith.constant 6 : i32
          %add3A_299 = vector.broadcast %add3A_298 : i32 to vector<16xi32>
          %add3A_300 = arith.addi %add3A_211, %add3A_299 : vector<16xi32>
          %scatter3A_301 = arith.constant 1 : i32
          %scatter3A_302 = arith.constant 0 : i32
          %scatter3A_303 = tpu.memref_slice %arg9[%scatter3A_301, %scatter3A_302] : memref<2x12800xf32, #tpu.memory_space<vmem>> -> memref<1x12800xf32, #tpu.memory_space<vmem>>
          %scatter3A_304 = tpu.memref_squeeze %scatter3A_303 : memref<1x12800xf32, #tpu.memory_space<vmem>> -> memref<12800xf32, #tpu.memory_space<vmem>>
          tpu.vector_store_idx %scatter3A_304[%add3A_300], %gather3A_297 : memref<12800xf32, #tpu.memory_space<vmem>>[vector<16xi32>], vector<16xf32>,
          %broadcast_in_dim3A_305 = arith.constant 0 : i32
          %broadcast_in_dim3A_306 = vector.broadcast %broadcast_in_dim3A_305 : i32 to vector<16xi32>
          %gather3A_307 = arith.constant 1 : i32
          %gather3A_308 = arith.constant 2 : i32
          %gather3A_309 = arith.constant 0 : i32
          %gather3A_310 = arith.constant 0 : i32
          %gather3A_311 = tpu.memref_slice %arg8[%gather3A_307, %gather3A_308, %gather3A_309, %gather3A_310] : memref<2x3x800x8xf32, #tpu.memory_space<vmem>> -> memref<1x1x800x8xf32, #tpu.memory_space<vmem>>
          %gather3A_312 = tpu.memref_squeeze %gather3A_311 : memref<1x1x800x8xf32, #tpu.memory_space<vmem>> -> memref<800x8xf32, #tpu.memory_space<vmem>>
          %gather3A_313 = tpu.vector_load_idx %gather3A_312[%add3A_207, %broadcast_in_dim3A_306] : memref<800x8xf32, #tpu.memory_space<vmem>>[vector<16xi32>, vector<16xi32>], vector<16xf32>,
          %add3A_314 = arith.constant 8 : i32
          %add3A_315 = vector.broadcast %add3A_314 : i32 to vector<16xi32>
          %add3A_316 = arith.addi %add3A_211, %add3A_315 : vector<16xi32>
          %scatter3A_317 = arith.constant 1 : i32
          %scatter3A_318 = arith.constant 0 : i32
          %scatter3A_319 = tpu.memref_slice %arg9[%scatter3A_317, %scatter3A_318] : memref<2x12800xf32, #tpu.memory_space<vmem>> -> memref<1x12800xf32, #tpu.memory_space<vmem>>
          %scatter3A_320 = tpu.memref_squeeze %scatter3A_319 : memref<1x12800xf32, #tpu.memory_space<vmem>> -> memref<12800xf32, #tpu.memory_space<vmem>>
          tpu.vector_store_idx %scatter3A_320[%add3A_316], %gather3A_313 : memref<12800xf32, #tpu.memory_space<vmem>>[vector<16xi32>], vector<16xf32>,
          %broadcast_in_dim3A_321 = arith.constant 1 : i32
          %broadcast_in_dim3A_322 = vector.broadcast %broadcast_in_dim3A_321 : i32 to vector<16xi32>
          %gather3A_323 = arith.constant 1 : i32
          %gather3A_324 = arith.constant 2 : i32
          %gather3A_325 = arith.constant 0 : i32
          %gather3A_326 = arith.constant 0 : i32
          %gather3A_327 = tpu.memref_slice %arg8[%gather3A_323, %gather3A_324, %gather3A_325, %gather3A_326] : memref<2x3x800x8xf32, #tpu.memory_space<vmem>> -> memref<1x1x800x8xf32, #tpu.memory_space<vmem>>
          %gather3A_328 = tpu.memref_squeeze %gather3A_327 : memref<1x1x800x8xf32, #tpu.memory_space<vmem>> -> memref<800x8xf32, #tpu.memory_space<vmem>>
          %gather3A_329 = tpu.vector_load_idx %gather3A_328[%add3A_207, %broadcast_in_dim3A_322] : memref<800x8xf32, #tpu.memory_space<vmem>>[vector<16xi32>, vector<16xi32>], vector<16xf32>,
          %add3A_330 = arith.constant 9 : i32
          %add3A_331 = vector.broadcast %add3A_330 : i32 to vector<16xi32>
          %add3A_332 = arith.addi %add3A_211, %add3A_331 : vector<16xi32>
          %scatter3A_333 = arith.constant 1 : i32
          %scatter3A_334 = arith.constant 0 : i32
          %scatter3A_335 = tpu.memref_slice %arg9[%scatter3A_333, %scatter3A_334] : memref<2x12800xf32, #tpu.memory_space<vmem>> -> memref<1x12800xf32, #tpu.memory_space<vmem>>
          %scatter3A_336 = tpu.memref_squeeze %scatter3A_335 : memref<1x12800xf32, #tpu.memory_space<vmem>> -> memref<12800xf32, #tpu.memory_space<vmem>>
          tpu.vector_store_idx %scatter3A_336[%add3A_332], %gather3A_329 : memref<12800xf32, #tpu.memory_space<vmem>>[vector<16xi32>], vector<16xf32>,
          %broadcast_in_dim3A_337 = arith.constant 2 : i32
          %broadcast_in_dim3A_338 = vector.broadcast %broadcast_in_dim3A_337 : i32 to vector<16xi32>
          %gather3A_339 = arith.constant 1 : i32
          %gather3A_340 = arith.constant 2 : i32
          %gather3A_341 = arith.constant 0 : i32
          %gather3A_342 = arith.constant 0 : i32
          %gather3A_343 = tpu.memref_slice %arg8[%gather3A_339, %gather3A_340, %gather3A_341, %gather3A_342] : memref<2x3x800x8xf32, #tpu.memory_space<vmem>> -> memref<1x1x800x8xf32, #tpu.memory_space<vmem>>
          %gather3A_344 = tpu.memref_squeeze %gather3A_343 : memref<1x1x800x8xf32, #tpu.memory_space<vmem>> -> memref<800x8xf32, #tpu.memory_space<vmem>>
          %gather3A_345 = tpu.vector_load_idx %gather3A_344[%add3A_207, %broadcast_in_dim3A_338] : memref<800x8xf32, #tpu.memory_space<vmem>>[vector<16xi32>, vector<16xi32>], vector<16xf32>,
          %add3A_346 = arith.constant 10 : i32
          %add3A_347 = vector.broadcast %add3A_346 : i32 to vector<16xi32>
          %add3A_348 = arith.addi %add3A_211, %add3A_347 : vector<16xi32>
          %scatter3A_349 = arith.constant 1 : i32
          %scatter3A_350 = arith.constant 0 : i32
          %scatter3A_351 = tpu.memref_slice %arg9[%scatter3A_349, %scatter3A_350] : memref<2x12800xf32, #tpu.memory_space<vmem>> -> memref<1x12800xf32, #tpu.memory_space<vmem>>
          %scatter3A_352 = tpu.memref_squeeze %scatter3A_351 : memref<1x12800xf32, #tpu.memory_space<vmem>> -> memref<12800xf32, #tpu.memory_space<vmem>>
          tpu.vector_store_idx %scatter3A_352[%add3A_348], %gather3A_345 : memref<12800xf32, #tpu.memory_space<vmem>>[vector<16xi32>], vector<16xf32>,
        }
        %scan3A_189 = arith.constant 50 : i32
        %mul3A_190 = arith.constant 16 : i32
        %mul3A_191 = arith.muli %mul3A_130, %mul3A_190 : i32
        %dma_start3A = arith.constant 1 : i32
        %dma_start3A_192 = arith.constant 1 : i32
        %dma_start3A_193 = arith.constant 0 : i32
        %dma_start3A_194 = tpu.memref_slice %arg9[%dma_start3A, %dma_start3A_193] : memref<2x12800xf32, #tpu.memory_space<vmem>> -> memref<1x12800xf32, #tpu.memory_space<vmem>>
        %dma_start3A_195 = tpu.memref_squeeze %dma_start3A_194 : memref<1x12800xf32, #tpu.memory_space<vmem>> -> memref<12800xf32, #tpu.memory_space<vmem>>
        %dma_start3A_196 = tpu.memref_slice %arg6[%mul3A_191] : memref<6400000xf32, #tpu.memory_space<hbm>> -> memref<12800xf32, #tpu.memory_space<hbm>>
        %dma_start3A_197 = tpu.memref_slice %arg12[%dma_start3A_192] : memref<2x!tpu.dma_semaphore, #tpu.memory_space<semaphore_mem>> -> memref<1x!tpu.dma_semaphore, #tpu.memory_space<semaphore_mem>>
        %dma_start3A_198 = tpu.memref_squeeze %dma_start3A_197 : memref<1x!tpu.dma_semaphore, #tpu.memory_space<semaphore_mem>> -> memref<!tpu.dma_semaphore, #tpu.memory_space<semaphore_mem>>
        %dma_start3A_199 = tpu.memref_slice %arg6[%mul3A_191] : memref<6400000xf32, #tpu.memory_space<hbm>> -> memref<12800xf32, #tpu.memory_space<hbm>>
        %dma_start3A_200 = arith.constant 0 : i32
        %dma_start3A_201 = tpu.memref_slice %arg9[%dma_start3A, %dma_start3A_200] : memref<2x12800xf32, #tpu.memory_space<vmem>> -> memref<1x12800xf32, #tpu.memory_space<vmem>>
        %dma_start3A_202 = tpu.memref_squeeze %dma_start3A_201 : memref<1x12800xf32, #tpu.memory_space<vmem>> -> memref<12800xf32, #tpu.memory_space<vmem>>
        tpu.enqueue_dma source(%dma_start3A_202 : memref<12800xf32, #tpu.memory_space<vmem>>) target(%dma_start3A_199 : memref<12800xf32, #tpu.memory_space<hbm>>) target_semaphore(%dma_start3A_198 : memref<!tpu.dma_semaphore, #tpu.memory_space<semaphore_mem>>)
      } else {
      }
      %add3A_116 = arith.constant 2 : i32
      %add3A_117 = arith.addi %add3A_84, %add3A_116 : i32
      %mul3A_118 = arith.constant 32 : i32
      %mul3A_119 = arith.muli %add3A_117, %mul3A_118 : i32
      %add3A_120 = arith.addi %add3A, %mul3A_119 : i32
      %lt3A_121 = arith.constant 500 : i32
      %lt3A_122 = arith.cmpi slt, %add3A_120, %lt3A_121 : i32
      %convert_element_type3A_123 = arith.extui %lt3A_122 : i1 to i32
      %cond3A_124 = arith.constant 0 : i32
      %cond3A_125 = arith.cmpi ne, %convert_element_type3A_123, %cond3A_124 : i32
      scf.if %cond3A_125 {
        %mul3A_126 = arith.constant 32 : i32
        %mul3A_127 = arith.muli %add3A_117, %mul3A_126 : i32
        %add3A_128 = arith.addi %add3A, %mul3A_127 : i32
        %mul3A_129 = arith.constant 800 : i32
        %mul3A_130 = arith.muli %add3A_128, %mul3A_129 : i32
        %dma_start3A = arith.constant 1 : i32
        %dma_start3A_131 = arith.constant 0 : i32
        %dma_start3A_132 = arith.constant 1 : i32
        %dma_start3A_133 = arith.constant 0 : i32
        %dma_start3A_134 = tpu.memref_slice %arg7[%dma_start3A, %dma_start3A_131, %dma_start3A_133] : memref<2x3x800xi32, #tpu.memory_space<vmem>> -> memref<1x1x800xi32, #tpu.memory_space<vmem>>
        %dma_start3A_135 = tpu.memref_squeeze %dma_start3A_134 : memref<1x1x800xi32, #tpu.memory_space<vmem>> -> memref<800xi32, #tpu.memory_space<vmem>>
        %dma_start3A_136 = tpu.memref_slice %arg3[%mul3A_130] : memref<400000xi32, #tpu.memory_space<hbm>> -> memref<800xi32, #tpu.memory_space<hbm>>
        %dma_start3A_137 = tpu.memref_slice %arg10[%dma_start3A_132] : memref<2x!tpu.dma_semaphore, #tpu.memory_space<semaphore_mem>> -> memref<1x!tpu.dma_semaphore, #tpu.memory_space<semaphore_mem>>
        %dma_start3A_138 = tpu.memref_squeeze %dma_start3A_137 : memref<1x!tpu.dma_semaphore, #tpu.memory_space<semaphore_mem>> -> memref<!tpu.dma_semaphore, #tpu.memory_space<semaphore_mem>>
        %dma_start3A_139 = arith.constant 0 : i32
        %dma_start3A_140 = tpu.memref_slice %arg7[%dma_start3A, %dma_start3A_131, %dma_start3A_139] : memref<2x3x800xi32, #tpu.memory_space<vmem>> -> memref<1x1x800xi32, #tpu.memory_space<vmem>>
        %dma_start3A_141 = tpu.memref_squeeze %dma_start3A_140 : memref<1x1x800xi32, #tpu.memory_space<vmem>> -> memref<800xi32, #tpu.memory_space<vmem>>
        %dma_start3A_142 = tpu.memref_slice %arg3[%mul3A_130] : memref<400000xi32, #tpu.memory_space<hbm>> -> memref<800xi32, #tpu.memory_space<hbm>>
        tpu.enqueue_dma source(%dma_start3A_142 : memref<800xi32, #tpu.memory_space<hbm>>) target(%dma_start3A_141 : memref<800xi32, #tpu.memory_space<vmem>>) target_semaphore(%dma_start3A_138 : memref<!tpu.dma_semaphore, #tpu.memory_space<semaphore_mem>>)
        %dma_start3A_143 = arith.constant 1 : i32
        %dma_start3A_144 = arith.constant 1 : i32
        %dma_start3A_145 = arith.constant 1 : i32
        %dma_start3A_146 = arith.constant 0 : i32
        %dma_start3A_147 = tpu.memref_slice %arg7[%dma_start3A_143, %dma_start3A_144, %dma_start3A_146] : memref<2x3x800xi32, #tpu.memory_space<vmem>> -> memref<1x1x800xi32, #tpu.memory_space<vmem>>
        %dma_start3A_148 = tpu.memref_squeeze %dma_start3A_147 : memref<1x1x800xi32, #tpu.memory_space<vmem>> -> memref<800xi32, #tpu.memory_space<vmem>>
        %dma_start3A_149 = tpu.memref_slice %arg4[%mul3A_130] : memref<400000xi32, #tpu.memory_space<hbm>> -> memref<800xi32, #tpu.memory_space<hbm>>
        %dma_start3A_150 = tpu.memref_slice %arg10[%dma_start3A_145] : memref<2x!tpu.dma_semaphore, #tpu.memory_space<semaphore_mem>> -> memref<1x!tpu.dma_semaphore, #tpu.memory_space<semaphore_mem>>
        %dma_start3A_151 = tpu.memref_squeeze %dma_start3A_150 : memref<1x!tpu.dma_semaphore, #tpu.memory_space<semaphore_mem>> -> memref<!tpu.dma_semaphore, #tpu.memory_space<semaphore_mem>>
        %dma_start3A_152 = arith.constant 0 : i32
        %dma_start3A_153 = tpu.memref_slice %arg7[%dma_start3A_143, %dma_start3A_144, %dma_start3A_152] : memref<2x3x800xi32, #tpu.memory_space<vmem>> -> memref<1x1x800xi32, #tpu.memory_space<vmem>>
        %dma_start3A_154 = tpu.memref_squeeze %dma_start3A_153 : memref<1x1x800xi32, #tpu.memory_space<vmem>> -> memref<800xi32, #tpu.memory_space<vmem>>
        %dma_start3A_155 = tpu.memref_slice %arg4[%mul3A_130] : memref<400000xi32, #tpu.memory_space<hbm>> -> memref<800xi32, #tpu.memory_space<hbm>>
        tpu.enqueue_dma source(%dma_start3A_155 : memref<800xi32, #tpu.memory_space<hbm>>) target(%dma_start3A_154 : memref<800xi32, #tpu.memory_space<vmem>>) target_semaphore(%dma_start3A_151 : memref<!tpu.dma_semaphore, #tpu.memory_space<semaphore_mem>>)
        %dma_start3A_156 = arith.constant 1 : i32
        %dma_start3A_157 = arith.constant 2 : i32
        %dma_start3A_158 = arith.constant 1 : i32
        %dma_start3A_159 = arith.constant 0 : i32
        %dma_start3A_160 = tpu.memref_slice %arg7[%dma_start3A_156, %dma_start3A_157, %dma_start3A_159] : memref<2x3x800xi32, #tpu.memory_space<vmem>> -> memref<1x1x800xi32, #tpu.memory_space<vmem>>
        %dma_start3A_161 = tpu.memref_squeeze %dma_start3A_160 : memref<1x1x800xi32, #tpu.memory_space<vmem>> -> memref<800xi32, #tpu.memory_space<vmem>>
        %dma_start3A_162 = tpu.memref_slice %arg5[%mul3A_130] : memref<400000xi32, #tpu.memory_space<hbm>> -> memref<800xi32, #tpu.memory_space<hbm>>
        %dma_start3A_163 = tpu.memref_slice %arg10[%dma_start3A_158] : memref<2x!tpu.dma_semaphore, #tpu.memory_space<semaphore_mem>> -> memref<1x!tpu.dma_semaphore, #tpu.memory_space<semaphore_mem>>
        %dma_start3A_164 = tpu.memref_squeeze %dma_start3A_163 : memref<1x!tpu.dma_semaphore, #tpu.memory_space<semaphore_mem>> -> memref<!tpu.dma_semaphore, #tpu.memory_space<semaphore_mem>>
        %dma_start3A_165 = arith.constant 0 : i32
        %dma_start3A_166 = tpu.memref_slice %arg7[%dma_start3A_156, %dma_start3A_157, %dma_start3A_165] : memref<2x3x800xi32, #tpu.memory_space<vmem>> -> memref<1x1x800xi32, #tpu.memory_space<vmem>>
        %dma_start3A_167 = tpu.memref_squeeze %dma_start3A_166 : memref<1x1x800xi32, #tpu.memory_space<vmem>> -> memref<800xi32, #tpu.memory_space<vmem>>
        %dma_start3A_168 = tpu.memref_slice %arg5[%mul3A_130] : memref<400000xi32, #tpu.memory_space<hbm>> -> memref<800xi32, #tpu.memory_space<hbm>>
        tpu.enqueue_dma source(%dma_start3A_168 : memref<800xi32, #tpu.memory_space<hbm>>) target(%dma_start3A_167 : memref<800xi32, #tpu.memory_space<vmem>>) target_semaphore(%dma_start3A_164 : memref<!tpu.dma_semaphore, #tpu.memory_space<semaphore_mem>>)
      } else {
      }
    }
    %scan3A_23 = arith.constant 8 : i32
    %add3A_24 = arith.constant 448 : i32
    %add3A_25 = arith.addi %add3A, %add3A_24 : i32
    %lt3A_26 = arith.constant 500 : i32
    %lt3A_27 = arith.cmpi slt, %add3A_25, %lt3A_26 : i32
    %and3A = arith.constant true
    %and3A_28 = arith.andi %and3A, %lt3A_27 : i1
    %convert_element_type3A_29 = arith.extui %and3A_28 : i1 to i32
    %cond3A_30 = arith.constant 0 : i32
    %cond3A_31 = arith.cmpi ne, %convert_element_type3A_29, %cond3A_30 : i32
    scf.if %cond3A_31 {
      %dma_wait3A = arith.constant 0 : i32
      %dma_wait3A_41 = arith.constant 0 : i32
      %dma_wait3A_42 = arith.constant 0 : i32
      %dma_wait3A_43 = tpu.memref_slice %arg9[%dma_wait3A, %dma_wait3A_42] : memref<2x12800xf32, #tpu.memory_space<vmem>> -> memref<1x12800xf32, #tpu.memory_space<vmem>>
      %dma_wait3A_44 = tpu.memref_squeeze %dma_wait3A_43 : memref<1x12800xf32, #tpu.memory_space<vmem>> -> memref<12800xf32, #tpu.memory_space<vmem>>
      %dma_wait3A_45 = arith.constant 0 : i32
      %dma_wait3A_46 = tpu.memref_slice %arg6[%dma_wait3A_45] : memref<6400000xf32, #tpu.memory_space<hbm>> -> memref<12800xf32, #tpu.memory_space<hbm>>
      %dma_wait3A_47 = tpu.memref_slice %arg12[%dma_wait3A_41] : memref<2x!tpu.dma_semaphore, #tpu.memory_space<semaphore_mem>> -> memref<1x!tpu.dma_semaphore, #tpu.memory_space<semaphore_mem>>
      %dma_wait3A_48 = tpu.memref_squeeze %dma_wait3A_47 : memref<1x!tpu.dma_semaphore, #tpu.memory_space<semaphore_mem>> -> memref<!tpu.dma_semaphore, #tpu.memory_space<semaphore_mem>>
      %dma_wait3A_49 = arith.constant 0 : i32
      %dma_wait3A_50 = tpu.memref_slice %arg6[%dma_wait3A_49] : memref<6400000xf32, #tpu.memory_space<hbm>> -> memref<12800xf32, #tpu.memory_space<hbm>>
      %dma_wait3A_51 = arith.constant 0 : i32
      %dma_wait3A_52 = tpu.memref_slice %arg9[%dma_wait3A, %dma_wait3A_51] : memref<2x12800xf32, #tpu.memory_space<vmem>> -> memref<1x12800xf32, #tpu.memory_space<vmem>>
      %dma_wait3A_53 = tpu.memref_squeeze %dma_wait3A_52 : memref<1x12800xf32, #tpu.memory_space<vmem>> -> memref<12800xf32, #tpu.memory_space<vmem>>
      tpu.wait_dma2 semaphore(%dma_wait3A_48 : memref<!tpu.dma_semaphore, #tpu.memory_space<semaphore_mem>>) src(%dma_wait3A_53 : memref<12800xf32, #tpu.memory_space<vmem>>) dst(%dma_wait3A_50 : memref<12800xf32, #tpu.memory_space<hbm>>)
    } else {
    }
    %add3A_32 = arith.constant 480 : i32
    %add3A_33 = arith.addi %add3A, %add3A_32 : i32
    %lt3A_34 = arith.constant 500 : i32
    %lt3A_35 = arith.cmpi slt, %add3A_33, %lt3A_34 : i32
    %and3A_36 = arith.constant true
    %and3A_37 = arith.andi %and3A_36, %lt3A_35 : i1
    %convert_element_type3A_38 = arith.extui %and3A_37 : i1 to i32
    %cond3A_39 = arith.constant 0 : i32
    %cond3A_40 = arith.cmpi ne, %convert_element_type3A_38, %cond3A_39 : i32
    scf.if %cond3A_40 {
      %dma_wait3A = arith.constant 1 : i32
      %dma_wait3A_41 = arith.constant 1 : i32
      %dma_wait3A_42 = arith.constant 0 : i32
      %dma_wait3A_43 = tpu.memref_slice %arg9[%dma_wait3A, %dma_wait3A_42] : memref<2x12800xf32, #tpu.memory_space<vmem>> -> memref<1x12800xf32, #tpu.memory_space<vmem>>
      %dma_wait3A_44 = tpu.memref_squeeze %dma_wait3A_43 : memref<1x12800xf32, #tpu.memory_space<vmem>> -> memref<12800xf32, #tpu.memory_space<vmem>>
      %dma_wait3A_45 = arith.constant 0 : i32
      %dma_wait3A_46 = tpu.memref_slice %arg6[%dma_wait3A_45] : memref<6400000xf32, #tpu.memory_space<hbm>> -> memref<12800xf32, #tpu.memory_space<hbm>>
      %dma_wait3A_47 = tpu.memref_slice %arg12[%dma_wait3A_41] : memref<2x!tpu.dma_semaphore, #tpu.memory_space<semaphore_mem>> -> memref<1x!tpu.dma_semaphore, #tpu.memory_space<semaphore_mem>>
      %dma_wait3A_48 = tpu.memref_squeeze %dma_wait3A_47 : memref<1x!tpu.dma_semaphore, #tpu.memory_space<semaphore_mem>> -> memref<!tpu.dma_semaphore, #tpu.memory_space<semaphore_mem>>
      %dma_wait3A_49 = arith.constant 0 : i32
      %dma_wait3A_50 = tpu.memref_slice %arg6[%dma_wait3A_49] : memref<6400000xf32, #tpu.memory_space<hbm>> -> memref<12800xf32, #tpu.memory_space<hbm>>
      %dma_wait3A_51 = arith.constant 0 : i32
      %dma_wait3A_52 = tpu.memref_slice %arg9[%dma_wait3A, %dma_wait3A_51] : memref<2x12800xf32, #tpu.memory_space<vmem>> -> memref<1x12800xf32, #tpu.memory_space<vmem>>
      %dma_wait3A_53 = tpu.memref_squeeze %dma_wait3A_52 : memref<1x12800xf32, #tpu.memory_space<vmem>> -> memref<12800xf32, #tpu.memory_space<vmem>>
      tpu.wait_dma2 semaphore(%dma_wait3A_48 : memref<!tpu.dma_semaphore, #tpu.memory_space<semaphore_mem>>) src(%dma_wait3A_53 : memref<12800xf32, #tpu.memory_space<vmem>>) dst(%dma_wait3A_50 : memref<12800xf32, #tpu.memory_space<hbm>>)
    } else {
    }
    return
  }
}

</mosaic_0001>

<sc_bundles>
// kernel: kernel.11.cloned.1.call-start
scs
__scs_entry_jumppad:
0x0: {  	(pc) =	sbr.rel $0x88, $3  }
0x1: {  	(tag) =	ssettag $0x0;
	lr =	simm.s32 $0x1  }
0x2: {  	[smem:$0x3F9D] =	sst lr;
	_ =	strace $0xD0000000  }
0x3: {  	_ = 	snop  }
0x4: {  	_ = 	snop  }
0x5: {  	_ = 	snop  }
0x6: {  	_ = 	snop  }
0x7: {  	_ = 	snop  }
__scs_overlays_trampoline_lowered:
0x8: {  	[smem:$0x3FAC] =	sst s0  }
0x9: {  	[smem:$0x3FAD] =	sst s1  }
0xa: {  	[smem:$0x3FAE] =	sst s2  }
0xb: {  	[smem:$0x3FAF] =	sst s3  }
0xc: {  	[smem:$0x3FB0] =	sst s4  }
0xd: {  	[smem:$0x3FB1] =	sst s5  }
0xe: {  	[smem:$0x3FB2] =	sst s6  }
0xf: {  	[smem:$0x3FB3] =	sst s7  }
0x10: {  	[smem:$0x3FB4] =	sst s8  }
0x11: {  	[smem:$0x3FB5] =	sst s9;
	s0 =	simm.s32 @!p0 $0x0  }
0x12: {  	s1 =	sld [smem:$0x3F9B];
	s0 =	simm.s32 @p0 $0x1  }
0x13: {  	[smem:$0x3FB6] =	sst s0;
	s0 =	simm.s32 @!p1 $0x0  }
0x14: {  	s2 =	sld [smem:$0x3F9A];
	s0 =	simm.s32 @p1 $0x1  }
0x15: {  	[smem:$0x3FB7] =	sst s0;
	s0 =	simm.s32 @!p2 $0x0  }
0x16: {  	s3 =	sld [smem:$0x3FDB];
	s0 =	simm.s32 @p2 $0x1  }
0x17: {  	s4 =	simm.s32 $0x1BF5;
	[smem:$0x3FB9] =	sst s0  }
0x18: {  	s0 =	sld [smem:$0x3F9C];
	_ =	swait.ge [sflag:s4], $0x0  }
0x19: {  	s7 =	sld [smem:$0x3F9D]  }
0x1a: {  	s8 =	sadd.s32 $0xFFFFE003, lr  }
0x1b: {  	s9 =	sadd.s32 $0xFFFFFEF7, lr;
	s5 =	simm.s32 $0xFFFFFFFF;
	p2 =	slt.u32 s8, $0xFFFFF086  }
0x1c: {  	p1 =	slt.u32 s9, $0xF7A;
	s5 =	simm.s32 @!p2 $0x0  }
0x1d: {  	s5 =	simm.s32 @p1 $0x1;
	p0 =	seq.s32 s7, s2  }
0x1e: {  	s7 =	smul.u32 @!p0 $0xF7A, s2;
	p2 =	seq.s32 @!p0 s5, $0x0  }
0x1f: {  	s9 =	smul.u32 $0xF7A, s1;
	s8 =	simm.s32 @!p0 $0x1BF5;
	p2 =	por !p2, p0  }
0x20: {  	[sflag:s8] =	ssyncset.s32 @!p0 $0xFFFFF086;
	s6 =	sadd.s32 @!p0 s3, s7;
	s7 =	simm.s32 @!p0 $0x108  }
0x21: {  	s3 =	sadd.s32 s3, s9;
	s6 =	sadd.s32 @!p0 $0x88, s6;
	s7 =	simm.s32 @p2 $0x1082  }
0x22: {  	[simem:s7], [sflag:s8] =	dma.local @!p0 [hbm:s6], $0xF7A  }
0x23: {  	s9 =	sor.u32 $0xD0000000, s2;
	s6 =	simm.s32 $0x108;
	_ =	swait.ge @!p0 [sflag:s8], $0x0  }
0x24: {  	s3 =	sadd.s32 $0x88, s3;
	s6 =	simm.s32 @!p1 $0x1082;
	[sflag:s4] =	ssyncset.s32 $0xFFFFF086  }
0x25: {  	[simem:s6], [sflag:s4] =	dma.local [hbm:s3], $0xF7A  }
0x26: {  	[smem:$0x3F9D] =	sst s1;
	(tag) =	ssettag s2;
	_ =	strace s9  }
0x27: {  	s1 =	sld [smem:$0x3FAD]  }
0x28: {  	s2 =	sld [smem:$0x3FAE]  }
0x29: {  	s4 =	sld [smem:$0x3FB0]  }
0x2a: {  	p0 =	seq.s32 s5, $0x0;
	s5 =	sld [smem:$0x3FB1]  }
0x2b: {  	s6 =	sld [smem:$0x3FB2]  }
0x2c: {  	s7 =	sld [smem:$0x3FB3]  }
0x2d: {  	s3 =	simm.s32 $0x108;
	s8 =	sld [smem:$0x3FB4]  }
0x2e: {  	s3 =	simm.s32 @!p0 $0x1082;
	s9 =	sld [smem:$0x3FB5]  }
0x2f: {  	lr =	sadd.s32 s0, s3;
	s0 =	sld [smem:$0x3FAC]  }
0x30: {  	s3 =	sld [smem:$0x3FAF]  }
0x31: {  	[smem:$0x3FB8] =	sst s10  }
0x32: {  	s10 =	sld [smem:$0x3FB6];
	_ =	sdelay $0x3  }
0x33: {  	p0 =	seq.s32 s10, $0x1;
	s10 =	sld [smem:$0x3FB8];
	_ =	sdelay $0x3  }
0x34: {  	[smem:$0x3FB8] =	sst s10  }
0x35: {  	s10 =	sld [smem:$0x3FB7];
	_ =	sdelay $0x3  }
0x36: {  	p1 =	seq.s32 s10, $0x1;
	s10 =	sld [smem:$0x3FB8];
	_ =	sdelay $0x3  }
0x37: {  	[smem:$0x3FB8] =	sst s10  }
0x38: {  	s10 =	sld [smem:$0x3FB9]  }
0x39: {  	_ = 	snop;
	(pc) =	sbr.ind lr, $3  }
0x3a: {  	_ = 	snop  }
0x3b: {  	_ = 	snop  }
0x3c: {  	p2 =	seq.s32 s10, $0x1;
	s10 =	sld [smem:$0x3FB8]  }
0x3d: {  	_ =	shalt  }
0x3e: {  	_ =	shalt  }
0x3f: {  	_ =	shalt  }
0x40: {  	_ =	shalt  }
0x41: {  	_ =	shalt  }
0x42: {  	_ =	shalt  }
0x43: {  	_ =	shalt  }
0x44: {  	_ =	shalt  }
0x45: {  	_ =	shalt  }
0x46: {  	_ =	shalt  }
0x47: {  	_ =	shalt  }
0x48: {  	_ =	shalt  }
0x49: {  	_ =	shalt  }
0x4a: {  	_ =	shalt  }
0x4b: {  	_ =	shalt  }
0x4c: {  	_ =	shalt  }
0x4d: {  	_ =	shalt  }
0x4e: {  	_ =	shalt  }
0x4f: {  	_ =	shalt  }
0x50: {  	_ =	shalt  }
0x51: {  	_ =	shalt  }
0x52: {  	_ =	shalt  }
0x53: {  	_ =	shalt  }
0x54: {  	_ =	shalt  }
0x55: {  	_ =	shalt  }
0x56: {  	_ =	shalt  }
0x57: {  	_ =	shalt  }
0x58: {  	_ =	shalt  }
0x59: {  	_ =	shalt  }
0x5a: {  	_ =	shalt  }
0x5b: {  	_ =	shalt  }
0x5c: {  	_ =	shalt  }
0x5d: {  	_ =	shalt  }
0x5e: {  	_ =	shalt  }
0x5f: {  	_ =	shalt  }
0x60: {  	_ =	shalt  }
0x61: {  	_ =	shalt  }
0x62: {  	_ =	shalt  }
0x63: {  	_ =	shalt  }
0x64: {  	_ =	shalt  }
0x65: {  	_ =	shalt  }
0x66: {  	_ =	shalt  }
0x67: {  	_ =	shalt  }
0x68: {  	_ =	shalt  }
0x69: {  	_ =	shalt  }
0x6a: {  	_ =	shalt  }
0x6b: {  	_ =	shalt  }
0x6c: {  	_ =	shalt  }
0x6d: {  	_ =	shalt  }
0x6e: {  	_ =	shalt  }
0x6f: {  	_ =	shalt  }
0x70: {  	_ =	shalt  }
0x71: {  	_ =	shalt  }
0x72: {  	_ =	shalt  }
0x73: {  	_ =	shalt  }
0x74: {  	_ =	shalt  }
0x75: {  	_ =	shalt  }
0x76: {  	_ =	shalt  }
0x77: {  	_ =	shalt  }
0x78: {  	_ =	shalt  }
0x79: {  	_ =	shalt  }
0x7a: {  	_ =	shalt  }
0x7b: {  	_ =	shalt  }
0x7c: {  	_ =	shalt  }
0x7d: {  	_ =	shalt  }
0x7e: {  	_ =	shalt  }
0x7f: {  	_ =	shalt  }
0x80: {  	_ =	shalt  }
0x81: {  	_ =	shalt  }
0x82: {  	_ =	shalt  }
0x83: {  	_ =	shalt  }
0x84: {  	_ =	shalt  }
0x85: {  	_ =	shalt  }
0x86: {  	_ =	shalt  }
0x87: {  	_ =	shalt  }
.Lfunc_end0:
.L_simem_size_0:
called_computation.2_lowered:
.L_overlay_start_0:
0x88: {  	s2 =	sld [smem:$0x3FD9]  }
0x89: {  	s3 =	sld [smem:$0x3FFE];
	_ =	sdelay $0x1  }
0x8a: {  	s1 =	srdreg.scid  }
0x8b: {  	s0 =	sand.u32 $0x1, s1  }
0x8c: {  	s17 =	sshll.u32 s0, $0xA;
	s2 =	sadd.s32 s3, s2  }
0x8d: {  	s2 =	sadd.s32 s2, s17  }
0x8e: {  	[smem:$0x3FC4] =	sst s2  }
0x8f: {  	_ = 	snop  }
0x90: {  	s2 =	sld [smem:$0x3FC7]  }
0x91: {  	s18 =	sld [smem:$0x3FC6];
	(tm) =	ssettm $0x1  }
0x92: {  	s4 =	sld [smem:$0x3FFB];
	_ =	sdelay $0x3  }
0x93: {  	_ =	strace s4  }
0x94: {  	s4 =	sld [smem:$0x3FFC];
	_ =	sdelay $0x3  }
0x95: {  	_ =	strace s4  }
0x96: {  	s4 =	sld [smem:$0x3FFD];
	_ =	sdelay $0x3  }
0x97: {  	_ =	strace s4  }
0x98: {  	_ =	strace $0x8FFFFFFF  }
0x99: {  	s19 =	sld [smem:$0x3FDB];
	_ =	sdelay $0x1  }
0x9a: {  	s5 =	simm.s32 $_scs_section_size  }
0x9b: {  	s6 =	simm.s32 $_size__tile_overlayer_lowered;
	s7 =	simm.s32 $_tile_overlayer_lowered  }
0x9c: {  	s22 =	simm.s32 $0x1BFF;
	s21 =	sshll.u32 s7, $0x1;
	s4 =	sadd.s32 s5, s19  }
0x9d: {  	s8 =	simm.s32 $0x0;
	s20 =	sshll.u32 s6, $0x1;
	s6 =	sadd.s32 s21, s4  }
0x9e: {  	[timem:s8], [sflag:s22] =	dma.local [hbm:s6], s20  }
0x9f: {  	_ =	swait.ge [sflag:s22], s20  }
0xa0: {  	s5 =	ssub.s32 $0x0, s20;
	[sflag:s22] =	ssyncset.done $0x0  }
0xa1: {  	[sflag:s22] =	ssyncadd.s32 s5;
	_ =	sdelay $0x1  }
0xa2: {  	s23 =	simm.s32 $0x1B8B  }
0xa3: {  	_ =	swait.ge [sflag:s23], $0x1  }
0xa4: {  	[sflag:s23] =	ssyncset.done $0x0  }
0xa5: {  	s25 =	simm.s32 $0x1B8E;
	s24 =	sld [smem:$0x3FFE];
	[sflag:s23] =	ssyncadd.s32 $0xFFFFFFFF  }
0xa6: {  	s26 =	simm.s32 $execute0_lowered;
	[smem:$0x3FD2] =	sst s25  }
0xa7: {  	s6 =	sshll.u32 s26, $0x1;
	_ =	strace $0x8000004C;
	[dreg:$0x1] =	wrdreg $0xFFFFFFFF  }
0xa8: {  	s28 =	simm.s32 $_size_execute0_lowered;
	s4 =	sadd.s32 s4, s6;
	[dreg:$0x0] =	wrdreg $0x0  }
0xa9: {  	s6 =	sshll.u32 s28, $0x1;
	[dreg:$0x2] =	wrdreg s4  }
0xaa: {  	[dreg:$0x3] =	wrdreg s6  }
0xab: {  	[dreg:$0x4] =	wrdreg $0xC0  }
0xac: {  	_ =	task [dreg:s8], $0x5FFFF  }
0xad: {  	[dreg:$0x1] =	wrdreg $0xFFFFFFFF  }
0xae: {  	[dreg:$0x0] =	wrdreg $0x60  }
0xaf: {  	[dreg:$0x2] =	wrdreg s24  }
0xb0: {  	[dreg:$0x3] =	wrdreg s2  }
0xb1: {  	[dreg:$0x4] =	wrdreg s18  }
0xb2: {  	[dreg:$0x5] =	wrdreg $0x9  }
0xb3: {  	_ =	task.clear_ibuf [dreg:s8], $0x6FFFF;
	_ =	strace $0x9000004C  }
0xb4: {  	s29 =	simm.s32 $0x9;
	_ =	strace $0x8000004E  }
0xb5: {  	_ =	swait.ge [sflag:s29], $0x1  }
0xb6: {  	[sflag:s29] =	ssyncadd.s32 $0xFFFFFFFF  }
0xb7: {  	_ =	strace $0x9000004E  }
0xb8: {  	_ =	sfence  }
0xb9: {  	s30 =	sld [smem:$0x0];
	_ =	sdelay $0x2  }
0xba: {  	s31 =	sshll.u32 s1, $0xD;
	s1 =	sshrl.u32 s1, $0x2  }
0xbb: {  	s3 =	sand.u32 $0x4000, s31;
	s1 =	sadd.s32 s1, s30  }
0xbc: {  	s0 =	sor.u32 s3, s0;
	s1 =	sshll.u32 s1, $0x11  }
0xbd: {  	s0 =	sor.u32 s1, s0  }
0xbe: {  	s0 =	sadd.s32 $0x8F2B, s0  }
0xbf: {  	[sflag:s0] =	ssyncadd.remote.s32 $0x1  }
0xc0: {  	_ =	sfence.sel $0xFFFF  }
0xc1: {  	[dreg:$0x0] =	wrdreg $0xFFFFFFFF;
	(pc) =	sbr.abs _section_cstart, $3  }
0xc2: {  	[dreg:$0x1] =	wrdreg $0xFFFFFFFF  }
0xc3: {  	_ =	task.clear_ibuf [dreg:s8], $0x2FFFF;
	_ =	strace $0x9FFFFFFF  }
0xc4: {  	(tm) =	ssettm $0x7FFFFFFF  }
0xc5: {  	_ =	shalt  }
tec
execute0_lowered:
.L_overlay_start_1:
0x0: {  	(tag) =	ssettag $0x1  }
0x1: {  	s0 =	rddreg [dreg:$0x0]  }
0x2: {  	s1 =	rddreg [dreg:$0x1]  }
0x3: {  	s2 =	rddreg [dreg:$0x2]  }
0x4: {  	s4 =	simm.s32 $0x0;
	s3 =	srdreg.scid;
	s9 =	stileid.u32  }
0x5: {  	s20 =	simm.s32 $0x800;
	s23 =	simm.s32 $0x1000;
	s28 =	simm.s32 $0x5  }
0x6: {  	s18 =	simm.s32 $0x0;
	[smem:$0x7FF] =	sst s4;
	s3 =	sand.u32 $0x1, s3  }
0x7: {  	s5 =	sadd.s32 $0x37800, s0;
	s8 =	sshll.u32 s9, $0x10;
	s6 =	sadd.s32 $0xFAE00, s0  }
0x8: {  	s24 =	sshrl.u32 s9, $0x2;
	s0 =	simm.s32 $0x2;
	_ =	strace $0x8000004D  }
0x9: {  	s7 =	sshll.u32 s3, $0xF;
	s11 =	sand.u32 $0xC0000, s8;
	s3 =	ssub.s32 $0x2, s3  }
0xa: {  	s7 =	sor.u32 s7, s8;
	s8 =	smul.u32 $0xC0000, s24;
	s12 =	sshrl.u32 s3, $0x1  }
0xb: {  	s25 =	sshrl.u32 s7, $0x9;
	s10 =	sor.u32 $0x800, s7;
	s13 =	sshrl.u32 s7, $0x3  }
0xc: {  	s3 =	ssub.s32 s3, s12;
	s16 =	sor.u32 $0x1000, s7;
	s17 =	sor.u32 $0x1800, s7  }
0xd: {  	s9 =	sand.u32 $0x1C0, s25;
	s11 =	ssub.s32 s10, s11;
	s26 =	sadd.s32 s1, s13  }
0xe: {  	s10 =	sshrl.u32 s10, $0x3;
	s13 =	sshll.u32 s24, $0x12;
	s14 =	sadd.s32 $0x40000, s8  }
0xf: {  	s15 =	sadd.s32 $0x80000, s8;
	s31 =	smax.u32 s3, $0x1;
	s24 =	simm.s32 $0x4  }
0x10: {  	s25 =	simm.s32 $0x9000;
	s9 =	smul.u32 $0x600, s9;
	s11 =	sshrl.u32 s11, $0x9  }
0x11: {  	s3 =	simm.s32 $0x6;
	[dreg:$0x4] =	wrdreg s26;
	s11 =	smul.u32 $0x600, s11  }
.Ltmp0:
0x12: {  	s29 =	sadd.s32 s1, s10;
	s9 =	sadd.s32 s8, s9;
	(pc) =	sbr.rel .LBB2_1-.Ltmp0, $4  }
0x13: {  	[dreg:$0x8] =	wrdreg s31;
	s9 =	sshrl.u32 s9, $0x3;
	s11 =	sadd.s32 s8, s11  }
0x14: {  	[dreg:$0x6] =	wrdreg s29;
	s9 =	sadd.s32 s2, s9;
	s30 =	sshrl.u32 s11, $0x3  }
0x15: {  	v0 =	vlaneseq.u32;
	s26 =	simm.s32 $0x1;
	[dreg:$0x5] =	wrdreg s9;
	s9 =	sadd.s32 s2, s30  }
0x16: {  	v0 =	vmul.u32 $0x10, v0;
	s10 =	simm.s32 $0x16800;
	[dreg:$0x7] =	wrdreg s9;
	s9 =	simm.s32 $0x16000  }
.LBB2_8:
0x17: {  	s11 =	simm.s32 $0x7  }
0x18: {  	_ =	swait.ge [sflag:s11], $0x800  }
0x19: {  	[sflag:s11] =	ssyncset.done $0x0  }
0x1a: {  	[sflag:s11] =	ssyncadd.s32 $0xFFFFF800  }
0x1b: {  	_ =	swait.ge [sflag:s11], $0x800  }
0x1c: {  	[sflag:s11] =	ssyncset.done $0x0  }
0x1d: {  	[sflag:s11] =	ssyncadd.s32 $0xFFFFF800  }
0x1e: {  	_ =	swait.ge [sflag:s11], $0x800  }
0x1f: {  	[sflag:s11] =	ssyncset.done $0x0  }
0x20: {  	s12 =	simm.s32 $0x8;
	[sflag:s11] =	ssyncadd.s32 $0xFFFFF800  }
0x21: {  	_ =	swait.ge [sflag:s12], $0x800  }
0x22: {  	[sflag:s12] =	ssyncset.done $0x0  }
0x23: {  	[sflag:s12] =	ssyncadd.s32 $0xFFFFF800  }
0x24: {  	_ =	swait.ge [sflag:s12], $0x800  }
0x25: {  	[sflag:s12] =	ssyncset.done $0x0  }
0x26: {  	[sflag:s12] =	ssyncadd.s32 $0xFFFFF800  }
0x27: {  	_ =	swait.ge [sflag:s12], $0x800  }
0x28: {  	s18 =	rddreg [dreg:$0x9]  }
0x29: {  	s31 =	rddreg [dreg:$0x8];
	s18 =	sadd.s32 $0x1, s18  }
0x2a: {  	p0 =	sne.s32 s18, s31  }
.Ltmp1:
0x2b: {  	_ = 	snop;
	(pc) =	sbr.rel @!p0 .LBB2_9-.Ltmp1, $3  }
0x2c: {  	_ =	sdelay $0x1  }
0x2d: {  	[sflag:s12] =	ssyncset.done $0x0  }
0x2e: {  	[sflag:s12] =	ssyncadd.s32 $0xFFFFF800  }
.LBB2_1:
0x2f: {  	[dreg:$0x9] =	wrdreg s18  }
0x30: {  	s11 =	rddreg [dreg:$0x4]  }
0x31: {  	[tilespmem:s4], [sflag:$0x3] =	stream.linear.gather [hbm4b:s11+s4], $0x800, $0x38;
	[tilespmem:$0x17000] =	vst v63  }
0x32: {  	s21 =	rddreg [dreg:$0x5];
	s12 =	simm.s32 $0x11000  }
0x33: {  	[tilespmem:s12], [sflag:$0x5] =	stream.linear.gather [hbm4b:s21+s4], $0x1800, $0x38;
	[tilespmem:$0x17000] =	vst v63  }
0x34: {  	s22 =	rddreg [dreg:$0x6]  }
0x35: {  	[tilespmem:s20], [sflag:$0x4] =	stream.linear.gather [hbm4b:s22+s4], $0x800, $0x38;
	[tilespmem:$0x17000] =	vst v63  }
0x36: {  	s29 =	rddreg [dreg:$0x7];
	s30 =	simm.s32 $0x12800;
	s31 =	simm.s32 $0x3  }
0x37: {  	[tilespmem:s30], [sflag:$0x6] =	stream.linear.gather [hbm4b:s29+s4], $0x1800, $0x38;
	[tilespmem:$0x17000] =	vst v63  }
0x38: {  	_ =	swait.ge [sflag:s31], $0x800  }
0x39: {  	[sflag:s31] =	ssyncset.done $0x0  }
0x3a: {  	s22 =	simm.s32 $0x0;
	[sflag:s31] =	ssyncadd.s32 $0xFFFFF800  }
0x3b: {  	[tilespmem:s23], [sflag:$0x1] =	stream.indirect.gather [hbm4b:s5+s20], $0x10, s4, s20, $0xb8;
	[tilespmem:$0x17000] =	vst v63  }
.LBB2_2:
0x3c: {  	_ =	swait.ge [sflag:s24], $0x800  }
0x3d: {  	[sflag:s24] =	ssyncset.done $0x0  }
0x3e: {  	[sflag:s24] =	ssyncadd.s32 $0xFFFFF800  }
0x3f: {  	[tilespmem:s25], [sflag:$0x2] =	stream.indirect.gather [hbm4b:s5+s20], $0x10, s20, s20, $0xb8;
	[tilespmem:$0x17000] =	vst v63  }
0x40: {  	_ =	swait.ge [sflag:s26], $0x8000  }
0x41: {  	[sflag:s26] =	ssyncset.done $0x0  }
0x42: {  	[sflag:s26] =	ssyncadd.s32 $0xFFFF8000  }
0x43: {  	_ =	swait.ge [sflag:s28], $0x1800  }
0x44: {  	p0 =	seq.s32 s22, $0x0;
	[sflag:s28] =	ssyncset.done $0x0  }
0x45: {  	s11 =	simm.s32 @!p0 $0x7;
	[sflag:s28] =	ssyncadd.s32 $0xFFFFE800  }
0x46: {  	s12 =	simm.s32 $0x0;
	_ =	swait.ge @!p0 [sflag:s11], $0x800  }
0x47: {  	v1 =	vmov s12;
	[sflag:s11] =	ssyncset.done @!p0 $0x0  }
0x48: {  	v1 =	vshll.u32 v1, $0x4;
	[sflag:s11] =	ssyncadd.s32 @!p0 $0xFFFFF800  }
0x49: {  	v1 =	vor.u32 v0, v1;
	_ =	swait.ge @!p0 [sflag:s11], $0x800  }
0x4a: {  	v2 =	vor.u32 $0x4, v1;
	[sflag:s11] =	ssyncset.done @!p0 $0x0  }
0x4b: {  	[sflag:s11] =	ssyncadd.s32 @!p0 $0xFFFFF800  }
0x4c: {  	s18 =	simm.s32 $0x0;
	_ =	swait.ge @!p0 [sflag:s11], $0x800  }
0x4d: {  	s18 =	sand.u32 $0x3FFFFC00, s18;
	[sflag:s11] =	ssyncset.done @!p0 $0x0  }
0x4e: {  	s30 =	sadd.s32 $0x0, s18;
	v3 =	vor.u32 $0x8, v1;
	[sflag:s11] =	ssyncadd.s32 @!p0 $0xFFFFF800  }
0x4f: {  	s21 =	sadd.s32 $0x11000, s30;
	v2 =	vld.idx.msk [tilespmem:v2+s23+$0x0], $0xffff  }
0x50: {  	v4 =	vld [tilespmem:s21+$0x200]  }
0x51: {  	v5 =	vld.idx.msk [tilespmem:v1+s23+$0x0], $0xffff  }
0x52: {  	v6 =	vld [tilespmem:s30+$0x11000]  }
0x53: {  	v3 =	vld.idx.msk [tilespmem:v3+s23+$0x0], $0xffff  }
0x54: {  	v7 =	vld [tilespmem:s21+$0x400];
	_ =	sdelay $0x2  }
0x55: {  	v2 =	vmul.f32 v2, v4;
	v5 =	vmul.f32 v5, v6;
	_ =	sdelay $0x1  }
0x56: {  	v3 =	vmul.f32 v3, v7;
	v2 =	vadd.f32 v2, v5;
	v5 =	vor.u32 $0x1, v1  }
0x57: {  	v8 =	vor.u32 $0x5, v1  }
0x58: {  	v2 =	vadd.f32 v3, v2  }
0x59: {  	s18 =	simm.s32 $0x0;
	v3 =	vor.u32 $0x9, v1  }
0x5a: {  	[tilespmem:s18+$0x14000] =	vst v2  }
0x5b: {  	v2 =	vld.idx.msk [tilespmem:v5+s23+$0x0], $0xffff  }
0x5c: {  	v5 =	vld.idx.msk [tilespmem:v8+s23+$0x0], $0xffff;
	_ =	sdelay $0x1  }
0x5d: {  	v3 =	vld.idx.msk [tilespmem:v3+s23+$0x0], $0xffff;
	_ =	sdelay $0x2  }
0x5e: {  	v2 =	vmul.f32 v2, v6;
	v5 =	vmul.f32 v5, v4;
	_ =	sdelay $0x1  }
0x5f: {  	v2 =	vadd.f32 v5, v2;
	v3 =	vmul.f32 v3, v7;
	v5 =	vor.u32 $0x2, v1  }
0x60: {  	v8 =	vor.u32 $0x6, v1  }
0x61: {  	v2 =	vadd.f32 v3, v2  }
0x62: {  	v1 =	vor.u32 $0xA, v1  }
0x63: {  	[tilespmem:s18+$0x14800] =	vst v2  }
0x64: {  	v2 =	vld.idx.msk [tilespmem:v5+s23+$0x0], $0xffff  }
0x65: {  	v3 =	vld.idx.msk [tilespmem:v8+s23+$0x0], $0xffff;
	_ =	sdelay $0x1  }
0x66: {  	v1 =	vld.idx.msk [tilespmem:v1+s23+$0x0], $0xffff;
	_ =	sdelay $0x2  }
0x67: {  	v2 =	vmul.f32 v2, v6;
	v3 =	vmul.f32 v3, v4  }
0x68: {  	s31 =	simm.s32 $0x10  }
0x69: {  	v4 =	vmov s31;
	v1 =	vmul.f32 v1, v7;
	v2 =	vadd.f32 v3, v2  }
0x6a: {  	v3 =	vshll.u32 v4, $0x4  }
0x6b: {  	v3 =	vor.u32 v0, v3;
	v1 =	vadd.f32 v1, v2  }
0x6c: {  	v2 =	vor.u32 $0x4, v3  }
0x6d: {  	v5 =	vor.u32 $0x8, v3;
	[tilespmem:s18+$0x15000] =	vst v1  }
0x6e: {  	v1 =	vld [tilespmem:s21+$0x210]  }
0x6f: {  	v4 =	vld [tilespmem:s21+$0x10]  }
0x70: {  	v6 =	vld.idx.msk [tilespmem:v3+s23+$0x0], $0xffff  }
0x71: {  	v7 =	vld.idx.msk [tilespmem:v2+s23+$0x0], $0xffff  }
0x72: {  	v5 =	vld.idx.msk [tilespmem:v5+s23+$0x0], $0xffff  }
0x73: {  	v2 =	vld [tilespmem:s21+$0x410];
	_ =	sdelay $0x2  }
0x74: {  	v6 =	vmul.f32 v6, v4;
	v7 =	vmul.f32 v7, v1;
	_ =	sdelay $0x1  }
0x75: {  	v5 =	vmul.f32 v5, v2;
	v6 =	vadd.f32 v7, v6;
	v7 =	vor.u32 $0x1, v3  }
0x76: {  	v8 =	vor.u32 $0x5, v3  }
0x77: {  	v9 =	vor.u32 $0x9, v3;
	v5 =	vadd.f32 v5, v6;
	_ =	sdelay $0x1  }
0x78: {  	[tilespmem:s18+$0x14010] =	vst v5  }
0x79: {  	v7 =	vld.idx.msk [tilespmem:v7+s23+$0x0], $0xffff  }
0x7a: {  	v6 =	vld.idx.msk [tilespmem:v8+s23+$0x0], $0xffff  }
0x7b: {  	s29 =	simm.s32 $0x0;
	s11 =	sshll.u32 s22, $0xC;
	s21 =	simm.s32 $0x80;
	v5 =	vld.idx.msk [tilespmem:v9+s23+$0x0], $0xffff  }
.LBB2_3:
0x7c: {  	p1 =	sne.s32 s21, $0x1F80;
	s12 =	sadd.s32 $0x1, s12;
	s29 =	sadd.s32 $0x20, s29  }
0x7d: {  	s30 =	smov.u32 s21;
	s21 =	sadd.s32 $0x80, s21;
	v8 =	vmov s29  }
0x7e: {  	v8 =	vshll.u32 v8, $0x4;
	v7 =	vmul.f32 v7, v4  }
0x7f: {  	v8 =	vor.u32 v0, v8;
	v6 =	vmul.f32 v6, v1  }
0x80: {  	v9 =	vor.u32 $0x4, v8;
	v10 =	vor.u32 $0x8, v8  }
0x81: {  	s31 =	sshll.u32 s12, $0x6;
	v5 =	vmul.f32 v5, v2;
	v6 =	vadd.f32 v6, v7;
	v7 =	vor.u32 $0x2, v3  }
0x82: {  	v11 =	vor.u32 $0x6, v3;
	s19 =	sshra.s32 s30, $0x2;
	s31 =	sand.u32 $0x3FFFFC00, s31  }
0x83: {  	s31 =	sadd.s32 s19, s31;
	v3 =	vor.u32 $0xA, v3;
	v5 =	vadd.f32 v5, v6;
	_ =	sdelay $0x1  }
0x84: {  	[tilespmem:s18+$0x14810] =	vst v5  }
0x85: {  	s30 =	sadd.s32 $0x11000, s31;
	v5 =	vld.idx.msk [tilespmem:v7+s23+$0x0], $0xffff  }
0x86: {  	v6 =	vld.idx.msk [tilespmem:v11+s23+$0x0], $0xffff  }
0x87: {  	v3 =	vld.idx.msk [tilespmem:v3+s23+$0x0], $0xffff;
	_ =	sdelay $0x3  }
0x88: {  	v4 =	vmul.f32 v5, v4  }
0x89: {  	v1 =	vmul.f32 v6, v1;
	_ =	sdelay $0x1  }
0x8a: {  	v2 =	vmul.f32 v3, v2;
	v1 =	vadd.f32 v1, v4;
	_ =	sdelay $0x1  }
0x8b: {  	v1 =	vadd.f32 v2, v1;
	_ =	sdelay $0x1  }
0x8c: {  	[tilespmem:s18+$0x15010] =	vst v1;
	s18 =	smov.u32 s19  }
0x8d: {  	v1 =	vld.idx.msk [tilespmem:v9+s23+$0x0], $0xffff  }
0x8e: {  	v2 =	vld [tilespmem:s30+$0x200]  }
0x8f: {  	v3 =	vld.idx.msk [tilespmem:v8+s23+$0x0], $0xffff  }
0x90: {  	v4 =	vld [tilespmem:s31+$0x11000]  }
0x91: {  	v5 =	vld.idx.msk [tilespmem:v10+s23+$0x0], $0xffff  }
0x92: {  	v6 =	vld [tilespmem:s30+$0x400];
	_ =	sdelay $0x1  }
0x93: {  	v1 =	vmul.f32 v1, v2  }
0x94: {  	v3 =	vmul.f32 v3, v4;
	_ =	sdelay $0x1  }
0x95: {  	v1 =	vadd.f32 v1, v3;
	v3 =	vmul.f32 v5, v6;
	v5 =	vor.u32 $0x1, v8  }
0x96: {  	v7 =	vor.u32 $0x5, v8  }
0x97: {  	v1 =	vadd.f32 v3, v1  }
0x98: {  	v3 =	vor.u32 $0x9, v8  }
0x99: {  	[tilespmem:s18+$0x14000] =	vst v1  }
0x9a: {  	v1 =	vld.idx.msk [tilespmem:v5+s23+$0x0], $0xffff  }
0x9b: {  	v5 =	vld.idx.msk [tilespmem:v7+s23+$0x0], $0xffff;
	_ =	sdelay $0x1  }
0x9c: {  	v3 =	vld.idx.msk [tilespmem:v3+s23+$0x0], $0xffff;
	_ =	sdelay $0x2  }
0x9d: {  	v1 =	vmul.f32 v1, v4  }
0x9e: {  	v5 =	vmul.f32 v5, v2;
	_ =	sdelay $0x1  }
0x9f: {  	v1 =	vadd.f32 v5, v1;
	v3 =	vmul.f32 v3, v6;
	v5 =	vor.u32 $0x2, v8  }
0xa0: {  	v7 =	vor.u32 $0x6, v8  }
0xa1: {  	v1 =	vadd.f32 v3, v1;
	v3 =	vor.u32 $0xA, v8;
	_ =	sdelay $0x1  }
0xa2: {  	[tilespmem:s18+$0x14800] =	vst v1  }
0xa3: {  	v1 =	vld.idx.msk [tilespmem:v5+s23+$0x0], $0xffff  }
0xa4: {  	v5 =	vld.idx.msk [tilespmem:v7+s23+$0x0], $0xffff  }
0xa5: {  	v3 =	vld.idx.msk [tilespmem:v3+s23+$0x0], $0xffff;
	_ =	sdelay $0x4  }
0xa6: {  	s19 =	sadd.s32 $0x10, s29;
	v1 =	vmul.f32 v1, v4;
	v2 =	vmul.f32 v5, v2  }
0xa7: {  	v4 =	vmul.f32 v3, v6;
	v3 =	vmov s19  }
0xa8: {  	v1 =	vadd.f32 v2, v1;
	v2 =	vshll.u32 v3, $0x4  }
0xa9: {  	v3 =	vor.u32 v0, v2  }
0xaa: {  	v1 =	vadd.f32 v4, v1;
	v2 =	vor.u32 $0x4, v3;
	_ =	sdelay $0x1  }
0xab: {  	v5 =	vor.u32 $0x8, v3;
	[tilespmem:s18+$0x15000] =	vst v1  }
0xac: {  	v1 =	vld [tilespmem:s30+$0x210]  }
0xad: {  	v6 =	vld.idx.msk [tilespmem:v3+s23+$0x0], $0xffff  }
0xae: {  	v7 =	vld.idx.msk [tilespmem:v2+s23+$0x0], $0xffff  }
0xaf: {  	v4 =	vld [tilespmem:s30+$0x10]  }
0xb0: {  	v5 =	vld.idx.msk [tilespmem:v5+s23+$0x0], $0xffff  }
0xb1: {  	v2 =	vld [tilespmem:s30+$0x410];
	_ =	sdelay $0x2  }
0xb2: {  	v7 =	vmul.f32 v7, v1;
	v6 =	vmul.f32 v6, v4;
	_ =	sdelay $0x1  }
0xb3: {  	v6 =	vadd.f32 v7, v6;
	v5 =	vmul.f32 v5, v2;
	v7 =	vor.u32 $0x1, v3  }
0xb4: {  	v8 =	vor.u32 $0x5, v3  }
0xb5: {  	v9 =	vor.u32 $0x9, v3;
	v5 =	vadd.f32 v5, v6  }
.Ltmp2:
0xb6: {  	(pc) =	sbr.rel @p1 .LBB2_3-.Ltmp2, $4  }
0xb7: {  	[tilespmem:s18+$0x14010] =	vst v5  }
0xb8: {  	v7 =	vld.idx.msk [tilespmem:v7+s23+$0x0], $0xffff  }
0xb9: {  	v6 =	vld.idx.msk [tilespmem:v8+s23+$0x0], $0xffff  }
0xba: {  	v5 =	vld.idx.msk [tilespmem:v9+s23+$0x0], $0xffff  }
0xbb: {  	_ =	sdelay $0x2  }
0xbc: {  	v7 =	vmul.f32 v7, v4;
	v6 =	vmul.f32 v6, v1;
	_ =	sdelay $0x1  }
0xbd: {  	v5 =	vmul.f32 v5, v2;
	v6 =	vadd.f32 v6, v7;
	v7 =	vor.u32 $0x2, v3  }
0xbe: {  	v8 =	vor.u32 $0x6, v3  }
0xbf: {  	v5 =	vadd.f32 v5, v6  }
0xc0: {  	v3 =	vor.u32 $0xA, v3  }
0xc1: {  	[tilespmem:s18+$0x14810] =	vst v5  }
0xc2: {  	v5 =	vld.idx.msk [tilespmem:v7+s23+$0x0], $0xffff  }
0xc3: {  	v6 =	vld.idx.msk [tilespmem:v8+s23+$0x0], $0xffff;
	_ =	sdelay $0x1  }
0xc4: {  	v3 =	vld.idx.msk [tilespmem:v3+s23+$0x0], $0xffff;
	_ =	sdelay $0x2  }
0xc5: {  	v4 =	vmul.f32 v5, v4;
	v1 =	vmul.f32 v6, v1;
	_ =	sdelay $0x1  }
0xc6: {  	s12 =	sor.u32 s7, s11;
	v2 =	vmul.f32 v3, v2;
	v1 =	vadd.f32 v1, v4  }
0xc7: {  	s19 =	ssub.s32 s12, s13  }
0xc8: {  	s21 =	sadd.s32 s8, s19;
	v1 =	vadd.f32 v2, v1  }
0xc9: {  	s21 =	sshrl.u32 s21, $0x3  }
0xca: {  	s31 =	simm.s32 $0x14000;
	s21 =	sadd.s32 s6, s21;
	[tilespmem:s18+$0x15010] =	vst v1  }
0xcb: {  	[hbm4b:s21+s4] =	stream.linear.scatter [tilespmem:s31], [sflag:$0x7], $0x800, $0x38;
	[tilespmem:$0x17000] =	vst v63  }
0xcc: {  	s21 =	sadd.s32 s14, s19  }
0xcd: {  	s18 =	sshrl.u32 s21, $0x3  }
0xce: {  	s31 =	simm.s32 $0x14800;
	s19 =	sadd.s32 s15, s19;
	s18 =	sadd.s32 s6, s18  }
0xcf: {  	[hbm4b:s18+s4] =	stream.linear.scatter [tilespmem:s31], [sflag:$0x7], $0x800, $0x38;
	[tilespmem:$0x17000] =	vst v63  }
0xd0: {  	s18 =	sshrl.u32 s19, $0x3  }
0xd1: {  	p1 =	seq.s32 s22, $0x7;
	s21 =	simm.s32 $0x15000;
	s18 =	sadd.s32 s6, s18  }
0xd2: {  	[hbm4b:s18+s4] =	stream.linear.scatter [tilespmem:s21], [sflag:$0x7], $0x800, $0x38;
	[tilespmem:$0x17000] =	vst v63  }
0xd3: {  	s18 =	sadd.s32 @!p1 s11, s16  }
0xd4: {  	s19 =	sshrl.u32 @!p1 s18, $0x12;
	s21 =	sshrl.u32 @!p1 s18, $0x9  }
0xd5: {  	s18 =	sshrl.u32 @!p1 s18, $0x3;
	s19 =	smul.u32 @!p1 $0xC0000, s19;
	s21 =	sand.u32 @!p1 $0x1F8, s21  }
0xd6: {  	s29 =	simm.s32 @!p1 $0x0;
	s18 =	sadd.s32 @!p1 s1, s18;
	s21 =	smul.u32 @!p1 $0x600, s21  }
0xd7: {  	[tilespmem:s29], [sflag:$0x3] =	stream.linear.gather @!p1 [hbm4b:s18+s29], $0x800, $0x38;
	[tilespmem:$0x17000] =	vst v63  }
0xd8: {  	s18 =	sadd.s32 @!p1 s19, s21  }
0xd9: {  	s18 =	sshrl.u32 @!p1 s18, $0x3  }
0xda: {  	s19 =	simm.s32 @!p1 $0x11000;
	s18 =	sadd.s32 @!p1 s2, s18  }
0xdb: {  	[tilespmem:s19], [sflag:$0x5] =	stream.linear.gather @!p1 [hbm4b:s18+s29], $0x1800, $0x38;
	[tilespmem:$0x17000] =	vst v63  }
0xdc: {  	s18 =	simm.s32 @!p1 $0x3  }
0xdd: {  	_ =	swait.ge @!p1 [sflag:s18], $0x800  }
0xde: {  	[sflag:s18] =	ssyncset.done @!p1 $0x0  }
0xdf: {  	s19 =	simm.s32 @!p1 $0x1000;
	[sflag:s18] =	ssyncadd.s32 @!p1 $0xFFFFF800;
	s18 =	simm.s32 @!p1 $0x800  }
0xe0: {  	[tilespmem:s19], [sflag:$0x1] =	stream.indirect.gather @!p1 [hbm4b:s5+s18], $0x10, s29, s18, $0xb8;
	[tilespmem:$0x17000] =	vst v63  }
0xe1: {  	_ =	swait.ge [sflag:s0], $0x8000  }
0xe2: {  	[sflag:s0] =	ssyncset.done $0x0  }
0xe3: {  	[sflag:s0] =	ssyncadd.s32 $0xFFFF8000  }
0xe4: {  	_ =	swait.ge [sflag:s3], $0x1800  }
0xe5: {  	[sflag:s3] =	ssyncset.done $0x0  }
0xe6: {  	s19 =	simm.s32 @!p0 $0x8;
	[sflag:s3] =	ssyncadd.s32 $0xFFFFE800  }
0xe7: {  	_ =	swait.ge @!p0 [sflag:s19], $0x800  }
0xe8: {  	[sflag:s19] =	ssyncset.done @!p0 $0x0  }
0xe9: {  	s18 =	simm.s32 $0x0;
	[sflag:s19] =	ssyncadd.s32 @!p0 $0xFFFFF800  }
0xea: {  	v1 =	vmov s18;
	_ =	swait.ge @!p0 [sflag:s19], $0x800  }
0xeb: {  	v1 =	vshll.u32 v1, $0x4;
	[sflag:s19] =	ssyncset.done @!p0 $0x0  }
0xec: {  	s31 =	simm.s32 $0x0;
	v1 =	vor.u32 v0, v1;
	[sflag:s19] =	ssyncadd.s32 @!p0 $0xFFFFF800  }
0xed: {  	s21 =	sand.u32 $0x3FFFFC00, s31;
	v2 =	vor.u32 $0x4, v1;
	_ =	swait.ge @!p0 [sflag:s19], $0x800  }
0xee: {  	s21 =	sadd.s32 $0x0, s21;
	[sflag:s19] =	ssyncset.done @!p0 $0x0  }
0xef: {  	s31 =	sadd.s32 $0x11000, s21;
	v3 =	vor.u32 $0x8, v1;
	[sflag:s19] =	ssyncadd.s32 @!p0 $0xFFFFF800  }
0xf0: {  	v4 =	vld [tilespmem:s31+$0x1A00]  }
0xf1: {  	v5 =	vld.idx.msk [tilespmem:v1+s25+$0x0], $0xffff  }
0xf2: {  	v2 =	vld.idx.msk [tilespmem:v2+s25+$0x0], $0xffff  }
0xf3: {  	v6 =	vld [tilespmem:s31+$0x1800]  }
0xf4: {  	v3 =	vld.idx.msk [tilespmem:v3+s25+$0x0], $0xffff  }
0xf5: {  	v7 =	vld [tilespmem:s31+$0x1C00];
	_ =	sdelay $0x2  }
0xf6: {  	v5 =	vmul.f32 v5, v6;
	v2 =	vmul.f32 v2, v4;
	_ =	sdelay $0x1  }
0xf7: {  	v3 =	vmul.f32 v3, v7;
	v2 =	vadd.f32 v2, v5;
	v5 =	vor.u32 $0x1, v1  }
0xf8: {  	v8 =	vor.u32 $0x5, v1  }
0xf9: {  	v2 =	vadd.f32 v3, v2  }
0xfa: {  	s21 =	simm.s32 $0x0;
	v3 =	vor.u32 $0x9, v1  }
0xfb: {  	[tilespmem:s21+$0x15800] =	vst v2  }
0xfc: {  	v2 =	vld.idx.msk [tilespmem:v5+s25+$0x0], $0xffff  }
0xfd: {  	v5 =	vld.idx.msk [tilespmem:v8+s25+$0x0], $0xffff;
	_ =	sdelay $0x1  }
0xfe: {  	v3 =	vld.idx.msk [tilespmem:v3+s25+$0x0], $0xffff;
	_ =	sdelay $0x2  }
0xff: {  	v2 =	vmul.f32 v2, v6;
	v5 =	vmul.f32 v5, v4;
	_ =	sdelay $0x1  }
0x100: {  	v3 =	vmul.f32 v3, v7;
	v2 =	vadd.f32 v5, v2;
	v5 =	vor.u32 $0x2, v1  }
0x101: {  	v8 =	vor.u32 $0x6, v1  }
0x102: {  	v2 =	vadd.f32 v3, v2  }
0x103: {  	v1 =	vor.u32 $0xA, v1  }
0x104: {  	[tilespmem:s21+$0x16000] =	vst v2  }
0x105: {  	v2 =	vld.idx.msk [tilespmem:v5+s25+$0x0], $0xffff  }
0x106: {  	v3 =	vld.idx.msk [tilespmem:v8+s25+$0x0], $0xffff;
	_ =	sdelay $0x1  }
0x107: {  	v1 =	vld.idx.msk [tilespmem:v1+s25+$0x0], $0xffff;
	_ =	sdelay $0x2  }
0x108: {  	s29 =	simm.s32 $0x10;
	v2 =	vmul.f32 v2, v6;
	v3 =	vmul.f32 v3, v4  }
0x109: {  	v4 =	vmov s29  }
0x10a: {  	v1 =	vmul.f32 v1, v7;
	v4 =	vshll.u32 v4, $0x4;
	v2 =	vadd.f32 v3, v2  }
0x10b: {  	v4 =	vor.u32 v0, v4  }
0x10c: {  	v3 =	vor.u32 $0x4, v4;
	v1 =	vadd.f32 v1, v2;
	_ =	sdelay $0x1  }
0x10d: {  	v2 =	vor.u32 $0x8, v4;
	[tilespmem:s21+$0x16800] =	vst v1  }
0x10e: {  	v1 =	vld [tilespmem:s31+$0x1A10]  }
0x10f: {  	v6 =	vld.idx.msk [tilespmem:v4+s25+$0x0], $0xffff  }
0x110: {  	v5 =	vld.idx.msk [tilespmem:v3+s25+$0x0], $0xffff  }
0x111: {  	v3 =	vld [tilespmem:s31+$0x1810]  }
0x112: {  	v7 =	vld.idx.msk [tilespmem:v2+s25+$0x0], $0xffff  }
0x113: {  	v2 =	vld [tilespmem:s31+$0x1C10];
	_ =	sdelay $0x2  }
0x114: {  	v5 =	vmul.f32 v5, v1;
	v6 =	vmul.f32 v6, v3;
	_ =	sdelay $0x1  }
0x115: {  	v5 =	vadd.f32 v5, v6;
	v6 =	vmul.f32 v7, v2;
	v7 =	vor.u32 $0x1, v4  }
0x116: {  	v8 =	vor.u32 $0x5, v4  }
0x117: {  	v5 =	vadd.f32 v6, v5  }
0x118: {  	v6 =	vor.u32 $0x9, v4  }
0x119: {  	[tilespmem:s21+$0x15810] =	vst v5  }
0x11a: {  	v5 =	vld.idx.msk [tilespmem:v7+s25+$0x0], $0xffff  }
0x11b: {  	v7 =	vld.idx.msk [tilespmem:v8+s25+$0x0], $0xffff;
	_ =	sdelay $0x1  }
0x11c: {  	v6 =	vld.idx.msk [tilespmem:v6+s25+$0x0], $0xffff;
	_ =	sdelay $0x2  }
0x11d: {  	v5 =	vmul.f32 v5, v3;
	v7 =	vmul.f32 v7, v1;
	_ =	sdelay $0x1  }
0x11e: {  	v5 =	vadd.f32 v7, v5;
	v6 =	vmul.f32 v6, v2;
	v7 =	vor.u32 $0x2, v4  }
0x11f: {  	v8 =	vor.u32 $0x6, v4  }
0x120: {  	v4 =	vor.u32 $0xA, v4;
	v5 =	vadd.f32 v6, v5;
	_ =	sdelay $0x1  }
0x121: {  	[tilespmem:s21+$0x16010] =	vst v5  }
0x122: {  	v6 =	vld.idx.msk [tilespmem:v7+s25+$0x0], $0xffff  }
0x123: {  	v5 =	vld.idx.msk [tilespmem:v8+s25+$0x0], $0xffff  }
0x124: {  	s30 =	simm.s32 $0x0;
	s29 =	simm.s32 $0x80;
	v4 =	vld.idx.msk [tilespmem:v4+s25+$0x0], $0xffff  }
.LBB2_5:
0x125: {  	_ =	sdelay $0x1  }
0x126: {  	p0 =	sne.s32 s29, $0x1F80;
	s18 =	sadd.s32 $0x1, s18;
	s30 =	sadd.s32 $0x20, s30;
	v3 =	vmul.f32 v6, v3  }
0x127: {  	s19 =	smov.u32 s29;
	s29 =	sadd.s32 $0x80, s29;
	v1 =	vmul.f32 v5, v1  }
0x128: {  	v5 =	vmov s30;
	v2 =	vmul.f32 v4, v2  }
0x129: {  	v4 =	vshll.u32 v5, $0x4;
	v1 =	vadd.f32 v1, v3  }
0x12a: {  	s31 =	sshll.u32 s18, $0x6;
	v3 =	vor.u32 v0, v4  }
0x12b: {  	s19 =	sshra.s32 s19, $0x2;
	s31 =	sand.u32 $0x3FFFFC00, s31;
	v4 =	vor.u32 $0x4, v3;
	v5 =	vor.u32 $0x8, v3;
	v1 =	vadd.f32 v2, v1  }
0x12c: {  	s31 =	sadd.s32 s19, s31  }
0x12d: {  	s31 =	sadd.s32 $0x11000, s31;
	[tilespmem:s21+$0x16810] =	vst v1;
	s21 =	smov.u32 s19  }
0x12e: {  	v1 =	vld [tilespmem:s31+$0x1A00]  }
0x12f: {  	v2 =	vld.idx.msk [tilespmem:v3+s25+$0x0], $0xffff  }
0x130: {  	v4 =	vld.idx.msk [tilespmem:v4+s25+$0x0], $0xffff  }
0x131: {  	v6 =	vld [tilespmem:s31+$0x1800]  }
0x132: {  	v5 =	vld.idx.msk [tilespmem:v5+s25+$0x0], $0xffff  }
0x133: {  	v7 =	vld [tilespmem:s31+$0x1C00];
	_ =	sdelay $0x2  }
0x134: {  	v4 =	vmul.f32 v4, v1;
	v2 =	vmul.f32 v2, v6  }
0x135: {  	v8 =	vor.u32 $0x5, v3  }
0x136: {  	v2 =	vadd.f32 v4, v2;
	v4 =	vmul.f32 v5, v7;
	v5 =	vor.u32 $0x1, v3;
	_ =	sdelay $0x1  }
0x137: {  	v2 =	vadd.f32 v4, v2;
	v4 =	vor.u32 $0x9, v3;
	_ =	sdelay $0x1  }
0x138: {  	[tilespmem:s21+$0x15800] =	vst v2  }
0x139: {  	v2 =	vld.idx.msk [tilespmem:v5+s25+$0x0], $0xffff  }
0x13a: {  	v5 =	vld.idx.msk [tilespmem:v8+s25+$0x0], $0xffff  }
0x13b: {  	v4 =	vld.idx.msk [tilespmem:v4+s25+$0x0], $0xffff;
	_ =	sdelay $0x3  }
0x13c: {  	v2 =	vmul.f32 v2, v6  }
0x13d: {  	v5 =	vmul.f32 v5, v1  }
0x13e: {  	v4 =	vmul.f32 v4, v7  }
0x13f: {  	v2 =	vadd.f32 v5, v2;
	v5 =	vor.u32 $0xA, v3  }
0x140: {  	v8 =	vor.u32 $0x2, v3  }
0x141: {  	v3 =	vor.u32 $0x6, v3;
	v2 =	vadd.f32 v4, v2;
	_ =	sdelay $0x1  }
0x142: {  	[tilespmem:s21+$0x16000] =	vst v2  }
0x143: {  	v2 =	vld.idx.msk [tilespmem:v5+s25+$0x0], $0xffff  }
0x144: {  	v4 =	vld.idx.msk [tilespmem:v8+s25+$0x0], $0xffff  }
0x145: {  	v3 =	vld.idx.msk [tilespmem:v3+s25+$0x0], $0xffff;
	_ =	sdelay $0x4  }
0x146: {  	s19 =	sadd.s32 $0x10, s30;
	v2 =	vmul.f32 v2, v7  }
0x147: {  	v4 =	vmul.f32 v4, v6;
	v1 =	vmul.f32 v3, v1;
	v3 =	vmov s19  }
0x148: {  	v3 =	vshll.u32 v3, $0x4  }
0x149: {  	v1 =	vadd.f32 v1, v4;
	v4 =	vor.u32 v0, v3  }
0x14a: {  	v3 =	vor.u32 $0x4, v4  }
0x14b: {  	v1 =	vadd.f32 v2, v1;
	_ =	sdelay $0x1  }
0x14c: {  	v2 =	vor.u32 $0x8, v4;
	[tilespmem:s21+$0x16800] =	vst v1  }
0x14d: {  	v1 =	vld [tilespmem:s31+$0x1A10]  }
0x14e: {  	v5 =	vld.idx.msk [tilespmem:v3+s25+$0x0], $0xffff  }
0x14f: {  	v6 =	vld.idx.msk [tilespmem:v4+s25+$0x0], $0xffff  }
0x150: {  	v3 =	vld [tilespmem:s31+$0x1810]  }
0x151: {  	v7 =	vld.idx.msk [tilespmem:v2+s25+$0x0], $0xffff  }
0x152: {  	v2 =	vld [tilespmem:s31+$0x1C10];
	_ =	sdelay $0x1  }
0x153: {  	v5 =	vmul.f32 v5, v1  }
0x154: {  	v6 =	vmul.f32 v6, v3;
	_ =	sdelay $0x1  }
0x155: {  	v5 =	vadd.f32 v5, v6;
	v6 =	vmul.f32 v7, v2;
	v7 =	vor.u32 $0x1, v4  }
0x156: {  	v8 =	vor.u32 $0x5, v4  }
0x157: {  	v5 =	vadd.f32 v6, v5;
	v6 =	vor.u32 $0x9, v4;
	_ =	sdelay $0x1  }
0x158: {  	[tilespmem:s21+$0x15810] =	vst v5  }
0x159: {  	v5 =	vld.idx.msk [tilespmem:v7+s25+$0x0], $0xffff  }
0x15a: {  	v7 =	vld.idx.msk [tilespmem:v8+s25+$0x0], $0xffff  }
0x15b: {  	v6 =	vld.idx.msk [tilespmem:v6+s25+$0x0], $0xffff;
	_ =	sdelay $0x3  }
0x15c: {  	v5 =	vmul.f32 v5, v3  }
0x15d: {  	v7 =	vmul.f32 v7, v1  }
0x15e: {  	v8 =	vor.u32 $0x6, v4  }
0x15f: {  	v6 =	vmul.f32 v6, v2;
	v5 =	vadd.f32 v7, v5;
	v7 =	vor.u32 $0x2, v4;
	_ =	sdelay $0x1  }
0x160: {  	v4 =	vor.u32 $0xA, v4;
	v5 =	vadd.f32 v6, v5  }
.Ltmp3:
0x161: {  	(pc) =	sbr.rel @p0 .LBB2_5-.Ltmp3, $4  }
0x162: {  	[tilespmem:s21+$0x16010] =	vst v5  }
0x163: {  	v6 =	vld.idx.msk [tilespmem:v7+s25+$0x0], $0xffff  }
0x164: {  	v5 =	vld.idx.msk [tilespmem:v8+s25+$0x0], $0xffff  }
0x165: {  	v4 =	vld.idx.msk [tilespmem:v4+s25+$0x0], $0xffff  }
0x166: {  	_ =	sdelay $0x2  }
0x167: {  	v3 =	vmul.f32 v6, v3;
	v1 =	vmul.f32 v5, v1;
	_ =	sdelay $0x1  }
0x168: {  	s12 =	sor.u32 $0x800, s12;
	v2 =	vmul.f32 v4, v2;
	v1 =	vadd.f32 v1, v3  }
0x169: {  	s12 =	ssub.s32 s12, s13  }
0x16a: {  	s18 =	sadd.s32 s8, s12;
	v1 =	vadd.f32 v2, v1  }
0x16b: {  	s18 =	sshrl.u32 s18, $0x3  }
0x16c: {  	s19 =	simm.s32 $0x15800;
	s31 =	sadd.s32 s14, s12;
	s18 =	sadd.s32 s6, s18;
	[tilespmem:s21+$0x16810] =	vst v1  }
0x16d: {  	[hbm4b:s18+s4] =	stream.linear.scatter [tilespmem:s19], [sflag:$0x8], $0x800, $0x38;
	[tilespmem:$0x17000] =	vst v63  }
.Ltmp4:
0x16e: {  	s12 =	sadd.s32 s15, s12;
	s18 =	sshrl.u32 s31, $0x3;
	(pc) =	sbr.rel @p1 .LBB2_8-.Ltmp4, $4  }
0x16f: {  	s12 =	sshrl.u32 s12, $0x3;
	s18 =	sadd.s32 s6, s18  }
0x170: {  	[hbm4b:s18+s4] =	stream.linear.scatter [tilespmem:s9], [sflag:$0x8], $0x800, $0x38;
	[tilespmem:$0x17000] =	vst v63  }
0x171: {  	s12 =	sadd.s32 s6, s12  }
0x172: {  	[hbm4b:s12+s4] =	stream.linear.scatter [tilespmem:s10], [sflag:$0x8], $0x800, $0x38;
	[tilespmem:$0x17000] =	vst v63  }
0x173: {  	s11 =	sadd.s32 s11, s17  }
0x174: {  	s12 =	sshrl.u32 s11, $0x12;
	s18 =	sshrl.u32 s11, $0x9  }
0x175: {  	s11 =	sshrl.u32 s11, $0x3;
	s12 =	smul.u32 $0xC0000, s12;
	s18 =	sand.u32 $0x1FC, s18  }
0x176: {  	s11 =	sadd.s32 s1, s11;
	s18 =	smul.u32 $0x600, s18  }
0x177: {  	[tilespmem:s20], [sflag:$0x4] =	stream.linear.gather [hbm4b:s11+s4], $0x800, $0x38;
	[tilespmem:$0x17000] =	vst v63  }
.Ltmp5:
0x178: {  	_ = 	snop;
	(pc) =	sbr.rel .LBB2_2-.Ltmp5, $4  }
0x179: {  	s30 =	sadd.s32 s12, s18  }
0x17a: {  	s11 =	sshrl.u32 s30, $0x3  }
0x17b: {  	s31 =	simm.s32 $0x12800;
	s22 =	sadd.s32 $0x1, s22;
	s11 =	sadd.s32 s2, s11  }
0x17c: {  	[tilespmem:s31], [sflag:$0x6] =	stream.linear.gather [hbm4b:s11+s4], $0x1800, $0x38;
	[tilespmem:$0x17000] =	vst v63  }
.LBB2_9:
0x17d: {  	_ =	sfence.sel $0x180000  }
0x17e: {  	[bflag:$0x0] =	sbarrier.arrive $0xFFFF  }
0x17f: {  	_ =	strace $0x9000004D  }
0x180: {  	s0 =	stileid.u32;
	[bflag:$0x2] =	sbarrier.arrive $0xFFFF  }
0x181: {  	p0 =	sne.s32 s0, $0x0;
	s0 =	rddreg [dreg:$0x3]  }
0x182: {  	s0 =	sadd.s32 @!p0 $0x100000, s0  }
0x183: {  	[sflag:s0] =	ssyncadd.tile.s32 @!p0 $0x1;
	_ =	shalt  }
.Lfunc_end2:
_tile_overlayer_lowered:
.L_overlay_start_2:
0x184: {  	(tag) =	ssettag $0x2  }
0x185: {  	s0 =	rddreg [dreg:$0x0];
	s2 =	stileid.u32  }
0x186: {  	s1 =	rddreg [dreg:$0x1];
	p0 =	sne.s32 s2, $0x0  }
0x187: {  	s3 =	rddreg [dreg:$0x2];
	[bflag:$0x3] =	sbarrier.arrive $0xFFFF;
	s2 =	simm.s32 @!p0 $0x1C09  }
0x188: {  	[timem:s3], [sflag:s2] =	dma.local @!p0 [hbm:s0], s1  }
0x189: {  	s0 =	simm.s32 @!p0 $0x9  }
0x18a: {  	_ =	swait.ge @!p0 [sflag:s0], s1  }
0x18b: {  	s1 =	ssub.s32 @!p0 $0x0, s1;
	[sflag:s0] =	ssyncset.done @!p0 $0x0  }
0x18c: {  	[sflag:s0] =	ssyncadd.s32 @!p0 s1  }
0x18d: {  	[bflag:$0x3] =	sbarrier.arrive $0xFFFF  }
0x18e: {  	_ =	shalt  }

// kernel: kernel.5.cloned.1.call-start
scs
__scs_entry_jumppad:
0x0: {  	(pc) =	sbr.rel $0x88, $3  }
0x1: {  	(tag) =	ssettag $0x0;
	lr =	simm.s32 $0x1  }
0x2: {  	[smem:$0x3F9D] =	sst lr;
	_ =	strace $0xD0000000  }
0x3: {  	_ = 	snop  }
0x4: {  	_ = 	snop  }
0x5: {  	_ = 	snop  }
0x6: {  	_ = 	snop  }
0x7: {  	_ = 	snop  }
__scs_overlays_trampoline_lowered:
0x8: {  	[smem:$0x3FAC] =	sst s0  }
0x9: {  	[smem:$0x3FAD] =	sst s1  }
0xa: {  	[smem:$0x3FAE] =	sst s2  }
0xb: {  	[smem:$0x3FAF] =	sst s3  }
0xc: {  	[smem:$0x3FB0] =	sst s4  }
0xd: {  	[smem:$0x3FB1] =	sst s5  }
0xe: {  	[smem:$0x3FB2] =	sst s6  }
0xf: {  	[smem:$0x3FB3] =	sst s7  }
0x10: {  	[smem:$0x3FB4] =	sst s8  }
0x11: {  	[smem:$0x3FB5] =	sst s9;
	s0 =	simm.s32 @!p0 $0x0  }
0x12: {  	s1 =	sld [smem:$0x3F9B];
	s0 =	simm.s32 @p0 $0x1  }
0x13: {  	[smem:$0x3FB6] =	sst s0;
	s0 =	simm.s32 @!p1 $0x0  }
0x14: {  	s2 =	sld [smem:$0x3F9A];
	s0 =	simm.s32 @p1 $0x1  }
0x15: {  	[smem:$0x3FB7] =	sst s0;
	s0 =	simm.s32 @!p2 $0x0  }
0x16: {  	s3 =	sld [smem:$0x3FDB];
	s0 =	simm.s32 @p2 $0x1  }
0x17: {  	s4 =	simm.s32 $0x1BF5;
	[smem:$0x3FB9] =	sst s0  }
0x18: {  	s0 =	sld [smem:$0x3F9C];
	_ =	swait.ge [sflag:s4], $0x0  }
0x19: {  	s7 =	sld [smem:$0x3F9D]  }
0x1a: {  	s8 =	sadd.s32 $0xFFFFE003, lr  }
0x1b: {  	s9 =	sadd.s32 $0xFFFFFEF7, lr;
	s5 =	simm.s32 $0xFFFFFFFF;
	p2 =	slt.u32 s8, $0xFFFFF086  }
0x1c: {  	p1 =	slt.u32 s9, $0xF7A;
	s5 =	simm.s32 @!p2 $0x0  }
0x1d: {  	s5 =	simm.s32 @p1 $0x1;
	p0 =	seq.s32 s7, s2  }
0x1e: {  	s7 =	smul.u32 @!p0 $0xF7A, s2;
	p2 =	seq.s32 @!p0 s5, $0x0  }
0x1f: {  	s9 =	smul.u32 $0xF7A, s1;
	s8 =	simm.s32 @!p0 $0x1BF5;
	p2 =	por !p2, p0  }
0x20: {  	[sflag:s8] =	ssyncset.s32 @!p0 $0xFFFFF086;
	s6 =	sadd.s32 @!p0 s3, s7;
	s7 =	simm.s32 @!p0 $0x108  }
0x21: {  	s3 =	sadd.s32 s3, s9;
	s6 =	sadd.s32 @!p0 $0x88, s6;
	s7 =	simm.s32 @p2 $0x1082  }
0x22: {  	[simem:s7], [sflag:s8] =	dma.local @!p0 [hbm:s6], $0xF7A  }
0x23: {  	s9 =	sor.u32 $0xD0000000, s2;
	s6 =	simm.s32 $0x108;
	_ =	swait.ge @!p0 [sflag:s8], $0x0  }
0x24: {  	s3 =	sadd.s32 $0x88, s3;
	s6 =	simm.s32 @!p1 $0x1082;
	[sflag:s4] =	ssyncset.s32 $0xFFFFF086  }
0x25: {  	[simem:s6], [sflag:s4] =	dma.local [hbm:s3], $0xF7A  }
0x26: {  	[smem:$0x3F9D] =	sst s1;
	(tag) =	ssettag s2;
	_ =	strace s9  }
0x27: {  	s1 =	sld [smem:$0x3FAD]  }
0x28: {  	s2 =	sld [smem:$0x3FAE]  }
0x29: {  	s4 =	sld [smem:$0x3FB0]  }
0x2a: {  	p0 =	seq.s32 s5, $0x0;
	s5 =	sld [smem:$0x3FB1]  }
0x2b: {  	s6 =	sld [smem:$0x3FB2]  }
0x2c: {  	s7 =	sld [smem:$0x3FB3]  }
0x2d: {  	s3 =	simm.s32 $0x108;
	s8 =	sld [smem:$0x3FB4]  }
0x2e: {  	s3 =	simm.s32 @!p0 $0x1082;
	s9 =	sld [smem:$0x3FB5]  }
0x2f: {  	lr =	sadd.s32 s0, s3;
	s0 =	sld [smem:$0x3FAC]  }
0x30: {  	s3 =	sld [smem:$0x3FAF]  }
0x31: {  	[smem:$0x3FB8] =	sst s10  }
0x32: {  	s10 =	sld [smem:$0x3FB6];
	_ =	sdelay $0x3  }
0x33: {  	p0 =	seq.s32 s10, $0x1;
	s10 =	sld [smem:$0x3FB8];
	_ =	sdelay $0x3  }
0x34: {  	[smem:$0x3FB8] =	sst s10  }
0x35: {  	s10 =	sld [smem:$0x3FB7];
	_ =	sdelay $0x3  }
0x36: {  	p1 =	seq.s32 s10, $0x1;
	s10 =	sld [smem:$0x3FB8];
	_ =	sdelay $0x3  }
0x37: {  	[smem:$0x3FB8] =	sst s10  }
0x38: {  	s10 =	sld [smem:$0x3FB9]  }
0x39: {  	_ = 	snop;
	(pc) =	sbr.ind lr, $3  }
0x3a: {  	_ = 	snop  }
0x3b: {  	_ = 	snop  }
0x3c: {  	p2 =	seq.s32 s10, $0x1;
	s10 =	sld [smem:$0x3FB8]  }
0x3d: {  	_ =	shalt  }
0x3e: {  	_ =	shalt  }
0x3f: {  	_ =	shalt  }
0x40: {  	_ =	shalt  }
0x41: {  	_ =	shalt  }
0x42: {  	_ =	shalt  }
0x43: {  	_ =	shalt  }
0x44: {  	_ =	shalt  }
0x45: {  	_ =	shalt  }
0x46: {  	_ =	shalt  }
0x47: {  	_ =	shalt  }
0x48: {  	_ =	shalt  }
0x49: {  	_ =	shalt  }
0x4a: {  	_ =	shalt  }
0x4b: {  	_ =	shalt  }
0x4c: {  	_ =	shalt  }
0x4d: {  	_ =	shalt  }
0x4e: {  	_ =	shalt  }
0x4f: {  	_ =	shalt  }
0x50: {  	_ =	shalt  }
0x51: {  	_ =	shalt  }
0x52: {  	_ =	shalt  }
0x53: {  	_ =	shalt  }
0x54: {  	_ =	shalt  }
0x55: {  	_ =	shalt  }
0x56: {  	_ =	shalt  }
0x57: {  	_ =	shalt  }
0x58: {  	_ =	shalt  }
0x59: {  	_ =	shalt  }
0x5a: {  	_ =	shalt  }
0x5b: {  	_ =	shalt  }
0x5c: {  	_ =	shalt  }
0x5d: {  	_ =	shalt  }
0x5e: {  	_ =	shalt  }
0x5f: {  	_ =	shalt  }
0x60: {  	_ =	shalt  }
0x61: {  	_ =	shalt  }
0x62: {  	_ =	shalt  }
0x63: {  	_ =	shalt  }
0x64: {  	_ =	shalt  }
0x65: {  	_ =	shalt  }
0x66: {  	_ =	shalt  }
0x67: {  	_ =	shalt  }
0x68: {  	_ =	shalt  }
0x69: {  	_ =	shalt  }
0x6a: {  	_ =	shalt  }
0x6b: {  	_ =	shalt  }
0x6c: {  	_ =	shalt  }
0x6d: {  	_ =	shalt  }
0x6e: {  	_ =	shalt  }
0x6f: {  	_ =	shalt  }
0x70: {  	_ =	shalt  }
0x71: {  	_ =	shalt  }
0x72: {  	_ =	shalt  }
0x73: {  	_ =	shalt  }
0x74: {  	_ =	shalt  }
0x75: {  	_ =	shalt  }
0x76: {  	_ =	shalt  }
0x77: {  	_ =	shalt  }
0x78: {  	_ =	shalt  }
0x79: {  	_ =	shalt  }
0x7a: {  	_ =	shalt  }
0x7b: {  	_ =	shalt  }
0x7c: {  	_ =	shalt  }
0x7d: {  	_ =	shalt  }
0x7e: {  	_ =	shalt  }
0x7f: {  	_ =	shalt  }
0x80: {  	_ =	shalt  }
0x81: {  	_ =	shalt  }
0x82: {  	_ =	shalt  }
0x83: {  	_ =	shalt  }
0x84: {  	_ =	shalt  }
0x85: {  	_ =	shalt  }
0x86: {  	_ =	shalt  }
0x87: {  	_ =	shalt  }
.Lfunc_end0:
.L_simem_size_0:
called_computation_lowered:
.L_overlay_start_0:
0x88: {  	s2 =	sld [smem:$0x3FD9]  }
0x89: {  	s3 =	sld [smem:$0x3FFE];
	_ =	sdelay $0x1  }
0x8a: {  	s1 =	srdreg.scid  }
0x8b: {  	s0 =	sand.u32 $0x1, s1  }
0x8c: {  	s17 =	sshll.u32 s0, $0xA;
	s2 =	sadd.s32 s3, s2  }
0x8d: {  	s2 =	sadd.s32 s2, s17  }
0x8e: {  	[smem:$0x3FC4] =	sst s2  }
0x8f: {  	_ = 	snop  }
0x90: {  	s2 =	sld [smem:$0x3FD0];
	(tm) =	ssettm $0x1  }
0x91: {  	s18 =	sld [smem:$0x3FFB];
	_ =	sdelay $0x3  }
0x92: {  	_ =	strace s18  }
0x93: {  	s3 =	sld [smem:$0x3FFC];
	_ =	sdelay $0x3  }
0x94: {  	_ =	strace s3  }
0x95: {  	s3 =	sld [smem:$0x3FFD];
	_ =	sdelay $0x3  }
0x96: {  	_ =	strace s3  }
0x97: {  	_ =	strace $0x8FFFFFFF  }
0x98: {  	s19 =	sld [smem:$0x3FDB];
	_ =	sdelay $0x1  }
0x99: {  	s4 =	simm.s32 $_scs_section_size  }
0x9a: {  	s5 =	simm.s32 $_size__tile_overlayer_lowered;
	s6 =	simm.s32 $_tile_overlayer_lowered  }
0x9b: {  	s22 =	simm.s32 $0x1BFF;
	s21 =	sshll.u32 s6, $0x1;
	s3 =	sadd.s32 s4, s19  }
0x9c: {  	s7 =	simm.s32 $0x0;
	s20 =	sshll.u32 s5, $0x1;
	s5 =	sadd.s32 s21, s3  }
0x9d: {  	[timem:s7], [sflag:s22] =	dma.local [hbm:s5], s20  }
0x9e: {  	_ =	swait.ge [sflag:s22], s20  }
0x9f: {  	s4 =	ssub.s32 $0x0, s20;
	[sflag:s22] =	ssyncset.done $0x0  }
0xa0: {  	[sflag:s22] =	ssyncadd.s32 s4;
	_ =	sdelay $0x1  }
0xa1: {  	s23 =	simm.s32 $0x1B8B  }
0xa2: {  	_ =	swait.ge [sflag:s23], $0x1  }
0xa3: {  	[sflag:s23] =	ssyncset.done $0x0  }
0xa4: {  	s25 =	simm.s32 $0x1B8E;
	s24 =	sld [smem:$0x3FFE];
	[sflag:s23] =	ssyncadd.s32 $0xFFFFFFFF  }
0xa5: {  	s26 =	simm.s32 $execute0_lowered;
	[smem:$0x3FD2] =	sst s25  }
0xa6: {  	s5 =	sshll.u32 s26, $0x1;
	_ =	strace $0x80000046;
	[dreg:$0x1] =	wrdreg $0xFFFFFFFF  }
0xa7: {  	s28 =	simm.s32 $_size_execute0_lowered;
	s3 =	sadd.s32 s3, s5;
	[dreg:$0x0] =	wrdreg $0x0  }
0xa8: {  	s5 =	sshll.u32 s28, $0x1;
	[dreg:$0x2] =	wrdreg s3  }
0xa9: {  	[dreg:$0x3] =	wrdreg s5  }
0xaa: {  	[dreg:$0x4] =	wrdreg $0xC0  }
0xab: {  	_ =	task [dreg:s7], $0x5FFFF  }
0xac: {  	[dreg:$0x1] =	wrdreg $0xFFFFFFFF  }
0xad: {  	[dreg:$0x0] =	wrdreg $0x60  }
0xae: {  	[dreg:$0x2] =	wrdreg s24  }
0xaf: {  	[dreg:$0x3] =	wrdreg s2  }
0xb0: {  	[dreg:$0x4] =	wrdreg $0x9  }
0xb1: {  	_ =	task.clear_ibuf [dreg:s7], $0x5FFFF;
	_ =	strace $0x90000046  }
0xb2: {  	s29 =	simm.s32 $0x9;
	_ =	strace $0x80000048  }
0xb3: {  	_ =	swait.ge [sflag:s29], $0x1  }
0xb4: {  	[sflag:s29] =	ssyncadd.s32 $0xFFFFFFFF  }
0xb5: {  	_ =	strace $0x90000048  }
0xb6: {  	_ =	sfence  }
0xb7: {  	s30 =	sld [smem:$0x0];
	_ =	sdelay $0x2  }
0xb8: {  	s31 =	sshll.u32 s1, $0xD;
	s1 =	sshrl.u32 s1, $0x2  }
0xb9: {  	s3 =	sand.u32 $0x4000, s31;
	s1 =	sadd.s32 s1, s30  }
0xba: {  	s0 =	sor.u32 s3, s0;
	s1 =	sshll.u32 s1, $0x11  }
0xbb: {  	s0 =	sor.u32 s1, s0  }
0xbc: {  	s0 =	sadd.s32 $0x8F2B, s0  }
0xbd: {  	[sflag:s0] =	ssyncadd.remote.s32 $0x1  }
0xbe: {  	_ =	sfence.sel $0xFFFF  }
0xbf: {  	[dreg:$0x0] =	wrdreg $0xFFFFFFFF;
	(pc) =	sbr.abs _section_cstart, $3  }
0xc0: {  	[dreg:$0x1] =	wrdreg $0xFFFFFFFF  }
0xc1: {  	_ =	task.clear_ibuf [dreg:s7], $0x2FFFF;
	_ =	strace $0x9FFFFFFF  }
0xc2: {  	(tm) =	ssettm $0x7FFFFFFF  }
0xc3: {  	_ =	shalt  }
tec
execute0_lowered:
.L_overlay_start_1:
0x0: {  	(tag) =	ssettag $0x1  }
0x1: {  	s4 =	rddreg [dreg:$0x0]  }
0x2: {  	s1 =	rddreg [dreg:$0x1]  }
0x3: {  	s3 =	srdreg.scid;
	s0 =	rddreg [dreg:$0x2];
	s2 =	simm.s32 $0x0  }
.Ltmp0:
0x4: {  	s8 =	simm.s32 $0x2;
	s3 =	sand.u32 $0x1, s3;
	(pc) =	sbr.rel .LBB2_1-.Ltmp0, $4  }
0x5: {  	s9 =	simm.s32 $0x1770;
	s10 =	simm.s32 $0x1;
	s6 =	ssub.s32 $0x2, s3  }
0x6: {  	s11 =	simm.s32 $0x0;
	[smem:$0x7FF] =	sst s2;
	s7 =	sshrl.u32 s6, $0x1  }
0x7: {  	v0 =	vlaneseq.u32;
	s5 =	sadd.s32 $0x600, s4;
	s4 =	stileid.u32;
	s7 =	ssub.s32 s6, s7  }
0x8: {  	v0 =	vmul.u32 $0x8, v0;
	_ =	strace $0x80000047;
	s6 =	sshll.u32 s4, $0x1;
	s7 =	smax.u32 s7, $0x1  }
.LBB2_7:
0x9: {  	s11 =	sadd.s32 $0x1, s11  }
0xa: {  	p0 =	sne.s32 s11, s7  }
.Ltmp1:
0xb: {  	_ = 	snop;
	(pc) =	sbr.rel @!p0 .LBB2_8-.Ltmp1, $1  }
0xc: {  	_ =	sdelay $0x3  }
.LBB2_1:
.Ltmp2:
0xd: {  	(pc) =	sbr.rel .LBB2_2-.Ltmp2, $2  }
0xe: {  	_ =	sdelay $0x2  }
0xf: {  	s12 =	simm.s32 $0x0  }
.LBB2_6:
0x10: {  	s12 =	sadd.s32 $0x1, s12  }
0x11: {  	p0 =	sne.s32 s12, $0x4  }
.Ltmp3:
0x12: {  	_ = 	snop;
	(pc) =	sbr.rel @!p0 .LBB2_7-.Ltmp3, $1  }
0x13: {  	_ =	sdelay $0x3  }
.LBB2_2:
0x14: {  	s13 =	sshll.u32 s12, $0x5  }
0x15: {  	s13 =	sor.u32 s6, s13  }
0x16: {  	p0 =	sgt.u32 s13, $0x63  }
.Ltmp4:
0x17: {  	_ = 	snop;
	(pc) =	sbr.rel @p0 .LBB2_6-.Ltmp4, $1  }
0x18: {  	_ =	sdelay $0x3  }
0x19: {  	s13 =	sor.u32 s3, s13  }
0x1a: {  	s13 =	smul.u32 $0x7D0, s13;
	_ =	sdelay $0x1  }
0x1b: {  	s14 =	sshrl.u32 s13, $0x3  }
0x1c: {  	s16 =	sadd.s32 s5, s14;
	s14 =	simm.s32 $0x0  }
0x1d: {  	[tilespmem:s14], [sflag:$0x2] =	stream.linear.gather [hbm4b:s16+s14], $0x7D0, $0x38;
	[tilespmem:$0x55F0] =	vst v63  }
0x1e: {  	_ =	swait.ge [sflag:s8], $0x7D0  }
0x1f: {  	[sflag:s8] =	ssyncset.done $0x0  }
0x20: {  	s15 =	simm.s32 $0x7D0;
	s17 =	sadd.s32 $0x61A8, s16;
	[sflag:s8] =	ssyncadd.s32 $0xFFFFF830  }
0x21: {  	[tilespmem:s15], [sflag:$0x2] =	stream.linear.gather [hbm4b:s17+s14], $0x7D0, $0x38;
	[tilespmem:$0x55F0] =	vst v63  }
0x22: {  	_ =	swait.ge [sflag:s8], $0x7D0  }
0x23: {  	[sflag:s8] =	ssyncset.done $0x0  }
0x24: {  	s30 =	sadd.s32 $0xC350, s16;
	s16 =	simm.s32 $0xFA0;
	[sflag:s8] =	ssyncadd.s32 $0xFFFFF830  }
0x25: {  	[tilespmem:s16], [sflag:$0x2] =	stream.linear.gather [hbm4b:s30+s14], $0x7D0, $0x38;
	[tilespmem:$0x55F0] =	vst v63  }
0x26: {  	_ =	swait.ge [sflag:s8], $0x7D0  }
0x27: {  	v1 =	vmov s14;
	[sflag:s8] =	ssyncset.done $0x0  }
0x28: {  	v1 =	vshll.u32 v1, $0x3;
	[sflag:s8] =	ssyncadd.s32 $0xFFFFF830  }
0x29: {  	v3 =	vor.u32 v0, v1;
	v2 =	vld [tilespmem:s14+$0x0];
	_ =	sdelay $0x4  }
0x2a: {  	[tilespmem:v3+s9+$0x0] =	vst.idx.msk $0xffff, v2  }
0x2b: {  	v2 =	vor.u32 $0x1, v3;
	v1 =	vld [tilespmem:s15+$0x0];
	_ =	sdelay $0x4  }
0x2c: {  	[tilespmem:v2+s9+$0x0] =	vst.idx.msk $0xffff, v1  }
0x2d: {  	v2 =	vor.u32 $0x2, v3;
	v1 =	vld [tilespmem:s16+$0x0];
	_ =	sdelay $0x2  }
0x2e: {  	s31 =	simm.s32 $0x10  }
0x2f: {  	s17 =	simm.s32 $0x20;
	v3 =	vmov s31  }
.LBB2_4:
0x30: {  	p0 =	sne.s32 s17, $0x7C0;
	v3 =	vshll.u32 v3, $0x3;
	[tilespmem:v2+s9+$0x0] =	vst.idx.msk $0xffff, v1;
	s14 =	sadd.s32 $0x10, s14  }
0x31: {  	v1 =	vld [tilespmem:s14+$0x0];
	v2 =	vor.u32 v0, v3;
	_ =	sdelay $0x4  }
0x32: {  	s15 =	sadd.s32 $0x10, s15;
	[tilespmem:v2+s9+$0x0] =	vst.idx.msk $0xffff, v1  }
0x33: {  	v3 =	vor.u32 $0x1, v2;
	v1 =	vld [tilespmem:s15+$0x0];
	_ =	sdelay $0x4  }
0x34: {  	s16 =	sadd.s32 $0x10, s16;
	[tilespmem:v3+s9+$0x0] =	vst.idx.msk $0xffff, v1  }
.Ltmp5:
0x35: {  	v2 =	vor.u32 $0x2, v2;
	v1 =	vld [tilespmem:s16+$0x0];
	(pc) =	sbr.rel @p0 .LBB2_4-.Ltmp5, $2  }
0x36: {  	_ =	sdelay $0x2  }
0x37: {  	v3 =	vmov s17;
	s17 =	sadd.s32 $0x10, s17  }
0x38: {  	_ =	sdelay $0x3  }
0x39: {  	v3 =	vshll.u32 v3, $0x3;
	[tilespmem:v2+s9+$0x0] =	vst.idx.msk $0xffff, v1;
	s14 =	sadd.s32 $0x10, s14  }
0x3a: {  	v1 =	vld [tilespmem:s14+$0x0];
	v2 =	vor.u32 v0, v3;
	_ =	sdelay $0x4  }
0x3b: {  	s30 =	sadd.s32 $0x10, s15;
	[tilespmem:v2+s9+$0x0] =	vst.idx.msk $0xffff, v1  }
0x3c: {  	v3 =	vor.u32 $0x1, v2;
	v1 =	vld [tilespmem:s30+$0x0];
	_ =	sdelay $0x4  }
0x3d: {  	s31 =	sadd.s32 $0x10, s16;
	[tilespmem:v3+s9+$0x0] =	vst.idx.msk $0xffff, v1  }
0x3e: {  	v2 =	vor.u32 $0x2, v2;
	v1 =	vld [tilespmem:s31+$0x0];
	_ =	sdelay $0x4  }
.Ltmp6:
0x3f: {  	s13 =	sadd.s32 s1, s13;
	[tilespmem:v2+s9+$0x0] =	vst.idx.msk $0xffff, v1;
	(pc) =	sbr.rel .LBB2_6-.Ltmp6, $4  }
0x40: {  	[hbm4b:s13+s2] =	stream.linear.scatter [tilespmem:s9], [sflag:$0x1], $0x3E80, $0x38;
	[tilespmem:$0x55F0] =	vst v63  }
0x41: {  	_ =	swait.ge [sflag:s10], $0x3E80  }
0x42: {  	[sflag:s10] =	ssyncset.done $0x0  }
0x43: {  	[sflag:s10] =	ssyncadd.s32 $0xFFFFC180  }
.LBB2_8:
0x44: {  	_ =	sfence.sel $0x180000  }
0x45: {  	[bflag:$0x0] =	sbarrier.arrive $0xFFFF  }
0x46: {  	p0 =	sne.s32 s4, $0x0;
	_ =	strace $0x90000047  }
0x47: {  	s0 =	sadd.s32 @!p0 $0x100000, s0;
	[bflag:$0x2] =	sbarrier.arrive $0xFFFF  }
0x48: {  	[sflag:s0] =	ssyncadd.tile.s32 @!p0 $0x1;
	_ =	shalt  }
.Lfunc_end2:
_tile_overlayer_lowered:
.L_overlay_start_2:
0x49: {  	(tag) =	ssettag $0x2  }
0x4a: {  	s0 =	rddreg [dreg:$0x0];
	s2 =	stileid.u32  }
0x4b: {  	s1 =	rddreg [dreg:$0x1];
	p0 =	sne.s32 s2, $0x0  }
0x4c: {  	s3 =	rddreg [dreg:$0x2];
	[bflag:$0x3] =	sbarrier.arrive $0xFFFF;
	s2 =	simm.s32 @!p0 $0x1C01  }
0x4d: {  	[timem:s3], [sflag:s2] =	dma.local @!p0 [hbm:s0], s1  }
0x4e: {  	s0 =	simm.s32 @!p0 $0x1  }
0x4f: {  	_ =	swait.ge @!p0 [sflag:s0], s1  }
0x50: {  	s1 =	ssub.s32 @!p0 $0x0, s1;
	[sflag:s0] =	ssyncset.done @!p0 $0x0  }
0x51: {  	[sflag:s0] =	ssyncadd.s32 @!p0 s1  }
0x52: {  	[bflag:$0x3] =	sbarrier.arrive $0xFFFF  }
0x53: {  	_ =	shalt  }

// kernel: kernel.8.cloned.1.call-start
scs
__scs_entry_jumppad:
0x0: {  	(pc) =	sbr.rel $0x88, $3  }
0x1: {  	(tag) =	ssettag $0x0;
	lr =	simm.s32 $0x1  }
0x2: {  	[smem:$0x3F9D] =	sst lr;
	_ =	strace $0xD0000000  }
0x3: {  	_ = 	snop  }
0x4: {  	_ = 	snop  }
0x5: {  	_ = 	snop  }
0x6: {  	_ = 	snop  }
0x7: {  	_ = 	snop  }
__scs_overlays_trampoline_lowered:
0x8: {  	[smem:$0x3FAC] =	sst s0  }
0x9: {  	[smem:$0x3FAD] =	sst s1  }
0xa: {  	[smem:$0x3FAE] =	sst s2  }
0xb: {  	[smem:$0x3FAF] =	sst s3  }
0xc: {  	[smem:$0x3FB0] =	sst s4  }
0xd: {  	[smem:$0x3FB1] =	sst s5  }
0xe: {  	[smem:$0x3FB2] =	sst s6  }
0xf: {  	[smem:$0x3FB3] =	sst s7  }
0x10: {  	[smem:$0x3FB4] =	sst s8  }
0x11: {  	[smem:$0x3FB5] =	sst s9;
	s0 =	simm.s32 @!p0 $0x0  }
0x12: {  	s1 =	sld [smem:$0x3F9B];
	s0 =	simm.s32 @p0 $0x1  }
0x13: {  	[smem:$0x3FB6] =	sst s0;
	s0 =	simm.s32 @!p1 $0x0  }
0x14: {  	s2 =	sld [smem:$0x3F9A];
	s0 =	simm.s32 @p1 $0x1  }
0x15: {  	[smem:$0x3FB7] =	sst s0;
	s0 =	simm.s32 @!p2 $0x0  }
0x16: {  	s3 =	sld [smem:$0x3FDB];
	s0 =	simm.s32 @p2 $0x1  }
0x17: {  	s4 =	simm.s32 $0x1BF5;
	[smem:$0x3FB9] =	sst s0  }
0x18: {  	s0 =	sld [smem:$0x3F9C];
	_ =	swait.ge [sflag:s4], $0x0  }
0x19: {  	s7 =	sld [smem:$0x3F9D]  }
0x1a: {  	s8 =	sadd.s32 $0xFFFFE003, lr  }
0x1b: {  	s9 =	sadd.s32 $0xFFFFFEF7, lr;
	s5 =	simm.s32 $0xFFFFFFFF;
	p2 =	slt.u32 s8, $0xFFFFF086  }
0x1c: {  	p1 =	slt.u32 s9, $0xF7A;
	s5 =	simm.s32 @!p2 $0x0  }
0x1d: {  	s5 =	simm.s32 @p1 $0x1;
	p0 =	seq.s32 s7, s2  }
0x1e: {  	s7 =	smul.u32 @!p0 $0xF7A, s2;
	p2 =	seq.s32 @!p0 s5, $0x0  }
0x1f: {  	s9 =	smul.u32 $0xF7A, s1;
	s8 =	simm.s32 @!p0 $0x1BF5;
	p2 =	por !p2, p0  }
0x20: {  	[sflag:s8] =	ssyncset.s32 @!p0 $0xFFFFF086;
	s6 =	sadd.s32 @!p0 s3, s7;
	s7 =	simm.s32 @!p0 $0x108  }
0x21: {  	s3 =	sadd.s32 s3, s9;
	s6 =	sadd.s32 @!p0 $0x88, s6;
	s7 =	simm.s32 @p2 $0x1082  }
0x22: {  	[simem:s7], [sflag:s8] =	dma.local @!p0 [hbm:s6], $0xF7A  }
0x23: {  	s9 =	sor.u32 $0xD0000000, s2;
	s6 =	simm.s32 $0x108;
	_ =	swait.ge @!p0 [sflag:s8], $0x0  }
0x24: {  	s3 =	sadd.s32 $0x88, s3;
	s6 =	simm.s32 @!p1 $0x1082;
	[sflag:s4] =	ssyncset.s32 $0xFFFFF086  }
0x25: {  	[simem:s6], [sflag:s4] =	dma.local [hbm:s3], $0xF7A  }
0x26: {  	[smem:$0x3F9D] =	sst s1;
	(tag) =	ssettag s2;
	_ =	strace s9  }
0x27: {  	s1 =	sld [smem:$0x3FAD]  }
0x28: {  	s2 =	sld [smem:$0x3FAE]  }
0x29: {  	s4 =	sld [smem:$0x3FB0]  }
0x2a: {  	p0 =	seq.s32 s5, $0x0;
	s5 =	sld [smem:$0x3FB1]  }
0x2b: {  	s6 =	sld [smem:$0x3FB2]  }
0x2c: {  	s7 =	sld [smem:$0x3FB3]  }
0x2d: {  	s3 =	simm.s32 $0x108;
	s8 =	sld [smem:$0x3FB4]  }
0x2e: {  	s3 =	simm.s32 @!p0 $0x1082;
	s9 =	sld [smem:$0x3FB5]  }
0x2f: {  	lr =	sadd.s32 s0, s3;
	s0 =	sld [smem:$0x3FAC]  }
0x30: {  	s3 =	sld [smem:$0x3FAF]  }
0x31: {  	[smem:$0x3FB8] =	sst s10  }
0x32: {  	s10 =	sld [smem:$0x3FB6];
	_ =	sdelay $0x3  }
0x33: {  	p0 =	seq.s32 s10, $0x1;
	s10 =	sld [smem:$0x3FB8];
	_ =	sdelay $0x3  }
0x34: {  	[smem:$0x3FB8] =	sst s10  }
0x35: {  	s10 =	sld [smem:$0x3FB7];
	_ =	sdelay $0x3  }
0x36: {  	p1 =	seq.s32 s10, $0x1;
	s10 =	sld [smem:$0x3FB8];
	_ =	sdelay $0x3  }
0x37: {  	[smem:$0x3FB8] =	sst s10  }
0x38: {  	s10 =	sld [smem:$0x3FB9]  }
0x39: {  	_ = 	snop;
	(pc) =	sbr.ind lr, $3  }
0x3a: {  	_ = 	snop  }
0x3b: {  	_ = 	snop  }
0x3c: {  	p2 =	seq.s32 s10, $0x1;
	s10 =	sld [smem:$0x3FB8]  }
0x3d: {  	_ =	shalt  }
0x3e: {  	_ =	shalt  }
0x3f: {  	_ =	shalt  }
0x40: {  	_ =	shalt  }
0x41: {  	_ =	shalt  }
0x42: {  	_ =	shalt  }
0x43: {  	_ =	shalt  }
0x44: {  	_ =	shalt  }
0x45: {  	_ =	shalt  }
0x46: {  	_ =	shalt  }
0x47: {  	_ =	shalt  }
0x48: {  	_ =	shalt  }
0x49: {  	_ =	shalt  }
0x4a: {  	_ =	shalt  }
0x4b: {  	_ =	shalt  }
0x4c: {  	_ =	shalt  }
0x4d: {  	_ =	shalt  }
0x4e: {  	_ =	shalt  }
0x4f: {  	_ =	shalt  }
0x50: {  	_ =	shalt  }
0x51: {  	_ =	shalt  }
0x52: {  	_ =	shalt  }
0x53: {  	_ =	shalt  }
0x54: {  	_ =	shalt  }
0x55: {  	_ =	shalt  }
0x56: {  	_ =	shalt  }
0x57: {  	_ =	shalt  }
0x58: {  	_ =	shalt  }
0x59: {  	_ =	shalt  }
0x5a: {  	_ =	shalt  }
0x5b: {  	_ =	shalt  }
0x5c: {  	_ =	shalt  }
0x5d: {  	_ =	shalt  }
0x5e: {  	_ =	shalt  }
0x5f: {  	_ =	shalt  }
0x60: {  	_ =	shalt  }
0x61: {  	_ =	shalt  }
0x62: {  	_ =	shalt  }
0x63: {  	_ =	shalt  }
0x64: {  	_ =	shalt  }
0x65: {  	_ =	shalt  }
0x66: {  	_ =	shalt  }
0x67: {  	_ =	shalt  }
0x68: {  	_ =	shalt  }
0x69: {  	_ =	shalt  }
0x6a: {  	_ =	shalt  }
0x6b: {  	_ =	shalt  }
0x6c: {  	_ =	shalt  }
0x6d: {  	_ =	shalt  }
0x6e: {  	_ =	shalt  }
0x6f: {  	_ =	shalt  }
0x70: {  	_ =	shalt  }
0x71: {  	_ =	shalt  }
0x72: {  	_ =	shalt  }
0x73: {  	_ =	shalt  }
0x74: {  	_ =	shalt  }
0x75: {  	_ =	shalt  }
0x76: {  	_ =	shalt  }
0x77: {  	_ =	shalt  }
0x78: {  	_ =	shalt  }
0x79: {  	_ =	shalt  }
0x7a: {  	_ =	shalt  }
0x7b: {  	_ =	shalt  }
0x7c: {  	_ =	shalt  }
0x7d: {  	_ =	shalt  }
0x7e: {  	_ =	shalt  }
0x7f: {  	_ =	shalt  }
0x80: {  	_ =	shalt  }
0x81: {  	_ =	shalt  }
0x82: {  	_ =	shalt  }
0x83: {  	_ =	shalt  }
0x84: {  	_ =	shalt  }
0x85: {  	_ =	shalt  }
0x86: {  	_ =	shalt  }
0x87: {  	_ =	shalt  }
.Lfunc_end0:
.L_simem_size_0:
called_computation.1_lowered:
.L_overlay_start_0:
0x88: {  	s2 =	sld [smem:$0x3FD9]  }
0x89: {  	s3 =	sld [smem:$0x3FFE];
	_ =	sdelay $0x1  }
0x8a: {  	s1 =	srdreg.scid  }
0x8b: {  	s0 =	sand.u32 $0x1, s1  }
0x8c: {  	s17 =	sshll.u32 s0, $0xA;
	s2 =	sadd.s32 s3, s2  }
0x8d: {  	s2 =	sadd.s32 s2, s17  }
0x8e: {  	[smem:$0x3FC4] =	sst s2  }
0x8f: {  	_ = 	snop  }
0x90: {  	s2 =	sld [smem:$0x3FD0];
	(tm) =	ssettm $0x1  }
0x91: {  	s18 =	sld [smem:$0x3FFB];
	_ =	sdelay $0x3  }
0x92: {  	_ =	strace s18  }
0x93: {  	s3 =	sld [smem:$0x3FFC];
	_ =	sdelay $0x3  }
0x94: {  	_ =	strace s3  }
0x95: {  	s3 =	sld [smem:$0x3FFD];
	_ =	sdelay $0x3  }
0x96: {  	_ =	strace s3  }
0x97: {  	_ =	strace $0x8FFFFFFF  }
0x98: {  	s19 =	sld [smem:$0x3FDB];
	_ =	sdelay $0x1  }
0x99: {  	s4 =	simm.s32 $_scs_section_size  }
0x9a: {  	s5 =	simm.s32 $_size__tile_overlayer_lowered;
	s6 =	simm.s32 $_tile_overlayer_lowered  }
0x9b: {  	s22 =	simm.s32 $0x1BFF;
	s21 =	sshll.u32 s6, $0x1;
	s3 =	sadd.s32 s4, s19  }
0x9c: {  	s7 =	simm.s32 $0x0;
	s20 =	sshll.u32 s5, $0x1;
	s5 =	sadd.s32 s21, s3  }
0x9d: {  	[timem:s7], [sflag:s22] =	dma.local [hbm:s5], s20  }
0x9e: {  	_ =	swait.ge [sflag:s22], s20  }
0x9f: {  	s4 =	ssub.s32 $0x0, s20;
	[sflag:s22] =	ssyncset.done $0x0  }
0xa0: {  	[sflag:s22] =	ssyncadd.s32 s4;
	_ =	sdelay $0x1  }
0xa1: {  	s23 =	simm.s32 $0x1B8B  }
0xa2: {  	_ =	swait.ge [sflag:s23], $0x1  }
0xa3: {  	[sflag:s23] =	ssyncset.done $0x0  }
0xa4: {  	s25 =	simm.s32 $0x1B8E;
	s24 =	sld [smem:$0x3FFE];
	[sflag:s23] =	ssyncadd.s32 $0xFFFFFFFF  }
0xa5: {  	s26 =	simm.s32 $execute0_lowered;
	[smem:$0x3FD2] =	sst s25  }
0xa6: {  	s5 =	sshll.u32 s26, $0x1;
	_ =	strace $0x80000049;
	[dreg:$0x1] =	wrdreg $0xFFFFFFFF  }
0xa7: {  	s28 =	simm.s32 $_size_execute0_lowered;
	s3 =	sadd.s32 s3, s5;
	[dreg:$0x0] =	wrdreg $0x0  }
0xa8: {  	s5 =	sshll.u32 s28, $0x1;
	[dreg:$0x2] =	wrdreg s3  }
0xa9: {  	[dreg:$0x3] =	wrdreg s5  }
0xaa: {  	[dreg:$0x4] =	wrdreg $0xC0  }
0xab: {  	_ =	task [dreg:s7], $0x5FFFF  }
0xac: {  	[dreg:$0x1] =	wrdreg $0xFFFFFFFF  }
0xad: {  	[dreg:$0x0] =	wrdreg $0x60  }
0xae: {  	[dreg:$0x2] =	wrdreg s2  }
0xaf: {  	[dreg:$0x3] =	wrdreg s24  }
0xb0: {  	[dreg:$0x4] =	wrdreg $0x9  }
0xb1: {  	_ =	task.clear_ibuf [dreg:s7], $0x5FFFF;
	_ =	strace $0x90000049  }
0xb2: {  	s29 =	simm.s32 $0x9;
	_ =	strace $0x8000004B  }
0xb3: {  	_ =	swait.ge [sflag:s29], $0x1  }
0xb4: {  	[sflag:s29] =	ssyncadd.s32 $0xFFFFFFFF  }
0xb5: {  	_ =	strace $0x9000004B  }
0xb6: {  	_ =	sfence  }
0xb7: {  	s30 =	sld [smem:$0x0];
	_ =	sdelay $0x2  }
0xb8: {  	s31 =	sshll.u32 s1, $0xD;
	s1 =	sshrl.u32 s1, $0x2  }
0xb9: {  	s3 =	sand.u32 $0x4000, s31;
	s1 =	sadd.s32 s1, s30  }
0xba: {  	s0 =	sor.u32 s3, s0;
	s1 =	sshll.u32 s1, $0x11  }
0xbb: {  	s0 =	sor.u32 s1, s0  }
0xbc: {  	s0 =	sadd.s32 $0x8F2B, s0  }
0xbd: {  	[sflag:s0] =	ssyncadd.remote.s32 $0x1  }
0xbe: {  	_ =	sfence.sel $0xFFFF  }
0xbf: {  	[dreg:$0x0] =	wrdreg $0xFFFFFFFF;
	(pc) =	sbr.abs _section_cstart, $3  }
0xc0: {  	[dreg:$0x1] =	wrdreg $0xFFFFFFFF  }
0xc1: {  	_ =	task.clear_ibuf [dreg:s7], $0x2FFFF;
	_ =	strace $0x9FFFFFFF  }
0xc2: {  	(tm) =	ssettm $0x7FFFFFFF  }
0xc3: {  	_ =	shalt  }
tec
execute0_lowered:
.L_overlay_start_1:
0x0: {  	(tag) =	ssettag $0x1  }
0x1: {  	s1 =	rddreg [dreg:$0x0]  }
0x2: {  	s0 =	rddreg [dreg:$0x1];
	s3 =	simm.s32 $0x0;
	s2 =	srdreg.scid  }
0x3: {  	s11 =	stileid.u32;
	s18 =	simm.s32 $0x320;
	s28 =	simm.s32 $0x3  }
0x4: {  	s29 =	simm.s32 $0xA8C0;
	s30 =	simm.s32 $0x4;
	s31 =	simm.s32 $0x5DC0  }
0x5: {  	[smem:$0x7FF] =	sst s3;
	s2 =	sand.u32 $0x1, s2;
	s4 =	sshll.u32 s11, $0x1  }
0x6: {  	s5 =	sadd.s32 $0x2B400, s0;
	s6 =	sadd.s32 $0x1F000, s0;
	s7 =	sadd.s32 $0x12C00, s0  }
0x7: {  	s8 =	sadd.s32 $0x37800, s0;
	p0 =	sgt.u32 s11, $0x9;
	s4 =	sor.u32 s2, s4  }
0x8: {  	_ =	strace $0x8000004A;
	s2 =	ssub.s32 $0x2, s2;
	s9 =	smul.u32 $0x320, s4  }
0x9: {  	s10 =	smul.u32 $0x64, s4;
	s20 =	sshrl.u32 s2, $0x1;
	s15 =	sor.u32 $0x40, s4  }
0xa: {  	s16 =	sor.u32 $0x60, s4;
	s0 =	ssub.s32 s2, s20;
	s20 =	simm.s32 $0x8FC0  }
0xb: {  	s9 =	sshrl.u32 s9, $0x3;
	s21 =	sadd.s32 s5, s10;
	s23 =	sadd.s32 s6, s10  }
0xc: {  	s24 =	sadd.s32 s7, s10;
	s17 =	smax.u32 s0, $0x1;
	[dreg:$0x3] =	wrdreg s21  }
0xd: {  	v1 =	vlaneseq.u32;
	s0 =	simm.s32 $0xDAC0;
	s22 =	sadd.s32 $0xC80, s9;
	[dreg:$0x4] =	wrdreg s23  }
.Ltmp0:
0xe: {  	v0 =	vmul.u32 $0x10, v1;
	[dreg:$0x5] =	wrdreg s24;
	s25 =	sadd.s32 s5, s22;
	(pc) =	sbr.rel .LBB2_1-.Ltmp0, $4  }
0xf: {  	s23 =	simm.s32 $0x1;
	s26 =	sadd.s32 s6, s22;
	[dreg:$0x6] =	wrdreg s25  }
0x10: {  	v1 =	vmul.u32 $0x8, v1;
	v2 =	vor.u32 $0x1, v0;
	v3 =	vor.u32 $0x2, v0;
	s24 =	simm.s32 $0x12C0;
	s2 =	sadd.s32 s7, s22;
	[dreg:$0x7] =	wrdreg s26  }
0x11: {  	v4 =	vor.u32 $0x4, v0;
	v5 =	vor.u32 $0x5, v0;
	v6 =	vor.u32 $0x6, v0;
	s21 =	simm.s32 $0x5;
	s22 =	simm.s32 $0x0;
	[dreg:$0x8] =	wrdreg s2  }
0x12: {  	v7 =	vor.u32 $0x8, v0;
	v8 =	vor.u32 $0x9, v0;
	v9 =	vor.u32 $0xA, v0;
	s25 =	simm.s32 $0x2BC0;
	s26 =	simm.s32 $0x44C0;
	s2 =	simm.s32 $0x76C0  }
.LBB2_9:
0x13: {  	s22 =	sadd.s32 $0x1, s22  }
0x14: {  	_ =	swait.ge [sflag:s21], $0x3200;
	p1 =	sne.s32 s22, s17  }
.Ltmp1:
0x15: {  	[sflag:s21] =	ssyncset.done $0x0;
	(pc) =	sbr.rel @!p1 .LBB2_10-.Ltmp1, $4  }
0x16: {  	s9 =	simm.s32 @!p0 $0x6;
	[sflag:s21] =	ssyncadd.s32 $0xFFFFCE00  }
0x17: {  	_ =	swait.ge @!p0 [sflag:s9], $0x3200  }
0x18: {  	[sflag:s9] =	ssyncset.done @!p0 $0x0  }
0x19: {  	[sflag:s9] =	ssyncadd.s32 @!p0 $0xFFFFCE00  }
.LBB2_1:
0x1a: {  	s9 =	rddreg [dreg:$0x3]  }
0x1b: {  	[tilespmem:s3], [sflag:$0x1] =	stream.linear.gather [hbm4b:s9+s3], $0x320, $0x38;
	[tilespmem:$0x10CC0] =	vst v63  }
0x1c: {  	s13 =	rddreg [dreg:$0x4]  }
0x1d: {  	[tilespmem:s18], [sflag:$0x1] =	stream.linear.gather [hbm4b:s13+s3], $0x320, $0x38;
	[tilespmem:$0x10CC0] =	vst v63  }
0x1e: {  	s14 =	rddreg [dreg:$0x5];
	s10 =	simm.s32 $0x640  }
0x1f: {  	[tilespmem:s10], [sflag:$0x1] =	stream.linear.gather [hbm4b:s14+s3], $0x320, $0x38;
	[tilespmem:$0x10CC0] =	vst v63  }
0x20: {  	s19 =	rddreg [dreg:$0x6];
	s11 =	simm.s32 $0x960  }
0x21: {  	[tilespmem:s11], [sflag:$0x2] =	stream.linear.gather [hbm4b:s19+s3], $0x320, $0x38;
	[tilespmem:$0x10CC0] =	vst v63  }
0x22: {  	s12 =	rddreg [dreg:$0x7];
	s13 =	simm.s32 $0xC80  }
0x23: {  	[tilespmem:s13], [sflag:$0x2] =	stream.linear.gather [hbm4b:s12+s3], $0x320, $0x38;
	[tilespmem:$0x10CC0] =	vst v63  }
0x24: {  	s14 =	rddreg [dreg:$0x8];
	s19 =	simm.s32 $0xFA0  }
0x25: {  	[tilespmem:s19], [sflag:$0x2] =	stream.linear.gather [hbm4b:s14+s3], $0x320, $0x38;
	[tilespmem:$0x10CC0] =	vst v63  }
0x26: {  	_ =	swait.ge [sflag:s23], $0x320  }
0x27: {  	[sflag:s23] =	ssyncset.done $0x0  }
0x28: {  	[sflag:s23] =	ssyncadd.s32 $0xFFFFFCE0  }
0x29: {  	_ =	swait.ge [sflag:s23], $0x320  }
0x2a: {  	[sflag:s23] =	ssyncset.done $0x0  }
0x2b: {  	[sflag:s23] =	ssyncadd.s32 $0xFFFFFCE0  }
0x2c: {  	_ =	swait.ge [sflag:s23], $0x320  }
0x2d: {  	[sflag:s23] =	ssyncset.done $0x0  }
0x2e: {  	[sflag:s23] =	ssyncadd.s32 $0xFFFFFCE0  }
0x2f: {  	[tilespmem:s24], [sflag:$0x3] =	stream.indirect.gather [hbm4b:s1+s18], $0x8, s3, s18, $0xb8;
	[tilespmem:$0x10CC0] =	vst v63  }
.Ltmp2:
0x30: {  	_ = 	snop;
	(pc) =	sbr.rel .LBB2_2-.Ltmp2, $4  }
0x31: {  	_ = 	snop  }
0x32: {  	[tilespmem:s25], [sflag:$0x3] =	stream.indirect.gather [hbm4b:s1+s18], $0x8, s18, s18, $0xb8;
	[tilespmem:$0x10CC0] =	vst v63  }
0x33: {  	s9 =	simm.s32 $0x0  }
0x34: {  	[tilespmem:s26], [sflag:$0x3] =	stream.indirect.gather [hbm4b:s1+s18], $0x8, s10, s18, $0xb8;
	[tilespmem:$0x10CC0] =	vst v63  }
.LBB2_8:
0x35: {  	s10 =	sadd.s32 s16, s10  }
0x36: {  	p1 =	sgt.u32 s10, $0x1F3  }
0x37: {  	s10 =	smul.u32 @!p1 $0x64, s10;
	_ =	sdelay $0x1  }
0x38: {  	s12 =	simm.s32 @!p1 $0x0;
	s13 =	simm.s32 @!p1 $0x960;
	s11 =	sadd.s32 @!p1 s5, s10  }
0x39: {  	[tilespmem:s13], [sflag:$0x2] =	stream.linear.gather @!p1 [hbm4b:s11+s12], $0x320, $0x38;
	[tilespmem:$0x10CC0] =	vst v63  }
0x3a: {  	s11 =	sadd.s32 @!p1 s6, s10;
	s13 =	simm.s32 @!p1 $0xC80  }
0x3b: {  	[tilespmem:s13], [sflag:$0x2] =	stream.linear.gather @!p1 [hbm4b:s11+s12], $0x320, $0x38;
	[tilespmem:$0x10CC0] =	vst v63  }
0x3c: {  	s9 =	sadd.s32 $0x1, s9;
	s10 =	sadd.s32 @!p1 s7, s10;
	s11 =	simm.s32 @!p1 $0xFA0  }
0x3d: {  	[tilespmem:s11], [sflag:$0x2] =	stream.linear.gather @!p1 [hbm4b:s10+s12], $0x320, $0x38;
	[tilespmem:$0x10CC0] =	vst v63  }
0x3e: {  	p1 =	sne.s32 s9, $0x8  }
.Ltmp3:
0x3f: {  	_ = 	snop;
	(pc) =	sbr.rel @!p1 .LBB2_9-.Ltmp3, $1  }
0x40: {  	_ =	sdelay $0x3  }
.LBB2_2:
0x41: {  	s10 =	sshll.u32 s9, $0x6  }
0x42: {  	s11 =	sor.u32 s10, s4  }
0x43: {  	s19 =	sor.u32 $0x20, s11  }
0x44: {  	p1 =	sgt.u32 s19, $0x1F3  }
0x45: {  	s12 =	simm.s32 @!p1 $0x2  }
0x46: {  	_ =	swait.ge @!p1 [sflag:s12], $0x320  }
0x47: {  	[sflag:s12] =	ssyncset.done @!p1 $0x0  }
0x48: {  	[sflag:s12] =	ssyncadd.s32 @!p1 $0xFFFFFCE0  }
0x49: {  	_ =	swait.ge @!p1 [sflag:s12], $0x320  }
0x4a: {  	[sflag:s12] =	ssyncset.done @!p1 $0x0  }
0x4b: {  	[sflag:s12] =	ssyncadd.s32 @!p1 $0xFFFFFCE0  }
0x4c: {  	_ =	swait.ge @!p1 [sflag:s12], $0x320  }
0x4d: {  	s13 =	simm.s32 @!p1 $0x960;
	[sflag:s12] =	ssyncset.done @!p1 $0x0  }
0x4e: {  	s14 =	simm.s32 @!p1 $0x5DC0;
	[sflag:s12] =	ssyncadd.s32 @!p1 $0xFFFFFCE0;
	s12 =	simm.s32 @!p1 $0x320  }
0x4f: {  	[tilespmem:s14], [sflag:$0x4] =	stream.indirect.gather @!p1 [hbm4b:s1+s12], $0x8, s13, s12, $0xb8;
	[tilespmem:$0x10CC0] =	vst v63  }
0x50: {  	s13 =	simm.s32 @!p1 $0xC80;
	s14 =	simm.s32 @!p1 $0x76C0  }
0x51: {  	[tilespmem:s14], [sflag:$0x4] =	stream.indirect.gather @!p1 [hbm4b:s1+s12], $0x8, s13, s12, $0xb8;
	[tilespmem:$0x10CC0] =	vst v63  }
0x52: {  	p2 =	seq.s32 s9, $0x0;
	s13 =	simm.s32 @!p1 $0xFA0;
	s14 =	simm.s32 @!p1 $0x8FC0  }
0x53: {  	[tilespmem:s14], [sflag:$0x4] =	stream.indirect.gather @!p1 [hbm4b:s1+s12], $0x8, s13, s12, $0xb8;
	[tilespmem:$0x10CC0] =	vst v63  }
0x54: {  	s12 =	simm.s32 @!p2 $0x5  }
0x55: {  	_ =	swait.ge @!p2 [sflag:s12], $0x3200  }
0x56: {  	[sflag:s12] =	ssyncset.done @!p2 $0x0  }
0x57: {  	[sflag:s12] =	ssyncadd.s32 @!p2 $0xFFFFCE00  }
0x58: {  	_ =	swait.ge [sflag:s28], $0x1900  }
0x59: {  	s12 =	simm.s32 $0x0;
	[sflag:s28] =	ssyncset.done $0x0  }
0x5a: {  	v10 =	vmov s12;
	[sflag:s28] =	ssyncadd.s32 $0xFFFFE700  }
0x5b: {  	v10 =	vshll.u32 v10, $0x3;
	_ =	swait.ge [sflag:s28], $0x1900  }
0x5c: {  	v10 =	vor.u32 v1, v10;
	[sflag:s28] =	ssyncset.done $0x0  }
0x5d: {  	[sflag:s28] =	ssyncadd.s32 $0xFFFFE700  }
0x5e: {  	_ =	swait.ge [sflag:s28], $0x1900  }
0x5f: {  	[sflag:s28] =	ssyncset.done $0x0  }
0x60: {  	[sflag:s28] =	ssyncadd.s32 $0xFFFFE700  }
0x61: {  	v12 =	vor.u32 s12, v0;
	v11 =	vld.idx.msk [tilespmem:v10+s24+$0x0], $0xffff  }
0x62: {  	v13 =	vor.u32 $0x1, v10;
	_ =	sdelay $0x3  }
0x63: {  	[tilespmem:v12+s29+$0x0] =	vst.idx.msk $0xffff, v11  }
0x64: {  	v59 =	vor.u32 s12, v2;
	v11 =	vld.idx.msk [tilespmem:v13+s24+$0x0], $0xffff  }
0x65: {  	v14 =	vor.u32 $0x2, v10;
	_ =	sdelay $0x3  }
0x66: {  	[tilespmem:v59+s29+$0x0] =	vst.idx.msk $0xffff, v11  }
0x67: {  	v60 =	vor.u32 s12, v3;
	v11 =	vld.idx.msk [tilespmem:v14+s24+$0x0], $0xffff;
	_ =	sdelay $0x4  }
0x68: {  	[tilespmem:v60+s29+$0x0] =	vst.idx.msk $0xffff, v11  }
0x69: {  	v61 =	vor.u32 s12, v4;
	v11 =	vld.idx.msk [tilespmem:v10+s25+$0x0], $0xffff;
	_ =	sdelay $0x4  }
0x6a: {  	[tilespmem:v61+s29+$0x0] =	vst.idx.msk $0xffff, v11  }
0x6b: {  	v62 =	vor.u32 s12, v5;
	v11 =	vld.idx.msk [tilespmem:v13+s25+$0x0], $0xffff;
	_ =	sdelay $0x4  }
0x6c: {  	[tilespmem:v62+s29+$0x0] =	vst.idx.msk $0xffff, v11  }
0x6d: {  	v63 =	vor.u32 s12, v6;
	v11 =	vld.idx.msk [tilespmem:v14+s25+$0x0], $0xffff;
	_ =	sdelay $0x4  }
0x6e: {  	[tilespmem:v63+s29+$0x0] =	vst.idx.msk $0xffff, v11  }
0x6f: {  	v11 =	vor.u32 s12, v7;
	v10 =	vld.idx.msk [tilespmem:v10+s26+$0x0], $0xffff;
	_ =	sdelay $0x4  }
0x70: {  	[tilespmem:v11+s29+$0x0] =	vst.idx.msk $0xffff, v10  }
0x71: {  	v11 =	vor.u32 s12, v8;
	v10 =	vld.idx.msk [tilespmem:v13+s26+$0x0], $0xffff;
	_ =	sdelay $0x4  }
0x72: {  	s14 =	simm.s32 $0x10;
	[tilespmem:v11+s29+$0x0] =	vst.idx.msk $0xffff, v10  }
0x73: {  	s13 =	simm.s32 $0x20;
	v11 =	vmov s14;
	v10 =	vld.idx.msk [tilespmem:v14+s26+$0x0], $0xffff  }
.LBB2_3:
0x74: {  	p3 =	sne.s32 s13, $0x310;
	v11 =	vshll.u32 v11, $0x3;
	v12 =	vor.u32 s12, v9  }
0x75: {  	v11 =	vor.u32 v1, v11;
	_ =	sdelay $0x3  }
0x76: {  	[tilespmem:v12+s29+$0x0] =	vst.idx.msk $0xffff, v10  }
0x77: {  	s12 =	sadd.s32 $0x100, s12;
	v10 =	vld.idx.msk [tilespmem:v11+s24+$0x0], $0xffff  }
0x78: {  	v12 =	vor.u32 s12, v0  }
0x79: {  	v13 =	vor.u32 $0x1, v11;
	_ =	sdelay $0x3  }
0x7a: {  	[tilespmem:v12+s29+$0x0] =	vst.idx.msk $0xffff, v10  }
0x7b: {  	v10 =	vld.idx.msk [tilespmem:v13+s24+$0x0], $0xffff  }
0x7c: {  	v12 =	vor.u32 s12, v2  }
0x7d: {  	v14 =	vor.u32 $0x2, v11;
	_ =	sdelay $0x3  }
0x7e: {  	[tilespmem:v12+s29+$0x0] =	vst.idx.msk $0xffff, v10  }
0x7f: {  	v10 =	vld.idx.msk [tilespmem:v14+s24+$0x0], $0xffff  }
0x80: {  	v12 =	vor.u32 s12, v3;
	_ =	sdelay $0x4  }
0x81: {  	[tilespmem:v12+s29+$0x0] =	vst.idx.msk $0xffff, v10  }
0x82: {  	v10 =	vld.idx.msk [tilespmem:v11+s25+$0x0], $0xffff  }
0x83: {  	v12 =	vor.u32 s12, v4;
	_ =	sdelay $0x4  }
0x84: {  	[tilespmem:v12+s29+$0x0] =	vst.idx.msk $0xffff, v10  }
0x85: {  	v10 =	vld.idx.msk [tilespmem:v13+s25+$0x0], $0xffff  }
0x86: {  	v12 =	vor.u32 s12, v5;
	_ =	sdelay $0x4  }
0x87: {  	[tilespmem:v12+s29+$0x0] =	vst.idx.msk $0xffff, v10  }
0x88: {  	v10 =	vld.idx.msk [tilespmem:v14+s25+$0x0], $0xffff  }
0x89: {  	v12 =	vor.u32 s12, v6;
	_ =	sdelay $0x4  }
0x8a: {  	[tilespmem:v12+s29+$0x0] =	vst.idx.msk $0xffff, v10  }
0x8b: {  	v10 =	vld.idx.msk [tilespmem:v11+s26+$0x0], $0xffff  }
0x8c: {  	v11 =	vor.u32 s12, v7;
	_ =	sdelay $0x4  }
0x8d: {  	[tilespmem:v11+s29+$0x0] =	vst.idx.msk $0xffff, v10  }
0x8e: {  	v10 =	vld.idx.msk [tilespmem:v13+s26+$0x0], $0xffff  }
0x8f: {  	v11 =	vor.u32 s12, v8;
	_ =	sdelay $0x1  }
.Ltmp4:
0x90: {  	(pc) =	sbr.rel @p3 .LBB2_3-.Ltmp4, $3  }
0x91: {  	_ =	sdelay $0x1  }
0x92: {  	[tilespmem:v11+s29+$0x0] =	vst.idx.msk $0xffff, v10  }
0x93: {  	v11 =	vmov s13;
	s13 =	sadd.s32 $0x10, s13;
	v10 =	vld.idx.msk [tilespmem:v14+s26+$0x0], $0xffff  }
0x94: {  	v11 =	vshll.u32 v11, $0x3;
	v12 =	vor.u32 s12, v9  }
0x95: {  	v11 =	vor.u32 v1, v11;
	_ =	sdelay $0x3  }
0x96: {  	s14 =	sadd.s32 $0x100, s12;
	[tilespmem:v12+s29+$0x0] =	vst.idx.msk $0xffff, v10  }
0x97: {  	v58 =	vor.u32 s14, v0;
	v10 =	vld.idx.msk [tilespmem:v11+s24+$0x0], $0xffff  }
0x98: {  	v13 =	vor.u32 $0x1, v11;
	_ =	sdelay $0x3  }
0x99: {  	[tilespmem:v58+s29+$0x0] =	vst.idx.msk $0xffff, v10  }
0x9a: {  	v59 =	vor.u32 s14, v2;
	v10 =	vld.idx.msk [tilespmem:v13+s24+$0x0], $0xffff  }
0x9b: {  	v14 =	vor.u32 $0x2, v11;
	_ =	sdelay $0x3  }
0x9c: {  	[tilespmem:v59+s29+$0x0] =	vst.idx.msk $0xffff, v10  }
0x9d: {  	v60 =	vor.u32 s14, v3;
	v10 =	vld.idx.msk [tilespmem:v14+s24+$0x0], $0xffff;
	_ =	sdelay $0x4  }
0x9e: {  	[tilespmem:v60+s29+$0x0] =	vst.idx.msk $0xffff, v10  }
0x9f: {  	v61 =	vor.u32 s14, v4;
	v10 =	vld.idx.msk [tilespmem:v11+s25+$0x0], $0xffff;
	_ =	sdelay $0x4  }
0xa0: {  	[tilespmem:v61+s29+$0x0] =	vst.idx.msk $0xffff, v10  }
0xa1: {  	v62 =	vor.u32 s14, v5;
	v10 =	vld.idx.msk [tilespmem:v13+s25+$0x0], $0xffff;
	_ =	sdelay $0x4  }
0xa2: {  	[tilespmem:v62+s29+$0x0] =	vst.idx.msk $0xffff, v10  }
0xa3: {  	v63 =	vor.u32 s14, v6;
	v10 =	vld.idx.msk [tilespmem:v14+s25+$0x0], $0xffff;
	_ =	sdelay $0x4  }
0xa4: {  	[tilespmem:v63+s29+$0x0] =	vst.idx.msk $0xffff, v10  }
0xa5: {  	v10 =	vld.idx.msk [tilespmem:v11+s26+$0x0], $0xffff;
	v11 =	vor.u32 s14, v7;
	_ =	sdelay $0x4  }
0xa6: {  	[tilespmem:v11+s29+$0x0] =	vst.idx.msk $0xffff, v10  }
0xa7: {  	v11 =	vor.u32 s14, v8;
	v10 =	vld.idx.msk [tilespmem:v13+s26+$0x0], $0xffff;
	_ =	sdelay $0x4  }
0xa8: {  	[tilespmem:v11+s29+$0x0] =	vst.idx.msk $0xffff, v10  }
0xa9: {  	v11 =	vor.u32 s14, v9;
	v10 =	vld.idx.msk [tilespmem:v14+s26+$0x0], $0xffff;
	_ =	sdelay $0x2  }
0xaa: {  	s11 =	smul.u32 $0x640, s11;
	s12 =	sadd.s32 s15, s10  }
0xab: {  	p3 =	sgt.u32 s12, $0x1F3  }
0xac: {  	s11 =	sadd.s32 s8, s11;
	s12 =	smul.u32 @!p3 $0x64, s12;
	[tilespmem:v11+s29+$0x0] =	vst.idx.msk $0xffff, v10  }
0xad: {  	[hbm4b:s11+s3] =	stream.linear.scatter [tilespmem:s29], [sflag:$0x5], $0x3200, $0x38;
	[tilespmem:$0x10CC0] =	vst v63  }
0xae: {  	s13 =	simm.s32 @!p3 $0x0;
	s11 =	sadd.s32 @!p3 s5, s12  }
0xaf: {  	[tilespmem:s13], [sflag:$0x1] =	stream.linear.gather @!p3 [hbm4b:s11+s13], $0x320, $0x38;
	[tilespmem:$0x10CC0] =	vst v63  }
0xb0: {  	s14 =	simm.s32 @!p3 $0x320;
	s11 =	sadd.s32 @!p3 s6, s12  }
0xb1: {  	[tilespmem:s14], [sflag:$0x1] =	stream.linear.gather @!p3 [hbm4b:s11+s13], $0x320, $0x38;
	[tilespmem:$0x10CC0] =	vst v63  }
0xb2: {  	s11 =	sadd.s32 @!p3 s7, s12;
	s12 =	simm.s32 @!p3 $0x640  }
0xb3: {  	[tilespmem:s12], [sflag:$0x1] =	stream.linear.gather @!p3 [hbm4b:s11+s13], $0x320, $0x38;
	[tilespmem:$0x10CC0] =	vst v63  }
0xb4: {  	s11 =	simm.s32 @!p3 $0x1  }
0xb5: {  	_ =	swait.ge @!p3 [sflag:s11], $0x320  }
0xb6: {  	[sflag:s11] =	ssyncset.done @!p3 $0x0  }
0xb7: {  	[sflag:s11] =	ssyncadd.s32 @!p3 $0xFFFFFCE0  }
0xb8: {  	_ =	swait.ge @!p3 [sflag:s11], $0x320  }
0xb9: {  	[sflag:s11] =	ssyncset.done @!p3 $0x0  }
0xba: {  	[sflag:s11] =	ssyncadd.s32 @!p3 $0xFFFFFCE0  }
0xbb: {  	_ =	swait.ge @!p3 [sflag:s11], $0x320  }
0xbc: {  	[sflag:s11] =	ssyncset.done @!p3 $0x0  }
0xbd: {  	[sflag:s11] =	ssyncadd.s32 @!p3 $0xFFFFFCE0;
	s11 =	simm.s32 @!p3 $0x12C0  }
0xbe: {  	[tilespmem:s11], [sflag:$0x3] =	stream.indirect.gather @!p3 [hbm4b:s1+s14], $0x8, s13, s14, $0xb8;
	[tilespmem:$0x10CC0] =	vst v63  }
0xbf: {  	s11 =	simm.s32 @!p3 $0x2BC0  }
0xc0: {  	[tilespmem:s11], [sflag:$0x3] =	stream.indirect.gather @!p3 [hbm4b:s1+s14], $0x8, s14, s14, $0xb8;
	[tilespmem:$0x10CC0] =	vst v63  }
0xc1: {  	s11 =	simm.s32 @!p3 $0x44C0  }
0xc2: {  	[tilespmem:s11], [sflag:$0x3] =	stream.indirect.gather @!p3 [hbm4b:s1+s14], $0x8, s12, s14, $0xb8;
	[tilespmem:$0x10CC0] =	vst v63  }
.Ltmp5:
0xc3: {  	_ = 	snop;
	(pc) =	sbr.rel @p1 .LBB2_8-.Ltmp5, $4  }
0xc4: {  	s11 =	simm.s32 @!p2 $0x6  }
0xc5: {  	_ =	swait.ge @!p2 [sflag:s11], $0x3200  }
0xc6: {  	[sflag:s11] =	ssyncset.done @!p2 $0x0  }
0xc7: {  	[sflag:s11] =	ssyncadd.s32 @!p2 $0xFFFFCE00  }
0xc8: {  	_ =	swait.ge [sflag:s30], $0x1900  }
0xc9: {  	s11 =	simm.s32 $0x0;
	[sflag:s30] =	ssyncset.done $0x0  }
0xca: {  	v10 =	vmov s11;
	[sflag:s30] =	ssyncadd.s32 $0xFFFFE700  }
0xcb: {  	v10 =	vshll.u32 v10, $0x3;
	_ =	swait.ge [sflag:s30], $0x1900  }
0xcc: {  	v10 =	vor.u32 v1, v10;
	[sflag:s30] =	ssyncset.done $0x0  }
0xcd: {  	[sflag:s30] =	ssyncadd.s32 $0xFFFFE700  }
0xce: {  	_ =	swait.ge [sflag:s30], $0x1900  }
0xcf: {  	[sflag:s30] =	ssyncset.done $0x0  }
0xd0: {  	[sflag:s30] =	ssyncadd.s32 $0xFFFFE700  }
0xd1: {  	v12 =	vor.u32 s11, v0;
	v11 =	vld.idx.msk [tilespmem:v10+s31+$0x0], $0xffff  }
0xd2: {  	v13 =	vor.u32 $0x1, v10;
	_ =	sdelay $0x3  }
0xd3: {  	[tilespmem:v12+s0+$0x0] =	vst.idx.msk $0xffff, v11  }
0xd4: {  	v59 =	vor.u32 s11, v2;
	v11 =	vld.idx.msk [tilespmem:v13+s31+$0x0], $0xffff  }
0xd5: {  	v14 =	vor.u32 $0x2, v10;
	_ =	sdelay $0x3  }
0xd6: {  	[tilespmem:v59+s0+$0x0] =	vst.idx.msk $0xffff, v11  }
0xd7: {  	v60 =	vor.u32 s11, v3;
	v11 =	vld.idx.msk [tilespmem:v14+s31+$0x0], $0xffff;
	_ =	sdelay $0x4  }
0xd8: {  	[tilespmem:v60+s0+$0x0] =	vst.idx.msk $0xffff, v11  }
0xd9: {  	v61 =	vor.u32 s11, v4;
	v11 =	vld.idx.msk [tilespmem:v10+s2+$0x0], $0xffff;
	_ =	sdelay $0x4  }
0xda: {  	[tilespmem:v61+s0+$0x0] =	vst.idx.msk $0xffff, v11  }
0xdb: {  	v62 =	vor.u32 s11, v5;
	v11 =	vld.idx.msk [tilespmem:v13+s2+$0x0], $0xffff;
	_ =	sdelay $0x4  }
0xdc: {  	[tilespmem:v62+s0+$0x0] =	vst.idx.msk $0xffff, v11  }
0xdd: {  	v63 =	vor.u32 s11, v6;
	v11 =	vld.idx.msk [tilespmem:v14+s2+$0x0], $0xffff;
	_ =	sdelay $0x4  }
0xde: {  	[tilespmem:v63+s0+$0x0] =	vst.idx.msk $0xffff, v11  }
0xdf: {  	v11 =	vor.u32 s11, v7;
	v10 =	vld.idx.msk [tilespmem:v10+s20+$0x0], $0xffff;
	_ =	sdelay $0x4  }
0xe0: {  	[tilespmem:v11+s0+$0x0] =	vst.idx.msk $0xffff, v10  }
0xe1: {  	v11 =	vor.u32 s11, v8;
	v10 =	vld.idx.msk [tilespmem:v13+s20+$0x0], $0xffff;
	_ =	sdelay $0x4  }
0xe2: {  	s12 =	simm.s32 $0x10;
	[tilespmem:v11+s0+$0x0] =	vst.idx.msk $0xffff, v10  }
0xe3: {  	v11 =	vmov s12;
	s12 =	simm.s32 $0x20;
	v10 =	vld.idx.msk [tilespmem:v14+s20+$0x0], $0xffff  }
.LBB2_6:
0xe4: {  	p1 =	sne.s32 s12, $0x310;
	v11 =	vshll.u32 v11, $0x3;
	v12 =	vor.u32 s11, v9  }
0xe5: {  	v11 =	vor.u32 v1, v11;
	_ =	sdelay $0x3  }
0xe6: {  	[tilespmem:v12+s0+$0x0] =	vst.idx.msk $0xffff, v10  }
0xe7: {  	s11 =	sadd.s32 $0x100, s11;
	v10 =	vld.idx.msk [tilespmem:v11+s31+$0x0], $0xffff  }
0xe8: {  	v12 =	vor.u32 s11, v0  }
0xe9: {  	v13 =	vor.u32 $0x1, v11;
	_ =	sdelay $0x3  }
0xea: {  	[tilespmem:v12+s0+$0x0] =	vst.idx.msk $0xffff, v10  }
0xeb: {  	v10 =	vld.idx.msk [tilespmem:v13+s31+$0x0], $0xffff  }
0xec: {  	v12 =	vor.u32 s11, v2  }
0xed: {  	v14 =	vor.u32 $0x2, v11;
	_ =	sdelay $0x3  }
0xee: {  	[tilespmem:v12+s0+$0x0] =	vst.idx.msk $0xffff, v10  }
0xef: {  	v10 =	vld.idx.msk [tilespmem:v14+s31+$0x0], $0xffff  }
0xf0: {  	v12 =	vor.u32 s11, v3;
	_ =	sdelay $0x4  }
0xf1: {  	[tilespmem:v12+s0+$0x0] =	vst.idx.msk $0xffff, v10  }
0xf2: {  	v10 =	vld.idx.msk [tilespmem:v11+s2+$0x0], $0xffff  }
0xf3: {  	v12 =	vor.u32 s11, v4;
	_ =	sdelay $0x4  }
0xf4: {  	[tilespmem:v12+s0+$0x0] =	vst.idx.msk $0xffff, v10  }
0xf5: {  	v10 =	vld.idx.msk [tilespmem:v13+s2+$0x0], $0xffff  }
0xf6: {  	v12 =	vor.u32 s11, v5;
	_ =	sdelay $0x4  }
0xf7: {  	[tilespmem:v12+s0+$0x0] =	vst.idx.msk $0xffff, v10  }
0xf8: {  	v10 =	vld.idx.msk [tilespmem:v14+s2+$0x0], $0xffff  }
0xf9: {  	v12 =	vor.u32 s11, v6;
	_ =	sdelay $0x4  }
0xfa: {  	[tilespmem:v12+s0+$0x0] =	vst.idx.msk $0xffff, v10  }
0xfb: {  	v10 =	vld.idx.msk [tilespmem:v11+s20+$0x0], $0xffff  }
0xfc: {  	v11 =	vor.u32 s11, v7;
	_ =	sdelay $0x4  }
0xfd: {  	[tilespmem:v11+s0+$0x0] =	vst.idx.msk $0xffff, v10  }
0xfe: {  	v10 =	vld.idx.msk [tilespmem:v13+s20+$0x0], $0xffff  }
0xff: {  	v11 =	vor.u32 s11, v8;
	_ =	sdelay $0x1  }
.Ltmp6:
0x100: {  	(pc) =	sbr.rel @p1 .LBB2_6-.Ltmp6, $3  }
0x101: {  	_ =	sdelay $0x1  }
0x102: {  	[tilespmem:v11+s0+$0x0] =	vst.idx.msk $0xffff, v10  }
0x103: {  	v11 =	vmov s12;
	s12 =	sadd.s32 $0x10, s12;
	v10 =	vld.idx.msk [tilespmem:v14+s20+$0x0], $0xffff  }
0x104: {  	v11 =	vshll.u32 v11, $0x3;
	v12 =	vor.u32 s11, v9  }
0x105: {  	v11 =	vor.u32 v1, v11;
	_ =	sdelay $0x3  }
0x106: {  	s14 =	sadd.s32 $0x100, s11;
	[tilespmem:v12+s0+$0x0] =	vst.idx.msk $0xffff, v10  }
0x107: {  	v58 =	vor.u32 s14, v0;
	v10 =	vld.idx.msk [tilespmem:v11+s31+$0x0], $0xffff  }
0x108: {  	v13 =	vor.u32 $0x1, v11;
	_ =	sdelay $0x3  }
0x109: {  	[tilespmem:v58+s0+$0x0] =	vst.idx.msk $0xffff, v10  }
0x10a: {  	v59 =	vor.u32 s14, v2;
	v10 =	vld.idx.msk [tilespmem:v13+s31+$0x0], $0xffff  }
0x10b: {  	v14 =	vor.u32 $0x2, v11;
	_ =	sdelay $0x3  }
0x10c: {  	[tilespmem:v59+s0+$0x0] =	vst.idx.msk $0xffff, v10  }
0x10d: {  	v60 =	vor.u32 s14, v3;
	v10 =	vld.idx.msk [tilespmem:v14+s31+$0x0], $0xffff;
	_ =	sdelay $0x4  }
0x10e: {  	[tilespmem:v60+s0+$0x0] =	vst.idx.msk $0xffff, v10  }
0x10f: {  	v61 =	vor.u32 s14, v4;
	v10 =	vld.idx.msk [tilespmem:v11+s2+$0x0], $0xffff;
	_ =	sdelay $0x4  }
0x110: {  	[tilespmem:v61+s0+$0x0] =	vst.idx.msk $0xffff, v10  }
0x111: {  	v62 =	vor.u32 s14, v5;
	v10 =	vld.idx.msk [tilespmem:v13+s2+$0x0], $0xffff;
	_ =	sdelay $0x4  }
0x112: {  	[tilespmem:v62+s0+$0x0] =	vst.idx.msk $0xffff, v10  }
0x113: {  	v63 =	vor.u32 s14, v6;
	v10 =	vld.idx.msk [tilespmem:v14+s2+$0x0], $0xffff;
	_ =	sdelay $0x4  }
0x114: {  	[tilespmem:v63+s0+$0x0] =	vst.idx.msk $0xffff, v10  }
0x115: {  	v10 =	vld.idx.msk [tilespmem:v11+s20+$0x0], $0xffff;
	v11 =	vor.u32 s14, v7;
	_ =	sdelay $0x4  }
0x116: {  	[tilespmem:v11+s0+$0x0] =	vst.idx.msk $0xffff, v10  }
0x117: {  	v11 =	vor.u32 s14, v8;
	v10 =	vld.idx.msk [tilespmem:v13+s20+$0x0], $0xffff;
	_ =	sdelay $0x4  }
0x118: {  	[tilespmem:v11+s0+$0x0] =	vst.idx.msk $0xffff, v10  }
0x119: {  	v11 =	vor.u32 s14, v9;
	v10 =	vld.idx.msk [tilespmem:v14+s20+$0x0], $0xffff;
	_ =	sdelay $0x1  }
.Ltmp7:
0x11a: {  	_ = 	snop;
	(pc) =	sbr.rel .LBB2_8-.Ltmp7, $3  }
0x11b: {  	s19 =	smul.u32 $0x640, s19;
	_ =	sdelay $0x1  }
0x11c: {  	s11 =	sadd.s32 s8, s19;
	[tilespmem:v11+s0+$0x0] =	vst.idx.msk $0xffff, v10  }
0x11d: {  	[hbm4b:s11+s3] =	stream.linear.scatter [tilespmem:s0], [sflag:$0x6], $0x3200, $0x38;
	[tilespmem:$0x10CC0] =	vst v63  }
.LBB2_10:
0x11e: {  	_ =	sfence.sel $0x180000  }
0x11f: {  	[bflag:$0x0] =	sbarrier.arrive $0xFFFF  }
0x120: {  	_ =	strace $0x9000004A  }
0x121: {  	s0 =	stileid.u32;
	[bflag:$0x2] =	sbarrier.arrive $0xFFFF  }
0x122: {  	p0 =	sne.s32 s0, $0x0;
	s0 =	rddreg [dreg:$0x2]  }
0x123: {  	s0 =	sadd.s32 @!p0 $0x100000, s0  }
0x124: {  	[sflag:s0] =	ssyncadd.tile.s32 @!p0 $0x1;
	_ =	shalt  }
.Lfunc_end2:
_tile_overlayer_lowered:
.L_overlay_start_2:
0x125: {  	(tag) =	ssettag $0x2  }
0x126: {  	s0 =	rddreg [dreg:$0x0];
	s2 =	stileid.u32  }
0x127: {  	s1 =	rddreg [dreg:$0x1];
	p0 =	sne.s32 s2, $0x0  }
0x128: {  	s3 =	rddreg [dreg:$0x2];
	[bflag:$0x3] =	sbarrier.arrive $0xFFFF;
	s2 =	simm.s32 @!p0 $0x1C07  }
0x129: {  	[timem:s3], [sflag:s2] =	dma.local @!p0 [hbm:s0], s1  }
0x12a: {  	s0 =	simm.s32 @!p0 $0x7  }
0x12b: {  	_ =	swait.ge @!p0 [sflag:s0], s1  }
0x12c: {  	s1 =	ssub.s32 @!p0 $0x0, s1;
	[sflag:s0] =	ssyncset.done @!p0 $0x0  }
0x12d: {  	[sflag:s0] =	ssyncadd.s32 @!p0 s1  }
0x12e: {  	[bflag:$0x3] =	sbarrier.arrive $0xFFFF  }
0x12f: {  	_ =	shalt  }

</sc_bundles>
